<compile_context>
chip_gen: v7x
topology: tpu7x:2x2x1
jax: 0.10.2.dev20260603
libtpu: 0.0.44.dev20260713+nightly
codegen_flags: <defaults>
</compile_context>

<pallas_src>
import jax
import jax.numpy as jnp
from jax import lax
from jax.experimental import pallas as pl
from jax.experimental.pallas import tpu as pltpu
from jax.experimental.pallas import tpu_sc as plsc

_NI = 100
_NG = 128
_NS = 5000
_NSP = 5008
_NCH = _NSP // 16
_TAIL = _NS - (_NCH - 1) * 16


def _tc_logits_body(h_ref, w_ref, b_ref, out_ref):
    out_ref[...] = (
        jnp.dot(h_ref[...], w_ref[...], preferred_element_type=jnp.float32)
        + b_ref[...]
    )


def _tc_logits(hf, w8, b8):
    n, d = hf.shape
    blk = 3200
    grid = n // blk
    return pl.pallas_call(
        _tc_logits_body,
        grid=(grid,),
        in_specs=[
            pl.BlockSpec((blk, d), lambda i: (i, 0)),
            pl.BlockSpec((d, 8), lambda i: (0, 0)),
            pl.BlockSpec((1, 8), lambda i: (0, 0)),
        ],
        out_specs=pl.BlockSpec((blk, 8), lambda i: (i, 0)),
        out_shape=jax.ShapeDtypeStruct((n, 8), jnp.float32),
    )(hf, w8, b8)


def _sc_body(sl_hbm, ids_hbm, il_hbm, wind_hbm, indl_hbm, ws_hbm,
             sl_v, ids_v, e_v, il_v, gmax2, gcnt2, gsum2,
             gmax_v, gcnt_v, gsum_v, wind_v, indl_v):
    b = lax.axis_index("c") * 16 + lax.axis_index("s")
    lane = lax.broadcasted_iota(jnp.int32, (16,), 0)
    ones = jnp.ones((16,), jnp.float32)
    neg_inf = jnp.full((16,), -jnp.inf, jnp.float32)
    base_s = b * _NS
    base_g = b * _NG

    pltpu.sync_copy(sl_hbm.at[pl.ds(base_s, _NS)], sl_v.at[pl.ds(0, _NS)])
    pltpu.sync_copy(ids_hbm.at[pl.ds(base_s, _NS)], ids_v.at[pl.ds(0, _NS)])
    pltpu.sync_copy(il_hbm.at[pl.ds(base_g, _NG)], il_v)

    t0 = (_NCH - 1) * 16
    keep = lane < _TAIL
    sl_v[pl.ds(t0, 16)] = jnp.where(keep, sl_v[pl.ds(t0, 16)], 0.0)
    ids_v[pl.ds(t0, 16)] = jnp.where(keep, ids_v[pl.ds(t0, 16)], _NG - 1)

    def init_body(g, c):
        off = g * 16
        gmax2[pl.ds(off, 16)] = neg_inf
        gcnt2[pl.ds(off, 16)] = jnp.zeros((16,), jnp.float32)
        gsum2[pl.ds(off, 16)] = jnp.zeros((16,), jnp.float32)
        return c
    lax.fori_loop(0, _NG, init_body, 0)

    def p1(i, c):
        off = i * 16
        l = sl_v[pl.ds(off, 16)]
        idx = ids_v[pl.ds(off, 16)]
        fi = idx * 16 + lane
        cur = plsc.load_gather(gmax2, [fi])
        plsc.store_scatter(gmax2, [fi], jnp.maximum(cur, l))
        plsc.addupdate_scatter(gcnt2, [fi], ones)
        return c
    lax.fori_loop(0, _NCH, p1, 0)

    for c in range(_NG // 16):
        row = (c * 16 + lane) * 16
        accm = neg_inf
        accc = jnp.zeros((16,), jnp.float32)
        for k in range(16):
            accm = jnp.maximum(accm, plsc.load_gather(gmax2, [row + k]))
            accc = accc + plsc.load_gather(gcnt2, [row + k])
        gmax_v[pl.ds(c * 16, 16)] = accm
        gcnt_v[pl.ds(c * 16, 16)] = accc

    m = jnp.float32(-jnp.inf)
    for c in range(_NG // 16):
        slot = c * 16 + lane
        valid = (gcnt_v[pl.ds(c * 16, 16)] > 0.0) & (slot < _NI)
        ilm = jnp.where(valid, il_v[pl.ds(c * 16, 16)], -jnp.inf)
        indl_v[pl.ds(c * 16, 16)] = ilm
        m = jnp.maximum(m, jnp.max(ilm))
    s = jnp.float32(0.0)
    for c in range(_NG // 16):
        slot = c * 16 + lane
        valid = (gcnt_v[pl.ds(c * 16, 16)] > 0.0) & (slot < _NI)
        ilm = il_v[pl.ds(c * 16, 16)]
        e = jnp.where(valid, jnp.exp(jnp.where(valid, ilm - m, 0.0)), 0.0)
        wind_v[pl.ds(c * 16, 16)] = e
        s = s + jnp.sum(e)
    inv_v = jnp.ones((16,), jnp.float32) / jnp.full((16,), s, jnp.float32)
    for c in range(_NG // 16):
        wind_v[pl.ds(c * 16, 16)] = wind_v[pl.ds(c * 16, 16)] * inv_v

    def p2(i, c):
        off = i * 16
        l = sl_v[pl.ds(off, 16)]
        idx = ids_v[pl.ds(off, 16)]
        gm = plsc.load_gather(gmax_v, [idx])
        e = jnp.exp(l - gm)
        e_v[pl.ds(off, 16)] = e
        plsc.addupdate_scatter(gsum2, [idx * 16 + lane], e)
        return c
    lax.fori_loop(0, _NCH, p2, 0)

    for c in range(_NG // 16):
        row = (c * 16 + lane) * 16
        accs = jnp.zeros((16,), jnp.float32)
        for k in range(16):
            accs = accs + plsc.load_gather(gsum2, [row + k])
        gsum_v[pl.ds(c * 16, 16)] = accs

    def p3(i, c):
        off = i * 16
        idx = ids_v[pl.ds(off, 16)]
        e = e_v[pl.ds(off, 16)]
        sden = plsc.load_gather(gsum_v, [idx])
        wi = plsc.load_gather(wind_v, [idx])
        e_v[pl.ds(off, 16)] = wi * (e / sden)
        return c
    lax.fori_loop(0, _NCH, p3, 0)

    pltpu.sync_copy(e_v.at[pl.ds(0, _NS)], ws_hbm.at[pl.ds(base_s, _NS)])
    pltpu.sync_copy(wind_v, wind_hbm.at[pl.ds(base_g, _NG)])
    pltpu.sync_copy(indl_v, indl_hbm.at[pl.ds(base_g, _NG)])


def _sc_call(sl_flat, ids_flat, il_flat, nb):
    mesh = plsc.VectorSubcoreMesh(core_axis_name="c", subcore_axis_name="s")
    f = pl.kernel(
        _sc_body,
        out_type=[
            jax.ShapeDtypeStruct((nb * _NG,), jnp.float32),
            jax.ShapeDtypeStruct((nb * _NG,), jnp.float32),
            jax.ShapeDtypeStruct((nb * _NS,), jnp.float32),
        ],
        mesh=mesh,
        scratch_types=[
            pltpu.VMEM((_NSP,), jnp.float32),
            pltpu.VMEM((_NSP,), jnp.int32),
            pltpu.VMEM((_NSP,), jnp.float32),
            pltpu.VMEM((_NG,), jnp.float32),
            pltpu.VMEM((_NG * 16,), jnp.float32),
            pltpu.VMEM((_NG * 16,), jnp.float32),
            pltpu.VMEM((_NG * 16,), jnp.float32),
            pltpu.VMEM((_NG,), jnp.float32),
            pltpu.VMEM((_NG,), jnp.float32),
            pltpu.VMEM((_NG,), jnp.float32),
            pltpu.VMEM((_NG,), jnp.float32),
            pltpu.VMEM((_NG,), jnp.float32),
        ],
        compiler_params=pltpu.CompilerParams(needs_layout_passes=False),
    )
    return f(sl_flat, ids_flat, il_flat)


def kernel(h, W_ind, b_ind, W_stock, b_stock, industry_ids, mask):
    B, T, D = h.shape
    w8 = (
        jnp.zeros((D, 8), jnp.float32)
        .at[:, 0].set(W_ind[:, 0])
        .at[:, 1].set(W_stock[:, 0])
    )
    b8 = (
        jnp.zeros((1, 8), jnp.float32)
        .at[0, 0].set(b_ind[0])
        .at[0, 1].set(b_stock[0])
    )
    lg = _tc_logits(h.reshape(B * T, D), w8, b8).reshape(B, T, 8)
    ind_raw = jnp.pad(lg[:, :_NI, 0], ((0, 0), (0, _NG - _NI)))
    stock_logits = lg[:, _NI:, 1]
    ids = industry_ids[:, _NI:].astype(jnp.int32)

    wind_f, indl_f, ws_f = _sc_call(
        stock_logits.reshape(-1), ids.reshape(-1), ind_raw.reshape(-1), B
    )
    w_ind = wind_f.reshape(B, _NG)[:, :_NI]
    ind_logits = indl_f.reshape(B, _NG)[:, :_NI]
    w_stock = ws_f.reshape(B, _NS)
    return (w_ind, w_stock, ind_logits, stock_logits)

# --- scband reference (transcript-rebuilt; emitter-appended) ---
"""Pipeline reference for scband-hierarchical-head-36352603193896 (READ-ONLY COPY).

The authoritative reference and input builder live on the scoring server;
editing this copy changes nothing except your own understanding.
"""

import jax, jax.numpy as jnp
import numpy as np

N_IND = 100
B, T, D = 32, 5100, 256

def setup_inputs(seed: int = 0):
    key = jax.random.key(seed)
    k1, k2, k3, k4 = jax.random.split(key, 4)
    h = jax.random.normal(k1, (B, T, D), dtype=jnp.float32)
    industry_ids = jax.random.randint(k2, (B, T), 0, N_IND, dtype=jnp.int32)
    mask = jnp.ones((B, T), dtype=bool)
    W_ind = jax.random.normal(k3, (D, 1), dtype=jnp.float32) * 0.02
    b_ind = jnp.zeros((1,), dtype=jnp.float32)
    W_stock = jax.random.normal(k4, (D, 1), dtype=jnp.float32) * 0.02
    b_stock = jnp.zeros((1,), dtype=jnp.float32)
    return {"h": h, "W_ind": W_ind, "b_ind": b_ind, "W_stock": W_stock, "b_stock": b_stock, "industry_ids": industry_ids, "mask": mask}


def _scatter_softmax(logits, group_ids, n_groups, valid_mask):
    b, n = logits.shape
    group_mask = jnp.transpose(jax.nn.one_hot(group_ids, n_groups, dtype=jnp.bool_), (0, 2, 1))
    group_mask = group_mask & valid_mask[:, None, :]
    expanded = jnp.broadcast_to(logits[:, None, :], (b, n_groups, n))
    masked = jnp.where(group_mask, expanded, -jnp.inf)
    max_val = jnp.max(masked, axis=-1, keepdims=True)
    safe_max = jnp.where(jnp.isinf(max_val), jnp.zeros_like(max_val), max_val)
    exp_vals = jnp.exp(masked - safe_max) * group_mask.astype(jnp.float32)
    sum_exp = jnp.clip(jnp.sum(exp_vals, axis=-1, keepdims=True), 1e-12, None)
    softmax_per_group = exp_vals / sum_exp
    return jnp.sum(softmax_per_group, axis=1)


def _forward(h, W_ind, b_ind, W_stock, b_stock, industry_ids, mask):
    n_ind = N_IND
    ind_h = h[:, :n_ind]
    stock_h = h[:, n_ind:]
    ind_mask = mask[:, :n_ind]
    stock_mask = mask[:, n_ind:]
    stock_ind_ids = industry_ids[:, n_ind:]
    ind_membership = jax.nn.one_hot(stock_ind_ids, n_ind, dtype=jnp.bool_) & stock_mask[..., None]
    has_valid_stock = jnp.any(ind_membership, axis=1)
    ind_mask_eff = ind_mask & has_valid_stock
    ind_logits = jnp.squeeze(ind_h @ W_ind + b_ind, -1)
    ind_logits = jnp.where(ind_mask_eff, ind_logits, -jnp.inf)
    w_ind = jax.nn.softmax(ind_logits, axis=-1)
    stock_logits = jnp.squeeze(stock_h @ W_stock + b_stock, -1)
    w_stock_in_ind = _scatter_softmax(stock_logits, stock_ind_ids, n_ind, stock_mask)
    parent_w = jnp.take_along_axis(w_ind, stock_ind_ids, axis=1)
    w_stock = parent_w * w_stock_in_ind
    return (w_ind, w_stock, ind_logits, stock_logits)


def reference(h, W_ind, b_ind, W_stock, b_stock, industry_ids, mask):
    return _forward(h, W_ind, b_ind, W_stock, b_stock, industry_ids, mask)

if __name__ == "__main__":
    import jax
    _d = setup_inputs()
    print(jax.jit(kernel)(*tuple(_d.values())))

</pallas_src>

<mosaic_0001>
#map = affine_map<(d0, d1) -> (0)>
module attributes {stable_mosaic.version = 14 : i64} {
  func.func @_sc_body(%arg0: i32, %arg1: i32, %arg2: memref<160000xf32, #tpu.memory_space<hbm>>, %arg3: memref<160000xi32, #tpu.memory_space<hbm>>, %arg4: memref<4096xf32, #tpu.memory_space<hbm>>, %arg5: memref<4096xf32, #tpu.memory_space<hbm>>, %arg6: memref<4096xf32, #tpu.memory_space<hbm>>, %arg7: memref<160000xf32, #tpu.memory_space<hbm>>, %arg8: memref<5008xf32, #tpu.memory_space<vmem>>, %arg9: memref<5008xi32, #tpu.memory_space<vmem>>, %arg10: memref<5008xf32, #tpu.memory_space<vmem>>, %arg11: memref<128xf32, #tpu.memory_space<vmem>>, %arg12: memref<2048xf32, #tpu.memory_space<vmem>>, %arg13: memref<2048xf32, #tpu.memory_space<vmem>>, %arg14: memref<2048xf32, #tpu.memory_space<vmem>>, %arg15: memref<128xf32, #tpu.memory_space<vmem>>, %arg16: memref<128xf32, #tpu.memory_space<vmem>>, %arg17: memref<128xf32, #tpu.memory_space<vmem>>, %arg18: memref<128xf32, #tpu.memory_space<vmem>>, %arg19: memref<128xf32, #tpu.memory_space<vmem>>) attributes {dimension_semantics = [#tpu.dimension_semantics<core_parallel>, #tpu.dimension_semantics<subcore_parallel>], iteration_bounds = array<i64: 2, 16>, scalar_prefetch = 0 : i64, scratch_operands = 12 : i64, tpu.core_type = #tpu.core_type<sc_vector_subcore>, window_params = [{transform_indices = #map}, {transform_indices = #map}, {transform_indices = #map}, {transform_indices = #map}, {transform_indices = #map}, {transform_indices = #map}]} {
    %mul3A = arith.constant 16 : i32
    %mul3A_0 = arith.muli %arg0, %mul3A : i32
    %add3A = arith.addi %mul3A_0, %arg1 : i32
    %iota3A = tpu.iota {dimensions = array<i32: 0>} : vector<16xi32>
    %broadcast_in_dim3A = arith.constant 1.000000e+00 : f32
    %broadcast_in_dim3A_1 = vector.broadcast %broadcast_in_dim3A : f32 to vector<16xf32>
    %broadcast_in_dim3A_2 = arith.constant 0xFF800000 : f32
    %broadcast_in_dim3A_3 = vector.broadcast %broadcast_in_dim3A_2 : f32 to vector<16xf32>
    %mul3A_4 = arith.constant 5000 : i32
    %mul3A_5 = arith.muli %add3A, %mul3A_4 : i32
    %mul3A_6 = arith.constant 128 : i32
    %mul3A_7 = arith.muli %add3A, %mul3A_6 : i32
    "tpu.region"() ({
      %run_scoped3A = tpu.sem_alloc : memref<!tpu.dma_semaphore, #tpu.memory_space<semaphore_mem>>
      %dma_start3A = arith.constant 0 : i32
      %dma_start3A_2608 = tpu.memref_slice %arg8[%dma_start3A] : memref<5008xf32, #tpu.memory_space<vmem>> -> memref<5000xf32, #tpu.memory_space<vmem>>
      %dma_start3A_2609 = tpu.memref_slice %arg2[%mul3A_5] : memref<160000xf32, #tpu.memory_space<hbm>> -> memref<5000xf32, #tpu.memory_space<hbm>>
      %dma_start3A_2610 = arith.constant 0 : i32
      %dma_start3A_2611 = tpu.memref_slice %arg8[%dma_start3A_2610] : memref<5008xf32, #tpu.memory_space<vmem>> -> memref<5000xf32, #tpu.memory_space<vmem>>
      %dma_start3A_2612 = tpu.memref_slice %arg2[%mul3A_5] : memref<160000xf32, #tpu.memory_space<hbm>> -> memref<5000xf32, #tpu.memory_space<hbm>>
      tpu.enqueue_dma source(%dma_start3A_2612 : memref<5000xf32, #tpu.memory_space<hbm>>) target(%dma_start3A_2611 : memref<5000xf32, #tpu.memory_space<vmem>>) target_semaphore(%run_scoped3A : memref<!tpu.dma_semaphore, #tpu.memory_space<semaphore_mem>>)
      %dma_wait3A = arith.constant 0 : i32
      %dma_wait3A_2613 = tpu.memref_slice %arg8[%dma_wait3A] : memref<5008xf32, #tpu.memory_space<vmem>> -> memref<5000xf32, #tpu.memory_space<vmem>>
      %dma_wait3A_2614 = tpu.memref_slice %arg2[%mul3A_5] : memref<160000xf32, #tpu.memory_space<hbm>> -> memref<5000xf32, #tpu.memory_space<hbm>>
      %dma_wait3A_2615 = arith.constant 0 : i32
      %dma_wait3A_2616 = tpu.memref_slice %arg8[%dma_wait3A_2615] : memref<5008xf32, #tpu.memory_space<vmem>> -> memref<5000xf32, #tpu.memory_space<vmem>>
      %dma_wait3A_2617 = tpu.memref_slice %arg2[%mul3A_5] : memref<160000xf32, #tpu.memory_space<hbm>> -> memref<5000xf32, #tpu.memory_space<hbm>>
      tpu.wait_dma2 semaphore(%run_scoped3A : memref<!tpu.dma_semaphore, #tpu.memory_space<semaphore_mem>>) src(%dma_wait3A_2617 : memref<5000xf32, #tpu.memory_space<hbm>>) dst(%dma_wait3A_2616 : memref<5000xf32, #tpu.memory_space<vmem>>)
      tpu.yield
    }) : () -> ()
    "tpu.region"() ({
      %run_scoped3A = tpu.sem_alloc : memref<!tpu.dma_semaphore, #tpu.memory_space<semaphore_mem>>
      %dma_start3A = arith.constant 0 : i32
      %dma_start3A_2608 = tpu.memref_slice %arg9[%dma_start3A] : memref<5008xi32, #tpu.memory_space<vmem>> -> memref<5000xi32, #tpu.memory_space<vmem>>
      %dma_start3A_2609 = tpu.memref_slice %arg3[%mul3A_5] : memref<160000xi32, #tpu.memory_space<hbm>> -> memref<5000xi32, #tpu.memory_space<hbm>>
      %dma_start3A_2610 = arith.constant 0 : i32
      %dma_start3A_2611 = tpu.memref_slice %arg9[%dma_start3A_2610] : memref<5008xi32, #tpu.memory_space<vmem>> -> memref<5000xi32, #tpu.memory_space<vmem>>
      %dma_start3A_2612 = tpu.memref_slice %arg3[%mul3A_5] : memref<160000xi32, #tpu.memory_space<hbm>> -> memref<5000xi32, #tpu.memory_space<hbm>>
      tpu.enqueue_dma source(%dma_start3A_2612 : memref<5000xi32, #tpu.memory_space<hbm>>) target(%dma_start3A_2611 : memref<5000xi32, #tpu.memory_space<vmem>>) target_semaphore(%run_scoped3A : memref<!tpu.dma_semaphore, #tpu.memory_space<semaphore_mem>>)
      %dma_wait3A = arith.constant 0 : i32
      %dma_wait3A_2613 = tpu.memref_slice %arg9[%dma_wait3A] : memref<5008xi32, #tpu.memory_space<vmem>> -> memref<5000xi32, #tpu.memory_space<vmem>>
      %dma_wait3A_2614 = tpu.memref_slice %arg3[%mul3A_5] : memref<160000xi32, #tpu.memory_space<hbm>> -> memref<5000xi32, #tpu.memory_space<hbm>>
      %dma_wait3A_2615 = arith.constant 0 : i32
      %dma_wait3A_2616 = tpu.memref_slice %arg9[%dma_wait3A_2615] : memref<5008xi32, #tpu.memory_space<vmem>> -> memref<5000xi32, #tpu.memory_space<vmem>>
      %dma_wait3A_2617 = tpu.memref_slice %arg3[%mul3A_5] : memref<160000xi32, #tpu.memory_space<hbm>> -> memref<5000xi32, #tpu.memory_space<hbm>>
      tpu.wait_dma2 semaphore(%run_scoped3A : memref<!tpu.dma_semaphore, #tpu.memory_space<semaphore_mem>>) src(%dma_wait3A_2617 : memref<5000xi32, #tpu.memory_space<hbm>>) dst(%dma_wait3A_2616 : memref<5000xi32, #tpu.memory_space<vmem>>)
      tpu.yield
    }) : () -> ()
    "tpu.region"() ({
      %run_scoped3A = tpu.sem_alloc : memref<!tpu.dma_semaphore, #tpu.memory_space<semaphore_mem>>
      %dma_start3A = tpu.memref_slice %arg4[%mul3A_7] : memref<4096xf32, #tpu.memory_space<hbm>> -> memref<128xf32, #tpu.memory_space<hbm>>
      %dma_start3A_2608 = tpu.memref_slice %arg4[%mul3A_7] : memref<4096xf32, #tpu.memory_space<hbm>> -> memref<128xf32, #tpu.memory_space<hbm>>
      tpu.enqueue_dma source(%dma_start3A_2608 : memref<128xf32, #tpu.memory_space<hbm>>) target(%arg11 : memref<128xf32, #tpu.memory_space<vmem>>) target_semaphore(%run_scoped3A : memref<!tpu.dma_semaphore, #tpu.memory_space<semaphore_mem>>)
      %dma_wait3A = tpu.memref_slice %arg4[%mul3A_7] : memref<4096xf32, #tpu.memory_space<hbm>> -> memref<128xf32, #tpu.memory_space<hbm>>
      %dma_wait3A_2609 = tpu.memref_slice %arg4[%mul3A_7] : memref<4096xf32, #tpu.memory_space<hbm>> -> memref<128xf32, #tpu.memory_space<hbm>>
      tpu.wait_dma2 semaphore(%run_scoped3A : memref<!tpu.dma_semaphore, #tpu.memory_space<semaphore_mem>>) src(%dma_wait3A_2609 : memref<128xf32, #tpu.memory_space<hbm>>) dst(%arg11 : memref<128xf32, #tpu.memory_space<vmem>>)
      tpu.yield
    }) : () -> ()
    %lt3A = arith.constant 8 : i32
    %lt3A_8 = vector.broadcast %lt3A : i32 to vector<16xi32>
    %lt3A_9 = arith.cmpi slt, %iota3A, %lt3A_8 : vector<16xi32>
    %get3A = arith.constant 4992 : index
    %get3A_10 = tpu.vector_load %arg8[%get3A] {strides = array<i32>} : memref<5008xf32, #tpu.memory_space<vmem>>, vector<16xf32>,
    %jit3A = arith.constant 0.000000e+00 : f32
    %broadcast_in_dim3A_11 = vector.broadcast %jit3A : f32 to vector<16xf32>
    %select_n3A = arith.select %lt3A_9, %get3A_10, %broadcast_in_dim3A_11 : vector<16xi1>, vector<16xf32>
    %swap3A = arith.constant 4992 : index
    %swap3A_12 = tpu.vector_load %arg8[%swap3A] {strides = array<i32>} : memref<5008xf32, #tpu.memory_space<vmem>>, vector<16xf32>,
    tpu.vector_store %arg8[%swap3A], %select_n3A {strides = array<i32>} : memref<5008xf32, #tpu.memory_space<vmem>>, vector<16xf32>,
    %get3A_13 = arith.constant 4992 : index
    %get3A_14 = tpu.vector_load %arg9[%get3A_13] {strides = array<i32>} : memref<5008xi32, #tpu.memory_space<vmem>>, vector<16xi32>,
    %jit3A_15 = arith.constant 127 : i32
    %broadcast_in_dim3A_16 = vector.broadcast %jit3A_15 : i32 to vector<16xi32>
    %select_n3A_17 = arith.select %lt3A_9, %get3A_14, %broadcast_in_dim3A_16 : vector<16xi1>, vector<16xi32>
    %swap3A_18 = arith.constant 4992 : index
    %swap3A_19 = tpu.vector_load %arg9[%swap3A_18] {strides = array<i32>} : memref<5008xi32, #tpu.memory_space<vmem>>, vector<16xi32>,
    tpu.vector_store %arg9[%swap3A_18], %select_n3A_17 {strides = array<i32>} : memref<5008xi32, #tpu.memory_space<vmem>>, vector<16xi32>,
    %scan3A = arith.constant 0 : i32
    %scan3A_20 = arith.constant 0 : i32
    %scan3A_21 = arith.constant 128 : i32
    %scan3A_22 = arith.addi %scan3A_20, %scan3A_21 : i32
    %scan3A_23 = arith.constant 1 : i32
    scf.for %scan3A_2608 = %scan3A_20 to %scan3A_22 step %scan3A_23  : i32 {
      %mul3A_2609 = arith.constant 16 : i32
      %mul3A_2610 = arith.muli %scan3A_2608, %mul3A_2609 : i32
      %swap3A_2611 = arith.index_cast %mul3A_2610 : i32 to index
      %swap3A_2612 = tpu.vector_load %arg12[%swap3A_2611] {strides = array<i32>} : memref<2048xf32, #tpu.memory_space<vmem>>, vector<16xf32>,
      tpu.vector_store %arg12[%swap3A_2611], %broadcast_in_dim3A_3 {strides = array<i32>} : memref<2048xf32, #tpu.memory_space<vmem>>, vector<16xf32>,
      %broadcast_in_dim3A_2613 = arith.constant 0.000000e+00 : f32
      %broadcast_in_dim3A_2614 = vector.broadcast %broadcast_in_dim3A_2613 : f32 to vector<16xf32>
      %swap3A_2615 = arith.index_cast %mul3A_2610 : i32 to index
      %swap3A_2616 = tpu.vector_load %arg13[%swap3A_2615] {strides = array<i32>} : memref<2048xf32, #tpu.memory_space<vmem>>, vector<16xf32>,
      tpu.vector_store %arg13[%swap3A_2615], %broadcast_in_dim3A_2614 {strides = array<i32>} : memref<2048xf32, #tpu.memory_space<vmem>>, vector<16xf32>,
      %broadcast_in_dim3A_2617 = arith.constant 0.000000e+00 : f32
      %broadcast_in_dim3A_2618 = vector.broadcast %broadcast_in_dim3A_2617 : f32 to vector<16xf32>
      %swap3A_2619 = arith.index_cast %mul3A_2610 : i32 to index
      %swap3A_2620 = tpu.vector_load %arg14[%swap3A_2619] {strides = array<i32>} : memref<2048xf32, #tpu.memory_space<vmem>>, vector<16xf32>,
      tpu.vector_store %arg14[%swap3A_2619], %broadcast_in_dim3A_2618 {strides = array<i32>} : memref<2048xf32, #tpu.memory_space<vmem>>, vector<16xf32>,
    }
    %scan3A_24 = arith.constant 128 : i32
    %scan3A_25 = arith.constant 0 : i32
    %scan3A_26 = arith.constant 0 : i32
    %scan3A_27 = arith.constant 313 : i32
    %scan3A_28 = arith.addi %scan3A_26, %scan3A_27 : i32
    %scan3A_29 = arith.constant 1 : i32
    scf.for %scan3A_2608 = %scan3A_26 to %scan3A_28 step %scan3A_29  : i32 {
      %mul3A_2609 = arith.constant 16 : i32
      %mul3A_2610 = arith.muli %scan3A_2608, %mul3A_2609 : i32
      %get3A_2611 = arith.index_cast %mul3A_2610 : i32 to index
      %get3A_2612 = tpu.vector_load %arg8[%get3A_2611] {strides = array<i32>} : memref<5008xf32, #tpu.memory_space<vmem>>, vector<16xf32>,
      %get3A_2613 = arith.index_cast %mul3A_2610 : i32 to index
      %get3A_2614 = tpu.vector_load %arg9[%get3A_2613] {strides = array<i32>} : memref<5008xi32, #tpu.memory_space<vmem>>, vector<16xi32>,
      %mul3A_2615 = arith.constant 16 : i32
      %mul3A_2616 = vector.broadcast %mul3A_2615 : i32 to vector<16xi32>
      %mul3A_2617 = arith.muli %get3A_2614, %mul3A_2616 : vector<16xi32>
      %add3A_2618 = arith.addi %mul3A_2617, %iota3A : vector<16xi32>
      %gather3A_2619 = tpu.vector_load_idx %arg12[%add3A_2618] : memref<2048xf32, #tpu.memory_space<vmem>>[vector<16xi32>], vector<16xf32>,
      %max3A_2620 = arith.maximumf %gather3A_2619, %get3A_2612 : vector<16xf32>
      tpu.vector_store_idx %arg12[%add3A_2618], %max3A_2620 : memref<2048xf32, #tpu.memory_space<vmem>>[vector<16xi32>], vector<16xf32>,
      tpu.vector_store_idx %arg13[%add3A_2618], %broadcast_in_dim3A_1 {add = true} : memref<2048xf32, #tpu.memory_space<vmem>>[vector<16xi32>], vector<16xf32>,
    }
    %scan3A_30 = arith.constant 313 : i32
    %add3A_31 = arith.constant 0 : i32
    %add3A_32 = vector.broadcast %add3A_31 : i32 to vector<16xi32>
    %add3A_33 = arith.addi %add3A_32, %iota3A : vector<16xi32>
    %mul3A_34 = arith.constant 16 : i32
    %mul3A_35 = vector.broadcast %mul3A_34 : i32 to vector<16xi32>
    %mul3A_36 = arith.muli %add3A_33, %mul3A_35 : vector<16xi32>
    %broadcast_in_dim3A_37 = arith.constant 0.000000e+00 : f32
    %broadcast_in_dim3A_38 = vector.broadcast %broadcast_in_dim3A_37 : f32 to vector<16xf32>
    %add3A_39 = arith.constant 0 : i32
    %add3A_40 = vector.broadcast %add3A_39 : i32 to vector<16xi32>
    %add3A_41 = arith.addi %mul3A_36, %add3A_40 : vector<16xi32>
    %gather3A = tpu.vector_load_idx %arg12[%add3A_41] : memref<2048xf32, #tpu.memory_space<vmem>>[vector<16xi32>], vector<16xf32>,
    %max3A = arith.maximumf %broadcast_in_dim3A_3, %gather3A : vector<16xf32>
    %add3A_42 = arith.constant 0 : i32
    %add3A_43 = vector.broadcast %add3A_42 : i32 to vector<16xi32>
    %add3A_44 = arith.addi %mul3A_36, %add3A_43 : vector<16xi32>
    %gather3A_45 = tpu.vector_load_idx %arg13[%add3A_44] : memref<2048xf32, #tpu.memory_space<vmem>>[vector<16xi32>], vector<16xf32>,
    %add3A_46 = arith.addf %broadcast_in_dim3A_38, %gather3A_45 : vector<16xf32>
    %add3A_47 = arith.constant 1 : i32
    %add3A_48 = vector.broadcast %add3A_47 : i32 to vector<16xi32>
    %add3A_49 = arith.addi %mul3A_36, %add3A_48 : vector<16xi32>
    %gather3A_50 = tpu.vector_load_idx %arg12[%add3A_49] : memref<2048xf32, #tpu.memory_space<vmem>>[vector<16xi32>], vector<16xf32>,
    %max3A_51 = arith.maximumf %max3A, %gather3A_50 : vector<16xf32>
    %add3A_52 = arith.constant 1 : i32
    %add3A_53 = vector.broadcast %add3A_52 : i32 to vector<16xi32>
    %add3A_54 = arith.addi %mul3A_36, %add3A_53 : vector<16xi32>
    %gather3A_55 = tpu.vector_load_idx %arg13[%add3A_54] : memref<2048xf32, #tpu.memory_space<vmem>>[vector<16xi32>], vector<16xf32>,
    %add3A_56 = arith.addf %add3A_46, %gather3A_55 : vector<16xf32>
    %add3A_57 = arith.constant 2 : i32
    %add3A_58 = vector.broadcast %add3A_57 : i32 to vector<16xi32>
    %add3A_59 = arith.addi %mul3A_36, %add3A_58 : vector<16xi32>
    %gather3A_60 = tpu.vector_load_idx %arg12[%add3A_59] : memref<2048xf32, #tpu.memory_space<vmem>>[vector<16xi32>], vector<16xf32>,
    %max3A_61 = arith.maximumf %max3A_51, %gather3A_60 : vector<16xf32>
    %add3A_62 = arith.constant 2 : i32
    %add3A_63 = vector.broadcast %add3A_62 : i32 to vector<16xi32>
    %add3A_64 = arith.addi %mul3A_36, %add3A_63 : vector<16xi32>
    %gather3A_65 = tpu.vector_load_idx %arg13[%add3A_64] : memref<2048xf32, #tpu.memory_space<vmem>>[vector<16xi32>], vector<16xf32>,
    %add3A_66 = arith.addf %add3A_56, %gather3A_65 : vector<16xf32>
    %add3A_67 = arith.constant 3 : i32
    %add3A_68 = vector.broadcast %add3A_67 : i32 to vector<16xi32>
    %add3A_69 = arith.addi %mul3A_36, %add3A_68 : vector<16xi32>
    %gather3A_70 = tpu.vector_load_idx %arg12[%add3A_69] : memref<2048xf32, #tpu.memory_space<vmem>>[vector<16xi32>], vector<16xf32>,
    %max3A_71 = arith.maximumf %max3A_61, %gather3A_70 : vector<16xf32>
    %add3A_72 = arith.constant 3 : i32
    %add3A_73 = vector.broadcast %add3A_72 : i32 to vector<16xi32>
    %add3A_74 = arith.addi %mul3A_36, %add3A_73 : vector<16xi32>
    %gather3A_75 = tpu.vector_load_idx %arg13[%add3A_74] : memref<2048xf32, #tpu.memory_space<vmem>>[vector<16xi32>], vector<16xf32>,
    %add3A_76 = arith.addf %add3A_66, %gather3A_75 : vector<16xf32>
    %add3A_77 = arith.constant 4 : i32
    %add3A_78 = vector.broadcast %add3A_77 : i32 to vector<16xi32>
    %add3A_79 = arith.addi %mul3A_36, %add3A_78 : vector<16xi32>
    %gather3A_80 = tpu.vector_load_idx %arg12[%add3A_79] : memref<2048xf32, #tpu.memory_space<vmem>>[vector<16xi32>], vector<16xf32>,
    %max3A_81 = arith.maximumf %max3A_71, %gather3A_80 : vector<16xf32>
    %add3A_82 = arith.constant 4 : i32
    %add3A_83 = vector.broadcast %add3A_82 : i32 to vector<16xi32>
    %add3A_84 = arith.addi %mul3A_36, %add3A_83 : vector<16xi32>
    %gather3A_85 = tpu.vector_load_idx %arg13[%add3A_84] : memref<2048xf32, #tpu.memory_space<vmem>>[vector<16xi32>], vector<16xf32>,
    %add3A_86 = arith.addf %add3A_76, %gather3A_85 : vector<16xf32>
    %add3A_87 = arith.constant 5 : i32
    %add3A_88 = vector.broadcast %add3A_87 : i32 to vector<16xi32>
    %add3A_89 = arith.addi %mul3A_36, %add3A_88 : vector<16xi32>
    %gather3A_90 = tpu.vector_load_idx %arg12[%add3A_89] : memref<2048xf32, #tpu.memory_space<vmem>>[vector<16xi32>], vector<16xf32>,
    %max3A_91 = arith.maximumf %max3A_81, %gather3A_90 : vector<16xf32>
    %add3A_92 = arith.constant 5 : i32
    %add3A_93 = vector.broadcast %add3A_92 : i32 to vector<16xi32>
    %add3A_94 = arith.addi %mul3A_36, %add3A_93 : vector<16xi32>
    %gather3A_95 = tpu.vector_load_idx %arg13[%add3A_94] : memref<2048xf32, #tpu.memory_space<vmem>>[vector<16xi32>], vector<16xf32>,
    %add3A_96 = arith.addf %add3A_86, %gather3A_95 : vector<16xf32>
    %add3A_97 = arith.constant 6 : i32
    %add3A_98 = vector.broadcast %add3A_97 : i32 to vector<16xi32>
    %add3A_99 = arith.addi %mul3A_36, %add3A_98 : vector<16xi32>
    %gather3A_100 = tpu.vector_load_idx %arg12[%add3A_99] : memref<2048xf32, #tpu.memory_space<vmem>>[vector<16xi32>], vector<16xf32>,
    %max3A_101 = arith.maximumf %max3A_91, %gather3A_100 : vector<16xf32>
    %add3A_102 = arith.constant 6 : i32
    %add3A_103 = vector.broadcast %add3A_102 : i32 to vector<16xi32>
    %add3A_104 = arith.addi %mul3A_36, %add3A_103 : vector<16xi32>
    %gather3A_105 = tpu.vector_load_idx %arg13[%add3A_104] : memref<2048xf32, #tpu.memory_space<vmem>>[vector<16xi32>], vector<16xf32>,
    %add3A_106 = arith.addf %add3A_96, %gather3A_105 : vector<16xf32>
    %add3A_107 = arith.constant 7 : i32
    %add3A_108 = vector.broadcast %add3A_107 : i32 to vector<16xi32>
    %add3A_109 = arith.addi %mul3A_36, %add3A_108 : vector<16xi32>
    %gather3A_110 = tpu.vector_load_idx %arg12[%add3A_109] : memref<2048xf32, #tpu.memory_space<vmem>>[vector<16xi32>], vector<16xf32>,
    %max3A_111 = arith.maximumf %max3A_101, %gather3A_110 : vector<16xf32>
    %add3A_112 = arith.constant 7 : i32
    %add3A_113 = vector.broadcast %add3A_112 : i32 to vector<16xi32>
    %add3A_114 = arith.addi %mul3A_36, %add3A_113 : vector<16xi32>
    %gather3A_115 = tpu.vector_load_idx %arg13[%add3A_114] : memref<2048xf32, #tpu.memory_space<vmem>>[vector<16xi32>], vector<16xf32>,
    %add3A_116 = arith.addf %add3A_106, %gather3A_115 : vector<16xf32>
    %add3A_117 = arith.constant 8 : i32
    %add3A_118 = vector.broadcast %add3A_117 : i32 to vector<16xi32>
    %add3A_119 = arith.addi %mul3A_36, %add3A_118 : vector<16xi32>
    %gather3A_120 = tpu.vector_load_idx %arg12[%add3A_119] : memref<2048xf32, #tpu.memory_space<vmem>>[vector<16xi32>], vector<16xf32>,
    %max3A_121 = arith.maximumf %max3A_111, %gather3A_120 : vector<16xf32>
    %add3A_122 = arith.constant 8 : i32
    %add3A_123 = vector.broadcast %add3A_122 : i32 to vector<16xi32>
    %add3A_124 = arith.addi %mul3A_36, %add3A_123 : vector<16xi32>
    %gather3A_125 = tpu.vector_load_idx %arg13[%add3A_124] : memref<2048xf32, #tpu.memory_space<vmem>>[vector<16xi32>], vector<16xf32>,
    %add3A_126 = arith.addf %add3A_116, %gather3A_125 : vector<16xf32>
    %add3A_127 = arith.constant 9 : i32
    %add3A_128 = vector.broadcast %add3A_127 : i32 to vector<16xi32>
    %add3A_129 = arith.addi %mul3A_36, %add3A_128 : vector<16xi32>
    %gather3A_130 = tpu.vector_load_idx %arg12[%add3A_129] : memref<2048xf32, #tpu.memory_space<vmem>>[vector<16xi32>], vector<16xf32>,
    %max3A_131 = arith.maximumf %max3A_121, %gather3A_130 : vector<16xf32>
    %add3A_132 = arith.constant 9 : i32
    %add3A_133 = vector.broadcast %add3A_132 : i32 to vector<16xi32>
    %add3A_134 = arith.addi %mul3A_36, %add3A_133 : vector<16xi32>
    %gather3A_135 = tpu.vector_load_idx %arg13[%add3A_134] : memref<2048xf32, #tpu.memory_space<vmem>>[vector<16xi32>], vector<16xf32>,
    %add3A_136 = arith.addf %add3A_126, %gather3A_135 : vector<16xf32>
    %add3A_137 = arith.constant 10 : i32
    %add3A_138 = vector.broadcast %add3A_137 : i32 to vector<16xi32>
    %add3A_139 = arith.addi %mul3A_36, %add3A_138 : vector<16xi32>
    %gather3A_140 = tpu.vector_load_idx %arg12[%add3A_139] : memref<2048xf32, #tpu.memory_space<vmem>>[vector<16xi32>], vector<16xf32>,
    %max3A_141 = arith.maximumf %max3A_131, %gather3A_140 : vector<16xf32>
    %add3A_142 = arith.constant 10 : i32
    %add3A_143 = vector.broadcast %add3A_142 : i32 to vector<16xi32>
    %add3A_144 = arith.addi %mul3A_36, %add3A_143 : vector<16xi32>
    %gather3A_145 = tpu.vector_load_idx %arg13[%add3A_144] : memref<2048xf32, #tpu.memory_space<vmem>>[vector<16xi32>], vector<16xf32>,
    %add3A_146 = arith.addf %add3A_136, %gather3A_145 : vector<16xf32>
    %add3A_147 = arith.constant 11 : i32
    %add3A_148 = vector.broadcast %add3A_147 : i32 to vector<16xi32>
    %add3A_149 = arith.addi %mul3A_36, %add3A_148 : vector<16xi32>
    %gather3A_150 = tpu.vector_load_idx %arg12[%add3A_149] : memref<2048xf32, #tpu.memory_space<vmem>>[vector<16xi32>], vector<16xf32>,
    %max3A_151 = arith.maximumf %max3A_141, %gather3A_150 : vector<16xf32>
    %add3A_152 = arith.constant 11 : i32
    %add3A_153 = vector.broadcast %add3A_152 : i32 to vector<16xi32>
    %add3A_154 = arith.addi %mul3A_36, %add3A_153 : vector<16xi32>
    %gather3A_155 = tpu.vector_load_idx %arg13[%add3A_154] : memref<2048xf32, #tpu.memory_space<vmem>>[vector<16xi32>], vector<16xf32>,
    %add3A_156 = arith.addf %add3A_146, %gather3A_155 : vector<16xf32>
    %add3A_157 = arith.constant 12 : i32
    %add3A_158 = vector.broadcast %add3A_157 : i32 to vector<16xi32>
    %add3A_159 = arith.addi %mul3A_36, %add3A_158 : vector<16xi32>
    %gather3A_160 = tpu.vector_load_idx %arg12[%add3A_159] : memref<2048xf32, #tpu.memory_space<vmem>>[vector<16xi32>], vector<16xf32>,
    %max3A_161 = arith.maximumf %max3A_151, %gather3A_160 : vector<16xf32>
    %add3A_162 = arith.constant 12 : i32
    %add3A_163 = vector.broadcast %add3A_162 : i32 to vector<16xi32>
    %add3A_164 = arith.addi %mul3A_36, %add3A_163 : vector<16xi32>
    %gather3A_165 = tpu.vector_load_idx %arg13[%add3A_164] : memref<2048xf32, #tpu.memory_space<vmem>>[vector<16xi32>], vector<16xf32>,
    %add3A_166 = arith.addf %add3A_156, %gather3A_165 : vector<16xf32>
    %add3A_167 = arith.constant 13 : i32
    %add3A_168 = vector.broadcast %add3A_167 : i32 to vector<16xi32>
    %add3A_169 = arith.addi %mul3A_36, %add3A_168 : vector<16xi32>
    %gather3A_170 = tpu.vector_load_idx %arg12[%add3A_169] : memref<2048xf32, #tpu.memory_space<vmem>>[vector<16xi32>], vector<16xf32>,
    %max3A_171 = arith.maximumf %max3A_161, %gather3A_170 : vector<16xf32>
    %add3A_172 = arith.constant 13 : i32
    %add3A_173 = vector.broadcast %add3A_172 : i32 to vector<16xi32>
    %add3A_174 = arith.addi %mul3A_36, %add3A_173 : vector<16xi32>
    %gather3A_175 = tpu.vector_load_idx %arg13[%add3A_174] : memref<2048xf32, #tpu.memory_space<vmem>>[vector<16xi32>], vector<16xf32>,
    %add3A_176 = arith.addf %add3A_166, %gather3A_175 : vector<16xf32>
    %add3A_177 = arith.constant 14 : i32
    %add3A_178 = vector.broadcast %add3A_177 : i32 to vector<16xi32>
    %add3A_179 = arith.addi %mul3A_36, %add3A_178 : vector<16xi32>
    %gather3A_180 = tpu.vector_load_idx %arg12[%add3A_179] : memref<2048xf32, #tpu.memory_space<vmem>>[vector<16xi32>], vector<16xf32>,
    %max3A_181 = arith.maximumf %max3A_171, %gather3A_180 : vector<16xf32>
    %add3A_182 = arith.constant 14 : i32
    %add3A_183 = vector.broadcast %add3A_182 : i32 to vector<16xi32>
    %add3A_184 = arith.addi %mul3A_36, %add3A_183 : vector<16xi32>
    %gather3A_185 = tpu.vector_load_idx %arg13[%add3A_184] : memref<2048xf32, #tpu.memory_space<vmem>>[vector<16xi32>], vector<16xf32>,
    %add3A_186 = arith.addf %add3A_176, %gather3A_185 : vector<16xf32>
    %add3A_187 = arith.constant 15 : i32
    %add3A_188 = vector.broadcast %add3A_187 : i32 to vector<16xi32>
    %add3A_189 = arith.addi %mul3A_36, %add3A_188 : vector<16xi32>
    %gather3A_190 = tpu.vector_load_idx %arg12[%add3A_189] : memref<2048xf32, #tpu.memory_space<vmem>>[vector<16xi32>], vector<16xf32>,
    %max3A_191 = arith.maximumf %max3A_181, %gather3A_190 : vector<16xf32>
    %add3A_192 = arith.constant 15 : i32
    %add3A_193 = vector.broadcast %add3A_192 : i32 to vector<16xi32>
    %add3A_194 = arith.addi %mul3A_36, %add3A_193 : vector<16xi32>
    %gather3A_195 = tpu.vector_load_idx %arg13[%add3A_194] : memref<2048xf32, #tpu.memory_space<vmem>>[vector<16xi32>], vector<16xf32>,
    %add3A_196 = arith.addf %add3A_186, %gather3A_195 : vector<16xf32>
    %swap3A_197 = arith.constant 0 : index
    %swap3A_198 = tpu.vector_load %arg15[%swap3A_197] {strides = array<i32>} : memref<128xf32, #tpu.memory_space<vmem>>, vector<16xf32>,
    tpu.vector_store %arg15[%swap3A_197], %max3A_191 {strides = array<i32>} : memref<128xf32, #tpu.memory_space<vmem>>, vector<16xf32>,
    %swap3A_199 = arith.constant 0 : index
    %swap3A_200 = tpu.vector_load %arg16[%swap3A_199] {strides = array<i32>} : memref<128xf32, #tpu.memory_space<vmem>>, vector<16xf32>,
    tpu.vector_store %arg16[%swap3A_199], %add3A_196 {strides = array<i32>} : memref<128xf32, #tpu.memory_space<vmem>>, vector<16xf32>,
    %add3A_201 = arith.constant 16 : i32
    %add3A_202 = vector.broadcast %add3A_201 : i32 to vector<16xi32>
    %add3A_203 = arith.addi %add3A_202, %iota3A : vector<16xi32>
    %mul3A_204 = arith.constant 16 : i32
    %mul3A_205 = vector.broadcast %mul3A_204 : i32 to vector<16xi32>
    %mul3A_206 = arith.muli %add3A_203, %mul3A_205 : vector<16xi32>
    %broadcast_in_dim3A_207 = arith.constant 0.000000e+00 : f32
    %broadcast_in_dim3A_208 = vector.broadcast %broadcast_in_dim3A_207 : f32 to vector<16xf32>
    %add3A_209 = arith.constant 0 : i32
    %add3A_210 = vector.broadcast %add3A_209 : i32 to vector<16xi32>
    %add3A_211 = arith.addi %mul3A_206, %add3A_210 : vector<16xi32>
    %gather3A_212 = tpu.vector_load_idx %arg12[%add3A_211] : memref<2048xf32, #tpu.memory_space<vmem>>[vector<16xi32>], vector<16xf32>,
    %max3A_213 = arith.maximumf %broadcast_in_dim3A_3, %gather3A_212 : vector<16xf32>
    %add3A_214 = arith.constant 0 : i32
    %add3A_215 = vector.broadcast %add3A_214 : i32 to vector<16xi32>
    %add3A_216 = arith.addi %mul3A_206, %add3A_215 : vector<16xi32>
    %gather3A_217 = tpu.vector_load_idx %arg13[%add3A_216] : memref<2048xf32, #tpu.memory_space<vmem>>[vector<16xi32>], vector<16xf32>,
    %add3A_218 = arith.addf %broadcast_in_dim3A_208, %gather3A_217 : vector<16xf32>
    %add3A_219 = arith.constant 1 : i32
    %add3A_220 = vector.broadcast %add3A_219 : i32 to vector<16xi32>
    %add3A_221 = arith.addi %mul3A_206, %add3A_220 : vector<16xi32>
    %gather3A_222 = tpu.vector_load_idx %arg12[%add3A_221] : memref<2048xf32, #tpu.memory_space<vmem>>[vector<16xi32>], vector<16xf32>,
    %max3A_223 = arith.maximumf %max3A_213, %gather3A_222 : vector<16xf32>
    %add3A_224 = arith.constant 1 : i32
    %add3A_225 = vector.broadcast %add3A_224 : i32 to vector<16xi32>
    %add3A_226 = arith.addi %mul3A_206, %add3A_225 : vector<16xi32>
    %gather3A_227 = tpu.vector_load_idx %arg13[%add3A_226] : memref<2048xf32, #tpu.memory_space<vmem>>[vector<16xi32>], vector<16xf32>,
    %add3A_228 = arith.addf %add3A_218, %gather3A_227 : vector<16xf32>
    %add3A_229 = arith.constant 2 : i32
    %add3A_230 = vector.broadcast %add3A_229 : i32 to vector<16xi32>
    %add3A_231 = arith.addi %mul3A_206, %add3A_230 : vector<16xi32>
    %gather3A_232 = tpu.vector_load_idx %arg12[%add3A_231] : memref<2048xf32, #tpu.memory_space<vmem>>[vector<16xi32>], vector<16xf32>,
    %max3A_233 = arith.maximumf %max3A_223, %gather3A_232 : vector<16xf32>
    %add3A_234 = arith.constant 2 : i32
    %add3A_235 = vector.broadcast %add3A_234 : i32 to vector<16xi32>
    %add3A_236 = arith.addi %mul3A_206, %add3A_235 : vector<16xi32>
    %gather3A_237 = tpu.vector_load_idx %arg13[%add3A_236] : memref<2048xf32, #tpu.memory_space<vmem>>[vector<16xi32>], vector<16xf32>,
    %add3A_238 = arith.addf %add3A_228, %gather3A_237 : vector<16xf32>
    %add3A_239 = arith.constant 3 : i32
    %add3A_240 = vector.broadcast %add3A_239 : i32 to vector<16xi32>
    %add3A_241 = arith.addi %mul3A_206, %add3A_240 : vector<16xi32>
    %gather3A_242 = tpu.vector_load_idx %arg12[%add3A_241] : memref<2048xf32, #tpu.memory_space<vmem>>[vector<16xi32>], vector<16xf32>,
    %max3A_243 = arith.maximumf %max3A_233, %gather3A_242 : vector<16xf32>
    %add3A_244 = arith.constant 3 : i32
    %add3A_245 = vector.broadcast %add3A_244 : i32 to vector<16xi32>
    %add3A_246 = arith.addi %mul3A_206, %add3A_245 : vector<16xi32>
    %gather3A_247 = tpu.vector_load_idx %arg13[%add3A_246] : memref<2048xf32, #tpu.memory_space<vmem>>[vector<16xi32>], vector<16xf32>,
    %add3A_248 = arith.addf %add3A_238, %gather3A_247 : vector<16xf32>
    %add3A_249 = arith.constant 4 : i32
    %add3A_250 = vector.broadcast %add3A_249 : i32 to vector<16xi32>
    %add3A_251 = arith.addi %mul3A_206, %add3A_250 : vector<16xi32>
    %gather3A_252 = tpu.vector_load_idx %arg12[%add3A_251] : memref<2048xf32, #tpu.memory_space<vmem>>[vector<16xi32>], vector<16xf32>,
    %max3A_253 = arith.maximumf %max3A_243, %gather3A_252 : vector<16xf32>
    %add3A_254 = arith.constant 4 : i32
    %add3A_255 = vector.broadcast %add3A_254 : i32 to vector<16xi32>
    %add3A_256 = arith.addi %mul3A_206, %add3A_255 : vector<16xi32>
    %gather3A_257 = tpu.vector_load_idx %arg13[%add3A_256] : memref<2048xf32, #tpu.memory_space<vmem>>[vector<16xi32>], vector<16xf32>,
    %add3A_258 = arith.addf %add3A_248, %gather3A_257 : vector<16xf32>
    %add3A_259 = arith.constant 5 : i32
    %add3A_260 = vector.broadcast %add3A_259 : i32 to vector<16xi32>
    %add3A_261 = arith.addi %mul3A_206, %add3A_260 : vector<16xi32>
    %gather3A_262 = tpu.vector_load_idx %arg12[%add3A_261] : memref<2048xf32, #tpu.memory_space<vmem>>[vector<16xi32>], vector<16xf32>,
    %max3A_263 = arith.maximumf %max3A_253, %gather3A_262 : vector<16xf32>
    %add3A_264 = arith.constant 5 : i32
    %add3A_265 = vector.broadcast %add3A_264 : i32 to vector<16xi32>
    %add3A_266 = arith.addi %mul3A_206, %add3A_265 : vector<16xi32>
    %gather3A_267 = tpu.vector_load_idx %arg13[%add3A_266] : memref<2048xf32, #tpu.memory_space<vmem>>[vector<16xi32>], vector<16xf32>,
    %add3A_268 = arith.addf %add3A_258, %gather3A_267 : vector<16xf32>
    %add3A_269 = arith.constant 6 : i32
    %add3A_270 = vector.broadcast %add3A_269 : i32 to vector<16xi32>
    %add3A_271 = arith.addi %mul3A_206, %add3A_270 : vector<16xi32>
    %gather3A_272 = tpu.vector_load_idx %arg12[%add3A_271] : memref<2048xf32, #tpu.memory_space<vmem>>[vector<16xi32>], vector<16xf32>,
    %max3A_273 = arith.maximumf %max3A_263, %gather3A_272 : vector<16xf32>
    %add3A_274 = arith.constant 6 : i32
    %add3A_275 = vector.broadcast %add3A_274 : i32 to vector<16xi32>
    %add3A_276 = arith.addi %mul3A_206, %add3A_275 : vector<16xi32>
    %gather3A_277 = tpu.vector_load_idx %arg13[%add3A_276] : memref<2048xf32, #tpu.memory_space<vmem>>[vector<16xi32>], vector<16xf32>,
    %add3A_278 = arith.addf %add3A_268, %gather3A_277 : vector<16xf32>
    %add3A_279 = arith.constant 7 : i32
    %add3A_280 = vector.broadcast %add3A_279 : i32 to vector<16xi32>
    %add3A_281 = arith.addi %mul3A_206, %add3A_280 : vector<16xi32>
    %gather3A_282 = tpu.vector_load_idx %arg12[%add3A_281] : memref<2048xf32, #tpu.memory_space<vmem>>[vector<16xi32>], vector<16xf32>,
    %max3A_283 = arith.maximumf %max3A_273, %gather3A_282 : vector<16xf32>
    %add3A_284 = arith.constant 7 : i32
    %add3A_285 = vector.broadcast %add3A_284 : i32 to vector<16xi32>
    %add3A_286 = arith.addi %mul3A_206, %add3A_285 : vector<16xi32>
    %gather3A_287 = tpu.vector_load_idx %arg13[%add3A_286] : memref<2048xf32, #tpu.memory_space<vmem>>[vector<16xi32>], vector<16xf32>,
    %add3A_288 = arith.addf %add3A_278, %gather3A_287 : vector<16xf32>
    %add3A_289 = arith.constant 8 : i32
    %add3A_290 = vector.broadcast %add3A_289 : i32 to vector<16xi32>
    %add3A_291 = arith.addi %mul3A_206, %add3A_290 : vector<16xi32>
    %gather3A_292 = tpu.vector_load_idx %arg12[%add3A_291] : memref<2048xf32, #tpu.memory_space<vmem>>[vector<16xi32>], vector<16xf32>,
    %max3A_293 = arith.maximumf %max3A_283, %gather3A_292 : vector<16xf32>
    %add3A_294 = arith.constant 8 : i32
    %add3A_295 = vector.broadcast %add3A_294 : i32 to vector<16xi32>
    %add3A_296 = arith.addi %mul3A_206, %add3A_295 : vector<16xi32>
    %gather3A_297 = tpu.vector_load_idx %arg13[%add3A_296] : memref<2048xf32, #tpu.memory_space<vmem>>[vector<16xi32>], vector<16xf32>,
    %add3A_298 = arith.addf %add3A_288, %gather3A_297 : vector<16xf32>
    %add3A_299 = arith.constant 9 : i32
    %add3A_300 = vector.broadcast %add3A_299 : i32 to vector<16xi32>
    %add3A_301 = arith.addi %mul3A_206, %add3A_300 : vector<16xi32>
    %gather3A_302 = tpu.vector_load_idx %arg12[%add3A_301] : memref<2048xf32, #tpu.memory_space<vmem>>[vector<16xi32>], vector<16xf32>,
    %max3A_303 = arith.maximumf %max3A_293, %gather3A_302 : vector<16xf32>
    %add3A_304 = arith.constant 9 : i32
    %add3A_305 = vector.broadcast %add3A_304 : i32 to vector<16xi32>
    %add3A_306 = arith.addi %mul3A_206, %add3A_305 : vector<16xi32>
    %gather3A_307 = tpu.vector_load_idx %arg13[%add3A_306] : memref<2048xf32, #tpu.memory_space<vmem>>[vector<16xi32>], vector<16xf32>,
    %add3A_308 = arith.addf %add3A_298, %gather3A_307 : vector<16xf32>
    %add3A_309 = arith.constant 10 : i32
    %add3A_310 = vector.broadcast %add3A_309 : i32 to vector<16xi32>
    %add3A_311 = arith.addi %mul3A_206, %add3A_310 : vector<16xi32>
    %gather3A_312 = tpu.vector_load_idx %arg12[%add3A_311] : memref<2048xf32, #tpu.memory_space<vmem>>[vector<16xi32>], vector<16xf32>,
    %max3A_313 = arith.maximumf %max3A_303, %gather3A_312 : vector<16xf32>
    %add3A_314 = arith.constant 10 : i32
    %add3A_315 = vector.broadcast %add3A_314 : i32 to vector<16xi32>
    %add3A_316 = arith.addi %mul3A_206, %add3A_315 : vector<16xi32>
    %gather3A_317 = tpu.vector_load_idx %arg13[%add3A_316] : memref<2048xf32, #tpu.memory_space<vmem>>[vector<16xi32>], vector<16xf32>,
    %add3A_318 = arith.addf %add3A_308, %gather3A_317 : vector<16xf32>
    %add3A_319 = arith.constant 11 : i32
    %add3A_320 = vector.broadcast %add3A_319 : i32 to vector<16xi32>
    %add3A_321 = arith.addi %mul3A_206, %add3A_320 : vector<16xi32>
    %gather3A_322 = tpu.vector_load_idx %arg12[%add3A_321] : memref<2048xf32, #tpu.memory_space<vmem>>[vector<16xi32>], vector<16xf32>,
    %max3A_323 = arith.maximumf %max3A_313, %gather3A_322 : vector<16xf32>
    %add3A_324 = arith.constant 11 : i32
    %add3A_325 = vector.broadcast %add3A_324 : i32 to vector<16xi32>
    %add3A_326 = arith.addi %mul3A_206, %add3A_325 : vector<16xi32>
    %gather3A_327 = tpu.vector_load_idx %arg13[%add3A_326] : memref<2048xf32, #tpu.memory_space<vmem>>[vector<16xi32>], vector<16xf32>,
    %add3A_328 = arith.addf %add3A_318, %gather3A_327 : vector<16xf32>
    %add3A_329 = arith.constant 12 : i32
    %add3A_330 = vector.broadcast %add3A_329 : i32 to vector<16xi32>
    %add3A_331 = arith.addi %mul3A_206, %add3A_330 : vector<16xi32>
    %gather3A_332 = tpu.vector_load_idx %arg12[%add3A_331] : memref<2048xf32, #tpu.memory_space<vmem>>[vector<16xi32>], vector<16xf32>,
    %max3A_333 = arith.maximumf %max3A_323, %gather3A_332 : vector<16xf32>
    %add3A_334 = arith.constant 12 : i32
    %add3A_335 = vector.broadcast %add3A_334 : i32 to vector<16xi32>
    %add3A_336 = arith.addi %mul3A_206, %add3A_335 : vector<16xi32>
    %gather3A_337 = tpu.vector_load_idx %arg13[%add3A_336] : memref<2048xf32, #tpu.memory_space<vmem>>[vector<16xi32>], vector<16xf32>,
    %add3A_338 = arith.addf %add3A_328, %gather3A_337 : vector<16xf32>
    %add3A_339 = arith.constant 13 : i32
    %add3A_340 = vector.broadcast %add3A_339 : i32 to vector<16xi32>
    %add3A_341 = arith.addi %mul3A_206, %add3A_340 : vector<16xi32>
    %gather3A_342 = tpu.vector_load_idx %arg12[%add3A_341] : memref<2048xf32, #tpu.memory_space<vmem>>[vector<16xi32>], vector<16xf32>,
    %max3A_343 = arith.maximumf %max3A_333, %gather3A_342 : vector<16xf32>
    %add3A_344 = arith.constant 13 : i32
    %add3A_345 = vector.broadcast %add3A_344 : i32 to vector<16xi32>
    %add3A_346 = arith.addi %mul3A_206, %add3A_345 : vector<16xi32>
    %gather3A_347 = tpu.vector_load_idx %arg13[%add3A_346] : memref<2048xf32, #tpu.memory_space<vmem>>[vector<16xi32>], vector<16xf32>,
    %add3A_348 = arith.addf %add3A_338, %gather3A_347 : vector<16xf32>
    %add3A_349 = arith.constant 14 : i32
    %add3A_350 = vector.broadcast %add3A_349 : i32 to vector<16xi32>
    %add3A_351 = arith.addi %mul3A_206, %add3A_350 : vector<16xi32>
    %gather3A_352 = tpu.vector_load_idx %arg12[%add3A_351] : memref<2048xf32, #tpu.memory_space<vmem>>[vector<16xi32>], vector<16xf32>,
    %max3A_353 = arith.maximumf %max3A_343, %gather3A_352 : vector<16xf32>
    %add3A_354 = arith.constant 14 : i32
    %add3A_355 = vector.broadcast %add3A_354 : i32 to vector<16xi32>
    %add3A_356 = arith.addi %mul3A_206, %add3A_355 : vector<16xi32>
    %gather3A_357 = tpu.vector_load_idx %arg13[%add3A_356] : memref<2048xf32, #tpu.memory_space<vmem>>[vector<16xi32>], vector<16xf32>,
    %add3A_358 = arith.addf %add3A_348, %gather3A_357 : vector<16xf32>
    %add3A_359 = arith.constant 15 : i32
    %add3A_360 = vector.broadcast %add3A_359 : i32 to vector<16xi32>
    %add3A_361 = arith.addi %mul3A_206, %add3A_360 : vector<16xi32>
    %gather3A_362 = tpu.vector_load_idx %arg12[%add3A_361] : memref<2048xf32, #tpu.memory_space<vmem>>[vector<16xi32>], vector<16xf32>,
    %max3A_363 = arith.maximumf %max3A_353, %gather3A_362 : vector<16xf32>
    %add3A_364 = arith.constant 15 : i32
    %add3A_365 = vector.broadcast %add3A_364 : i32 to vector<16xi32>
    %add3A_366 = arith.addi %mul3A_206, %add3A_365 : vector<16xi32>
    %gather3A_367 = tpu.vector_load_idx %arg13[%add3A_366] : memref<2048xf32, #tpu.memory_space<vmem>>[vector<16xi32>], vector<16xf32>,
    %add3A_368 = arith.addf %add3A_358, %gather3A_367 : vector<16xf32>
    %swap3A_369 = arith.constant 16 : index
    %swap3A_370 = tpu.vector_load %arg15[%swap3A_369] {strides = array<i32>} : memref<128xf32, #tpu.memory_space<vmem>>, vector<16xf32>,
    tpu.vector_store %arg15[%swap3A_369], %max3A_363 {strides = array<i32>} : memref<128xf32, #tpu.memory_space<vmem>>, vector<16xf32>,
    %swap3A_371 = arith.constant 16 : index
    %swap3A_372 = tpu.vector_load %arg16[%swap3A_371] {strides = array<i32>} : memref<128xf32, #tpu.memory_space<vmem>>, vector<16xf32>,
    tpu.vector_store %arg16[%swap3A_371], %add3A_368 {strides = array<i32>} : memref<128xf32, #tpu.memory_space<vmem>>, vector<16xf32>,
    %add3A_373 = arith.constant 32 : i32
    %add3A_374 = vector.broadcast %add3A_373 : i32 to vector<16xi32>
    %add3A_375 = arith.addi %add3A_374, %iota3A : vector<16xi32>
    %mul3A_376 = arith.constant 16 : i32
    %mul3A_377 = vector.broadcast %mul3A_376 : i32 to vector<16xi32>
    %mul3A_378 = arith.muli %add3A_375, %mul3A_377 : vector<16xi32>
    %broadcast_in_dim3A_379 = arith.constant 0.000000e+00 : f32
    %broadcast_in_dim3A_380 = vector.broadcast %broadcast_in_dim3A_379 : f32 to vector<16xf32>
    %add3A_381 = arith.constant 0 : i32
    %add3A_382 = vector.broadcast %add3A_381 : i32 to vector<16xi32>
    %add3A_383 = arith.addi %mul3A_378, %add3A_382 : vector<16xi32>
    %gather3A_384 = tpu.vector_load_idx %arg12[%add3A_383] : memref<2048xf32, #tpu.memory_space<vmem>>[vector<16xi32>], vector<16xf32>,
    %max3A_385 = arith.maximumf %broadcast_in_dim3A_3, %gather3A_384 : vector<16xf32>
    %add3A_386 = arith.constant 0 : i32
    %add3A_387 = vector.broadcast %add3A_386 : i32 to vector<16xi32>
    %add3A_388 = arith.addi %mul3A_378, %add3A_387 : vector<16xi32>
    %gather3A_389 = tpu.vector_load_idx %arg13[%add3A_388] : memref<2048xf32, #tpu.memory_space<vmem>>[vector<16xi32>], vector<16xf32>,
    %add3A_390 = arith.addf %broadcast_in_dim3A_380, %gather3A_389 : vector<16xf32>
    %add3A_391 = arith.constant 1 : i32
    %add3A_392 = vector.broadcast %add3A_391 : i32 to vector<16xi32>
    %add3A_393 = arith.addi %mul3A_378, %add3A_392 : vector<16xi32>
    %gather3A_394 = tpu.vector_load_idx %arg12[%add3A_393] : memref<2048xf32, #tpu.memory_space<vmem>>[vector<16xi32>], vector<16xf32>,
    %max3A_395 = arith.maximumf %max3A_385, %gather3A_394 : vector<16xf32>
    %add3A_396 = arith.constant 1 : i32
    %add3A_397 = vector.broadcast %add3A_396 : i32 to vector<16xi32>
    %add3A_398 = arith.addi %mul3A_378, %add3A_397 : vector<16xi32>
    %gather3A_399 = tpu.vector_load_idx %arg13[%add3A_398] : memref<2048xf32, #tpu.memory_space<vmem>>[vector<16xi32>], vector<16xf32>,
    %add3A_400 = arith.addf %add3A_390, %gather3A_399 : vector<16xf32>
    %add3A_401 = arith.constant 2 : i32
    %add3A_402 = vector.broadcast %add3A_401 : i32 to vector<16xi32>
    %add3A_403 = arith.addi %mul3A_378, %add3A_402 : vector<16xi32>
    %gather3A_404 = tpu.vector_load_idx %arg12[%add3A_403] : memref<2048xf32, #tpu.memory_space<vmem>>[vector<16xi32>], vector<16xf32>,
    %max3A_405 = arith.maximumf %max3A_395, %gather3A_404 : vector<16xf32>
    %add3A_406 = arith.constant 2 : i32
    %add3A_407 = vector.broadcast %add3A_406 : i32 to vector<16xi32>
    %add3A_408 = arith.addi %mul3A_378, %add3A_407 : vector<16xi32>
    %gather3A_409 = tpu.vector_load_idx %arg13[%add3A_408] : memref<2048xf32, #tpu.memory_space<vmem>>[vector<16xi32>], vector<16xf32>,
    %add3A_410 = arith.addf %add3A_400, %gather3A_409 : vector<16xf32>
    %add3A_411 = arith.constant 3 : i32
    %add3A_412 = vector.broadcast %add3A_411 : i32 to vector<16xi32>
    %add3A_413 = arith.addi %mul3A_378, %add3A_412 : vector<16xi32>
    %gather3A_414 = tpu.vector_load_idx %arg12[%add3A_413] : memref<2048xf32, #tpu.memory_space<vmem>>[vector<16xi32>], vector<16xf32>,
    %max3A_415 = arith.maximumf %max3A_405, %gather3A_414 : vector<16xf32>
    %add3A_416 = arith.constant 3 : i32
    %add3A_417 = vector.broadcast %add3A_416 : i32 to vector<16xi32>
    %add3A_418 = arith.addi %mul3A_378, %add3A_417 : vector<16xi32>
    %gather3A_419 = tpu.vector_load_idx %arg13[%add3A_418] : memref<2048xf32, #tpu.memory_space<vmem>>[vector<16xi32>], vector<16xf32>,
    %add3A_420 = arith.addf %add3A_410, %gather3A_419 : vector<16xf32>
    %add3A_421 = arith.constant 4 : i32
    %add3A_422 = vector.broadcast %add3A_421 : i32 to vector<16xi32>
    %add3A_423 = arith.addi %mul3A_378, %add3A_422 : vector<16xi32>
    %gather3A_424 = tpu.vector_load_idx %arg12[%add3A_423] : memref<2048xf32, #tpu.memory_space<vmem>>[vector<16xi32>], vector<16xf32>,
    %max3A_425 = arith.maximumf %max3A_415, %gather3A_424 : vector<16xf32>
    %add3A_426 = arith.constant 4 : i32
    %add3A_427 = vector.broadcast %add3A_426 : i32 to vector<16xi32>
    %add3A_428 = arith.addi %mul3A_378, %add3A_427 : vector<16xi32>
    %gather3A_429 = tpu.vector_load_idx %arg13[%add3A_428] : memref<2048xf32, #tpu.memory_space<vmem>>[vector<16xi32>], vector<16xf32>,
    %add3A_430 = arith.addf %add3A_420, %gather3A_429 : vector<16xf32>
    %add3A_431 = arith.constant 5 : i32
    %add3A_432 = vector.broadcast %add3A_431 : i32 to vector<16xi32>
    %add3A_433 = arith.addi %mul3A_378, %add3A_432 : vector<16xi32>
    %gather3A_434 = tpu.vector_load_idx %arg12[%add3A_433] : memref<2048xf32, #tpu.memory_space<vmem>>[vector<16xi32>], vector<16xf32>,
    %max3A_435 = arith.maximumf %max3A_425, %gather3A_434 : vector<16xf32>
    %add3A_436 = arith.constant 5 : i32
    %add3A_437 = vector.broadcast %add3A_436 : i32 to vector<16xi32>
    %add3A_438 = arith.addi %mul3A_378, %add3A_437 : vector<16xi32>
    %gather3A_439 = tpu.vector_load_idx %arg13[%add3A_438] : memref<2048xf32, #tpu.memory_space<vmem>>[vector<16xi32>], vector<16xf32>,
    %add3A_440 = arith.addf %add3A_430, %gather3A_439 : vector<16xf32>
    %add3A_441 = arith.constant 6 : i32
    %add3A_442 = vector.broadcast %add3A_441 : i32 to vector<16xi32>
    %add3A_443 = arith.addi %mul3A_378, %add3A_442 : vector<16xi32>
    %gather3A_444 = tpu.vector_load_idx %arg12[%add3A_443] : memref<2048xf32, #tpu.memory_space<vmem>>[vector<16xi32>], vector<16xf32>,
    %max3A_445 = arith.maximumf %max3A_435, %gather3A_444 : vector<16xf32>
    %add3A_446 = arith.constant 6 : i32
    %add3A_447 = vector.broadcast %add3A_446 : i32 to vector<16xi32>
    %add3A_448 = arith.addi %mul3A_378, %add3A_447 : vector<16xi32>
    %gather3A_449 = tpu.vector_load_idx %arg13[%add3A_448] : memref<2048xf32, #tpu.memory_space<vmem>>[vector<16xi32>], vector<16xf32>,
    %add3A_450 = arith.addf %add3A_440, %gather3A_449 : vector<16xf32>
    %add3A_451 = arith.constant 7 : i32
    %add3A_452 = vector.broadcast %add3A_451 : i32 to vector<16xi32>
    %add3A_453 = arith.addi %mul3A_378, %add3A_452 : vector<16xi32>
    %gather3A_454 = tpu.vector_load_idx %arg12[%add3A_453] : memref<2048xf32, #tpu.memory_space<vmem>>[vector<16xi32>], vector<16xf32>,
    %max3A_455 = arith.maximumf %max3A_445, %gather3A_454 : vector<16xf32>
    %add3A_456 = arith.constant 7 : i32
    %add3A_457 = vector.broadcast %add3A_456 : i32 to vector<16xi32>
    %add3A_458 = arith.addi %mul3A_378, %add3A_457 : vector<16xi32>
    %gather3A_459 = tpu.vector_load_idx %arg13[%add3A_458] : memref<2048xf32, #tpu.memory_space<vmem>>[vector<16xi32>], vector<16xf32>,
    %add3A_460 = arith.addf %add3A_450, %gather3A_459 : vector<16xf32>
    %add3A_461 = arith.constant 8 : i32
    %add3A_462 = vector.broadcast %add3A_461 : i32 to vector<16xi32>
    %add3A_463 = arith.addi %mul3A_378, %add3A_462 : vector<16xi32>
    %gather3A_464 = tpu.vector_load_idx %arg12[%add3A_463] : memref<2048xf32, #tpu.memory_space<vmem>>[vector<16xi32>], vector<16xf32>,
    %max3A_465 = arith.maximumf %max3A_455, %gather3A_464 : vector<16xf32>
    %add3A_466 = arith.constant 8 : i32
    %add3A_467 = vector.broadcast %add3A_466 : i32 to vector<16xi32>
    %add3A_468 = arith.addi %mul3A_378, %add3A_467 : vector<16xi32>
    %gather3A_469 = tpu.vector_load_idx %arg13[%add3A_468] : memref<2048xf32, #tpu.memory_space<vmem>>[vector<16xi32>], vector<16xf32>,
    %add3A_470 = arith.addf %add3A_460, %gather3A_469 : vector<16xf32>
    %add3A_471 = arith.constant 9 : i32
    %add3A_472 = vector.broadcast %add3A_471 : i32 to vector<16xi32>
    %add3A_473 = arith.addi %mul3A_378, %add3A_472 : vector<16xi32>
    %gather3A_474 = tpu.vector_load_idx %arg12[%add3A_473] : memref<2048xf32, #tpu.memory_space<vmem>>[vector<16xi32>], vector<16xf32>,
    %max3A_475 = arith.maximumf %max3A_465, %gather3A_474 : vector<16xf32>
    %add3A_476 = arith.constant 9 : i32
    %add3A_477 = vector.broadcast %add3A_476 : i32 to vector<16xi32>
    %add3A_478 = arith.addi %mul3A_378, %add3A_477 : vector<16xi32>
    %gather3A_479 = tpu.vector_load_idx %arg13[%add3A_478] : memref<2048xf32, #tpu.memory_space<vmem>>[vector<16xi32>], vector<16xf32>,
    %add3A_480 = arith.addf %add3A_470, %gather3A_479 : vector<16xf32>
    %add3A_481 = arith.constant 10 : i32
    %add3A_482 = vector.broadcast %add3A_481 : i32 to vector<16xi32>
    %add3A_483 = arith.addi %mul3A_378, %add3A_482 : vector<16xi32>
    %gather3A_484 = tpu.vector_load_idx %arg12[%add3A_483] : memref<2048xf32, #tpu.memory_space<vmem>>[vector<16xi32>], vector<16xf32>,
    %max3A_485 = arith.maximumf %max3A_475, %gather3A_484 : vector<16xf32>
    %add3A_486 = arith.constant 10 : i32
    %add3A_487 = vector.broadcast %add3A_486 : i32 to vector<16xi32>
    %add3A_488 = arith.addi %mul3A_378, %add3A_487 : vector<16xi32>
    %gather3A_489 = tpu.vector_load_idx %arg13[%add3A_488] : memref<2048xf32, #tpu.memory_space<vmem>>[vector<16xi32>], vector<16xf32>,
    %add3A_490 = arith.addf %add3A_480, %gather3A_489 : vector<16xf32>
    %add3A_491 = arith.constant 11 : i32
    %add3A_492 = vector.broadcast %add3A_491 : i32 to vector<16xi32>
    %add3A_493 = arith.addi %mul3A_378, %add3A_492 : vector<16xi32>
    %gather3A_494 = tpu.vector_load_idx %arg12[%add3A_493] : memref<2048xf32, #tpu.memory_space<vmem>>[vector<16xi32>], vector<16xf32>,
    %max3A_495 = arith.maximumf %max3A_485, %gather3A_494 : vector<16xf32>
    %add3A_496 = arith.constant 11 : i32
    %add3A_497 = vector.broadcast %add3A_496 : i32 to vector<16xi32>
    %add3A_498 = arith.addi %mul3A_378, %add3A_497 : vector<16xi32>
    %gather3A_499 = tpu.vector_load_idx %arg13[%add3A_498] : memref<2048xf32, #tpu.memory_space<vmem>>[vector<16xi32>], vector<16xf32>,
    %add3A_500 = arith.addf %add3A_490, %gather3A_499 : vector<16xf32>
    %add3A_501 = arith.constant 12 : i32
    %add3A_502 = vector.broadcast %add3A_501 : i32 to vector<16xi32>
    %add3A_503 = arith.addi %mul3A_378, %add3A_502 : vector<16xi32>
    %gather3A_504 = tpu.vector_load_idx %arg12[%add3A_503] : memref<2048xf32, #tpu.memory_space<vmem>>[vector<16xi32>], vector<16xf32>,
    %max3A_505 = arith.maximumf %max3A_495, %gather3A_504 : vector<16xf32>
    %add3A_506 = arith.constant 12 : i32
    %add3A_507 = vector.broadcast %add3A_506 : i32 to vector<16xi32>
    %add3A_508 = arith.addi %mul3A_378, %add3A_507 : vector<16xi32>
    %gather3A_509 = tpu.vector_load_idx %arg13[%add3A_508] : memref<2048xf32, #tpu.memory_space<vmem>>[vector<16xi32>], vector<16xf32>,
    %add3A_510 = arith.addf %add3A_500, %gather3A_509 : vector<16xf32>
    %add3A_511 = arith.constant 13 : i32
    %add3A_512 = vector.broadcast %add3A_511 : i32 to vector<16xi32>
    %add3A_513 = arith.addi %mul3A_378, %add3A_512 : vector<16xi32>
    %gather3A_514 = tpu.vector_load_idx %arg12[%add3A_513] : memref<2048xf32, #tpu.memory_space<vmem>>[vector<16xi32>], vector<16xf32>,
    %max3A_515 = arith.maximumf %max3A_505, %gather3A_514 : vector<16xf32>
    %add3A_516 = arith.constant 13 : i32
    %add3A_517 = vector.broadcast %add3A_516 : i32 to vector<16xi32>
    %add3A_518 = arith.addi %mul3A_378, %add3A_517 : vector<16xi32>
    %gather3A_519 = tpu.vector_load_idx %arg13[%add3A_518] : memref<2048xf32, #tpu.memory_space<vmem>>[vector<16xi32>], vector<16xf32>,
    %add3A_520 = arith.addf %add3A_510, %gather3A_519 : vector<16xf32>
    %add3A_521 = arith.constant 14 : i32
    %add3A_522 = vector.broadcast %add3A_521 : i32 to vector<16xi32>
    %add3A_523 = arith.addi %mul3A_378, %add3A_522 : vector<16xi32>
    %gather3A_524 = tpu.vector_load_idx %arg12[%add3A_523] : memref<2048xf32, #tpu.memory_space<vmem>>[vector<16xi32>], vector<16xf32>,
    %max3A_525 = arith.maximumf %max3A_515, %gather3A_524 : vector<16xf32>
    %add3A_526 = arith.constant 14 : i32
    %add3A_527 = vector.broadcast %add3A_526 : i32 to vector<16xi32>
    %add3A_528 = arith.addi %mul3A_378, %add3A_527 : vector<16xi32>
    %gather3A_529 = tpu.vector_load_idx %arg13[%add3A_528] : memref<2048xf32, #tpu.memory_space<vmem>>[vector<16xi32>], vector<16xf32>,
    %add3A_530 = arith.addf %add3A_520, %gather3A_529 : vector<16xf32>
    %add3A_531 = arith.constant 15 : i32
    %add3A_532 = vector.broadcast %add3A_531 : i32 to vector<16xi32>
    %add3A_533 = arith.addi %mul3A_378, %add3A_532 : vector<16xi32>
    %gather3A_534 = tpu.vector_load_idx %arg12[%add3A_533] : memref<2048xf32, #tpu.memory_space<vmem>>[vector<16xi32>], vector<16xf32>,
    %max3A_535 = arith.maximumf %max3A_525, %gather3A_534 : vector<16xf32>
    %add3A_536 = arith.constant 15 : i32
    %add3A_537 = vector.broadcast %add3A_536 : i32 to vector<16xi32>
    %add3A_538 = arith.addi %mul3A_378, %add3A_537 : vector<16xi32>
    %gather3A_539 = tpu.vector_load_idx %arg13[%add3A_538] : memref<2048xf32, #tpu.memory_space<vmem>>[vector<16xi32>], vector<16xf32>,
    %add3A_540 = arith.addf %add3A_530, %gather3A_539 : vector<16xf32>
    %swap3A_541 = arith.constant 32 : index
    %swap3A_542 = tpu.vector_load %arg15[%swap3A_541] {strides = array<i32>} : memref<128xf32, #tpu.memory_space<vmem>>, vector<16xf32>,
    tpu.vector_store %arg15[%swap3A_541], %max3A_535 {strides = array<i32>} : memref<128xf32, #tpu.memory_space<vmem>>, vector<16xf32>,
    %swap3A_543 = arith.constant 32 : index
    %swap3A_544 = tpu.vector_load %arg16[%swap3A_543] {strides = array<i32>} : memref<128xf32, #tpu.memory_space<vmem>>, vector<16xf32>,
    tpu.vector_store %arg16[%swap3A_543], %add3A_540 {strides = array<i32>} : memref<128xf32, #tpu.memory_space<vmem>>, vector<16xf32>,
    %add3A_545 = arith.constant 48 : i32
    %add3A_546 = vector.broadcast %add3A_545 : i32 to vector<16xi32>
    %add3A_547 = arith.addi %add3A_546, %iota3A : vector<16xi32>
    %mul3A_548 = arith.constant 16 : i32
    %mul3A_549 = vector.broadcast %mul3A_548 : i32 to vector<16xi32>
    %mul3A_550 = arith.muli %add3A_547, %mul3A_549 : vector<16xi32>
    %broadcast_in_dim3A_551 = arith.constant 0.000000e+00 : f32
    %broadcast_in_dim3A_552 = vector.broadcast %broadcast_in_dim3A_551 : f32 to vector<16xf32>
    %add3A_553 = arith.constant 0 : i32
    %add3A_554 = vector.broadcast %add3A_553 : i32 to vector<16xi32>
    %add3A_555 = arith.addi %mul3A_550, %add3A_554 : vector<16xi32>
    %gather3A_556 = tpu.vector_load_idx %arg12[%add3A_555] : memref<2048xf32, #tpu.memory_space<vmem>>[vector<16xi32>], vector<16xf32>,
    %max3A_557 = arith.maximumf %broadcast_in_dim3A_3, %gather3A_556 : vector<16xf32>
    %add3A_558 = arith.constant 0 : i32
    %add3A_559 = vector.broadcast %add3A_558 : i32 to vector<16xi32>
    %add3A_560 = arith.addi %mul3A_550, %add3A_559 : vector<16xi32>
    %gather3A_561 = tpu.vector_load_idx %arg13[%add3A_560] : memref<2048xf32, #tpu.memory_space<vmem>>[vector<16xi32>], vector<16xf32>,
    %add3A_562 = arith.addf %broadcast_in_dim3A_552, %gather3A_561 : vector<16xf32>
    %add3A_563 = arith.constant 1 : i32
    %add3A_564 = vector.broadcast %add3A_563 : i32 to vector<16xi32>
    %add3A_565 = arith.addi %mul3A_550, %add3A_564 : vector<16xi32>
    %gather3A_566 = tpu.vector_load_idx %arg12[%add3A_565] : memref<2048xf32, #tpu.memory_space<vmem>>[vector<16xi32>], vector<16xf32>,
    %max3A_567 = arith.maximumf %max3A_557, %gather3A_566 : vector<16xf32>
    %add3A_568 = arith.constant 1 : i32
    %add3A_569 = vector.broadcast %add3A_568 : i32 to vector<16xi32>
    %add3A_570 = arith.addi %mul3A_550, %add3A_569 : vector<16xi32>
    %gather3A_571 = tpu.vector_load_idx %arg13[%add3A_570] : memref<2048xf32, #tpu.memory_space<vmem>>[vector<16xi32>], vector<16xf32>,
    %add3A_572 = arith.addf %add3A_562, %gather3A_571 : vector<16xf32>
    %add3A_573 = arith.constant 2 : i32
    %add3A_574 = vector.broadcast %add3A_573 : i32 to vector<16xi32>
    %add3A_575 = arith.addi %mul3A_550, %add3A_574 : vector<16xi32>
    %gather3A_576 = tpu.vector_load_idx %arg12[%add3A_575] : memref<2048xf32, #tpu.memory_space<vmem>>[vector<16xi32>], vector<16xf32>,
    %max3A_577 = arith.maximumf %max3A_567, %gather3A_576 : vector<16xf32>
    %add3A_578 = arith.constant 2 : i32
    %add3A_579 = vector.broadcast %add3A_578 : i32 to vector<16xi32>
    %add3A_580 = arith.addi %mul3A_550, %add3A_579 : vector<16xi32>
    %gather3A_581 = tpu.vector_load_idx %arg13[%add3A_580] : memref<2048xf32, #tpu.memory_space<vmem>>[vector<16xi32>], vector<16xf32>,
    %add3A_582 = arith.addf %add3A_572, %gather3A_581 : vector<16xf32>
    %add3A_583 = arith.constant 3 : i32
    %add3A_584 = vector.broadcast %add3A_583 : i32 to vector<16xi32>
    %add3A_585 = arith.addi %mul3A_550, %add3A_584 : vector<16xi32>
    %gather3A_586 = tpu.vector_load_idx %arg12[%add3A_585] : memref<2048xf32, #tpu.memory_space<vmem>>[vector<16xi32>], vector<16xf32>,
    %max3A_587 = arith.maximumf %max3A_577, %gather3A_586 : vector<16xf32>
    %add3A_588 = arith.constant 3 : i32
    %add3A_589 = vector.broadcast %add3A_588 : i32 to vector<16xi32>
    %add3A_590 = arith.addi %mul3A_550, %add3A_589 : vector<16xi32>
    %gather3A_591 = tpu.vector_load_idx %arg13[%add3A_590] : memref<2048xf32, #tpu.memory_space<vmem>>[vector<16xi32>], vector<16xf32>,
    %add3A_592 = arith.addf %add3A_582, %gather3A_591 : vector<16xf32>
    %add3A_593 = arith.constant 4 : i32
    %add3A_594 = vector.broadcast %add3A_593 : i32 to vector<16xi32>
    %add3A_595 = arith.addi %mul3A_550, %add3A_594 : vector<16xi32>
    %gather3A_596 = tpu.vector_load_idx %arg12[%add3A_595] : memref<2048xf32, #tpu.memory_space<vmem>>[vector<16xi32>], vector<16xf32>,
    %max3A_597 = arith.maximumf %max3A_587, %gather3A_596 : vector<16xf32>
    %add3A_598 = arith.constant 4 : i32
    %add3A_599 = vector.broadcast %add3A_598 : i32 to vector<16xi32>
    %add3A_600 = arith.addi %mul3A_550, %add3A_599 : vector<16xi32>
    %gather3A_601 = tpu.vector_load_idx %arg13[%add3A_600] : memref<2048xf32, #tpu.memory_space<vmem>>[vector<16xi32>], vector<16xf32>,
    %add3A_602 = arith.addf %add3A_592, %gather3A_601 : vector<16xf32>
    %add3A_603 = arith.constant 5 : i32
    %add3A_604 = vector.broadcast %add3A_603 : i32 to vector<16xi32>
    %add3A_605 = arith.addi %mul3A_550, %add3A_604 : vector<16xi32>
    %gather3A_606 = tpu.vector_load_idx %arg12[%add3A_605] : memref<2048xf32, #tpu.memory_space<vmem>>[vector<16xi32>], vector<16xf32>,
    %max3A_607 = arith.maximumf %max3A_597, %gather3A_606 : vector<16xf32>
    %add3A_608 = arith.constant 5 : i32
    %add3A_609 = vector.broadcast %add3A_608 : i32 to vector<16xi32>
    %add3A_610 = arith.addi %mul3A_550, %add3A_609 : vector<16xi32>
    %gather3A_611 = tpu.vector_load_idx %arg13[%add3A_610] : memref<2048xf32, #tpu.memory_space<vmem>>[vector<16xi32>], vector<16xf32>,
    %add3A_612 = arith.addf %add3A_602, %gather3A_611 : vector<16xf32>
    %add3A_613 = arith.constant 6 : i32
    %add3A_614 = vector.broadcast %add3A_613 : i32 to vector<16xi32>
    %add3A_615 = arith.addi %mul3A_550, %add3A_614 : vector<16xi32>
    %gather3A_616 = tpu.vector_load_idx %arg12[%add3A_615] : memref<2048xf32, #tpu.memory_space<vmem>>[vector<16xi32>], vector<16xf32>,
    %max3A_617 = arith.maximumf %max3A_607, %gather3A_616 : vector<16xf32>
    %add3A_618 = arith.constant 6 : i32
    %add3A_619 = vector.broadcast %add3A_618 : i32 to vector<16xi32>
    %add3A_620 = arith.addi %mul3A_550, %add3A_619 : vector<16xi32>
    %gather3A_621 = tpu.vector_load_idx %arg13[%add3A_620] : memref<2048xf32, #tpu.memory_space<vmem>>[vector<16xi32>], vector<16xf32>,
    %add3A_622 = arith.addf %add3A_612, %gather3A_621 : vector<16xf32>
    %add3A_623 = arith.constant 7 : i32
    %add3A_624 = vector.broadcast %add3A_623 : i32 to vector<16xi32>
    %add3A_625 = arith.addi %mul3A_550, %add3A_624 : vector<16xi32>
    %gather3A_626 = tpu.vector_load_idx %arg12[%add3A_625] : memref<2048xf32, #tpu.memory_space<vmem>>[vector<16xi32>], vector<16xf32>,
    %max3A_627 = arith.maximumf %max3A_617, %gather3A_626 : vector<16xf32>
    %add3A_628 = arith.constant 7 : i32
    %add3A_629 = vector.broadcast %add3A_628 : i32 to vector<16xi32>
    %add3A_630 = arith.addi %mul3A_550, %add3A_629 : vector<16xi32>
    %gather3A_631 = tpu.vector_load_idx %arg13[%add3A_630] : memref<2048xf32, #tpu.memory_space<vmem>>[vector<16xi32>], vector<16xf32>,
    %add3A_632 = arith.addf %add3A_622, %gather3A_631 : vector<16xf32>
    %add3A_633 = arith.constant 8 : i32
    %add3A_634 = vector.broadcast %add3A_633 : i32 to vector<16xi32>
    %add3A_635 = arith.addi %mul3A_550, %add3A_634 : vector<16xi32>
    %gather3A_636 = tpu.vector_load_idx %arg12[%add3A_635] : memref<2048xf32, #tpu.memory_space<vmem>>[vector<16xi32>], vector<16xf32>,
    %max3A_637 = arith.maximumf %max3A_627, %gather3A_636 : vector<16xf32>
    %add3A_638 = arith.constant 8 : i32
    %add3A_639 = vector.broadcast %add3A_638 : i32 to vector<16xi32>
    %add3A_640 = arith.addi %mul3A_550, %add3A_639 : vector<16xi32>
    %gather3A_641 = tpu.vector_load_idx %arg13[%add3A_640] : memref<2048xf32, #tpu.memory_space<vmem>>[vector<16xi32>], vector<16xf32>,
    %add3A_642 = arith.addf %add3A_632, %gather3A_641 : vector<16xf32>
    %add3A_643 = arith.constant 9 : i32
    %add3A_644 = vector.broadcast %add3A_643 : i32 to vector<16xi32>
    %add3A_645 = arith.addi %mul3A_550, %add3A_644 : vector<16xi32>
    %gather3A_646 = tpu.vector_load_idx %arg12[%add3A_645] : memref<2048xf32, #tpu.memory_space<vmem>>[vector<16xi32>], vector<16xf32>,
    %max3A_647 = arith.maximumf %max3A_637, %gather3A_646 : vector<16xf32>
    %add3A_648 = arith.constant 9 : i32
    %add3A_649 = vector.broadcast %add3A_648 : i32 to vector<16xi32>
    %add3A_650 = arith.addi %mul3A_550, %add3A_649 : vector<16xi32>
    %gather3A_651 = tpu.vector_load_idx %arg13[%add3A_650] : memref<2048xf32, #tpu.memory_space<vmem>>[vector<16xi32>], vector<16xf32>,
    %add3A_652 = arith.addf %add3A_642, %gather3A_651 : vector<16xf32>
    %add3A_653 = arith.constant 10 : i32
    %add3A_654 = vector.broadcast %add3A_653 : i32 to vector<16xi32>
    %add3A_655 = arith.addi %mul3A_550, %add3A_654 : vector<16xi32>
    %gather3A_656 = tpu.vector_load_idx %arg12[%add3A_655] : memref<2048xf32, #tpu.memory_space<vmem>>[vector<16xi32>], vector<16xf32>,
    %max3A_657 = arith.maximumf %max3A_647, %gather3A_656 : vector<16xf32>
    %add3A_658 = arith.constant 10 : i32
    %add3A_659 = vector.broadcast %add3A_658 : i32 to vector<16xi32>
    %add3A_660 = arith.addi %mul3A_550, %add3A_659 : vector<16xi32>
    %gather3A_661 = tpu.vector_load_idx %arg13[%add3A_660] : memref<2048xf32, #tpu.memory_space<vmem>>[vector<16xi32>], vector<16xf32>,
    %add3A_662 = arith.addf %add3A_652, %gather3A_661 : vector<16xf32>
    %add3A_663 = arith.constant 11 : i32
    %add3A_664 = vector.broadcast %add3A_663 : i32 to vector<16xi32>
    %add3A_665 = arith.addi %mul3A_550, %add3A_664 : vector<16xi32>
    %gather3A_666 = tpu.vector_load_idx %arg12[%add3A_665] : memref<2048xf32, #tpu.memory_space<vmem>>[vector<16xi32>], vector<16xf32>,
    %max3A_667 = arith.maximumf %max3A_657, %gather3A_666 : vector<16xf32>
    %add3A_668 = arith.constant 11 : i32
    %add3A_669 = vector.broadcast %add3A_668 : i32 to vector<16xi32>
    %add3A_670 = arith.addi %mul3A_550, %add3A_669 : vector<16xi32>
    %gather3A_671 = tpu.vector_load_idx %arg13[%add3A_670] : memref<2048xf32, #tpu.memory_space<vmem>>[vector<16xi32>], vector<16xf32>,
    %add3A_672 = arith.addf %add3A_662, %gather3A_671 : vector<16xf32>
    %add3A_673 = arith.constant 12 : i32
    %add3A_674 = vector.broadcast %add3A_673 : i32 to vector<16xi32>
    %add3A_675 = arith.addi %mul3A_550, %add3A_674 : vector<16xi32>
    %gather3A_676 = tpu.vector_load_idx %arg12[%add3A_675] : memref<2048xf32, #tpu.memory_space<vmem>>[vector<16xi32>], vector<16xf32>,
    %max3A_677 = arith.maximumf %max3A_667, %gather3A_676 : vector<16xf32>
    %add3A_678 = arith.constant 12 : i32
    %add3A_679 = vector.broadcast %add3A_678 : i32 to vector<16xi32>
    %add3A_680 = arith.addi %mul3A_550, %add3A_679 : vector<16xi32>
    %gather3A_681 = tpu.vector_load_idx %arg13[%add3A_680] : memref<2048xf32, #tpu.memory_space<vmem>>[vector<16xi32>], vector<16xf32>,
    %add3A_682 = arith.addf %add3A_672, %gather3A_681 : vector<16xf32>
    %add3A_683 = arith.constant 13 : i32
    %add3A_684 = vector.broadcast %add3A_683 : i32 to vector<16xi32>
    %add3A_685 = arith.addi %mul3A_550, %add3A_684 : vector<16xi32>
    %gather3A_686 = tpu.vector_load_idx %arg12[%add3A_685] : memref<2048xf32, #tpu.memory_space<vmem>>[vector<16xi32>], vector<16xf32>,
    %max3A_687 = arith.maximumf %max3A_677, %gather3A_686 : vector<16xf32>
    %add3A_688 = arith.constant 13 : i32
    %add3A_689 = vector.broadcast %add3A_688 : i32 to vector<16xi32>
    %add3A_690 = arith.addi %mul3A_550, %add3A_689 : vector<16xi32>
    %gather3A_691 = tpu.vector_load_idx %arg13[%add3A_690] : memref<2048xf32, #tpu.memory_space<vmem>>[vector<16xi32>], vector<16xf32>,
    %add3A_692 = arith.addf %add3A_682, %gather3A_691 : vector<16xf32>
    %add3A_693 = arith.constant 14 : i32
    %add3A_694 = vector.broadcast %add3A_693 : i32 to vector<16xi32>
    %add3A_695 = arith.addi %mul3A_550, %add3A_694 : vector<16xi32>
    %gather3A_696 = tpu.vector_load_idx %arg12[%add3A_695] : memref<2048xf32, #tpu.memory_space<vmem>>[vector<16xi32>], vector<16xf32>,
    %max3A_697 = arith.maximumf %max3A_687, %gather3A_696 : vector<16xf32>
    %add3A_698 = arith.constant 14 : i32
    %add3A_699 = vector.broadcast %add3A_698 : i32 to vector<16xi32>
    %add3A_700 = arith.addi %mul3A_550, %add3A_699 : vector<16xi32>
    %gather3A_701 = tpu.vector_load_idx %arg13[%add3A_700] : memref<2048xf32, #tpu.memory_space<vmem>>[vector<16xi32>], vector<16xf32>,
    %add3A_702 = arith.addf %add3A_692, %gather3A_701 : vector<16xf32>
    %add3A_703 = arith.constant 15 : i32
    %add3A_704 = vector.broadcast %add3A_703 : i32 to vector<16xi32>
    %add3A_705 = arith.addi %mul3A_550, %add3A_704 : vector<16xi32>
    %gather3A_706 = tpu.vector_load_idx %arg12[%add3A_705] : memref<2048xf32, #tpu.memory_space<vmem>>[vector<16xi32>], vector<16xf32>,
    %max3A_707 = arith.maximumf %max3A_697, %gather3A_706 : vector<16xf32>
    %add3A_708 = arith.constant 15 : i32
    %add3A_709 = vector.broadcast %add3A_708 : i32 to vector<16xi32>
    %add3A_710 = arith.addi %mul3A_550, %add3A_709 : vector<16xi32>
    %gather3A_711 = tpu.vector_load_idx %arg13[%add3A_710] : memref<2048xf32, #tpu.memory_space<vmem>>[vector<16xi32>], vector<16xf32>,
    %add3A_712 = arith.addf %add3A_702, %gather3A_711 : vector<16xf32>
    %swap3A_713 = arith.constant 48 : index
    %swap3A_714 = tpu.vector_load %arg15[%swap3A_713] {strides = array<i32>} : memref<128xf32, #tpu.memory_space<vmem>>, vector<16xf32>,
    tpu.vector_store %arg15[%swap3A_713], %max3A_707 {strides = array<i32>} : memref<128xf32, #tpu.memory_space<vmem>>, vector<16xf32>,
    %swap3A_715 = arith.constant 48 : index
    %swap3A_716 = tpu.vector_load %arg16[%swap3A_715] {strides = array<i32>} : memref<128xf32, #tpu.memory_space<vmem>>, vector<16xf32>,
    tpu.vector_store %arg16[%swap3A_715], %add3A_712 {strides = array<i32>} : memref<128xf32, #tpu.memory_space<vmem>>, vector<16xf32>,
    %add3A_717 = arith.constant 64 : i32
    %add3A_718 = vector.broadcast %add3A_717 : i32 to vector<16xi32>
    %add3A_719 = arith.addi %add3A_718, %iota3A : vector<16xi32>
    %mul3A_720 = arith.constant 16 : i32
    %mul3A_721 = vector.broadcast %mul3A_720 : i32 to vector<16xi32>
    %mul3A_722 = arith.muli %add3A_719, %mul3A_721 : vector<16xi32>
    %broadcast_in_dim3A_723 = arith.constant 0.000000e+00 : f32
    %broadcast_in_dim3A_724 = vector.broadcast %broadcast_in_dim3A_723 : f32 to vector<16xf32>
    %add3A_725 = arith.constant 0 : i32
    %add3A_726 = vector.broadcast %add3A_725 : i32 to vector<16xi32>
    %add3A_727 = arith.addi %mul3A_722, %add3A_726 : vector<16xi32>
    %gather3A_728 = tpu.vector_load_idx %arg12[%add3A_727] : memref<2048xf32, #tpu.memory_space<vmem>>[vector<16xi32>], vector<16xf32>,
    %max3A_729 = arith.maximumf %broadcast_in_dim3A_3, %gather3A_728 : vector<16xf32>
    %add3A_730 = arith.constant 0 : i32
    %add3A_731 = vector.broadcast %add3A_730 : i32 to vector<16xi32>
    %add3A_732 = arith.addi %mul3A_722, %add3A_731 : vector<16xi32>
    %gather3A_733 = tpu.vector_load_idx %arg13[%add3A_732] : memref<2048xf32, #tpu.memory_space<vmem>>[vector<16xi32>], vector<16xf32>,
    %add3A_734 = arith.addf %broadcast_in_dim3A_724, %gather3A_733 : vector<16xf32>
    %add3A_735 = arith.constant 1 : i32
    %add3A_736 = vector.broadcast %add3A_735 : i32 to vector<16xi32>
    %add3A_737 = arith.addi %mul3A_722, %add3A_736 : vector<16xi32>
    %gather3A_738 = tpu.vector_load_idx %arg12[%add3A_737] : memref<2048xf32, #tpu.memory_space<vmem>>[vector<16xi32>], vector<16xf32>,
    %max3A_739 = arith.maximumf %max3A_729, %gather3A_738 : vector<16xf32>
    %add3A_740 = arith.constant 1 : i32
    %add3A_741 = vector.broadcast %add3A_740 : i32 to vector<16xi32>
    %add3A_742 = arith.addi %mul3A_722, %add3A_741 : vector<16xi32>
    %gather3A_743 = tpu.vector_load_idx %arg13[%add3A_742] : memref<2048xf32, #tpu.memory_space<vmem>>[vector<16xi32>], vector<16xf32>,
    %add3A_744 = arith.addf %add3A_734, %gather3A_743 : vector<16xf32>
    %add3A_745 = arith.constant 2 : i32
    %add3A_746 = vector.broadcast %add3A_745 : i32 to vector<16xi32>
    %add3A_747 = arith.addi %mul3A_722, %add3A_746 : vector<16xi32>
    %gather3A_748 = tpu.vector_load_idx %arg12[%add3A_747] : memref<2048xf32, #tpu.memory_space<vmem>>[vector<16xi32>], vector<16xf32>,
    %max3A_749 = arith.maximumf %max3A_739, %gather3A_748 : vector<16xf32>
    %add3A_750 = arith.constant 2 : i32
    %add3A_751 = vector.broadcast %add3A_750 : i32 to vector<16xi32>
    %add3A_752 = arith.addi %mul3A_722, %add3A_751 : vector<16xi32>
    %gather3A_753 = tpu.vector_load_idx %arg13[%add3A_752] : memref<2048xf32, #tpu.memory_space<vmem>>[vector<16xi32>], vector<16xf32>,
    %add3A_754 = arith.addf %add3A_744, %gather3A_753 : vector<16xf32>
    %add3A_755 = arith.constant 3 : i32
    %add3A_756 = vector.broadcast %add3A_755 : i32 to vector<16xi32>
    %add3A_757 = arith.addi %mul3A_722, %add3A_756 : vector<16xi32>
    %gather3A_758 = tpu.vector_load_idx %arg12[%add3A_757] : memref<2048xf32, #tpu.memory_space<vmem>>[vector<16xi32>], vector<16xf32>,
    %max3A_759 = arith.maximumf %max3A_749, %gather3A_758 : vector<16xf32>
    %add3A_760 = arith.constant 3 : i32
    %add3A_761 = vector.broadcast %add3A_760 : i32 to vector<16xi32>
    %add3A_762 = arith.addi %mul3A_722, %add3A_761 : vector<16xi32>
    %gather3A_763 = tpu.vector_load_idx %arg13[%add3A_762] : memref<2048xf32, #tpu.memory_space<vmem>>[vector<16xi32>], vector<16xf32>,
    %add3A_764 = arith.addf %add3A_754, %gather3A_763 : vector<16xf32>
    %add3A_765 = arith.constant 4 : i32
    %add3A_766 = vector.broadcast %add3A_765 : i32 to vector<16xi32>
    %add3A_767 = arith.addi %mul3A_722, %add3A_766 : vector<16xi32>
    %gather3A_768 = tpu.vector_load_idx %arg12[%add3A_767] : memref<2048xf32, #tpu.memory_space<vmem>>[vector<16xi32>], vector<16xf32>,
    %max3A_769 = arith.maximumf %max3A_759, %gather3A_768 : vector<16xf32>
    %add3A_770 = arith.constant 4 : i32
    %add3A_771 = vector.broadcast %add3A_770 : i32 to vector<16xi32>
    %add3A_772 = arith.addi %mul3A_722, %add3A_771 : vector<16xi32>
    %gather3A_773 = tpu.vector_load_idx %arg13[%add3A_772] : memref<2048xf32, #tpu.memory_space<vmem>>[vector<16xi32>], vector<16xf32>,
    %add3A_774 = arith.addf %add3A_764, %gather3A_773 : vector<16xf32>
    %add3A_775 = arith.constant 5 : i32
    %add3A_776 = vector.broadcast %add3A_775 : i32 to vector<16xi32>
    %add3A_777 = arith.addi %mul3A_722, %add3A_776 : vector<16xi32>
    %gather3A_778 = tpu.vector_load_idx %arg12[%add3A_777] : memref<2048xf32, #tpu.memory_space<vmem>>[vector<16xi32>], vector<16xf32>,
    %max3A_779 = arith.maximumf %max3A_769, %gather3A_778 : vector<16xf32>
    %add3A_780 = arith.constant 5 : i32
    %add3A_781 = vector.broadcast %add3A_780 : i32 to vector<16xi32>
    %add3A_782 = arith.addi %mul3A_722, %add3A_781 : vector<16xi32>
    %gather3A_783 = tpu.vector_load_idx %arg13[%add3A_782] : memref<2048xf32, #tpu.memory_space<vmem>>[vector<16xi32>], vector<16xf32>,
    %add3A_784 = arith.addf %add3A_774, %gather3A_783 : vector<16xf32>
    %add3A_785 = arith.constant 6 : i32
    %add3A_786 = vector.broadcast %add3A_785 : i32 to vector<16xi32>
    %add3A_787 = arith.addi %mul3A_722, %add3A_786 : vector<16xi32>
    %gather3A_788 = tpu.vector_load_idx %arg12[%add3A_787] : memref<2048xf32, #tpu.memory_space<vmem>>[vector<16xi32>], vector<16xf32>,
    %max3A_789 = arith.maximumf %max3A_779, %gather3A_788 : vector<16xf32>
    %add3A_790 = arith.constant 6 : i32
    %add3A_791 = vector.broadcast %add3A_790 : i32 to vector<16xi32>
    %add3A_792 = arith.addi %mul3A_722, %add3A_791 : vector<16xi32>
    %gather3A_793 = tpu.vector_load_idx %arg13[%add3A_792] : memref<2048xf32, #tpu.memory_space<vmem>>[vector<16xi32>], vector<16xf32>,
    %add3A_794 = arith.addf %add3A_784, %gather3A_793 : vector<16xf32>
    %add3A_795 = arith.constant 7 : i32
    %add3A_796 = vector.broadcast %add3A_795 : i32 to vector<16xi32>
    %add3A_797 = arith.addi %mul3A_722, %add3A_796 : vector<16xi32>
    %gather3A_798 = tpu.vector_load_idx %arg12[%add3A_797] : memref<2048xf32, #tpu.memory_space<vmem>>[vector<16xi32>], vector<16xf32>,
    %max3A_799 = arith.maximumf %max3A_789, %gather3A_798 : vector<16xf32>
    %add3A_800 = arith.constant 7 : i32
    %add3A_801 = vector.broadcast %add3A_800 : i32 to vector<16xi32>
    %add3A_802 = arith.addi %mul3A_722, %add3A_801 : vector<16xi32>
    %gather3A_803 = tpu.vector_load_idx %arg13[%add3A_802] : memref<2048xf32, #tpu.memory_space<vmem>>[vector<16xi32>], vector<16xf32>,
    %add3A_804 = arith.addf %add3A_794, %gather3A_803 : vector<16xf32>
    %add3A_805 = arith.constant 8 : i32
    %add3A_806 = vector.broadcast %add3A_805 : i32 to vector<16xi32>
    %add3A_807 = arith.addi %mul3A_722, %add3A_806 : vector<16xi32>
    %gather3A_808 = tpu.vector_load_idx %arg12[%add3A_807] : memref<2048xf32, #tpu.memory_space<vmem>>[vector<16xi32>], vector<16xf32>,
    %max3A_809 = arith.maximumf %max3A_799, %gather3A_808 : vector<16xf32>
    %add3A_810 = arith.constant 8 : i32
    %add3A_811 = vector.broadcast %add3A_810 : i32 to vector<16xi32>
    %add3A_812 = arith.addi %mul3A_722, %add3A_811 : vector<16xi32>
    %gather3A_813 = tpu.vector_load_idx %arg13[%add3A_812] : memref<2048xf32, #tpu.memory_space<vmem>>[vector<16xi32>], vector<16xf32>,
    %add3A_814 = arith.addf %add3A_804, %gather3A_813 : vector<16xf32>
    %add3A_815 = arith.constant 9 : i32
    %add3A_816 = vector.broadcast %add3A_815 : i32 to vector<16xi32>
    %add3A_817 = arith.addi %mul3A_722, %add3A_816 : vector<16xi32>
    %gather3A_818 = tpu.vector_load_idx %arg12[%add3A_817] : memref<2048xf32, #tpu.memory_space<vmem>>[vector<16xi32>], vector<16xf32>,
    %max3A_819 = arith.maximumf %max3A_809, %gather3A_818 : vector<16xf32>
    %add3A_820 = arith.constant 9 : i32
    %add3A_821 = vector.broadcast %add3A_820 : i32 to vector<16xi32>
    %add3A_822 = arith.addi %mul3A_722, %add3A_821 : vector<16xi32>
    %gather3A_823 = tpu.vector_load_idx %arg13[%add3A_822] : memref<2048xf32, #tpu.memory_space<vmem>>[vector<16xi32>], vector<16xf32>,
    %add3A_824 = arith.addf %add3A_814, %gather3A_823 : vector<16xf32>
    %add3A_825 = arith.constant 10 : i32
    %add3A_826 = vector.broadcast %add3A_825 : i32 to vector<16xi32>
    %add3A_827 = arith.addi %mul3A_722, %add3A_826 : vector<16xi32>
    %gather3A_828 = tpu.vector_load_idx %arg12[%add3A_827] : memref<2048xf32, #tpu.memory_space<vmem>>[vector<16xi32>], vector<16xf32>,
    %max3A_829 = arith.maximumf %max3A_819, %gather3A_828 : vector<16xf32>
    %add3A_830 = arith.constant 10 : i32
    %add3A_831 = vector.broadcast %add3A_830 : i32 to vector<16xi32>
    %add3A_832 = arith.addi %mul3A_722, %add3A_831 : vector<16xi32>
    %gather3A_833 = tpu.vector_load_idx %arg13[%add3A_832] : memref<2048xf32, #tpu.memory_space<vmem>>[vector<16xi32>], vector<16xf32>,
    %add3A_834 = arith.addf %add3A_824, %gather3A_833 : vector<16xf32>
    %add3A_835 = arith.constant 11 : i32
    %add3A_836 = vector.broadcast %add3A_835 : i32 to vector<16xi32>
    %add3A_837 = arith.addi %mul3A_722, %add3A_836 : vector<16xi32>
    %gather3A_838 = tpu.vector_load_idx %arg12[%add3A_837] : memref<2048xf32, #tpu.memory_space<vmem>>[vector<16xi32>], vector<16xf32>,
    %max3A_839 = arith.maximumf %max3A_829, %gather3A_838 : vector<16xf32>
    %add3A_840 = arith.constant 11 : i32
    %add3A_841 = vector.broadcast %add3A_840 : i32 to vector<16xi32>
    %add3A_842 = arith.addi %mul3A_722, %add3A_841 : vector<16xi32>
    %gather3A_843 = tpu.vector_load_idx %arg13[%add3A_842] : memref<2048xf32, #tpu.memory_space<vmem>>[vector<16xi32>], vector<16xf32>,
    %add3A_844 = arith.addf %add3A_834, %gather3A_843 : vector<16xf32>
    %add3A_845 = arith.constant 12 : i32
    %add3A_846 = vector.broadcast %add3A_845 : i32 to vector<16xi32>
    %add3A_847 = arith.addi %mul3A_722, %add3A_846 : vector<16xi32>
    %gather3A_848 = tpu.vector_load_idx %arg12[%add3A_847] : memref<2048xf32, #tpu.memory_space<vmem>>[vector<16xi32>], vector<16xf32>,
    %max3A_849 = arith.maximumf %max3A_839, %gather3A_848 : vector<16xf32>
    %add3A_850 = arith.constant 12 : i32
    %add3A_851 = vector.broadcast %add3A_850 : i32 to vector<16xi32>
    %add3A_852 = arith.addi %mul3A_722, %add3A_851 : vector<16xi32>
    %gather3A_853 = tpu.vector_load_idx %arg13[%add3A_852] : memref<2048xf32, #tpu.memory_space<vmem>>[vector<16xi32>], vector<16xf32>,
    %add3A_854 = arith.addf %add3A_844, %gather3A_853 : vector<16xf32>
    %add3A_855 = arith.constant 13 : i32
    %add3A_856 = vector.broadcast %add3A_855 : i32 to vector<16xi32>
    %add3A_857 = arith.addi %mul3A_722, %add3A_856 : vector<16xi32>
    %gather3A_858 = tpu.vector_load_idx %arg12[%add3A_857] : memref<2048xf32, #tpu.memory_space<vmem>>[vector<16xi32>], vector<16xf32>,
    %max3A_859 = arith.maximumf %max3A_849, %gather3A_858 : vector<16xf32>
    %add3A_860 = arith.constant 13 : i32
    %add3A_861 = vector.broadcast %add3A_860 : i32 to vector<16xi32>
    %add3A_862 = arith.addi %mul3A_722, %add3A_861 : vector<16xi32>
    %gather3A_863 = tpu.vector_load_idx %arg13[%add3A_862] : memref<2048xf32, #tpu.memory_space<vmem>>[vector<16xi32>], vector<16xf32>,
    %add3A_864 = arith.addf %add3A_854, %gather3A_863 : vector<16xf32>
    %add3A_865 = arith.constant 14 : i32
    %add3A_866 = vector.broadcast %add3A_865 : i32 to vector<16xi32>
    %add3A_867 = arith.addi %mul3A_722, %add3A_866 : vector<16xi32>
    %gather3A_868 = tpu.vector_load_idx %arg12[%add3A_867] : memref<2048xf32, #tpu.memory_space<vmem>>[vector<16xi32>], vector<16xf32>,
    %max3A_869 = arith.maximumf %max3A_859, %gather3A_868 : vector<16xf32>
    %add3A_870 = arith.constant 14 : i32
    %add3A_871 = vector.broadcast %add3A_870 : i32 to vector<16xi32>
    %add3A_872 = arith.addi %mul3A_722, %add3A_871 : vector<16xi32>
    %gather3A_873 = tpu.vector_load_idx %arg13[%add3A_872] : memref<2048xf32, #tpu.memory_space<vmem>>[vector<16xi32>], vector<16xf32>,
    %add3A_874 = arith.addf %add3A_864, %gather3A_873 : vector<16xf32>
    %add3A_875 = arith.constant 15 : i32
    %add3A_876 = vector.broadcast %add3A_875 : i32 to vector<16xi32>
    %add3A_877 = arith.addi %mul3A_722, %add3A_876 : vector<16xi32>
    %gather3A_878 = tpu.vector_load_idx %arg12[%add3A_877] : memref<2048xf32, #tpu.memory_space<vmem>>[vector<16xi32>], vector<16xf32>,
    %max3A_879 = arith.maximumf %max3A_869, %gather3A_878 : vector<16xf32>
    %add3A_880 = arith.constant 15 : i32
    %add3A_881 = vector.broadcast %add3A_880 : i32 to vector<16xi32>
    %add3A_882 = arith.addi %mul3A_722, %add3A_881 : vector<16xi32>
    %gather3A_883 = tpu.vector_load_idx %arg13[%add3A_882] : memref<2048xf32, #tpu.memory_space<vmem>>[vector<16xi32>], vector<16xf32>,
    %add3A_884 = arith.addf %add3A_874, %gather3A_883 : vector<16xf32>
    %swap3A_885 = arith.constant 64 : index
    %swap3A_886 = tpu.vector_load %arg15[%swap3A_885] {strides = array<i32>} : memref<128xf32, #tpu.memory_space<vmem>>, vector<16xf32>,
    tpu.vector_store %arg15[%swap3A_885], %max3A_879 {strides = array<i32>} : memref<128xf32, #tpu.memory_space<vmem>>, vector<16xf32>,
    %swap3A_887 = arith.constant 64 : index
    %swap3A_888 = tpu.vector_load %arg16[%swap3A_887] {strides = array<i32>} : memref<128xf32, #tpu.memory_space<vmem>>, vector<16xf32>,
    tpu.vector_store %arg16[%swap3A_887], %add3A_884 {strides = array<i32>} : memref<128xf32, #tpu.memory_space<vmem>>, vector<16xf32>,
    %add3A_889 = arith.constant 80 : i32
    %add3A_890 = vector.broadcast %add3A_889 : i32 to vector<16xi32>
    %add3A_891 = arith.addi %add3A_890, %iota3A : vector<16xi32>
    %mul3A_892 = arith.constant 16 : i32
    %mul3A_893 = vector.broadcast %mul3A_892 : i32 to vector<16xi32>
    %mul3A_894 = arith.muli %add3A_891, %mul3A_893 : vector<16xi32>
    %broadcast_in_dim3A_895 = arith.constant 0.000000e+00 : f32
    %broadcast_in_dim3A_896 = vector.broadcast %broadcast_in_dim3A_895 : f32 to vector<16xf32>
    %add3A_897 = arith.constant 0 : i32
    %add3A_898 = vector.broadcast %add3A_897 : i32 to vector<16xi32>
    %add3A_899 = arith.addi %mul3A_894, %add3A_898 : vector<16xi32>
    %gather3A_900 = tpu.vector_load_idx %arg12[%add3A_899] : memref<2048xf32, #tpu.memory_space<vmem>>[vector<16xi32>], vector<16xf32>,
    %max3A_901 = arith.maximumf %broadcast_in_dim3A_3, %gather3A_900 : vector<16xf32>
    %add3A_902 = arith.constant 0 : i32
    %add3A_903 = vector.broadcast %add3A_902 : i32 to vector<16xi32>
    %add3A_904 = arith.addi %mul3A_894, %add3A_903 : vector<16xi32>
    %gather3A_905 = tpu.vector_load_idx %arg13[%add3A_904] : memref<2048xf32, #tpu.memory_space<vmem>>[vector<16xi32>], vector<16xf32>,
    %add3A_906 = arith.addf %broadcast_in_dim3A_896, %gather3A_905 : vector<16xf32>
    %add3A_907 = arith.constant 1 : i32
    %add3A_908 = vector.broadcast %add3A_907 : i32 to vector<16xi32>
    %add3A_909 = arith.addi %mul3A_894, %add3A_908 : vector<16xi32>
    %gather3A_910 = tpu.vector_load_idx %arg12[%add3A_909] : memref<2048xf32, #tpu.memory_space<vmem>>[vector<16xi32>], vector<16xf32>,
    %max3A_911 = arith.maximumf %max3A_901, %gather3A_910 : vector<16xf32>
    %add3A_912 = arith.constant 1 : i32
    %add3A_913 = vector.broadcast %add3A_912 : i32 to vector<16xi32>
    %add3A_914 = arith.addi %mul3A_894, %add3A_913 : vector<16xi32>
    %gather3A_915 = tpu.vector_load_idx %arg13[%add3A_914] : memref<2048xf32, #tpu.memory_space<vmem>>[vector<16xi32>], vector<16xf32>,
    %add3A_916 = arith.addf %add3A_906, %gather3A_915 : vector<16xf32>
    %add3A_917 = arith.constant 2 : i32
    %add3A_918 = vector.broadcast %add3A_917 : i32 to vector<16xi32>
    %add3A_919 = arith.addi %mul3A_894, %add3A_918 : vector<16xi32>
    %gather3A_920 = tpu.vector_load_idx %arg12[%add3A_919] : memref<2048xf32, #tpu.memory_space<vmem>>[vector<16xi32>], vector<16xf32>,
    %max3A_921 = arith.maximumf %max3A_911, %gather3A_920 : vector<16xf32>
    %add3A_922 = arith.constant 2 : i32
    %add3A_923 = vector.broadcast %add3A_922 : i32 to vector<16xi32>
    %add3A_924 = arith.addi %mul3A_894, %add3A_923 : vector<16xi32>
    %gather3A_925 = tpu.vector_load_idx %arg13[%add3A_924] : memref<2048xf32, #tpu.memory_space<vmem>>[vector<16xi32>], vector<16xf32>,
    %add3A_926 = arith.addf %add3A_916, %gather3A_925 : vector<16xf32>
    %add3A_927 = arith.constant 3 : i32
    %add3A_928 = vector.broadcast %add3A_927 : i32 to vector<16xi32>
    %add3A_929 = arith.addi %mul3A_894, %add3A_928 : vector<16xi32>
    %gather3A_930 = tpu.vector_load_idx %arg12[%add3A_929] : memref<2048xf32, #tpu.memory_space<vmem>>[vector<16xi32>], vector<16xf32>,
    %max3A_931 = arith.maximumf %max3A_921, %gather3A_930 : vector<16xf32>
    %add3A_932 = arith.constant 3 : i32
    %add3A_933 = vector.broadcast %add3A_932 : i32 to vector<16xi32>
    %add3A_934 = arith.addi %mul3A_894, %add3A_933 : vector<16xi32>
    %gather3A_935 = tpu.vector_load_idx %arg13[%add3A_934] : memref<2048xf32, #tpu.memory_space<vmem>>[vector<16xi32>], vector<16xf32>,
    %add3A_936 = arith.addf %add3A_926, %gather3A_935 : vector<16xf32>
    %add3A_937 = arith.constant 4 : i32
    %add3A_938 = vector.broadcast %add3A_937 : i32 to vector<16xi32>
    %add3A_939 = arith.addi %mul3A_894, %add3A_938 : vector<16xi32>
    %gather3A_940 = tpu.vector_load_idx %arg12[%add3A_939] : memref<2048xf32, #tpu.memory_space<vmem>>[vector<16xi32>], vector<16xf32>,
    %max3A_941 = arith.maximumf %max3A_931, %gather3A_940 : vector<16xf32>
    %add3A_942 = arith.constant 4 : i32
    %add3A_943 = vector.broadcast %add3A_942 : i32 to vector<16xi32>
    %add3A_944 = arith.addi %mul3A_894, %add3A_943 : vector<16xi32>
    %gather3A_945 = tpu.vector_load_idx %arg13[%add3A_944] : memref<2048xf32, #tpu.memory_space<vmem>>[vector<16xi32>], vector<16xf32>,
    %add3A_946 = arith.addf %add3A_936, %gather3A_945 : vector<16xf32>
    %add3A_947 = arith.constant 5 : i32
    %add3A_948 = vector.broadcast %add3A_947 : i32 to vector<16xi32>
    %add3A_949 = arith.addi %mul3A_894, %add3A_948 : vector<16xi32>
    %gather3A_950 = tpu.vector_load_idx %arg12[%add3A_949] : memref<2048xf32, #tpu.memory_space<vmem>>[vector<16xi32>], vector<16xf32>,
    %max3A_951 = arith.maximumf %max3A_941, %gather3A_950 : vector<16xf32>
    %add3A_952 = arith.constant 5 : i32
    %add3A_953 = vector.broadcast %add3A_952 : i32 to vector<16xi32>
    %add3A_954 = arith.addi %mul3A_894, %add3A_953 : vector<16xi32>
    %gather3A_955 = tpu.vector_load_idx %arg13[%add3A_954] : memref<2048xf32, #tpu.memory_space<vmem>>[vector<16xi32>], vector<16xf32>,
    %add3A_956 = arith.addf %add3A_946, %gather3A_955 : vector<16xf32>
    %add3A_957 = arith.constant 6 : i32
    %add3A_958 = vector.broadcast %add3A_957 : i32 to vector<16xi32>
    %add3A_959 = arith.addi %mul3A_894, %add3A_958 : vector<16xi32>
    %gather3A_960 = tpu.vector_load_idx %arg12[%add3A_959] : memref<2048xf32, #tpu.memory_space<vmem>>[vector<16xi32>], vector<16xf32>,
    %max3A_961 = arith.maximumf %max3A_951, %gather3A_960 : vector<16xf32>
    %add3A_962 = arith.constant 6 : i32
    %add3A_963 = vector.broadcast %add3A_962 : i32 to vector<16xi32>
    %add3A_964 = arith.addi %mul3A_894, %add3A_963 : vector<16xi32>
    %gather3A_965 = tpu.vector_load_idx %arg13[%add3A_964] : memref<2048xf32, #tpu.memory_space<vmem>>[vector<16xi32>], vector<16xf32>,
    %add3A_966 = arith.addf %add3A_956, %gather3A_965 : vector<16xf32>
    %add3A_967 = arith.constant 7 : i32
    %add3A_968 = vector.broadcast %add3A_967 : i32 to vector<16xi32>
    %add3A_969 = arith.addi %mul3A_894, %add3A_968 : vector<16xi32>
    %gather3A_970 = tpu.vector_load_idx %arg12[%add3A_969] : memref<2048xf32, #tpu.memory_space<vmem>>[vector<16xi32>], vector<16xf32>,
    %max3A_971 = arith.maximumf %max3A_961, %gather3A_970 : vector<16xf32>
    %add3A_972 = arith.constant 7 : i32
    %add3A_973 = vector.broadcast %add3A_972 : i32 to vector<16xi32>
    %add3A_974 = arith.addi %mul3A_894, %add3A_973 : vector<16xi32>
    %gather3A_975 = tpu.vector_load_idx %arg13[%add3A_974] : memref<2048xf32, #tpu.memory_space<vmem>>[vector<16xi32>], vector<16xf32>,
    %add3A_976 = arith.addf %add3A_966, %gather3A_975 : vector<16xf32>
    %add3A_977 = arith.constant 8 : i32
    %add3A_978 = vector.broadcast %add3A_977 : i32 to vector<16xi32>
    %add3A_979 = arith.addi %mul3A_894, %add3A_978 : vector<16xi32>
    %gather3A_980 = tpu.vector_load_idx %arg12[%add3A_979] : memref<2048xf32, #tpu.memory_space<vmem>>[vector<16xi32>], vector<16xf32>,
    %max3A_981 = arith.maximumf %max3A_971, %gather3A_980 : vector<16xf32>
    %add3A_982 = arith.constant 8 : i32
    %add3A_983 = vector.broadcast %add3A_982 : i32 to vector<16xi32>
    %add3A_984 = arith.addi %mul3A_894, %add3A_983 : vector<16xi32>
    %gather3A_985 = tpu.vector_load_idx %arg13[%add3A_984] : memref<2048xf32, #tpu.memory_space<vmem>>[vector<16xi32>], vector<16xf32>,
    %add3A_986 = arith.addf %add3A_976, %gather3A_985 : vector<16xf32>
    %add3A_987 = arith.constant 9 : i32
    %add3A_988 = vector.broadcast %add3A_987 : i32 to vector<16xi32>
    %add3A_989 = arith.addi %mul3A_894, %add3A_988 : vector<16xi32>
    %gather3A_990 = tpu.vector_load_idx %arg12[%add3A_989] : memref<2048xf32, #tpu.memory_space<vmem>>[vector<16xi32>], vector<16xf32>,
    %max3A_991 = arith.maximumf %max3A_981, %gather3A_990 : vector<16xf32>
    %add3A_992 = arith.constant 9 : i32
    %add3A_993 = vector.broadcast %add3A_992 : i32 to vector<16xi32>
    %add3A_994 = arith.addi %mul3A_894, %add3A_993 : vector<16xi32>
    %gather3A_995 = tpu.vector_load_idx %arg13[%add3A_994] : memref<2048xf32, #tpu.memory_space<vmem>>[vector<16xi32>], vector<16xf32>,
    %add3A_996 = arith.addf %add3A_986, %gather3A_995 : vector<16xf32>
    %add3A_997 = arith.constant 10 : i32
    %add3A_998 = vector.broadcast %add3A_997 : i32 to vector<16xi32>
    %add3A_999 = arith.addi %mul3A_894, %add3A_998 : vector<16xi32>
    %gather3A_1000 = tpu.vector_load_idx %arg12[%add3A_999] : memref<2048xf32, #tpu.memory_space<vmem>>[vector<16xi32>], vector<16xf32>,
    %max3A_1001 = arith.maximumf %max3A_991, %gather3A_1000 : vector<16xf32>
    %add3A_1002 = arith.constant 10 : i32
    %add3A_1003 = vector.broadcast %add3A_1002 : i32 to vector<16xi32>
    %add3A_1004 = arith.addi %mul3A_894, %add3A_1003 : vector<16xi32>
    %gather3A_1005 = tpu.vector_load_idx %arg13[%add3A_1004] : memref<2048xf32, #tpu.memory_space<vmem>>[vector<16xi32>], vector<16xf32>,
    %add3A_1006 = arith.addf %add3A_996, %gather3A_1005 : vector<16xf32>
    %add3A_1007 = arith.constant 11 : i32
    %add3A_1008 = vector.broadcast %add3A_1007 : i32 to vector<16xi32>
    %add3A_1009 = arith.addi %mul3A_894, %add3A_1008 : vector<16xi32>
    %gather3A_1010 = tpu.vector_load_idx %arg12[%add3A_1009] : memref<2048xf32, #tpu.memory_space<vmem>>[vector<16xi32>], vector<16xf32>,
    %max3A_1011 = arith.maximumf %max3A_1001, %gather3A_1010 : vector<16xf32>
    %add3A_1012 = arith.constant 11 : i32
    %add3A_1013 = vector.broadcast %add3A_1012 : i32 to vector<16xi32>
    %add3A_1014 = arith.addi %mul3A_894, %add3A_1013 : vector<16xi32>
    %gather3A_1015 = tpu.vector_load_idx %arg13[%add3A_1014] : memref<2048xf32, #tpu.memory_space<vmem>>[vector<16xi32>], vector<16xf32>,
    %add3A_1016 = arith.addf %add3A_1006, %gather3A_1015 : vector<16xf32>
    %add3A_1017 = arith.constant 12 : i32
    %add3A_1018 = vector.broadcast %add3A_1017 : i32 to vector<16xi32>
    %add3A_1019 = arith.addi %mul3A_894, %add3A_1018 : vector<16xi32>
    %gather3A_1020 = tpu.vector_load_idx %arg12[%add3A_1019] : memref<2048xf32, #tpu.memory_space<vmem>>[vector<16xi32>], vector<16xf32>,
    %max3A_1021 = arith.maximumf %max3A_1011, %gather3A_1020 : vector<16xf32>
    %add3A_1022 = arith.constant 12 : i32
    %add3A_1023 = vector.broadcast %add3A_1022 : i32 to vector<16xi32>
    %add3A_1024 = arith.addi %mul3A_894, %add3A_1023 : vector<16xi32>
    %gather3A_1025 = tpu.vector_load_idx %arg13[%add3A_1024] : memref<2048xf32, #tpu.memory_space<vmem>>[vector<16xi32>], vector<16xf32>,
    %add3A_1026 = arith.addf %add3A_1016, %gather3A_1025 : vector<16xf32>
    %add3A_1027 = arith.constant 13 : i32
    %add3A_1028 = vector.broadcast %add3A_1027 : i32 to vector<16xi32>
    %add3A_1029 = arith.addi %mul3A_894, %add3A_1028 : vector<16xi32>
    %gather3A_1030 = tpu.vector_load_idx %arg12[%add3A_1029] : memref<2048xf32, #tpu.memory_space<vmem>>[vector<16xi32>], vector<16xf32>,
    %max3A_1031 = arith.maximumf %max3A_1021, %gather3A_1030 : vector<16xf32>
    %add3A_1032 = arith.constant 13 : i32
    %add3A_1033 = vector.broadcast %add3A_1032 : i32 to vector<16xi32>
    %add3A_1034 = arith.addi %mul3A_894, %add3A_1033 : vector<16xi32>
    %gather3A_1035 = tpu.vector_load_idx %arg13[%add3A_1034] : memref<2048xf32, #tpu.memory_space<vmem>>[vector<16xi32>], vector<16xf32>,
    %add3A_1036 = arith.addf %add3A_1026, %gather3A_1035 : vector<16xf32>
    %add3A_1037 = arith.constant 14 : i32
    %add3A_1038 = vector.broadcast %add3A_1037 : i32 to vector<16xi32>
    %add3A_1039 = arith.addi %mul3A_894, %add3A_1038 : vector<16xi32>
    %gather3A_1040 = tpu.vector_load_idx %arg12[%add3A_1039] : memref<2048xf32, #tpu.memory_space<vmem>>[vector<16xi32>], vector<16xf32>,
    %max3A_1041 = arith.maximumf %max3A_1031, %gather3A_1040 : vector<16xf32>
    %add3A_1042 = arith.constant 14 : i32
    %add3A_1043 = vector.broadcast %add3A_1042 : i32 to vector<16xi32>
    %add3A_1044 = arith.addi %mul3A_894, %add3A_1043 : vector<16xi32>
    %gather3A_1045 = tpu.vector_load_idx %arg13[%add3A_1044] : memref<2048xf32, #tpu.memory_space<vmem>>[vector<16xi32>], vector<16xf32>,
    %add3A_1046 = arith.addf %add3A_1036, %gather3A_1045 : vector<16xf32>
    %add3A_1047 = arith.constant 15 : i32
    %add3A_1048 = vector.broadcast %add3A_1047 : i32 to vector<16xi32>
    %add3A_1049 = arith.addi %mul3A_894, %add3A_1048 : vector<16xi32>
    %gather3A_1050 = tpu.vector_load_idx %arg12[%add3A_1049] : memref<2048xf32, #tpu.memory_space<vmem>>[vector<16xi32>], vector<16xf32>,
    %max3A_1051 = arith.maximumf %max3A_1041, %gather3A_1050 : vector<16xf32>
    %add3A_1052 = arith.constant 15 : i32
    %add3A_1053 = vector.broadcast %add3A_1052 : i32 to vector<16xi32>
    %add3A_1054 = arith.addi %mul3A_894, %add3A_1053 : vector<16xi32>
    %gather3A_1055 = tpu.vector_load_idx %arg13[%add3A_1054] : memref<2048xf32, #tpu.memory_space<vmem>>[vector<16xi32>], vector<16xf32>,
    %add3A_1056 = arith.addf %add3A_1046, %gather3A_1055 : vector<16xf32>
    %swap3A_1057 = arith.constant 80 : index
    %swap3A_1058 = tpu.vector_load %arg15[%swap3A_1057] {strides = array<i32>} : memref<128xf32, #tpu.memory_space<vmem>>, vector<16xf32>,
    tpu.vector_store %arg15[%swap3A_1057], %max3A_1051 {strides = array<i32>} : memref<128xf32, #tpu.memory_space<vmem>>, vector<16xf32>,
    %swap3A_1059 = arith.constant 80 : index
    %swap3A_1060 = tpu.vector_load %arg16[%swap3A_1059] {strides = array<i32>} : memref<128xf32, #tpu.memory_space<vmem>>, vector<16xf32>,
    tpu.vector_store %arg16[%swap3A_1059], %add3A_1056 {strides = array<i32>} : memref<128xf32, #tpu.memory_space<vmem>>, vector<16xf32>,
    %add3A_1061 = arith.constant 96 : i32
    %add3A_1062 = vector.broadcast %add3A_1061 : i32 to vector<16xi32>
    %add3A_1063 = arith.addi %add3A_1062, %iota3A : vector<16xi32>
    %mul3A_1064 = arith.constant 16 : i32
    %mul3A_1065 = vector.broadcast %mul3A_1064 : i32 to vector<16xi32>
    %mul3A_1066 = arith.muli %add3A_1063, %mul3A_1065 : vector<16xi32>
    %broadcast_in_dim3A_1067 = arith.constant 0.000000e+00 : f32
    %broadcast_in_dim3A_1068 = vector.broadcast %broadcast_in_dim3A_1067 : f32 to vector<16xf32>
    %add3A_1069 = arith.constant 0 : i32
    %add3A_1070 = vector.broadcast %add3A_1069 : i32 to vector<16xi32>
    %add3A_1071 = arith.addi %mul3A_1066, %add3A_1070 : vector<16xi32>
    %gather3A_1072 = tpu.vector_load_idx %arg12[%add3A_1071] : memref<2048xf32, #tpu.memory_space<vmem>>[vector<16xi32>], vector<16xf32>,
    %max3A_1073 = arith.maximumf %broadcast_in_dim3A_3, %gather3A_1072 : vector<16xf32>
    %add3A_1074 = arith.constant 0 : i32
    %add3A_1075 = vector.broadcast %add3A_1074 : i32 to vector<16xi32>
    %add3A_1076 = arith.addi %mul3A_1066, %add3A_1075 : vector<16xi32>
    %gather3A_1077 = tpu.vector_load_idx %arg13[%add3A_1076] : memref<2048xf32, #tpu.memory_space<vmem>>[vector<16xi32>], vector<16xf32>,
    %add3A_1078 = arith.addf %broadcast_in_dim3A_1068, %gather3A_1077 : vector<16xf32>
    %add3A_1079 = arith.constant 1 : i32
    %add3A_1080 = vector.broadcast %add3A_1079 : i32 to vector<16xi32>
    %add3A_1081 = arith.addi %mul3A_1066, %add3A_1080 : vector<16xi32>
    %gather3A_1082 = tpu.vector_load_idx %arg12[%add3A_1081] : memref<2048xf32, #tpu.memory_space<vmem>>[vector<16xi32>], vector<16xf32>,
    %max3A_1083 = arith.maximumf %max3A_1073, %gather3A_1082 : vector<16xf32>
    %add3A_1084 = arith.constant 1 : i32
    %add3A_1085 = vector.broadcast %add3A_1084 : i32 to vector<16xi32>
    %add3A_1086 = arith.addi %mul3A_1066, %add3A_1085 : vector<16xi32>
    %gather3A_1087 = tpu.vector_load_idx %arg13[%add3A_1086] : memref<2048xf32, #tpu.memory_space<vmem>>[vector<16xi32>], vector<16xf32>,
    %add3A_1088 = arith.addf %add3A_1078, %gather3A_1087 : vector<16xf32>
    %add3A_1089 = arith.constant 2 : i32
    %add3A_1090 = vector.broadcast %add3A_1089 : i32 to vector<16xi32>
    %add3A_1091 = arith.addi %mul3A_1066, %add3A_1090 : vector<16xi32>
    %gather3A_1092 = tpu.vector_load_idx %arg12[%add3A_1091] : memref<2048xf32, #tpu.memory_space<vmem>>[vector<16xi32>], vector<16xf32>,
    %max3A_1093 = arith.maximumf %max3A_1083, %gather3A_1092 : vector<16xf32>
    %add3A_1094 = arith.constant 2 : i32
    %add3A_1095 = vector.broadcast %add3A_1094 : i32 to vector<16xi32>
    %add3A_1096 = arith.addi %mul3A_1066, %add3A_1095 : vector<16xi32>
    %gather3A_1097 = tpu.vector_load_idx %arg13[%add3A_1096] : memref<2048xf32, #tpu.memory_space<vmem>>[vector<16xi32>], vector<16xf32>,
    %add3A_1098 = arith.addf %add3A_1088, %gather3A_1097 : vector<16xf32>
    %add3A_1099 = arith.constant 3 : i32
    %add3A_1100 = vector.broadcast %add3A_1099 : i32 to vector<16xi32>
    %add3A_1101 = arith.addi %mul3A_1066, %add3A_1100 : vector<16xi32>
    %gather3A_1102 = tpu.vector_load_idx %arg12[%add3A_1101] : memref<2048xf32, #tpu.memory_space<vmem>>[vector<16xi32>], vector<16xf32>,
    %max3A_1103 = arith.maximumf %max3A_1093, %gather3A_1102 : vector<16xf32>
    %add3A_1104 = arith.constant 3 : i32
    %add3A_1105 = vector.broadcast %add3A_1104 : i32 to vector<16xi32>
    %add3A_1106 = arith.addi %mul3A_1066, %add3A_1105 : vector<16xi32>
    %gather3A_1107 = tpu.vector_load_idx %arg13[%add3A_1106] : memref<2048xf32, #tpu.memory_space<vmem>>[vector<16xi32>], vector<16xf32>,
    %add3A_1108 = arith.addf %add3A_1098, %gather3A_1107 : vector<16xf32>
    %add3A_1109 = arith.constant 4 : i32
    %add3A_1110 = vector.broadcast %add3A_1109 : i32 to vector<16xi32>
    %add3A_1111 = arith.addi %mul3A_1066, %add3A_1110 : vector<16xi32>
    %gather3A_1112 = tpu.vector_load_idx %arg12[%add3A_1111] : memref<2048xf32, #tpu.memory_space<vmem>>[vector<16xi32>], vector<16xf32>,
    %max3A_1113 = arith.maximumf %max3A_1103, %gather3A_1112 : vector<16xf32>
    %add3A_1114 = arith.constant 4 : i32
    %add3A_1115 = vector.broadcast %add3A_1114 : i32 to vector<16xi32>
    %add3A_1116 = arith.addi %mul3A_1066, %add3A_1115 : vector<16xi32>
    %gather3A_1117 = tpu.vector_load_idx %arg13[%add3A_1116] : memref<2048xf32, #tpu.memory_space<vmem>>[vector<16xi32>], vector<16xf32>,
    %add3A_1118 = arith.addf %add3A_1108, %gather3A_1117 : vector<16xf32>
    %add3A_1119 = arith.constant 5 : i32
    %add3A_1120 = vector.broadcast %add3A_1119 : i32 to vector<16xi32>
    %add3A_1121 = arith.addi %mul3A_1066, %add3A_1120 : vector<16xi32>
    %gather3A_1122 = tpu.vector_load_idx %arg12[%add3A_1121] : memref<2048xf32, #tpu.memory_space<vmem>>[vector<16xi32>], vector<16xf32>,
    %max3A_1123 = arith.maximumf %max3A_1113, %gather3A_1122 : vector<16xf32>
    %add3A_1124 = arith.constant 5 : i32
    %add3A_1125 = vector.broadcast %add3A_1124 : i32 to vector<16xi32>
    %add3A_1126 = arith.addi %mul3A_1066, %add3A_1125 : vector<16xi32>
    %gather3A_1127 = tpu.vector_load_idx %arg13[%add3A_1126] : memref<2048xf32, #tpu.memory_space<vmem>>[vector<16xi32>], vector<16xf32>,
    %add3A_1128 = arith.addf %add3A_1118, %gather3A_1127 : vector<16xf32>
    %add3A_1129 = arith.constant 6 : i32
    %add3A_1130 = vector.broadcast %add3A_1129 : i32 to vector<16xi32>
    %add3A_1131 = arith.addi %mul3A_1066, %add3A_1130 : vector<16xi32>
    %gather3A_1132 = tpu.vector_load_idx %arg12[%add3A_1131] : memref<2048xf32, #tpu.memory_space<vmem>>[vector<16xi32>], vector<16xf32>,
    %max3A_1133 = arith.maximumf %max3A_1123, %gather3A_1132 : vector<16xf32>
    %add3A_1134 = arith.constant 6 : i32
    %add3A_1135 = vector.broadcast %add3A_1134 : i32 to vector<16xi32>
    %add3A_1136 = arith.addi %mul3A_1066, %add3A_1135 : vector<16xi32>
    %gather3A_1137 = tpu.vector_load_idx %arg13[%add3A_1136] : memref<2048xf32, #tpu.memory_space<vmem>>[vector<16xi32>], vector<16xf32>,
    %add3A_1138 = arith.addf %add3A_1128, %gather3A_1137 : vector<16xf32>
    %add3A_1139 = arith.constant 7 : i32
    %add3A_1140 = vector.broadcast %add3A_1139 : i32 to vector<16xi32>
    %add3A_1141 = arith.addi %mul3A_1066, %add3A_1140 : vector<16xi32>
    %gather3A_1142 = tpu.vector_load_idx %arg12[%add3A_1141] : memref<2048xf32, #tpu.memory_space<vmem>>[vector<16xi32>], vector<16xf32>,
    %max3A_1143 = arith.maximumf %max3A_1133, %gather3A_1142 : vector<16xf32>
    %add3A_1144 = arith.constant 7 : i32
    %add3A_1145 = vector.broadcast %add3A_1144 : i32 to vector<16xi32>
    %add3A_1146 = arith.addi %mul3A_1066, %add3A_1145 : vector<16xi32>
    %gather3A_1147 = tpu.vector_load_idx %arg13[%add3A_1146] : memref<2048xf32, #tpu.memory_space<vmem>>[vector<16xi32>], vector<16xf32>,
    %add3A_1148 = arith.addf %add3A_1138, %gather3A_1147 : vector<16xf32>
    %add3A_1149 = arith.constant 8 : i32
    %add3A_1150 = vector.broadcast %add3A_1149 : i32 to vector<16xi32>
    %add3A_1151 = arith.addi %mul3A_1066, %add3A_1150 : vector<16xi32>
    %gather3A_1152 = tpu.vector_load_idx %arg12[%add3A_1151] : memref<2048xf32, #tpu.memory_space<vmem>>[vector<16xi32>], vector<16xf32>,
    %max3A_1153 = arith.maximumf %max3A_1143, %gather3A_1152 : vector<16xf32>
    %add3A_1154 = arith.constant 8 : i32
    %add3A_1155 = vector.broadcast %add3A_1154 : i32 to vector<16xi32>
    %add3A_1156 = arith.addi %mul3A_1066, %add3A_1155 : vector<16xi32>
    %gather3A_1157 = tpu.vector_load_idx %arg13[%add3A_1156] : memref<2048xf32, #tpu.memory_space<vmem>>[vector<16xi32>], vector<16xf32>,
    %add3A_1158 = arith.addf %add3A_1148, %gather3A_1157 : vector<16xf32>
    %add3A_1159 = arith.constant 9 : i32
    %add3A_1160 = vector.broadcast %add3A_1159 : i32 to vector<16xi32>
    %add3A_1161 = arith.addi %mul3A_1066, %add3A_1160 : vector<16xi32>
    %gather3A_1162 = tpu.vector_load_idx %arg12[%add3A_1161] : memref<2048xf32, #tpu.memory_space<vmem>>[vector<16xi32>], vector<16xf32>,
    %max3A_1163 = arith.maximumf %max3A_1153, %gather3A_1162 : vector<16xf32>
    %add3A_1164 = arith.constant 9 : i32
    %add3A_1165 = vector.broadcast %add3A_1164 : i32 to vector<16xi32>
    %add3A_1166 = arith.addi %mul3A_1066, %add3A_1165 : vector<16xi32>
    %gather3A_1167 = tpu.vector_load_idx %arg13[%add3A_1166] : memref<2048xf32, #tpu.memory_space<vmem>>[vector<16xi32>], vector<16xf32>,
    %add3A_1168 = arith.addf %add3A_1158, %gather3A_1167 : vector<16xf32>
    %add3A_1169 = arith.constant 10 : i32
    %add3A_1170 = vector.broadcast %add3A_1169 : i32 to vector<16xi32>
    %add3A_1171 = arith.addi %mul3A_1066, %add3A_1170 : vector<16xi32>
    %gather3A_1172 = tpu.vector_load_idx %arg12[%add3A_1171] : memref<2048xf32, #tpu.memory_space<vmem>>[vector<16xi32>], vector<16xf32>,
    %max3A_1173 = arith.maximumf %max3A_1163, %gather3A_1172 : vector<16xf32>
    %add3A_1174 = arith.constant 10 : i32
    %add3A_1175 = vector.broadcast %add3A_1174 : i32 to vector<16xi32>
    %add3A_1176 = arith.addi %mul3A_1066, %add3A_1175 : vector<16xi32>
    %gather3A_1177 = tpu.vector_load_idx %arg13[%add3A_1176] : memref<2048xf32, #tpu.memory_space<vmem>>[vector<16xi32>], vector<16xf32>,
    %add3A_1178 = arith.addf %add3A_1168, %gather3A_1177 : vector<16xf32>
    %add3A_1179 = arith.constant 11 : i32
    %add3A_1180 = vector.broadcast %add3A_1179 : i32 to vector<16xi32>
    %add3A_1181 = arith.addi %mul3A_1066, %add3A_1180 : vector<16xi32>
    %gather3A_1182 = tpu.vector_load_idx %arg12[%add3A_1181] : memref<2048xf32, #tpu.memory_space<vmem>>[vector<16xi32>], vector<16xf32>,
    %max3A_1183 = arith.maximumf %max3A_1173, %gather3A_1182 : vector<16xf32>
    %add3A_1184 = arith.constant 11 : i32
    %add3A_1185 = vector.broadcast %add3A_1184 : i32 to vector<16xi32>
    %add3A_1186 = arith.addi %mul3A_1066, %add3A_1185 : vector<16xi32>
    %gather3A_1187 = tpu.vector_load_idx %arg13[%add3A_1186] : memref<2048xf32, #tpu.memory_space<vmem>>[vector<16xi32>], vector<16xf32>,
    %add3A_1188 = arith.addf %add3A_1178, %gather3A_1187 : vector<16xf32>
    %add3A_1189 = arith.constant 12 : i32
    %add3A_1190 = vector.broadcast %add3A_1189 : i32 to vector<16xi32>
    %add3A_1191 = arith.addi %mul3A_1066, %add3A_1190 : vector<16xi32>
    %gather3A_1192 = tpu.vector_load_idx %arg12[%add3A_1191] : memref<2048xf32, #tpu.memory_space<vmem>>[vector<16xi32>], vector<16xf32>,
    %max3A_1193 = arith.maximumf %max3A_1183, %gather3A_1192 : vector<16xf32>
    %add3A_1194 = arith.constant 12 : i32
    %add3A_1195 = vector.broadcast %add3A_1194 : i32 to vector<16xi32>
    %add3A_1196 = arith.addi %mul3A_1066, %add3A_1195 : vector<16xi32>
    %gather3A_1197 = tpu.vector_load_idx %arg13[%add3A_1196] : memref<2048xf32, #tpu.memory_space<vmem>>[vector<16xi32>], vector<16xf32>,
    %add3A_1198 = arith.addf %add3A_1188, %gather3A_1197 : vector<16xf32>
    %add3A_1199 = arith.constant 13 : i32
    %add3A_1200 = vector.broadcast %add3A_1199 : i32 to vector<16xi32>
    %add3A_1201 = arith.addi %mul3A_1066, %add3A_1200 : vector<16xi32>
    %gather3A_1202 = tpu.vector_load_idx %arg12[%add3A_1201] : memref<2048xf32, #tpu.memory_space<vmem>>[vector<16xi32>], vector<16xf32>,
    %max3A_1203 = arith.maximumf %max3A_1193, %gather3A_1202 : vector<16xf32>
    %add3A_1204 = arith.constant 13 : i32
    %add3A_1205 = vector.broadcast %add3A_1204 : i32 to vector<16xi32>
    %add3A_1206 = arith.addi %mul3A_1066, %add3A_1205 : vector<16xi32>
    %gather3A_1207 = tpu.vector_load_idx %arg13[%add3A_1206] : memref<2048xf32, #tpu.memory_space<vmem>>[vector<16xi32>], vector<16xf32>,
    %add3A_1208 = arith.addf %add3A_1198, %gather3A_1207 : vector<16xf32>
    %add3A_1209 = arith.constant 14 : i32
    %add3A_1210 = vector.broadcast %add3A_1209 : i32 to vector<16xi32>
    %add3A_1211 = arith.addi %mul3A_1066, %add3A_1210 : vector<16xi32>
    %gather3A_1212 = tpu.vector_load_idx %arg12[%add3A_1211] : memref<2048xf32, #tpu.memory_space<vmem>>[vector<16xi32>], vector<16xf32>,
    %max3A_1213 = arith.maximumf %max3A_1203, %gather3A_1212 : vector<16xf32>
    %add3A_1214 = arith.constant 14 : i32
    %add3A_1215 = vector.broadcast %add3A_1214 : i32 to vector<16xi32>
    %add3A_1216 = arith.addi %mul3A_1066, %add3A_1215 : vector<16xi32>
    %gather3A_1217 = tpu.vector_load_idx %arg13[%add3A_1216] : memref<2048xf32, #tpu.memory_space<vmem>>[vector<16xi32>], vector<16xf32>,
    %add3A_1218 = arith.addf %add3A_1208, %gather3A_1217 : vector<16xf32>
    %add3A_1219 = arith.constant 15 : i32
    %add3A_1220 = vector.broadcast %add3A_1219 : i32 to vector<16xi32>
    %add3A_1221 = arith.addi %mul3A_1066, %add3A_1220 : vector<16xi32>
    %gather3A_1222 = tpu.vector_load_idx %arg12[%add3A_1221] : memref<2048xf32, #tpu.memory_space<vmem>>[vector<16xi32>], vector<16xf32>,
    %max3A_1223 = arith.maximumf %max3A_1213, %gather3A_1222 : vector<16xf32>
    %add3A_1224 = arith.constant 15 : i32
    %add3A_1225 = vector.broadcast %add3A_1224 : i32 to vector<16xi32>
    %add3A_1226 = arith.addi %mul3A_1066, %add3A_1225 : vector<16xi32>
    %gather3A_1227 = tpu.vector_load_idx %arg13[%add3A_1226] : memref<2048xf32, #tpu.memory_space<vmem>>[vector<16xi32>], vector<16xf32>,
    %add3A_1228 = arith.addf %add3A_1218, %gather3A_1227 : vector<16xf32>
    %swap3A_1229 = arith.constant 96 : index
    %swap3A_1230 = tpu.vector_load %arg15[%swap3A_1229] {strides = array<i32>} : memref<128xf32, #tpu.memory_space<vmem>>, vector<16xf32>,
    tpu.vector_store %arg15[%swap3A_1229], %max3A_1223 {strides = array<i32>} : memref<128xf32, #tpu.memory_space<vmem>>, vector<16xf32>,
    %swap3A_1231 = arith.constant 96 : index
    %swap3A_1232 = tpu.vector_load %arg16[%swap3A_1231] {strides = array<i32>} : memref<128xf32, #tpu.memory_space<vmem>>, vector<16xf32>,
    tpu.vector_store %arg16[%swap3A_1231], %add3A_1228 {strides = array<i32>} : memref<128xf32, #tpu.memory_space<vmem>>, vector<16xf32>,
    %add3A_1233 = arith.constant 112 : i32
    %add3A_1234 = vector.broadcast %add3A_1233 : i32 to vector<16xi32>
    %add3A_1235 = arith.addi %add3A_1234, %iota3A : vector<16xi32>
    %mul3A_1236 = arith.constant 16 : i32
    %mul3A_1237 = vector.broadcast %mul3A_1236 : i32 to vector<16xi32>
    %mul3A_1238 = arith.muli %add3A_1235, %mul3A_1237 : vector<16xi32>
    %broadcast_in_dim3A_1239 = arith.constant 0.000000e+00 : f32
    %broadcast_in_dim3A_1240 = vector.broadcast %broadcast_in_dim3A_1239 : f32 to vector<16xf32>
    %add3A_1241 = arith.constant 0 : i32
    %add3A_1242 = vector.broadcast %add3A_1241 : i32 to vector<16xi32>
    %add3A_1243 = arith.addi %mul3A_1238, %add3A_1242 : vector<16xi32>
    %gather3A_1244 = tpu.vector_load_idx %arg12[%add3A_1243] : memref<2048xf32, #tpu.memory_space<vmem>>[vector<16xi32>], vector<16xf32>,
    %max3A_1245 = arith.maximumf %broadcast_in_dim3A_3, %gather3A_1244 : vector<16xf32>
    %add3A_1246 = arith.constant 0 : i32
    %add3A_1247 = vector.broadcast %add3A_1246 : i32 to vector<16xi32>
    %add3A_1248 = arith.addi %mul3A_1238, %add3A_1247 : vector<16xi32>
    %gather3A_1249 = tpu.vector_load_idx %arg13[%add3A_1248] : memref<2048xf32, #tpu.memory_space<vmem>>[vector<16xi32>], vector<16xf32>,
    %add3A_1250 = arith.addf %broadcast_in_dim3A_1240, %gather3A_1249 : vector<16xf32>
    %add3A_1251 = arith.constant 1 : i32
    %add3A_1252 = vector.broadcast %add3A_1251 : i32 to vector<16xi32>
    %add3A_1253 = arith.addi %mul3A_1238, %add3A_1252 : vector<16xi32>
    %gather3A_1254 = tpu.vector_load_idx %arg12[%add3A_1253] : memref<2048xf32, #tpu.memory_space<vmem>>[vector<16xi32>], vector<16xf32>,
    %max3A_1255 = arith.maximumf %max3A_1245, %gather3A_1254 : vector<16xf32>
    %add3A_1256 = arith.constant 1 : i32
    %add3A_1257 = vector.broadcast %add3A_1256 : i32 to vector<16xi32>
    %add3A_1258 = arith.addi %mul3A_1238, %add3A_1257 : vector<16xi32>
    %gather3A_1259 = tpu.vector_load_idx %arg13[%add3A_1258] : memref<2048xf32, #tpu.memory_space<vmem>>[vector<16xi32>], vector<16xf32>,
    %add3A_1260 = arith.addf %add3A_1250, %gather3A_1259 : vector<16xf32>
    %add3A_1261 = arith.constant 2 : i32
    %add3A_1262 = vector.broadcast %add3A_1261 : i32 to vector<16xi32>
    %add3A_1263 = arith.addi %mul3A_1238, %add3A_1262 : vector<16xi32>
    %gather3A_1264 = tpu.vector_load_idx %arg12[%add3A_1263] : memref<2048xf32, #tpu.memory_space<vmem>>[vector<16xi32>], vector<16xf32>,
    %max3A_1265 = arith.maximumf %max3A_1255, %gather3A_1264 : vector<16xf32>
    %add3A_1266 = arith.constant 2 : i32
    %add3A_1267 = vector.broadcast %add3A_1266 : i32 to vector<16xi32>
    %add3A_1268 = arith.addi %mul3A_1238, %add3A_1267 : vector<16xi32>
    %gather3A_1269 = tpu.vector_load_idx %arg13[%add3A_1268] : memref<2048xf32, #tpu.memory_space<vmem>>[vector<16xi32>], vector<16xf32>,
    %add3A_1270 = arith.addf %add3A_1260, %gather3A_1269 : vector<16xf32>
    %add3A_1271 = arith.constant 3 : i32
    %add3A_1272 = vector.broadcast %add3A_1271 : i32 to vector<16xi32>
    %add3A_1273 = arith.addi %mul3A_1238, %add3A_1272 : vector<16xi32>
    %gather3A_1274 = tpu.vector_load_idx %arg12[%add3A_1273] : memref<2048xf32, #tpu.memory_space<vmem>>[vector<16xi32>], vector<16xf32>,
    %max3A_1275 = arith.maximumf %max3A_1265, %gather3A_1274 : vector<16xf32>
    %add3A_1276 = arith.constant 3 : i32
    %add3A_1277 = vector.broadcast %add3A_1276 : i32 to vector<16xi32>
    %add3A_1278 = arith.addi %mul3A_1238, %add3A_1277 : vector<16xi32>
    %gather3A_1279 = tpu.vector_load_idx %arg13[%add3A_1278] : memref<2048xf32, #tpu.memory_space<vmem>>[vector<16xi32>], vector<16xf32>,
    %add3A_1280 = arith.addf %add3A_1270, %gather3A_1279 : vector<16xf32>
    %add3A_1281 = arith.constant 4 : i32
    %add3A_1282 = vector.broadcast %add3A_1281 : i32 to vector<16xi32>
    %add3A_1283 = arith.addi %mul3A_1238, %add3A_1282 : vector<16xi32>
    %gather3A_1284 = tpu.vector_load_idx %arg12[%add3A_1283] : memref<2048xf32, #tpu.memory_space<vmem>>[vector<16xi32>], vector<16xf32>,
    %max3A_1285 = arith.maximumf %max3A_1275, %gather3A_1284 : vector<16xf32>
    %add3A_1286 = arith.constant 4 : i32
    %add3A_1287 = vector.broadcast %add3A_1286 : i32 to vector<16xi32>
    %add3A_1288 = arith.addi %mul3A_1238, %add3A_1287 : vector<16xi32>
    %gather3A_1289 = tpu.vector_load_idx %arg13[%add3A_1288] : memref<2048xf32, #tpu.memory_space<vmem>>[vector<16xi32>], vector<16xf32>,
    %add3A_1290 = arith.addf %add3A_1280, %gather3A_1289 : vector<16xf32>
    %add3A_1291 = arith.constant 5 : i32
    %add3A_1292 = vector.broadcast %add3A_1291 : i32 to vector<16xi32>
    %add3A_1293 = arith.addi %mul3A_1238, %add3A_1292 : vector<16xi32>
    %gather3A_1294 = tpu.vector_load_idx %arg12[%add3A_1293] : memref<2048xf32, #tpu.memory_space<vmem>>[vector<16xi32>], vector<16xf32>,
    %max3A_1295 = arith.maximumf %max3A_1285, %gather3A_1294 : vector<16xf32>
    %add3A_1296 = arith.constant 5 : i32
    %add3A_1297 = vector.broadcast %add3A_1296 : i32 to vector<16xi32>
    %add3A_1298 = arith.addi %mul3A_1238, %add3A_1297 : vector<16xi32>
    %gather3A_1299 = tpu.vector_load_idx %arg13[%add3A_1298] : memref<2048xf32, #tpu.memory_space<vmem>>[vector<16xi32>], vector<16xf32>,
    %add3A_1300 = arith.addf %add3A_1290, %gather3A_1299 : vector<16xf32>
    %add3A_1301 = arith.constant 6 : i32
    %add3A_1302 = vector.broadcast %add3A_1301 : i32 to vector<16xi32>
    %add3A_1303 = arith.addi %mul3A_1238, %add3A_1302 : vector<16xi32>
    %gather3A_1304 = tpu.vector_load_idx %arg12[%add3A_1303] : memref<2048xf32, #tpu.memory_space<vmem>>[vector<16xi32>], vector<16xf32>,
    %max3A_1305 = arith.maximumf %max3A_1295, %gather3A_1304 : vector<16xf32>
    %add3A_1306 = arith.constant 6 : i32
    %add3A_1307 = vector.broadcast %add3A_1306 : i32 to vector<16xi32>
    %add3A_1308 = arith.addi %mul3A_1238, %add3A_1307 : vector<16xi32>
    %gather3A_1309 = tpu.vector_load_idx %arg13[%add3A_1308] : memref<2048xf32, #tpu.memory_space<vmem>>[vector<16xi32>], vector<16xf32>,
    %add3A_1310 = arith.addf %add3A_1300, %gather3A_1309 : vector<16xf32>
    %add3A_1311 = arith.constant 7 : i32
    %add3A_1312 = vector.broadcast %add3A_1311 : i32 to vector<16xi32>
    %add3A_1313 = arith.addi %mul3A_1238, %add3A_1312 : vector<16xi32>
    %gather3A_1314 = tpu.vector_load_idx %arg12[%add3A_1313] : memref<2048xf32, #tpu.memory_space<vmem>>[vector<16xi32>], vector<16xf32>,
    %max3A_1315 = arith.maximumf %max3A_1305, %gather3A_1314 : vector<16xf32>
    %add3A_1316 = arith.constant 7 : i32
    %add3A_1317 = vector.broadcast %add3A_1316 : i32 to vector<16xi32>
    %add3A_1318 = arith.addi %mul3A_1238, %add3A_1317 : vector<16xi32>
    %gather3A_1319 = tpu.vector_load_idx %arg13[%add3A_1318] : memref<2048xf32, #tpu.memory_space<vmem>>[vector<16xi32>], vector<16xf32>,
    %add3A_1320 = arith.addf %add3A_1310, %gather3A_1319 : vector<16xf32>
    %add3A_1321 = arith.constant 8 : i32
    %add3A_1322 = vector.broadcast %add3A_1321 : i32 to vector<16xi32>
    %add3A_1323 = arith.addi %mul3A_1238, %add3A_1322 : vector<16xi32>
    %gather3A_1324 = tpu.vector_load_idx %arg12[%add3A_1323] : memref<2048xf32, #tpu.memory_space<vmem>>[vector<16xi32>], vector<16xf32>,
    %max3A_1325 = arith.maximumf %max3A_1315, %gather3A_1324 : vector<16xf32>
    %add3A_1326 = arith.constant 8 : i32
    %add3A_1327 = vector.broadcast %add3A_1326 : i32 to vector<16xi32>
    %add3A_1328 = arith.addi %mul3A_1238, %add3A_1327 : vector<16xi32>
    %gather3A_1329 = tpu.vector_load_idx %arg13[%add3A_1328] : memref<2048xf32, #tpu.memory_space<vmem>>[vector<16xi32>], vector<16xf32>,
    %add3A_1330 = arith.addf %add3A_1320, %gather3A_1329 : vector<16xf32>
    %add3A_1331 = arith.constant 9 : i32
    %add3A_1332 = vector.broadcast %add3A_1331 : i32 to vector<16xi32>
    %add3A_1333 = arith.addi %mul3A_1238, %add3A_1332 : vector<16xi32>
    %gather3A_1334 = tpu.vector_load_idx %arg12[%add3A_1333] : memref<2048xf32, #tpu.memory_space<vmem>>[vector<16xi32>], vector<16xf32>,
    %max3A_1335 = arith.maximumf %max3A_1325, %gather3A_1334 : vector<16xf32>
    %add3A_1336 = arith.constant 9 : i32
    %add3A_1337 = vector.broadcast %add3A_1336 : i32 to vector<16xi32>
    %add3A_1338 = arith.addi %mul3A_1238, %add3A_1337 : vector<16xi32>
    %gather3A_1339 = tpu.vector_load_idx %arg13[%add3A_1338] : memref<2048xf32, #tpu.memory_space<vmem>>[vector<16xi32>], vector<16xf32>,
    %add3A_1340 = arith.addf %add3A_1330, %gather3A_1339 : vector<16xf32>
    %add3A_1341 = arith.constant 10 : i32
    %add3A_1342 = vector.broadcast %add3A_1341 : i32 to vector<16xi32>
    %add3A_1343 = arith.addi %mul3A_1238, %add3A_1342 : vector<16xi32>
    %gather3A_1344 = tpu.vector_load_idx %arg12[%add3A_1343] : memref<2048xf32, #tpu.memory_space<vmem>>[vector<16xi32>], vector<16xf32>,
    %max3A_1345 = arith.maximumf %max3A_1335, %gather3A_1344 : vector<16xf32>
    %add3A_1346 = arith.constant 10 : i32
    %add3A_1347 = vector.broadcast %add3A_1346 : i32 to vector<16xi32>
    %add3A_1348 = arith.addi %mul3A_1238, %add3A_1347 : vector<16xi32>
    %gather3A_1349 = tpu.vector_load_idx %arg13[%add3A_1348] : memref<2048xf32, #tpu.memory_space<vmem>>[vector<16xi32>], vector<16xf32>,
    %add3A_1350 = arith.addf %add3A_1340, %gather3A_1349 : vector<16xf32>
    %add3A_1351 = arith.constant 11 : i32
    %add3A_1352 = vector.broadcast %add3A_1351 : i32 to vector<16xi32>
    %add3A_1353 = arith.addi %mul3A_1238, %add3A_1352 : vector<16xi32>
    %gather3A_1354 = tpu.vector_load_idx %arg12[%add3A_1353] : memref<2048xf32, #tpu.memory_space<vmem>>[vector<16xi32>], vector<16xf32>,
    %max3A_1355 = arith.maximumf %max3A_1345, %gather3A_1354 : vector<16xf32>
    %add3A_1356 = arith.constant 11 : i32
    %add3A_1357 = vector.broadcast %add3A_1356 : i32 to vector<16xi32>
    %add3A_1358 = arith.addi %mul3A_1238, %add3A_1357 : vector<16xi32>
    %gather3A_1359 = tpu.vector_load_idx %arg13[%add3A_1358] : memref<2048xf32, #tpu.memory_space<vmem>>[vector<16xi32>], vector<16xf32>,
    %add3A_1360 = arith.addf %add3A_1350, %gather3A_1359 : vector<16xf32>
    %add3A_1361 = arith.constant 12 : i32
    %add3A_1362 = vector.broadcast %add3A_1361 : i32 to vector<16xi32>
    %add3A_1363 = arith.addi %mul3A_1238, %add3A_1362 : vector<16xi32>
    %gather3A_1364 = tpu.vector_load_idx %arg12[%add3A_1363] : memref<2048xf32, #tpu.memory_space<vmem>>[vector<16xi32>], vector<16xf32>,
    %max3A_1365 = arith.maximumf %max3A_1355, %gather3A_1364 : vector<16xf32>
    %add3A_1366 = arith.constant 12 : i32
    %add3A_1367 = vector.broadcast %add3A_1366 : i32 to vector<16xi32>
    %add3A_1368 = arith.addi %mul3A_1238, %add3A_1367 : vector<16xi32>
    %gather3A_1369 = tpu.vector_load_idx %arg13[%add3A_1368] : memref<2048xf32, #tpu.memory_space<vmem>>[vector<16xi32>], vector<16xf32>,
    %add3A_1370 = arith.addf %add3A_1360, %gather3A_1369 : vector<16xf32>
    %add3A_1371 = arith.constant 13 : i32
    %add3A_1372 = vector.broadcast %add3A_1371 : i32 to vector<16xi32>
    %add3A_1373 = arith.addi %mul3A_1238, %add3A_1372 : vector<16xi32>
    %gather3A_1374 = tpu.vector_load_idx %arg12[%add3A_1373] : memref<2048xf32, #tpu.memory_space<vmem>>[vector<16xi32>], vector<16xf32>,
    %max3A_1375 = arith.maximumf %max3A_1365, %gather3A_1374 : vector<16xf32>
    %add3A_1376 = arith.constant 13 : i32
    %add3A_1377 = vector.broadcast %add3A_1376 : i32 to vector<16xi32>
    %add3A_1378 = arith.addi %mul3A_1238, %add3A_1377 : vector<16xi32>
    %gather3A_1379 = tpu.vector_load_idx %arg13[%add3A_1378] : memref<2048xf32, #tpu.memory_space<vmem>>[vector<16xi32>], vector<16xf32>,
    %add3A_1380 = arith.addf %add3A_1370, %gather3A_1379 : vector<16xf32>
    %add3A_1381 = arith.constant 14 : i32
    %add3A_1382 = vector.broadcast %add3A_1381 : i32 to vector<16xi32>
    %add3A_1383 = arith.addi %mul3A_1238, %add3A_1382 : vector<16xi32>
    %gather3A_1384 = tpu.vector_load_idx %arg12[%add3A_1383] : memref<2048xf32, #tpu.memory_space<vmem>>[vector<16xi32>], vector<16xf32>,
    %max3A_1385 = arith.maximumf %max3A_1375, %gather3A_1384 : vector<16xf32>
    %add3A_1386 = arith.constant 14 : i32
    %add3A_1387 = vector.broadcast %add3A_1386 : i32 to vector<16xi32>
    %add3A_1388 = arith.addi %mul3A_1238, %add3A_1387 : vector<16xi32>
    %gather3A_1389 = tpu.vector_load_idx %arg13[%add3A_1388] : memref<2048xf32, #tpu.memory_space<vmem>>[vector<16xi32>], vector<16xf32>,
    %add3A_1390 = arith.addf %add3A_1380, %gather3A_1389 : vector<16xf32>
    %add3A_1391 = arith.constant 15 : i32
    %add3A_1392 = vector.broadcast %add3A_1391 : i32 to vector<16xi32>
    %add3A_1393 = arith.addi %mul3A_1238, %add3A_1392 : vector<16xi32>
    %gather3A_1394 = tpu.vector_load_idx %arg12[%add3A_1393] : memref<2048xf32, #tpu.memory_space<vmem>>[vector<16xi32>], vector<16xf32>,
    %max3A_1395 = arith.maximumf %max3A_1385, %gather3A_1394 : vector<16xf32>
    %add3A_1396 = arith.constant 15 : i32
    %add3A_1397 = vector.broadcast %add3A_1396 : i32 to vector<16xi32>
    %add3A_1398 = arith.addi %mul3A_1238, %add3A_1397 : vector<16xi32>
    %gather3A_1399 = tpu.vector_load_idx %arg13[%add3A_1398] : memref<2048xf32, #tpu.memory_space<vmem>>[vector<16xi32>], vector<16xf32>,
    %add3A_1400 = arith.addf %add3A_1390, %gather3A_1399 : vector<16xf32>
    %swap3A_1401 = arith.constant 112 : index
    %swap3A_1402 = tpu.vector_load %arg15[%swap3A_1401] {strides = array<i32>} : memref<128xf32, #tpu.memory_space<vmem>>, vector<16xf32>,
    tpu.vector_store %arg15[%swap3A_1401], %max3A_1395 {strides = array<i32>} : memref<128xf32, #tpu.memory_space<vmem>>, vector<16xf32>,
    %swap3A_1403 = arith.constant 112 : index
    %swap3A_1404 = tpu.vector_load %arg16[%swap3A_1403] {strides = array<i32>} : memref<128xf32, #tpu.memory_space<vmem>>, vector<16xf32>,
    tpu.vector_store %arg16[%swap3A_1403], %add3A_1400 {strides = array<i32>} : memref<128xf32, #tpu.memory_space<vmem>>, vector<16xf32>,
    %add3A_1405 = arith.constant 0 : i32
    %add3A_1406 = vector.broadcast %add3A_1405 : i32 to vector<16xi32>
    %add3A_1407 = arith.addi %add3A_1406, %iota3A : vector<16xi32>
    %get3A_1408 = arith.constant 0 : index
    %get3A_1409 = tpu.vector_load %arg16[%get3A_1408] {strides = array<i32>} : memref<128xf32, #tpu.memory_space<vmem>>, vector<16xf32>,
    %gt3A = arith.constant 0.000000e+00 : f32
    %gt3A_1410 = vector.broadcast %gt3A : f32 to vector<16xf32>
    %gt3A_1411 = arith.cmpf ogt, %get3A_1409, %gt3A_1410 : vector<16xf32>
    %lt3A_1412 = arith.constant 100 : i32
    %lt3A_1413 = vector.broadcast %lt3A_1412 : i32 to vector<16xi32>
    %lt3A_1414 = arith.cmpi slt, %add3A_1407, %lt3A_1413 : vector<16xi32>
    %and3A = arith.andi %gt3A_1411, %lt3A_1414 : vector<16xi1>
    %get3A_1415 = arith.constant 0 : index
    %get3A_1416 = tpu.vector_load %arg11[%get3A_1415] {strides = array<i32>} : memref<128xf32, #tpu.memory_space<vmem>>, vector<16xf32>,
    %jit3A_1417 = arith.constant 0xFF800000 : f32
    %broadcast_in_dim3A_1418 = vector.broadcast %jit3A_1417 : f32 to vector<16xf32>
    %select_n3A_1419 = arith.select %and3A, %get3A_1416, %broadcast_in_dim3A_1418 : vector<16xi1>, vector<16xf32>
    %swap3A_1420 = arith.constant 0 : index
    %swap3A_1421 = tpu.vector_load %arg19[%swap3A_1420] {strides = array<i32>} : memref<128xf32, #tpu.memory_space<vmem>>, vector<16xf32>,
    tpu.vector_store %arg19[%swap3A_1420], %select_n3A_1419 {strides = array<i32>} : memref<128xf32, #tpu.memory_space<vmem>>, vector<16xf32>,
    %reduce_max3A = arith.constant true
    %reduce_max3A_1422 = vector.broadcast %reduce_max3A : i1 to vector<16xi1>
    %reduce_max3A_1423 = tpu.scan <max>, %select_n3A_1419 masked %reduce_max3A_1422 : vector<16xf32>, vector<16xi1> -> vector<16xf32>
    %reduce_max3A_1424 = vector.extract %reduce_max3A_1423[15] : f32 from vector<16xf32>
    %max3A_1425 = arith.constant 0xFF800000 : f32
    %max3A_1426 = arith.maximumf %max3A_1425, %reduce_max3A_1424 : f32
    %add3A_1427 = arith.constant 16 : i32
    %add3A_1428 = vector.broadcast %add3A_1427 : i32 to vector<16xi32>
    %add3A_1429 = arith.addi %add3A_1428, %iota3A : vector<16xi32>
    %get3A_1430 = arith.constant 16 : index
    %get3A_1431 = tpu.vector_load %arg16[%get3A_1430] {strides = array<i32>} : memref<128xf32, #tpu.memory_space<vmem>>, vector<16xf32>,
    %gt3A_1432 = arith.constant 0.000000e+00 : f32
    %gt3A_1433 = vector.broadcast %gt3A_1432 : f32 to vector<16xf32>
    %gt3A_1434 = arith.cmpf ogt, %get3A_1431, %gt3A_1433 : vector<16xf32>
    %lt3A_1435 = arith.constant 100 : i32
    %lt3A_1436 = vector.broadcast %lt3A_1435 : i32 to vector<16xi32>
    %lt3A_1437 = arith.cmpi slt, %add3A_1429, %lt3A_1436 : vector<16xi32>
    %and3A_1438 = arith.andi %gt3A_1434, %lt3A_1437 : vector<16xi1>
    %get3A_1439 = arith.constant 16 : index
    %get3A_1440 = tpu.vector_load %arg11[%get3A_1439] {strides = array<i32>} : memref<128xf32, #tpu.memory_space<vmem>>, vector<16xf32>,
    %jit3A_1441 = arith.constant 0xFF800000 : f32
    %broadcast_in_dim3A_1442 = vector.broadcast %jit3A_1441 : f32 to vector<16xf32>
    %select_n3A_1443 = arith.select %and3A_1438, %get3A_1440, %broadcast_in_dim3A_1442 : vector<16xi1>, vector<16xf32>
    %swap3A_1444 = arith.constant 16 : index
    %swap3A_1445 = tpu.vector_load %arg19[%swap3A_1444] {strides = array<i32>} : memref<128xf32, #tpu.memory_space<vmem>>, vector<16xf32>,
    tpu.vector_store %arg19[%swap3A_1444], %select_n3A_1443 {strides = array<i32>} : memref<128xf32, #tpu.memory_space<vmem>>, vector<16xf32>,
    %reduce_max3A_1446 = arith.constant true
    %reduce_max3A_1447 = vector.broadcast %reduce_max3A_1446 : i1 to vector<16xi1>
    %reduce_max3A_1448 = tpu.scan <max>, %select_n3A_1443 masked %reduce_max3A_1447 : vector<16xf32>, vector<16xi1> -> vector<16xf32>
    %reduce_max3A_1449 = vector.extract %reduce_max3A_1448[15] : f32 from vector<16xf32>
    %max3A_1450 = arith.maximumf %max3A_1426, %reduce_max3A_1449 : f32
    %add3A_1451 = arith.constant 32 : i32
    %add3A_1452 = vector.broadcast %add3A_1451 : i32 to vector<16xi32>
    %add3A_1453 = arith.addi %add3A_1452, %iota3A : vector<16xi32>
    %get3A_1454 = arith.constant 32 : index
    %get3A_1455 = tpu.vector_load %arg16[%get3A_1454] {strides = array<i32>} : memref<128xf32, #tpu.memory_space<vmem>>, vector<16xf32>,
    %gt3A_1456 = arith.constant 0.000000e+00 : f32
    %gt3A_1457 = vector.broadcast %gt3A_1456 : f32 to vector<16xf32>
    %gt3A_1458 = arith.cmpf ogt, %get3A_1455, %gt3A_1457 : vector<16xf32>
    %lt3A_1459 = arith.constant 100 : i32
    %lt3A_1460 = vector.broadcast %lt3A_1459 : i32 to vector<16xi32>
    %lt3A_1461 = arith.cmpi slt, %add3A_1453, %lt3A_1460 : vector<16xi32>
    %and3A_1462 = arith.andi %gt3A_1458, %lt3A_1461 : vector<16xi1>
    %get3A_1463 = arith.constant 32 : index
    %get3A_1464 = tpu.vector_load %arg11[%get3A_1463] {strides = array<i32>} : memref<128xf32, #tpu.memory_space<vmem>>, vector<16xf32>,
    %jit3A_1465 = arith.constant 0xFF800000 : f32
    %broadcast_in_dim3A_1466 = vector.broadcast %jit3A_1465 : f32 to vector<16xf32>
    %select_n3A_1467 = arith.select %and3A_1462, %get3A_1464, %broadcast_in_dim3A_1466 : vector<16xi1>, vector<16xf32>
    %swap3A_1468 = arith.constant 32 : index
    %swap3A_1469 = tpu.vector_load %arg19[%swap3A_1468] {strides = array<i32>} : memref<128xf32, #tpu.memory_space<vmem>>, vector<16xf32>,
    tpu.vector_store %arg19[%swap3A_1468], %select_n3A_1467 {strides = array<i32>} : memref<128xf32, #tpu.memory_space<vmem>>, vector<16xf32>,
    %reduce_max3A_1470 = arith.constant true
    %reduce_max3A_1471 = vector.broadcast %reduce_max3A_1470 : i1 to vector<16xi1>
    %reduce_max3A_1472 = tpu.scan <max>, %select_n3A_1467 masked %reduce_max3A_1471 : vector<16xf32>, vector<16xi1> -> vector<16xf32>
    %reduce_max3A_1473 = vector.extract %reduce_max3A_1472[15] : f32 from vector<16xf32>
    %max3A_1474 = arith.maximumf %max3A_1450, %reduce_max3A_1473 : f32
    %add3A_1475 = arith.constant 48 : i32
    %add3A_1476 = vector.broadcast %add3A_1475 : i32 to vector<16xi32>
    %add3A_1477 = arith.addi %add3A_1476, %iota3A : vector<16xi32>
    %get3A_1478 = arith.constant 48 : index
    %get3A_1479 = tpu.vector_load %arg16[%get3A_1478] {strides = array<i32>} : memref<128xf32, #tpu.memory_space<vmem>>, vector<16xf32>,
    %gt3A_1480 = arith.constant 0.000000e+00 : f32
    %gt3A_1481 = vector.broadcast %gt3A_1480 : f32 to vector<16xf32>
    %gt3A_1482 = arith.cmpf ogt, %get3A_1479, %gt3A_1481 : vector<16xf32>
    %lt3A_1483 = arith.constant 100 : i32
    %lt3A_1484 = vector.broadcast %lt3A_1483 : i32 to vector<16xi32>
    %lt3A_1485 = arith.cmpi slt, %add3A_1477, %lt3A_1484 : vector<16xi32>
    %and3A_1486 = arith.andi %gt3A_1482, %lt3A_1485 : vector<16xi1>
    %get3A_1487 = arith.constant 48 : index
    %get3A_1488 = tpu.vector_load %arg11[%get3A_1487] {strides = array<i32>} : memref<128xf32, #tpu.memory_space<vmem>>, vector<16xf32>,
    %jit3A_1489 = arith.constant 0xFF800000 : f32
    %broadcast_in_dim3A_1490 = vector.broadcast %jit3A_1489 : f32 to vector<16xf32>
    %select_n3A_1491 = arith.select %and3A_1486, %get3A_1488, %broadcast_in_dim3A_1490 : vector<16xi1>, vector<16xf32>
    %swap3A_1492 = arith.constant 48 : index
    %swap3A_1493 = tpu.vector_load %arg19[%swap3A_1492] {strides = array<i32>} : memref<128xf32, #tpu.memory_space<vmem>>, vector<16xf32>,
    tpu.vector_store %arg19[%swap3A_1492], %select_n3A_1491 {strides = array<i32>} : memref<128xf32, #tpu.memory_space<vmem>>, vector<16xf32>,
    %reduce_max3A_1494 = arith.constant true
    %reduce_max3A_1495 = vector.broadcast %reduce_max3A_1494 : i1 to vector<16xi1>
    %reduce_max3A_1496 = tpu.scan <max>, %select_n3A_1491 masked %reduce_max3A_1495 : vector<16xf32>, vector<16xi1> -> vector<16xf32>
    %reduce_max3A_1497 = vector.extract %reduce_max3A_1496[15] : f32 from vector<16xf32>
    %max3A_1498 = arith.maximumf %max3A_1474, %reduce_max3A_1497 : f32
    %add3A_1499 = arith.constant 64 : i32
    %add3A_1500 = vector.broadcast %add3A_1499 : i32 to vector<16xi32>
    %add3A_1501 = arith.addi %add3A_1500, %iota3A : vector<16xi32>
    %get3A_1502 = arith.constant 64 : index
    %get3A_1503 = tpu.vector_load %arg16[%get3A_1502] {strides = array<i32>} : memref<128xf32, #tpu.memory_space<vmem>>, vector<16xf32>,
    %gt3A_1504 = arith.constant 0.000000e+00 : f32
    %gt3A_1505 = vector.broadcast %gt3A_1504 : f32 to vector<16xf32>
    %gt3A_1506 = arith.cmpf ogt, %get3A_1503, %gt3A_1505 : vector<16xf32>
    %lt3A_1507 = arith.constant 100 : i32
    %lt3A_1508 = vector.broadcast %lt3A_1507 : i32 to vector<16xi32>
    %lt3A_1509 = arith.cmpi slt, %add3A_1501, %lt3A_1508 : vector<16xi32>
    %and3A_1510 = arith.andi %gt3A_1506, %lt3A_1509 : vector<16xi1>
    %get3A_1511 = arith.constant 64 : index
    %get3A_1512 = tpu.vector_load %arg11[%get3A_1511] {strides = array<i32>} : memref<128xf32, #tpu.memory_space<vmem>>, vector<16xf32>,
    %jit3A_1513 = arith.constant 0xFF800000 : f32
    %broadcast_in_dim3A_1514 = vector.broadcast %jit3A_1513 : f32 to vector<16xf32>
    %select_n3A_1515 = arith.select %and3A_1510, %get3A_1512, %broadcast_in_dim3A_1514 : vector<16xi1>, vector<16xf32>
    %swap3A_1516 = arith.constant 64 : index
    %swap3A_1517 = tpu.vector_load %arg19[%swap3A_1516] {strides = array<i32>} : memref<128xf32, #tpu.memory_space<vmem>>, vector<16xf32>,
    tpu.vector_store %arg19[%swap3A_1516], %select_n3A_1515 {strides = array<i32>} : memref<128xf32, #tpu.memory_space<vmem>>, vector<16xf32>,
    %reduce_max3A_1518 = arith.constant true
    %reduce_max3A_1519 = vector.broadcast %reduce_max3A_1518 : i1 to vector<16xi1>
    %reduce_max3A_1520 = tpu.scan <max>, %select_n3A_1515 masked %reduce_max3A_1519 : vector<16xf32>, vector<16xi1> -> vector<16xf32>
    %reduce_max3A_1521 = vector.extract %reduce_max3A_1520[15] : f32 from vector<16xf32>
    %max3A_1522 = arith.maximumf %max3A_1498, %reduce_max3A_1521 : f32
    %add3A_1523 = arith.constant 80 : i32
    %add3A_1524 = vector.broadcast %add3A_1523 : i32 to vector<16xi32>
    %add3A_1525 = arith.addi %add3A_1524, %iota3A : vector<16xi32>
    %get3A_1526 = arith.constant 80 : index
    %get3A_1527 = tpu.vector_load %arg16[%get3A_1526] {strides = array<i32>} : memref<128xf32, #tpu.memory_space<vmem>>, vector<16xf32>,
    %gt3A_1528 = arith.constant 0.000000e+00 : f32
    %gt3A_1529 = vector.broadcast %gt3A_1528 : f32 to vector<16xf32>
    %gt3A_1530 = arith.cmpf ogt, %get3A_1527, %gt3A_1529 : vector<16xf32>
    %lt3A_1531 = arith.constant 100 : i32
    %lt3A_1532 = vector.broadcast %lt3A_1531 : i32 to vector<16xi32>
    %lt3A_1533 = arith.cmpi slt, %add3A_1525, %lt3A_1532 : vector<16xi32>
    %and3A_1534 = arith.andi %gt3A_1530, %lt3A_1533 : vector<16xi1>
    %get3A_1535 = arith.constant 80 : index
    %get3A_1536 = tpu.vector_load %arg11[%get3A_1535] {strides = array<i32>} : memref<128xf32, #tpu.memory_space<vmem>>, vector<16xf32>,
    %jit3A_1537 = arith.constant 0xFF800000 : f32
    %broadcast_in_dim3A_1538 = vector.broadcast %jit3A_1537 : f32 to vector<16xf32>
    %select_n3A_1539 = arith.select %and3A_1534, %get3A_1536, %broadcast_in_dim3A_1538 : vector<16xi1>, vector<16xf32>
    %swap3A_1540 = arith.constant 80 : index
    %swap3A_1541 = tpu.vector_load %arg19[%swap3A_1540] {strides = array<i32>} : memref<128xf32, #tpu.memory_space<vmem>>, vector<16xf32>,
    tpu.vector_store %arg19[%swap3A_1540], %select_n3A_1539 {strides = array<i32>} : memref<128xf32, #tpu.memory_space<vmem>>, vector<16xf32>,
    %reduce_max3A_1542 = arith.constant true
    %reduce_max3A_1543 = vector.broadcast %reduce_max3A_1542 : i1 to vector<16xi1>
    %reduce_max3A_1544 = tpu.scan <max>, %select_n3A_1539 masked %reduce_max3A_1543 : vector<16xf32>, vector<16xi1> -> vector<16xf32>
    %reduce_max3A_1545 = vector.extract %reduce_max3A_1544[15] : f32 from vector<16xf32>
    %max3A_1546 = arith.maximumf %max3A_1522, %reduce_max3A_1545 : f32
    %add3A_1547 = arith.constant 96 : i32
    %add3A_1548 = vector.broadcast %add3A_1547 : i32 to vector<16xi32>
    %add3A_1549 = arith.addi %add3A_1548, %iota3A : vector<16xi32>
    %get3A_1550 = arith.constant 96 : index
    %get3A_1551 = tpu.vector_load %arg16[%get3A_1550] {strides = array<i32>} : memref<128xf32, #tpu.memory_space<vmem>>, vector<16xf32>,
    %gt3A_1552 = arith.constant 0.000000e+00 : f32
    %gt3A_1553 = vector.broadcast %gt3A_1552 : f32 to vector<16xf32>
    %gt3A_1554 = arith.cmpf ogt, %get3A_1551, %gt3A_1553 : vector<16xf32>
    %lt3A_1555 = arith.constant 100 : i32
    %lt3A_1556 = vector.broadcast %lt3A_1555 : i32 to vector<16xi32>
    %lt3A_1557 = arith.cmpi slt, %add3A_1549, %lt3A_1556 : vector<16xi32>
    %and3A_1558 = arith.andi %gt3A_1554, %lt3A_1557 : vector<16xi1>
    %get3A_1559 = arith.constant 96 : index
    %get3A_1560 = tpu.vector_load %arg11[%get3A_1559] {strides = array<i32>} : memref<128xf32, #tpu.memory_space<vmem>>, vector<16xf32>,
    %jit3A_1561 = arith.constant 0xFF800000 : f32
    %broadcast_in_dim3A_1562 = vector.broadcast %jit3A_1561 : f32 to vector<16xf32>
    %select_n3A_1563 = arith.select %and3A_1558, %get3A_1560, %broadcast_in_dim3A_1562 : vector<16xi1>, vector<16xf32>
    %swap3A_1564 = arith.constant 96 : index
    %swap3A_1565 = tpu.vector_load %arg19[%swap3A_1564] {strides = array<i32>} : memref<128xf32, #tpu.memory_space<vmem>>, vector<16xf32>,
    tpu.vector_store %arg19[%swap3A_1564], %select_n3A_1563 {strides = array<i32>} : memref<128xf32, #tpu.memory_space<vmem>>, vector<16xf32>,
    %reduce_max3A_1566 = arith.constant true
    %reduce_max3A_1567 = vector.broadcast %reduce_max3A_1566 : i1 to vector<16xi1>
    %reduce_max3A_1568 = tpu.scan <max>, %select_n3A_1563 masked %reduce_max3A_1567 : vector<16xf32>, vector<16xi1> -> vector<16xf32>
    %reduce_max3A_1569 = vector.extract %reduce_max3A_1568[15] : f32 from vector<16xf32>
    %max3A_1570 = arith.maximumf %max3A_1546, %reduce_max3A_1569 : f32
    %add3A_1571 = arith.constant 112 : i32
    %add3A_1572 = vector.broadcast %add3A_1571 : i32 to vector<16xi32>
    %add3A_1573 = arith.addi %add3A_1572, %iota3A : vector<16xi32>
    %get3A_1574 = arith.constant 112 : index
    %get3A_1575 = tpu.vector_load %arg16[%get3A_1574] {strides = array<i32>} : memref<128xf32, #tpu.memory_space<vmem>>, vector<16xf32>,
    %gt3A_1576 = arith.constant 0.000000e+00 : f32
    %gt3A_1577 = vector.broadcast %gt3A_1576 : f32 to vector<16xf32>
    %gt3A_1578 = arith.cmpf ogt, %get3A_1575, %gt3A_1577 : vector<16xf32>
    %lt3A_1579 = arith.constant 100 : i32
    %lt3A_1580 = vector.broadcast %lt3A_1579 : i32 to vector<16xi32>
    %lt3A_1581 = arith.cmpi slt, %add3A_1573, %lt3A_1580 : vector<16xi32>
    %and3A_1582 = arith.andi %gt3A_1578, %lt3A_1581 : vector<16xi1>
    %get3A_1583 = arith.constant 112 : index
    %get3A_1584 = tpu.vector_load %arg11[%get3A_1583] {strides = array<i32>} : memref<128xf32, #tpu.memory_space<vmem>>, vector<16xf32>,
    %jit3A_1585 = arith.constant 0xFF800000 : f32
    %broadcast_in_dim3A_1586 = vector.broadcast %jit3A_1585 : f32 to vector<16xf32>
    %select_n3A_1587 = arith.select %and3A_1582, %get3A_1584, %broadcast_in_dim3A_1586 : vector<16xi1>, vector<16xf32>
    %swap3A_1588 = arith.constant 112 : index
    %swap3A_1589 = tpu.vector_load %arg19[%swap3A_1588] {strides = array<i32>} : memref<128xf32, #tpu.memory_space<vmem>>, vector<16xf32>,
    tpu.vector_store %arg19[%swap3A_1588], %select_n3A_1587 {strides = array<i32>} : memref<128xf32, #tpu.memory_space<vmem>>, vector<16xf32>,
    %reduce_max3A_1590 = arith.constant true
    %reduce_max3A_1591 = vector.broadcast %reduce_max3A_1590 : i1 to vector<16xi1>
    %reduce_max3A_1592 = tpu.scan <max>, %select_n3A_1587 masked %reduce_max3A_1591 : vector<16xf32>, vector<16xi1> -> vector<16xf32>
    %reduce_max3A_1593 = vector.extract %reduce_max3A_1592[15] : f32 from vector<16xf32>
    %max3A_1594 = arith.maximumf %max3A_1570, %reduce_max3A_1593 : f32
    %add3A_1595 = arith.constant 0 : i32
    %add3A_1596 = vector.broadcast %add3A_1595 : i32 to vector<16xi32>
    %add3A_1597 = arith.addi %add3A_1596, %iota3A : vector<16xi32>
    %get3A_1598 = arith.constant 0 : index
    %get3A_1599 = tpu.vector_load %arg16[%get3A_1598] {strides = array<i32>} : memref<128xf32, #tpu.memory_space<vmem>>, vector<16xf32>,
    %gt3A_1600 = arith.constant 0.000000e+00 : f32
    %gt3A_1601 = vector.broadcast %gt3A_1600 : f32 to vector<16xf32>
    %gt3A_1602 = arith.cmpf ogt, %get3A_1599, %gt3A_1601 : vector<16xf32>
    %lt3A_1603 = arith.constant 100 : i32
    %lt3A_1604 = vector.broadcast %lt3A_1603 : i32 to vector<16xi32>
    %lt3A_1605 = arith.cmpi slt, %add3A_1597, %lt3A_1604 : vector<16xi32>
    %and3A_1606 = arith.andi %gt3A_1602, %lt3A_1605 : vector<16xi1>
    %get3A_1607 = arith.constant 0 : index
    %get3A_1608 = tpu.vector_load %arg11[%get3A_1607] {strides = array<i32>} : memref<128xf32, #tpu.memory_space<vmem>>, vector<16xf32>,
    %sub3A = vector.broadcast %max3A_1594 : f32 to vector<16xf32>
    %sub3A_1609 = arith.subf %get3A_1608, %sub3A : vector<16xf32>
    %jit3A_1610 = arith.constant 0.000000e+00 : f32
    %broadcast_in_dim3A_1611 = vector.broadcast %jit3A_1610 : f32 to vector<16xf32>
    %select_n3A_1612 = arith.select %and3A_1606, %sub3A_1609, %broadcast_in_dim3A_1611 : vector<16xi1>, vector<16xf32>
    %exp3A = math.exp %select_n3A_1612 : vector<16xf32>
    %jit3A_1613 = arith.constant 0.000000e+00 : f32
    %broadcast_in_dim3A_1614 = vector.broadcast %jit3A_1613 : f32 to vector<16xf32>
    %select_n3A_1615 = arith.select %and3A_1606, %exp3A, %broadcast_in_dim3A_1614 : vector<16xi1>, vector<16xf32>
    %swap3A_1616 = arith.constant 0 : index
    %swap3A_1617 = tpu.vector_load %arg18[%swap3A_1616] {strides = array<i32>} : memref<128xf32, #tpu.memory_space<vmem>>, vector<16xf32>,
    tpu.vector_store %arg18[%swap3A_1616], %select_n3A_1615 {strides = array<i32>} : memref<128xf32, #tpu.memory_space<vmem>>, vector<16xf32>,
    %reduce_sum3A = arith.constant true
    %reduce_sum3A_1618 = vector.broadcast %reduce_sum3A : i1 to vector<16xi1>
    %reduce_sum3A_1619 = tpu.scan <sum>, %select_n3A_1615 masked %reduce_sum3A_1618 : vector<16xf32>, vector<16xi1> -> vector<16xf32>
    %reduce_sum3A_1620 = vector.extract %reduce_sum3A_1619[15] : f32 from vector<16xf32>
    %add3A_1621 = arith.constant 0.000000e+00 : f32
    %add3A_1622 = arith.addf %add3A_1621, %reduce_sum3A_1620 : f32
    %add3A_1623 = arith.constant 16 : i32
    %add3A_1624 = vector.broadcast %add3A_1623 : i32 to vector<16xi32>
    %add3A_1625 = arith.addi %add3A_1624, %iota3A : vector<16xi32>
    %get3A_1626 = arith.constant 16 : index
    %get3A_1627 = tpu.vector_load %arg16[%get3A_1626] {strides = array<i32>} : memref<128xf32, #tpu.memory_space<vmem>>, vector<16xf32>,
    %gt3A_1628 = arith.constant 0.000000e+00 : f32
    %gt3A_1629 = vector.broadcast %gt3A_1628 : f32 to vector<16xf32>
    %gt3A_1630 = arith.cmpf ogt, %get3A_1627, %gt3A_1629 : vector<16xf32>
    %lt3A_1631 = arith.constant 100 : i32
    %lt3A_1632 = vector.broadcast %lt3A_1631 : i32 to vector<16xi32>
    %lt3A_1633 = arith.cmpi slt, %add3A_1625, %lt3A_1632 : vector<16xi32>
    %and3A_1634 = arith.andi %gt3A_1630, %lt3A_1633 : vector<16xi1>
    %get3A_1635 = arith.constant 16 : index
    %get3A_1636 = tpu.vector_load %arg11[%get3A_1635] {strides = array<i32>} : memref<128xf32, #tpu.memory_space<vmem>>, vector<16xf32>,
    %sub3A_1637 = vector.broadcast %max3A_1594 : f32 to vector<16xf32>
    %sub3A_1638 = arith.subf %get3A_1636, %sub3A_1637 : vector<16xf32>
    %jit3A_1639 = arith.constant 0.000000e+00 : f32
    %broadcast_in_dim3A_1640 = vector.broadcast %jit3A_1639 : f32 to vector<16xf32>
    %select_n3A_1641 = arith.select %and3A_1634, %sub3A_1638, %broadcast_in_dim3A_1640 : vector<16xi1>, vector<16xf32>
    %exp3A_1642 = math.exp %select_n3A_1641 : vector<16xf32>
    %jit3A_1643 = arith.constant 0.000000e+00 : f32
    %broadcast_in_dim3A_1644 = vector.broadcast %jit3A_1643 : f32 to vector<16xf32>
    %select_n3A_1645 = arith.select %and3A_1634, %exp3A_1642, %broadcast_in_dim3A_1644 : vector<16xi1>, vector<16xf32>
    %swap3A_1646 = arith.constant 16 : index
    %swap3A_1647 = tpu.vector_load %arg18[%swap3A_1646] {strides = array<i32>} : memref<128xf32, #tpu.memory_space<vmem>>, vector<16xf32>,
    tpu.vector_store %arg18[%swap3A_1646], %select_n3A_1645 {strides = array<i32>} : memref<128xf32, #tpu.memory_space<vmem>>, vector<16xf32>,
    %reduce_sum3A_1648 = arith.constant true
    %reduce_sum3A_1649 = vector.broadcast %reduce_sum3A_1648 : i1 to vector<16xi1>
    %reduce_sum3A_1650 = tpu.scan <sum>, %select_n3A_1645 masked %reduce_sum3A_1649 : vector<16xf32>, vector<16xi1> -> vector<16xf32>
    %reduce_sum3A_1651 = vector.extract %reduce_sum3A_1650[15] : f32 from vector<16xf32>
    %add3A_1652 = arith.addf %add3A_1622, %reduce_sum3A_1651 : f32
    %add3A_1653 = arith.constant 32 : i32
    %add3A_1654 = vector.broadcast %add3A_1653 : i32 to vector<16xi32>
    %add3A_1655 = arith.addi %add3A_1654, %iota3A : vector<16xi32>
    %get3A_1656 = arith.constant 32 : index
    %get3A_1657 = tpu.vector_load %arg16[%get3A_1656] {strides = array<i32>} : memref<128xf32, #tpu.memory_space<vmem>>, vector<16xf32>,
    %gt3A_1658 = arith.constant 0.000000e+00 : f32
    %gt3A_1659 = vector.broadcast %gt3A_1658 : f32 to vector<16xf32>
    %gt3A_1660 = arith.cmpf ogt, %get3A_1657, %gt3A_1659 : vector<16xf32>
    %lt3A_1661 = arith.constant 100 : i32
    %lt3A_1662 = vector.broadcast %lt3A_1661 : i32 to vector<16xi32>
    %lt3A_1663 = arith.cmpi slt, %add3A_1655, %lt3A_1662 : vector<16xi32>
    %and3A_1664 = arith.andi %gt3A_1660, %lt3A_1663 : vector<16xi1>
    %get3A_1665 = arith.constant 32 : index
    %get3A_1666 = tpu.vector_load %arg11[%get3A_1665] {strides = array<i32>} : memref<128xf32, #tpu.memory_space<vmem>>, vector<16xf32>,
    %sub3A_1667 = vector.broadcast %max3A_1594 : f32 to vector<16xf32>
    %sub3A_1668 = arith.subf %get3A_1666, %sub3A_1667 : vector<16xf32>
    %jit3A_1669 = arith.constant 0.000000e+00 : f32
    %broadcast_in_dim3A_1670 = vector.broadcast %jit3A_1669 : f32 to vector<16xf32>
    %select_n3A_1671 = arith.select %and3A_1664, %sub3A_1668, %broadcast_in_dim3A_1670 : vector<16xi1>, vector<16xf32>
    %exp3A_1672 = math.exp %select_n3A_1671 : vector<16xf32>
    %jit3A_1673 = arith.constant 0.000000e+00 : f32
    %broadcast_in_dim3A_1674 = vector.broadcast %jit3A_1673 : f32 to vector<16xf32>
    %select_n3A_1675 = arith.select %and3A_1664, %exp3A_1672, %broadcast_in_dim3A_1674 : vector<16xi1>, vector<16xf32>
    %swap3A_1676 = arith.constant 32 : index
    %swap3A_1677 = tpu.vector_load %arg18[%swap3A_1676] {strides = array<i32>} : memref<128xf32, #tpu.memory_space<vmem>>, vector<16xf32>,
    tpu.vector_store %arg18[%swap3A_1676], %select_n3A_1675 {strides = array<i32>} : memref<128xf32, #tpu.memory_space<vmem>>, vector<16xf32>,
    %reduce_sum3A_1678 = arith.constant true
    %reduce_sum3A_1679 = vector.broadcast %reduce_sum3A_1678 : i1 to vector<16xi1>
    %reduce_sum3A_1680 = tpu.scan <sum>, %select_n3A_1675 masked %reduce_sum3A_1679 : vector<16xf32>, vector<16xi1> -> vector<16xf32>
    %reduce_sum3A_1681 = vector.extract %reduce_sum3A_1680[15] : f32 from vector<16xf32>
    %add3A_1682 = arith.addf %add3A_1652, %reduce_sum3A_1681 : f32
    %add3A_1683 = arith.constant 48 : i32
    %add3A_1684 = vector.broadcast %add3A_1683 : i32 to vector<16xi32>
    %add3A_1685 = arith.addi %add3A_1684, %iota3A : vector<16xi32>
    %get3A_1686 = arith.constant 48 : index
    %get3A_1687 = tpu.vector_load %arg16[%get3A_1686] {strides = array<i32>} : memref<128xf32, #tpu.memory_space<vmem>>, vector<16xf32>,
    %gt3A_1688 = arith.constant 0.000000e+00 : f32
    %gt3A_1689 = vector.broadcast %gt3A_1688 : f32 to vector<16xf32>
    %gt3A_1690 = arith.cmpf ogt, %get3A_1687, %gt3A_1689 : vector<16xf32>
    %lt3A_1691 = arith.constant 100 : i32
    %lt3A_1692 = vector.broadcast %lt3A_1691 : i32 to vector<16xi32>
    %lt3A_1693 = arith.cmpi slt, %add3A_1685, %lt3A_1692 : vector<16xi32>
    %and3A_1694 = arith.andi %gt3A_1690, %lt3A_1693 : vector<16xi1>
    %get3A_1695 = arith.constant 48 : index
    %get3A_1696 = tpu.vector_load %arg11[%get3A_1695] {strides = array<i32>} : memref<128xf32, #tpu.memory_space<vmem>>, vector<16xf32>,
    %sub3A_1697 = vector.broadcast %max3A_1594 : f32 to vector<16xf32>
    %sub3A_1698 = arith.subf %get3A_1696, %sub3A_1697 : vector<16xf32>
    %jit3A_1699 = arith.constant 0.000000e+00 : f32
    %broadcast_in_dim3A_1700 = vector.broadcast %jit3A_1699 : f32 to vector<16xf32>
    %select_n3A_1701 = arith.select %and3A_1694, %sub3A_1698, %broadcast_in_dim3A_1700 : vector<16xi1>, vector<16xf32>
    %exp3A_1702 = math.exp %select_n3A_1701 : vector<16xf32>
    %jit3A_1703 = arith.constant 0.000000e+00 : f32
    %broadcast_in_dim3A_1704 = vector.broadcast %jit3A_1703 : f32 to vector<16xf32>
    %select_n3A_1705 = arith.select %and3A_1694, %exp3A_1702, %broadcast_in_dim3A_1704 : vector<16xi1>, vector<16xf32>
    %swap3A_1706 = arith.constant 48 : index
    %swap3A_1707 = tpu.vector_load %arg18[%swap3A_1706] {strides = array<i32>} : memref<128xf32, #tpu.memory_space<vmem>>, vector<16xf32>,
    tpu.vector_store %arg18[%swap3A_1706], %select_n3A_1705 {strides = array<i32>} : memref<128xf32, #tpu.memory_space<vmem>>, vector<16xf32>,
    %reduce_sum3A_1708 = arith.constant true
    %reduce_sum3A_1709 = vector.broadcast %reduce_sum3A_1708 : i1 to vector<16xi1>
    %reduce_sum3A_1710 = tpu.scan <sum>, %select_n3A_1705 masked %reduce_sum3A_1709 : vector<16xf32>, vector<16xi1> -> vector<16xf32>
    %reduce_sum3A_1711 = vector.extract %reduce_sum3A_1710[15] : f32 from vector<16xf32>
    %add3A_1712 = arith.addf %add3A_1682, %reduce_sum3A_1711 : f32
    %add3A_1713 = arith.constant 64 : i32
    %add3A_1714 = vector.broadcast %add3A_1713 : i32 to vector<16xi32>
    %add3A_1715 = arith.addi %add3A_1714, %iota3A : vector<16xi32>
    %get3A_1716 = arith.constant 64 : index
    %get3A_1717 = tpu.vector_load %arg16[%get3A_1716] {strides = array<i32>} : memref<128xf32, #tpu.memory_space<vmem>>, vector<16xf32>,
    %gt3A_1718 = arith.constant 0.000000e+00 : f32
    %gt3A_1719 = vector.broadcast %gt3A_1718 : f32 to vector<16xf32>
    %gt3A_1720 = arith.cmpf ogt, %get3A_1717, %gt3A_1719 : vector<16xf32>
    %lt3A_1721 = arith.constant 100 : i32
    %lt3A_1722 = vector.broadcast %lt3A_1721 : i32 to vector<16xi32>
    %lt3A_1723 = arith.cmpi slt, %add3A_1715, %lt3A_1722 : vector<16xi32>
    %and3A_1724 = arith.andi %gt3A_1720, %lt3A_1723 : vector<16xi1>
    %get3A_1725 = arith.constant 64 : index
    %get3A_1726 = tpu.vector_load %arg11[%get3A_1725] {strides = array<i32>} : memref<128xf32, #tpu.memory_space<vmem>>, vector<16xf32>,
    %sub3A_1727 = vector.broadcast %max3A_1594 : f32 to vector<16xf32>
    %sub3A_1728 = arith.subf %get3A_1726, %sub3A_1727 : vector<16xf32>
    %jit3A_1729 = arith.constant 0.000000e+00 : f32
    %broadcast_in_dim3A_1730 = vector.broadcast %jit3A_1729 : f32 to vector<16xf32>
    %select_n3A_1731 = arith.select %and3A_1724, %sub3A_1728, %broadcast_in_dim3A_1730 : vector<16xi1>, vector<16xf32>
    %exp3A_1732 = math.exp %select_n3A_1731 : vector<16xf32>
    %jit3A_1733 = arith.constant 0.000000e+00 : f32
    %broadcast_in_dim3A_1734 = vector.broadcast %jit3A_1733 : f32 to vector<16xf32>
    %select_n3A_1735 = arith.select %and3A_1724, %exp3A_1732, %broadcast_in_dim3A_1734 : vector<16xi1>, vector<16xf32>
    %swap3A_1736 = arith.constant 64 : index
    %swap3A_1737 = tpu.vector_load %arg18[%swap3A_1736] {strides = array<i32>} : memref<128xf32, #tpu.memory_space<vmem>>, vector<16xf32>,
    tpu.vector_store %arg18[%swap3A_1736], %select_n3A_1735 {strides = array<i32>} : memref<128xf32, #tpu.memory_space<vmem>>, vector<16xf32>,
    %reduce_sum3A_1738 = arith.constant true
    %reduce_sum3A_1739 = vector.broadcast %reduce_sum3A_1738 : i1 to vector<16xi1>
    %reduce_sum3A_1740 = tpu.scan <sum>, %select_n3A_1735 masked %reduce_sum3A_1739 : vector<16xf32>, vector<16xi1> -> vector<16xf32>
    %reduce_sum3A_1741 = vector.extract %reduce_sum3A_1740[15] : f32 from vector<16xf32>
    %add3A_1742 = arith.addf %add3A_1712, %reduce_sum3A_1741 : f32
    %add3A_1743 = arith.constant 80 : i32
    %add3A_1744 = vector.broadcast %add3A_1743 : i32 to vector<16xi32>
    %add3A_1745 = arith.addi %add3A_1744, %iota3A : vector<16xi32>
    %get3A_1746 = arith.constant 80 : index
    %get3A_1747 = tpu.vector_load %arg16[%get3A_1746] {strides = array<i32>} : memref<128xf32, #tpu.memory_space<vmem>>, vector<16xf32>,
    %gt3A_1748 = arith.constant 0.000000e+00 : f32
    %gt3A_1749 = vector.broadcast %gt3A_1748 : f32 to vector<16xf32>
    %gt3A_1750 = arith.cmpf ogt, %get3A_1747, %gt3A_1749 : vector<16xf32>
    %lt3A_1751 = arith.constant 100 : i32
    %lt3A_1752 = vector.broadcast %lt3A_1751 : i32 to vector<16xi32>
    %lt3A_1753 = arith.cmpi slt, %add3A_1745, %lt3A_1752 : vector<16xi32>
    %and3A_1754 = arith.andi %gt3A_1750, %lt3A_1753 : vector<16xi1>
    %get3A_1755 = arith.constant 80 : index
    %get3A_1756 = tpu.vector_load %arg11[%get3A_1755] {strides = array<i32>} : memref<128xf32, #tpu.memory_space<vmem>>, vector<16xf32>,
    %sub3A_1757 = vector.broadcast %max3A_1594 : f32 to vector<16xf32>
    %sub3A_1758 = arith.subf %get3A_1756, %sub3A_1757 : vector<16xf32>
    %jit3A_1759 = arith.constant 0.000000e+00 : f32
    %broadcast_in_dim3A_1760 = vector.broadcast %jit3A_1759 : f32 to vector<16xf32>
    %select_n3A_1761 = arith.select %and3A_1754, %sub3A_1758, %broadcast_in_dim3A_1760 : vector<16xi1>, vector<16xf32>
    %exp3A_1762 = math.exp %select_n3A_1761 : vector<16xf32>
    %jit3A_1763 = arith.constant 0.000000e+00 : f32
    %broadcast_in_dim3A_1764 = vector.broadcast %jit3A_1763 : f32 to vector<16xf32>
    %select_n3A_1765 = arith.select %and3A_1754, %exp3A_1762, %broadcast_in_dim3A_1764 : vector<16xi1>, vector<16xf32>
    %swap3A_1766 = arith.constant 80 : index
    %swap3A_1767 = tpu.vector_load %arg18[%swap3A_1766] {strides = array<i32>} : memref<128xf32, #tpu.memory_space<vmem>>, vector<16xf32>,
    tpu.vector_store %arg18[%swap3A_1766], %select_n3A_1765 {strides = array<i32>} : memref<128xf32, #tpu.memory_space<vmem>>, vector<16xf32>,
    %reduce_sum3A_1768 = arith.constant true
    %reduce_sum3A_1769 = vector.broadcast %reduce_sum3A_1768 : i1 to vector<16xi1>
    %reduce_sum3A_1770 = tpu.scan <sum>, %select_n3A_1765 masked %reduce_sum3A_1769 : vector<16xf32>, vector<16xi1> -> vector<16xf32>
    %reduce_sum3A_1771 = vector.extract %reduce_sum3A_1770[15] : f32 from vector<16xf32>
    %add3A_1772 = arith.addf %add3A_1742, %reduce_sum3A_1771 : f32
    %add3A_1773 = arith.constant 96 : i32
    %add3A_1774 = vector.broadcast %add3A_1773 : i32 to vector<16xi32>
    %add3A_1775 = arith.addi %add3A_1774, %iota3A : vector<16xi32>
    %get3A_1776 = arith.constant 96 : index
    %get3A_1777 = tpu.vector_load %arg16[%get3A_1776] {strides = array<i32>} : memref<128xf32, #tpu.memory_space<vmem>>, vector<16xf32>,
    %gt3A_1778 = arith.constant 0.000000e+00 : f32
    %gt3A_1779 = vector.broadcast %gt3A_1778 : f32 to vector<16xf32>
    %gt3A_1780 = arith.cmpf ogt, %get3A_1777, %gt3A_1779 : vector<16xf32>
    %lt3A_1781 = arith.constant 100 : i32
    %lt3A_1782 = vector.broadcast %lt3A_1781 : i32 to vector<16xi32>
    %lt3A_1783 = arith.cmpi slt, %add3A_1775, %lt3A_1782 : vector<16xi32>
    %and3A_1784 = arith.andi %gt3A_1780, %lt3A_1783 : vector<16xi1>
    %get3A_1785 = arith.constant 96 : index
    %get3A_1786 = tpu.vector_load %arg11[%get3A_1785] {strides = array<i32>} : memref<128xf32, #tpu.memory_space<vmem>>, vector<16xf32>,
    %sub3A_1787 = vector.broadcast %max3A_1594 : f32 to vector<16xf32>
    %sub3A_1788 = arith.subf %get3A_1786, %sub3A_1787 : vector<16xf32>
    %jit3A_1789 = arith.constant 0.000000e+00 : f32
    %broadcast_in_dim3A_1790 = vector.broadcast %jit3A_1789 : f32 to vector<16xf32>
    %select_n3A_1791 = arith.select %and3A_1784, %sub3A_1788, %broadcast_in_dim3A_1790 : vector<16xi1>, vector<16xf32>
    %exp3A_1792 = math.exp %select_n3A_1791 : vector<16xf32>
    %jit3A_1793 = arith.constant 0.000000e+00 : f32
    %broadcast_in_dim3A_1794 = vector.broadcast %jit3A_1793 : f32 to vector<16xf32>
    %select_n3A_1795 = arith.select %and3A_1784, %exp3A_1792, %broadcast_in_dim3A_1794 : vector<16xi1>, vector<16xf32>
    %swap3A_1796 = arith.constant 96 : index
    %swap3A_1797 = tpu.vector_load %arg18[%swap3A_1796] {strides = array<i32>} : memref<128xf32, #tpu.memory_space<vmem>>, vector<16xf32>,
    tpu.vector_store %arg18[%swap3A_1796], %select_n3A_1795 {strides = array<i32>} : memref<128xf32, #tpu.memory_space<vmem>>, vector<16xf32>,
    %reduce_sum3A_1798 = arith.constant true
    %reduce_sum3A_1799 = vector.broadcast %reduce_sum3A_1798 : i1 to vector<16xi1>
    %reduce_sum3A_1800 = tpu.scan <sum>, %select_n3A_1795 masked %reduce_sum3A_1799 : vector<16xf32>, vector<16xi1> -> vector<16xf32>
    %reduce_sum3A_1801 = vector.extract %reduce_sum3A_1800[15] : f32 from vector<16xf32>
    %add3A_1802 = arith.addf %add3A_1772, %reduce_sum3A_1801 : f32
    %add3A_1803 = arith.constant 112 : i32
    %add3A_1804 = vector.broadcast %add3A_1803 : i32 to vector<16xi32>
    %add3A_1805 = arith.addi %add3A_1804, %iota3A : vector<16xi32>
    %get3A_1806 = arith.constant 112 : index
    %get3A_1807 = tpu.vector_load %arg16[%get3A_1806] {strides = array<i32>} : memref<128xf32, #tpu.memory_space<vmem>>, vector<16xf32>,
    %gt3A_1808 = arith.constant 0.000000e+00 : f32
    %gt3A_1809 = vector.broadcast %gt3A_1808 : f32 to vector<16xf32>
    %gt3A_1810 = arith.cmpf ogt, %get3A_1807, %gt3A_1809 : vector<16xf32>
    %lt3A_1811 = arith.constant 100 : i32
    %lt3A_1812 = vector.broadcast %lt3A_1811 : i32 to vector<16xi32>
    %lt3A_1813 = arith.cmpi slt, %add3A_1805, %lt3A_1812 : vector<16xi32>
    %and3A_1814 = arith.andi %gt3A_1810, %lt3A_1813 : vector<16xi1>
    %get3A_1815 = arith.constant 112 : index
    %get3A_1816 = tpu.vector_load %arg11[%get3A_1815] {strides = array<i32>} : memref<128xf32, #tpu.memory_space<vmem>>, vector<16xf32>,
    %sub3A_1817 = vector.broadcast %max3A_1594 : f32 to vector<16xf32>
    %sub3A_1818 = arith.subf %get3A_1816, %sub3A_1817 : vector<16xf32>
    %jit3A_1819 = arith.constant 0.000000e+00 : f32
    %broadcast_in_dim3A_1820 = vector.broadcast %jit3A_1819 : f32 to vector<16xf32>
    %select_n3A_1821 = arith.select %and3A_1814, %sub3A_1818, %broadcast_in_dim3A_1820 : vector<16xi1>, vector<16xf32>
    %exp3A_1822 = math.exp %select_n3A_1821 : vector<16xf32>
    %jit3A_1823 = arith.constant 0.000000e+00 : f32
    %broadcast_in_dim3A_1824 = vector.broadcast %jit3A_1823 : f32 to vector<16xf32>
    %select_n3A_1825 = arith.select %and3A_1814, %exp3A_1822, %broadcast_in_dim3A_1824 : vector<16xi1>, vector<16xf32>
    %swap3A_1826 = arith.constant 112 : index
    %swap3A_1827 = tpu.vector_load %arg18[%swap3A_1826] {strides = array<i32>} : memref<128xf32, #tpu.memory_space<vmem>>, vector<16xf32>,
    tpu.vector_store %arg18[%swap3A_1826], %select_n3A_1825 {strides = array<i32>} : memref<128xf32, #tpu.memory_space<vmem>>, vector<16xf32>,
    %reduce_sum3A_1828 = arith.constant true
    %reduce_sum3A_1829 = vector.broadcast %reduce_sum3A_1828 : i1 to vector<16xi1>
    %reduce_sum3A_1830 = tpu.scan <sum>, %select_n3A_1825 masked %reduce_sum3A_1829 : vector<16xf32>, vector<16xi1> -> vector<16xf32>
    %reduce_sum3A_1831 = vector.extract %reduce_sum3A_1830[15] : f32 from vector<16xf32>
    %add3A_1832 = arith.addf %add3A_1802, %reduce_sum3A_1831 : f32
    %broadcast_in_dim3A_1833 = arith.constant 1.000000e+00 : f32
    %broadcast_in_dim3A_1834 = vector.broadcast %broadcast_in_dim3A_1833 : f32 to vector<16xf32>
    %broadcast_in_dim3A_1835 = vector.broadcast %add3A_1832 : f32 to vector<16xf32>
    %div3A = arith.divf %broadcast_in_dim3A_1834, %broadcast_in_dim3A_1835 : vector<16xf32>
    %get3A_1836 = arith.constant 0 : index
    %get3A_1837 = tpu.vector_load %arg18[%get3A_1836] {strides = array<i32>} : memref<128xf32, #tpu.memory_space<vmem>>, vector<16xf32>,
    %mul3A_1838 = arith.mulf %get3A_1837, %div3A : vector<16xf32>
    %swap3A_1839 = arith.constant 0 : index
    %swap3A_1840 = tpu.vector_load %arg18[%swap3A_1839] {strides = array<i32>} : memref<128xf32, #tpu.memory_space<vmem>>, vector<16xf32>,
    tpu.vector_store %arg18[%swap3A_1839], %mul3A_1838 {strides = array<i32>} : memref<128xf32, #tpu.memory_space<vmem>>, vector<16xf32>,
    %get3A_1841 = arith.constant 16 : index
    %get3A_1842 = tpu.vector_load %arg18[%get3A_1841] {strides = array<i32>} : memref<128xf32, #tpu.memory_space<vmem>>, vector<16xf32>,
    %mul3A_1843 = arith.mulf %get3A_1842, %div3A : vector<16xf32>
    %swap3A_1844 = arith.constant 16 : index
    %swap3A_1845 = tpu.vector_load %arg18[%swap3A_1844] {strides = array<i32>} : memref<128xf32, #tpu.memory_space<vmem>>, vector<16xf32>,
    tpu.vector_store %arg18[%swap3A_1844], %mul3A_1843 {strides = array<i32>} : memref<128xf32, #tpu.memory_space<vmem>>, vector<16xf32>,
    %get3A_1846 = arith.constant 32 : index
    %get3A_1847 = tpu.vector_load %arg18[%get3A_1846] {strides = array<i32>} : memref<128xf32, #tpu.memory_space<vmem>>, vector<16xf32>,
    %mul3A_1848 = arith.mulf %get3A_1847, %div3A : vector<16xf32>
    %swap3A_1849 = arith.constant 32 : index
    %swap3A_1850 = tpu.vector_load %arg18[%swap3A_1849] {strides = array<i32>} : memref<128xf32, #tpu.memory_space<vmem>>, vector<16xf32>,
    tpu.vector_store %arg18[%swap3A_1849], %mul3A_1848 {strides = array<i32>} : memref<128xf32, #tpu.memory_space<vmem>>, vector<16xf32>,
    %get3A_1851 = arith.constant 48 : index
    %get3A_1852 = tpu.vector_load %arg18[%get3A_1851] {strides = array<i32>} : memref<128xf32, #tpu.memory_space<vmem>>, vector<16xf32>,
    %mul3A_1853 = arith.mulf %get3A_1852, %div3A : vector<16xf32>
    %swap3A_1854 = arith.constant 48 : index
    %swap3A_1855 = tpu.vector_load %arg18[%swap3A_1854] {strides = array<i32>} : memref<128xf32, #tpu.memory_space<vmem>>, vector<16xf32>,
    tpu.vector_store %arg18[%swap3A_1854], %mul3A_1853 {strides = array<i32>} : memref<128xf32, #tpu.memory_space<vmem>>, vector<16xf32>,
    %get3A_1856 = arith.constant 64 : index
    %get3A_1857 = tpu.vector_load %arg18[%get3A_1856] {strides = array<i32>} : memref<128xf32, #tpu.memory_space<vmem>>, vector<16xf32>,
    %mul3A_1858 = arith.mulf %get3A_1857, %div3A : vector<16xf32>
    %swap3A_1859 = arith.constant 64 : index
    %swap3A_1860 = tpu.vector_load %arg18[%swap3A_1859] {strides = array<i32>} : memref<128xf32, #tpu.memory_space<vmem>>, vector<16xf32>,
    tpu.vector_store %arg18[%swap3A_1859], %mul3A_1858 {strides = array<i32>} : memref<128xf32, #tpu.memory_space<vmem>>, vector<16xf32>,
    %get3A_1861 = arith.constant 80 : index
    %get3A_1862 = tpu.vector_load %arg18[%get3A_1861] {strides = array<i32>} : memref<128xf32, #tpu.memory_space<vmem>>, vector<16xf32>,
    %mul3A_1863 = arith.mulf %get3A_1862, %div3A : vector<16xf32>
    %swap3A_1864 = arith.constant 80 : index
    %swap3A_1865 = tpu.vector_load %arg18[%swap3A_1864] {strides = array<i32>} : memref<128xf32, #tpu.memory_space<vmem>>, vector<16xf32>,
    tpu.vector_store %arg18[%swap3A_1864], %mul3A_1863 {strides = array<i32>} : memref<128xf32, #tpu.memory_space<vmem>>, vector<16xf32>,
    %get3A_1866 = arith.constant 96 : index
    %get3A_1867 = tpu.vector_load %arg18[%get3A_1866] {strides = array<i32>} : memref<128xf32, #tpu.memory_space<vmem>>, vector<16xf32>,
    %mul3A_1868 = arith.mulf %get3A_1867, %div3A : vector<16xf32>
    %swap3A_1869 = arith.constant 96 : index
    %swap3A_1870 = tpu.vector_load %arg18[%swap3A_1869] {strides = array<i32>} : memref<128xf32, #tpu.memory_space<vmem>>, vector<16xf32>,
    tpu.vector_store %arg18[%swap3A_1869], %mul3A_1868 {strides = array<i32>} : memref<128xf32, #tpu.memory_space<vmem>>, vector<16xf32>,
    %get3A_1871 = arith.constant 112 : index
    %get3A_1872 = tpu.vector_load %arg18[%get3A_1871] {strides = array<i32>} : memref<128xf32, #tpu.memory_space<vmem>>, vector<16xf32>,
    %mul3A_1873 = arith.mulf %get3A_1872, %div3A : vector<16xf32>
    %swap3A_1874 = arith.constant 112 : index
    %swap3A_1875 = tpu.vector_load %arg18[%swap3A_1874] {strides = array<i32>} : memref<128xf32, #tpu.memory_space<vmem>>, vector<16xf32>,
    tpu.vector_store %arg18[%swap3A_1874], %mul3A_1873 {strides = array<i32>} : memref<128xf32, #tpu.memory_space<vmem>>, vector<16xf32>,
    %scan3A_1876 = arith.constant 0 : i32
    %scan3A_1877 = arith.constant 0 : i32
    %scan3A_1878 = arith.constant 313 : i32
    %scan3A_1879 = arith.addi %scan3A_1877, %scan3A_1878 : i32
    %scan3A_1880 = arith.constant 1 : i32
    scf.for %scan3A_2608 = %scan3A_1877 to %scan3A_1879 step %scan3A_1880  : i32 {
      %mul3A_2609 = arith.constant 16 : i32
      %mul3A_2610 = arith.muli %scan3A_2608, %mul3A_2609 : i32
      %get3A_2611 = arith.index_cast %mul3A_2610 : i32 to index
      %get3A_2612 = tpu.vector_load %arg8[%get3A_2611] {strides = array<i32>} : memref<5008xf32, #tpu.memory_space<vmem>>, vector<16xf32>,
      %get3A_2613 = arith.index_cast %mul3A_2610 : i32 to index
      %get3A_2614 = tpu.vector_load %arg9[%get3A_2613] {strides = array<i32>} : memref<5008xi32, #tpu.memory_space<vmem>>, vector<16xi32>,
      %gather3A_2615 = tpu.vector_load_idx %arg15[%get3A_2614] : memref<128xf32, #tpu.memory_space<vmem>>[vector<16xi32>], vector<16xf32>,
      %sub3A_2616 = arith.subf %get3A_2612, %gather3A_2615 : vector<16xf32>
      %exp3A_2617 = math.exp %sub3A_2616 : vector<16xf32>
      %swap3A_2618 = arith.index_cast %mul3A_2610 : i32 to index
      %swap3A_2619 = tpu.vector_load %arg10[%swap3A_2618] {strides = array<i32>} : memref<5008xf32, #tpu.memory_space<vmem>>, vector<16xf32>,
      tpu.vector_store %arg10[%swap3A_2618], %exp3A_2617 {strides = array<i32>} : memref<5008xf32, #tpu.memory_space<vmem>>, vector<16xf32>,
      %mul3A_2620 = arith.constant 16 : i32
      %mul3A_2621 = vector.broadcast %mul3A_2620 : i32 to vector<16xi32>
      %mul3A_2622 = arith.muli %get3A_2614, %mul3A_2621 : vector<16xi32>
      %add3A_2623 = arith.addi %mul3A_2622, %iota3A : vector<16xi32>
      tpu.vector_store_idx %arg14[%add3A_2623], %exp3A_2617 {add = true} : memref<2048xf32, #tpu.memory_space<vmem>>[vector<16xi32>], vector<16xf32>,
    }
    %scan3A_1881 = arith.constant 313 : i32
    %add3A_1882 = arith.constant 0 : i32
    %add3A_1883 = vector.broadcast %add3A_1882 : i32 to vector<16xi32>
    %add3A_1884 = arith.addi %add3A_1883, %iota3A : vector<16xi32>
    %mul3A_1885 = arith.constant 16 : i32
    %mul3A_1886 = vector.broadcast %mul3A_1885 : i32 to vector<16xi32>
    %mul3A_1887 = arith.muli %add3A_1884, %mul3A_1886 : vector<16xi32>
    %broadcast_in_dim3A_1888 = arith.constant 0.000000e+00 : f32
    %broadcast_in_dim3A_1889 = vector.broadcast %broadcast_in_dim3A_1888 : f32 to vector<16xf32>
    %add3A_1890 = arith.constant 0 : i32
    %add3A_1891 = vector.broadcast %add3A_1890 : i32 to vector<16xi32>
    %add3A_1892 = arith.addi %mul3A_1887, %add3A_1891 : vector<16xi32>
    %gather3A_1893 = tpu.vector_load_idx %arg14[%add3A_1892] : memref<2048xf32, #tpu.memory_space<vmem>>[vector<16xi32>], vector<16xf32>,
    %add3A_1894 = arith.addf %broadcast_in_dim3A_1889, %gather3A_1893 : vector<16xf32>
    %add3A_1895 = arith.constant 1 : i32
    %add3A_1896 = vector.broadcast %add3A_1895 : i32 to vector<16xi32>
    %add3A_1897 = arith.addi %mul3A_1887, %add3A_1896 : vector<16xi32>
    %gather3A_1898 = tpu.vector_load_idx %arg14[%add3A_1897] : memref<2048xf32, #tpu.memory_space<vmem>>[vector<16xi32>], vector<16xf32>,
    %add3A_1899 = arith.addf %add3A_1894, %gather3A_1898 : vector<16xf32>
    %add3A_1900 = arith.constant 2 : i32
    %add3A_1901 = vector.broadcast %add3A_1900 : i32 to vector<16xi32>
    %add3A_1902 = arith.addi %mul3A_1887, %add3A_1901 : vector<16xi32>
    %gather3A_1903 = tpu.vector_load_idx %arg14[%add3A_1902] : memref<2048xf32, #tpu.memory_space<vmem>>[vector<16xi32>], vector<16xf32>,
    %add3A_1904 = arith.addf %add3A_1899, %gather3A_1903 : vector<16xf32>
    %add3A_1905 = arith.constant 3 : i32
    %add3A_1906 = vector.broadcast %add3A_1905 : i32 to vector<16xi32>
    %add3A_1907 = arith.addi %mul3A_1887, %add3A_1906 : vector<16xi32>
    %gather3A_1908 = tpu.vector_load_idx %arg14[%add3A_1907] : memref<2048xf32, #tpu.memory_space<vmem>>[vector<16xi32>], vector<16xf32>,
    %add3A_1909 = arith.addf %add3A_1904, %gather3A_1908 : vector<16xf32>
    %add3A_1910 = arith.constant 4 : i32
    %add3A_1911 = vector.broadcast %add3A_1910 : i32 to vector<16xi32>
    %add3A_1912 = arith.addi %mul3A_1887, %add3A_1911 : vector<16xi32>
    %gather3A_1913 = tpu.vector_load_idx %arg14[%add3A_1912] : memref<2048xf32, #tpu.memory_space<vmem>>[vector<16xi32>], vector<16xf32>,
    %add3A_1914 = arith.addf %add3A_1909, %gather3A_1913 : vector<16xf32>
    %add3A_1915 = arith.constant 5 : i32
    %add3A_1916 = vector.broadcast %add3A_1915 : i32 to vector<16xi32>
    %add3A_1917 = arith.addi %mul3A_1887, %add3A_1916 : vector<16xi32>
    %gather3A_1918 = tpu.vector_load_idx %arg14[%add3A_1917] : memref<2048xf32, #tpu.memory_space<vmem>>[vector<16xi32>], vector<16xf32>,
    %add3A_1919 = arith.addf %add3A_1914, %gather3A_1918 : vector<16xf32>
    %add3A_1920 = arith.constant 6 : i32
    %add3A_1921 = vector.broadcast %add3A_1920 : i32 to vector<16xi32>
    %add3A_1922 = arith.addi %mul3A_1887, %add3A_1921 : vector<16xi32>
    %gather3A_1923 = tpu.vector_load_idx %arg14[%add3A_1922] : memref<2048xf32, #tpu.memory_space<vmem>>[vector<16xi32>], vector<16xf32>,
    %add3A_1924 = arith.addf %add3A_1919, %gather3A_1923 : vector<16xf32>
    %add3A_1925 = arith.constant 7 : i32
    %add3A_1926 = vector.broadcast %add3A_1925 : i32 to vector<16xi32>
    %add3A_1927 = arith.addi %mul3A_1887, %add3A_1926 : vector<16xi32>
    %gather3A_1928 = tpu.vector_load_idx %arg14[%add3A_1927] : memref<2048xf32, #tpu.memory_space<vmem>>[vector<16xi32>], vector<16xf32>,
    %add3A_1929 = arith.addf %add3A_1924, %gather3A_1928 : vector<16xf32>
    %add3A_1930 = arith.constant 8 : i32
    %add3A_1931 = vector.broadcast %add3A_1930 : i32 to vector<16xi32>
    %add3A_1932 = arith.addi %mul3A_1887, %add3A_1931 : vector<16xi32>
    %gather3A_1933 = tpu.vector_load_idx %arg14[%add3A_1932] : memref<2048xf32, #tpu.memory_space<vmem>>[vector<16xi32>], vector<16xf32>,
    %add3A_1934 = arith.addf %add3A_1929, %gather3A_1933 : vector<16xf32>
    %add3A_1935 = arith.constant 9 : i32
    %add3A_1936 = vector.broadcast %add3A_1935 : i32 to vector<16xi32>
    %add3A_1937 = arith.addi %mul3A_1887, %add3A_1936 : vector<16xi32>
    %gather3A_1938 = tpu.vector_load_idx %arg14[%add3A_1937] : memref<2048xf32, #tpu.memory_space<vmem>>[vector<16xi32>], vector<16xf32>,
    %add3A_1939 = arith.addf %add3A_1934, %gather3A_1938 : vector<16xf32>
    %add3A_1940 = arith.constant 10 : i32
    %add3A_1941 = vector.broadcast %add3A_1940 : i32 to vector<16xi32>
    %add3A_1942 = arith.addi %mul3A_1887, %add3A_1941 : vector<16xi32>
    %gather3A_1943 = tpu.vector_load_idx %arg14[%add3A_1942] : memref<2048xf32, #tpu.memory_space<vmem>>[vector<16xi32>], vector<16xf32>,
    %add3A_1944 = arith.addf %add3A_1939, %gather3A_1943 : vector<16xf32>
    %add3A_1945 = arith.constant 11 : i32
    %add3A_1946 = vector.broadcast %add3A_1945 : i32 to vector<16xi32>
    %add3A_1947 = arith.addi %mul3A_1887, %add3A_1946 : vector<16xi32>
    %gather3A_1948 = tpu.vector_load_idx %arg14[%add3A_1947] : memref<2048xf32, #tpu.memory_space<vmem>>[vector<16xi32>], vector<16xf32>,
    %add3A_1949 = arith.addf %add3A_1944, %gather3A_1948 : vector<16xf32>
    %add3A_1950 = arith.constant 12 : i32
    %add3A_1951 = vector.broadcast %add3A_1950 : i32 to vector<16xi32>
    %add3A_1952 = arith.addi %mul3A_1887, %add3A_1951 : vector<16xi32>
    %gather3A_1953 = tpu.vector_load_idx %arg14[%add3A_1952] : memref<2048xf32, #tpu.memory_space<vmem>>[vector<16xi32>], vector<16xf32>,
    %add3A_1954 = arith.addf %add3A_1949, %gather3A_1953 : vector<16xf32>
    %add3A_1955 = arith.constant 13 : i32
    %add3A_1956 = vector.broadcast %add3A_1955 : i32 to vector<16xi32>
    %add3A_1957 = arith.addi %mul3A_1887, %add3A_1956 : vector<16xi32>
    %gather3A_1958 = tpu.vector_load_idx %arg14[%add3A_1957] : memref<2048xf32, #tpu.memory_space<vmem>>[vector<16xi32>], vector<16xf32>,
    %add3A_1959 = arith.addf %add3A_1954, %gather3A_1958 : vector<16xf32>
    %add3A_1960 = arith.constant 14 : i32
    %add3A_1961 = vector.broadcast %add3A_1960 : i32 to vector<16xi32>
    %add3A_1962 = arith.addi %mul3A_1887, %add3A_1961 : vector<16xi32>
    %gather3A_1963 = tpu.vector_load_idx %arg14[%add3A_1962] : memref<2048xf32, #tpu.memory_space<vmem>>[vector<16xi32>], vector<16xf32>,
    %add3A_1964 = arith.addf %add3A_1959, %gather3A_1963 : vector<16xf32>
    %add3A_1965 = arith.constant 15 : i32
    %add3A_1966 = vector.broadcast %add3A_1965 : i32 to vector<16xi32>
    %add3A_1967 = arith.addi %mul3A_1887, %add3A_1966 : vector<16xi32>
    %gather3A_1968 = tpu.vector_load_idx %arg14[%add3A_1967] : memref<2048xf32, #tpu.memory_space<vmem>>[vector<16xi32>], vector<16xf32>,
    %add3A_1969 = arith.addf %add3A_1964, %gather3A_1968 : vector<16xf32>
    %swap3A_1970 = arith.constant 0 : index
    %swap3A_1971 = tpu.vector_load %arg17[%swap3A_1970] {strides = array<i32>} : memref<128xf32, #tpu.memory_space<vmem>>, vector<16xf32>,
    tpu.vector_store %arg17[%swap3A_1970], %add3A_1969 {strides = array<i32>} : memref<128xf32, #tpu.memory_space<vmem>>, vector<16xf32>,
    %add3A_1972 = arith.constant 16 : i32
    %add3A_1973 = vector.broadcast %add3A_1972 : i32 to vector<16xi32>
    %add3A_1974 = arith.addi %add3A_1973, %iota3A : vector<16xi32>
    %mul3A_1975 = arith.constant 16 : i32
    %mul3A_1976 = vector.broadcast %mul3A_1975 : i32 to vector<16xi32>
    %mul3A_1977 = arith.muli %add3A_1974, %mul3A_1976 : vector<16xi32>
    %broadcast_in_dim3A_1978 = arith.constant 0.000000e+00 : f32
    %broadcast_in_dim3A_1979 = vector.broadcast %broadcast_in_dim3A_1978 : f32 to vector<16xf32>
    %add3A_1980 = arith.constant 0 : i32
    %add3A_1981 = vector.broadcast %add3A_1980 : i32 to vector<16xi32>
    %add3A_1982 = arith.addi %mul3A_1977, %add3A_1981 : vector<16xi32>
    %gather3A_1983 = tpu.vector_load_idx %arg14[%add3A_1982] : memref<2048xf32, #tpu.memory_space<vmem>>[vector<16xi32>], vector<16xf32>,
    %add3A_1984 = arith.addf %broadcast_in_dim3A_1979, %gather3A_1983 : vector<16xf32>
    %add3A_1985 = arith.constant 1 : i32
    %add3A_1986 = vector.broadcast %add3A_1985 : i32 to vector<16xi32>
    %add3A_1987 = arith.addi %mul3A_1977, %add3A_1986 : vector<16xi32>
    %gather3A_1988 = tpu.vector_load_idx %arg14[%add3A_1987] : memref<2048xf32, #tpu.memory_space<vmem>>[vector<16xi32>], vector<16xf32>,
    %add3A_1989 = arith.addf %add3A_1984, %gather3A_1988 : vector<16xf32>
    %add3A_1990 = arith.constant 2 : i32
    %add3A_1991 = vector.broadcast %add3A_1990 : i32 to vector<16xi32>
    %add3A_1992 = arith.addi %mul3A_1977, %add3A_1991 : vector<16xi32>
    %gather3A_1993 = tpu.vector_load_idx %arg14[%add3A_1992] : memref<2048xf32, #tpu.memory_space<vmem>>[vector<16xi32>], vector<16xf32>,
    %add3A_1994 = arith.addf %add3A_1989, %gather3A_1993 : vector<16xf32>
    %add3A_1995 = arith.constant 3 : i32
    %add3A_1996 = vector.broadcast %add3A_1995 : i32 to vector<16xi32>
    %add3A_1997 = arith.addi %mul3A_1977, %add3A_1996 : vector<16xi32>
    %gather3A_1998 = tpu.vector_load_idx %arg14[%add3A_1997] : memref<2048xf32, #tpu.memory_space<vmem>>[vector<16xi32>], vector<16xf32>,
    %add3A_1999 = arith.addf %add3A_1994, %gather3A_1998 : vector<16xf32>
    %add3A_2000 = arith.constant 4 : i32
    %add3A_2001 = vector.broadcast %add3A_2000 : i32 to vector<16xi32>
    %add3A_2002 = arith.addi %mul3A_1977, %add3A_2001 : vector<16xi32>
    %gather3A_2003 = tpu.vector_load_idx %arg14[%add3A_2002] : memref<2048xf32, #tpu.memory_space<vmem>>[vector<16xi32>], vector<16xf32>,
    %add3A_2004 = arith.addf %add3A_1999, %gather3A_2003 : vector<16xf32>
    %add3A_2005 = arith.constant 5 : i32
    %add3A_2006 = vector.broadcast %add3A_2005 : i32 to vector<16xi32>
    %add3A_2007 = arith.addi %mul3A_1977, %add3A_2006 : vector<16xi32>
    %gather3A_2008 = tpu.vector_load_idx %arg14[%add3A_2007] : memref<2048xf32, #tpu.memory_space<vmem>>[vector<16xi32>], vector<16xf32>,
    %add3A_2009 = arith.addf %add3A_2004, %gather3A_2008 : vector<16xf32>
    %add3A_2010 = arith.constant 6 : i32
    %add3A_2011 = vector.broadcast %add3A_2010 : i32 to vector<16xi32>
    %add3A_2012 = arith.addi %mul3A_1977, %add3A_2011 : vector<16xi32>
    %gather3A_2013 = tpu.vector_load_idx %arg14[%add3A_2012] : memref<2048xf32, #tpu.memory_space<vmem>>[vector<16xi32>], vector<16xf32>,
    %add3A_2014 = arith.addf %add3A_2009, %gather3A_2013 : vector<16xf32>
    %add3A_2015 = arith.constant 7 : i32
    %add3A_2016 = vector.broadcast %add3A_2015 : i32 to vector<16xi32>
    %add3A_2017 = arith.addi %mul3A_1977, %add3A_2016 : vector<16xi32>
    %gather3A_2018 = tpu.vector_load_idx %arg14[%add3A_2017] : memref<2048xf32, #tpu.memory_space<vmem>>[vector<16xi32>], vector<16xf32>,
    %add3A_2019 = arith.addf %add3A_2014, %gather3A_2018 : vector<16xf32>
    %add3A_2020 = arith.constant 8 : i32
    %add3A_2021 = vector.broadcast %add3A_2020 : i32 to vector<16xi32>
    %add3A_2022 = arith.addi %mul3A_1977, %add3A_2021 : vector<16xi32>
    %gather3A_2023 = tpu.vector_load_idx %arg14[%add3A_2022] : memref<2048xf32, #tpu.memory_space<vmem>>[vector<16xi32>], vector<16xf32>,
    %add3A_2024 = arith.addf %add3A_2019, %gather3A_2023 : vector<16xf32>
    %add3A_2025 = arith.constant 9 : i32
    %add3A_2026 = vector.broadcast %add3A_2025 : i32 to vector<16xi32>
    %add3A_2027 = arith.addi %mul3A_1977, %add3A_2026 : vector<16xi32>
    %gather3A_2028 = tpu.vector_load_idx %arg14[%add3A_2027] : memref<2048xf32, #tpu.memory_space<vmem>>[vector<16xi32>], vector<16xf32>,
    %add3A_2029 = arith.addf %add3A_2024, %gather3A_2028 : vector<16xf32>
    %add3A_2030 = arith.constant 10 : i32
    %add3A_2031 = vector.broadcast %add3A_2030 : i32 to vector<16xi32>
    %add3A_2032 = arith.addi %mul3A_1977, %add3A_2031 : vector<16xi32>
    %gather3A_2033 = tpu.vector_load_idx %arg14[%add3A_2032] : memref<2048xf32, #tpu.memory_space<vmem>>[vector<16xi32>], vector<16xf32>,
    %add3A_2034 = arith.addf %add3A_2029, %gather3A_2033 : vector<16xf32>
    %add3A_2035 = arith.constant 11 : i32
    %add3A_2036 = vector.broadcast %add3A_2035 : i32 to vector<16xi32>
    %add3A_2037 = arith.addi %mul3A_1977, %add3A_2036 : vector<16xi32>
    %gather3A_2038 = tpu.vector_load_idx %arg14[%add3A_2037] : memref<2048xf32, #tpu.memory_space<vmem>>[vector<16xi32>], vector<16xf32>,
    %add3A_2039 = arith.addf %add3A_2034, %gather3A_2038 : vector<16xf32>
    %add3A_2040 = arith.constant 12 : i32
    %add3A_2041 = vector.broadcast %add3A_2040 : i32 to vector<16xi32>
    %add3A_2042 = arith.addi %mul3A_1977, %add3A_2041 : vector<16xi32>
    %gather3A_2043 = tpu.vector_load_idx %arg14[%add3A_2042] : memref<2048xf32, #tpu.memory_space<vmem>>[vector<16xi32>], vector<16xf32>,
    %add3A_2044 = arith.addf %add3A_2039, %gather3A_2043 : vector<16xf32>
    %add3A_2045 = arith.constant 13 : i32
    %add3A_2046 = vector.broadcast %add3A_2045 : i32 to vector<16xi32>
    %add3A_2047 = arith.addi %mul3A_1977, %add3A_2046 : vector<16xi32>
    %gather3A_2048 = tpu.vector_load_idx %arg14[%add3A_2047] : memref<2048xf32, #tpu.memory_space<vmem>>[vector<16xi32>], vector<16xf32>,
    %add3A_2049 = arith.addf %add3A_2044, %gather3A_2048 : vector<16xf32>
    %add3A_2050 = arith.constant 14 : i32
    %add3A_2051 = vector.broadcast %add3A_2050 : i32 to vector<16xi32>
    %add3A_2052 = arith.addi %mul3A_1977, %add3A_2051 : vector<16xi32>
    %gather3A_2053 = tpu.vector_load_idx %arg14[%add3A_2052] : memref<2048xf32, #tpu.memory_space<vmem>>[vector<16xi32>], vector<16xf32>,
    %add3A_2054 = arith.addf %add3A_2049, %gather3A_2053 : vector<16xf32>
    %add3A_2055 = arith.constant 15 : i32
    %add3A_2056 = vector.broadcast %add3A_2055 : i32 to vector<16xi32>
    %add3A_2057 = arith.addi %mul3A_1977, %add3A_2056 : vector<16xi32>
    %gather3A_2058 = tpu.vector_load_idx %arg14[%add3A_2057] : memref<2048xf32, #tpu.memory_space<vmem>>[vector<16xi32>], vector<16xf32>,
    %add3A_2059 = arith.addf %add3A_2054, %gather3A_2058 : vector<16xf32>
    %swap3A_2060 = arith.constant 16 : index
    %swap3A_2061 = tpu.vector_load %arg17[%swap3A_2060] {strides = array<i32>} : memref<128xf32, #tpu.memory_space<vmem>>, vector<16xf32>,
    tpu.vector_store %arg17[%swap3A_2060], %add3A_2059 {strides = array<i32>} : memref<128xf32, #tpu.memory_space<vmem>>, vector<16xf32>,
    %add3A_2062 = arith.constant 32 : i32
    %add3A_2063 = vector.broadcast %add3A_2062 : i32 to vector<16xi32>
    %add3A_2064 = arith.addi %add3A_2063, %iota3A : vector<16xi32>
    %mul3A_2065 = arith.constant 16 : i32
    %mul3A_2066 = vector.broadcast %mul3A_2065 : i32 to vector<16xi32>
    %mul3A_2067 = arith.muli %add3A_2064, %mul3A_2066 : vector<16xi32>
    %broadcast_in_dim3A_2068 = arith.constant 0.000000e+00 : f32
    %broadcast_in_dim3A_2069 = vector.broadcast %broadcast_in_dim3A_2068 : f32 to vector<16xf32>
    %add3A_2070 = arith.constant 0 : i32
    %add3A_2071 = vector.broadcast %add3A_2070 : i32 to vector<16xi32>
    %add3A_2072 = arith.addi %mul3A_2067, %add3A_2071 : vector<16xi32>
    %gather3A_2073 = tpu.vector_load_idx %arg14[%add3A_2072] : memref<2048xf32, #tpu.memory_space<vmem>>[vector<16xi32>], vector<16xf32>,
    %add3A_2074 = arith.addf %broadcast_in_dim3A_2069, %gather3A_2073 : vector<16xf32>
    %add3A_2075 = arith.constant 1 : i32
    %add3A_2076 = vector.broadcast %add3A_2075 : i32 to vector<16xi32>
    %add3A_2077 = arith.addi %mul3A_2067, %add3A_2076 : vector<16xi32>
    %gather3A_2078 = tpu.vector_load_idx %arg14[%add3A_2077] : memref<2048xf32, #tpu.memory_space<vmem>>[vector<16xi32>], vector<16xf32>,
    %add3A_2079 = arith.addf %add3A_2074, %gather3A_2078 : vector<16xf32>
    %add3A_2080 = arith.constant 2 : i32
    %add3A_2081 = vector.broadcast %add3A_2080 : i32 to vector<16xi32>
    %add3A_2082 = arith.addi %mul3A_2067, %add3A_2081 : vector<16xi32>
    %gather3A_2083 = tpu.vector_load_idx %arg14[%add3A_2082] : memref<2048xf32, #tpu.memory_space<vmem>>[vector<16xi32>], vector<16xf32>,
    %add3A_2084 = arith.addf %add3A_2079, %gather3A_2083 : vector<16xf32>
    %add3A_2085 = arith.constant 3 : i32
    %add3A_2086 = vector.broadcast %add3A_2085 : i32 to vector<16xi32>
    %add3A_2087 = arith.addi %mul3A_2067, %add3A_2086 : vector<16xi32>
    %gather3A_2088 = tpu.vector_load_idx %arg14[%add3A_2087] : memref<2048xf32, #tpu.memory_space<vmem>>[vector<16xi32>], vector<16xf32>,
    %add3A_2089 = arith.addf %add3A_2084, %gather3A_2088 : vector<16xf32>
    %add3A_2090 = arith.constant 4 : i32
    %add3A_2091 = vector.broadcast %add3A_2090 : i32 to vector<16xi32>
    %add3A_2092 = arith.addi %mul3A_2067, %add3A_2091 : vector<16xi32>
    %gather3A_2093 = tpu.vector_load_idx %arg14[%add3A_2092] : memref<2048xf32, #tpu.memory_space<vmem>>[vector<16xi32>], vector<16xf32>,
    %add3A_2094 = arith.addf %add3A_2089, %gather3A_2093 : vector<16xf32>
    %add3A_2095 = arith.constant 5 : i32
    %add3A_2096 = vector.broadcast %add3A_2095 : i32 to vector<16xi32>
    %add3A_2097 = arith.addi %mul3A_2067, %add3A_2096 : vector<16xi32>
    %gather3A_2098 = tpu.vector_load_idx %arg14[%add3A_2097] : memref<2048xf32, #tpu.memory_space<vmem>>[vector<16xi32>], vector<16xf32>,
    %add3A_2099 = arith.addf %add3A_2094, %gather3A_2098 : vector<16xf32>
    %add3A_2100 = arith.constant 6 : i32
    %add3A_2101 = vector.broadcast %add3A_2100 : i32 to vector<16xi32>
    %add3A_2102 = arith.addi %mul3A_2067, %add3A_2101 : vector<16xi32>
    %gather3A_2103 = tpu.vector_load_idx %arg14[%add3A_2102] : memref<2048xf32, #tpu.memory_space<vmem>>[vector<16xi32>], vector<16xf32>,
    %add3A_2104 = arith.addf %add3A_2099, %gather3A_2103 : vector<16xf32>
    %add3A_2105 = arith.constant 7 : i32
    %add3A_2106 = vector.broadcast %add3A_2105 : i32 to vector<16xi32>
    %add3A_2107 = arith.addi %mul3A_2067, %add3A_2106 : vector<16xi32>
    %gather3A_2108 = tpu.vector_load_idx %arg14[%add3A_2107] : memref<2048xf32, #tpu.memory_space<vmem>>[vector<16xi32>], vector<16xf32>,
    %add3A_2109 = arith.addf %add3A_2104, %gather3A_2108 : vector<16xf32>
    %add3A_2110 = arith.constant 8 : i32
    %add3A_2111 = vector.broadcast %add3A_2110 : i32 to vector<16xi32>
    %add3A_2112 = arith.addi %mul3A_2067, %add3A_2111 : vector<16xi32>
    %gather3A_2113 = tpu.vector_load_idx %arg14[%add3A_2112] : memref<2048xf32, #tpu.memory_space<vmem>>[vector<16xi32>], vector<16xf32>,
    %add3A_2114 = arith.addf %add3A_2109, %gather3A_2113 : vector<16xf32>
    %add3A_2115 = arith.constant 9 : i32
    %add3A_2116 = vector.broadcast %add3A_2115 : i32 to vector<16xi32>
    %add3A_2117 = arith.addi %mul3A_2067, %add3A_2116 : vector<16xi32>
    %gather3A_2118 = tpu.vector_load_idx %arg14[%add3A_2117] : memref<2048xf32, #tpu.memory_space<vmem>>[vector<16xi32>], vector<16xf32>,
    %add3A_2119 = arith.addf %add3A_2114, %gather3A_2118 : vector<16xf32>
    %add3A_2120 = arith.constant 10 : i32
    %add3A_2121 = vector.broadcast %add3A_2120 : i32 to vector<16xi32>
    %add3A_2122 = arith.addi %mul3A_2067, %add3A_2121 : vector<16xi32>
    %gather3A_2123 = tpu.vector_load_idx %arg14[%add3A_2122] : memref<2048xf32, #tpu.memory_space<vmem>>[vector<16xi32>], vector<16xf32>,
    %add3A_2124 = arith.addf %add3A_2119, %gather3A_2123 : vector<16xf32>
    %add3A_2125 = arith.constant 11 : i32
    %add3A_2126 = vector.broadcast %add3A_2125 : i32 to vector<16xi32>
    %add3A_2127 = arith.addi %mul3A_2067, %add3A_2126 : vector<16xi32>
    %gather3A_2128 = tpu.vector_load_idx %arg14[%add3A_2127] : memref<2048xf32, #tpu.memory_space<vmem>>[vector<16xi32>], vector<16xf32>,
    %add3A_2129 = arith.addf %add3A_2124, %gather3A_2128 : vector<16xf32>
    %add3A_2130 = arith.constant 12 : i32
    %add3A_2131 = vector.broadcast %add3A_2130 : i32 to vector<16xi32>
    %add3A_2132 = arith.addi %mul3A_2067, %add3A_2131 : vector<16xi32>
    %gather3A_2133 = tpu.vector_load_idx %arg14[%add3A_2132] : memref<2048xf32, #tpu.memory_space<vmem>>[vector<16xi32>], vector<16xf32>,
    %add3A_2134 = arith.addf %add3A_2129, %gather3A_2133 : vector<16xf32>
    %add3A_2135 = arith.constant 13 : i32
    %add3A_2136 = vector.broadcast %add3A_2135 : i32 to vector<16xi32>
    %add3A_2137 = arith.addi %mul3A_2067, %add3A_2136 : vector<16xi32>
    %gather3A_2138 = tpu.vector_load_idx %arg14[%add3A_2137] : memref<2048xf32, #tpu.memory_space<vmem>>[vector<16xi32>], vector<16xf32>,
    %add3A_2139 = arith.addf %add3A_2134, %gather3A_2138 : vector<16xf32>
    %add3A_2140 = arith.constant 14 : i32
    %add3A_2141 = vector.broadcast %add3A_2140 : i32 to vector<16xi32>
    %add3A_2142 = arith.addi %mul3A_2067, %add3A_2141 : vector<16xi32>
    %gather3A_2143 = tpu.vector_load_idx %arg14[%add3A_2142] : memref<2048xf32, #tpu.memory_space<vmem>>[vector<16xi32>], vector<16xf32>,
    %add3A_2144 = arith.addf %add3A_2139, %gather3A_2143 : vector<16xf32>
    %add3A_2145 = arith.constant 15 : i32
    %add3A_2146 = vector.broadcast %add3A_2145 : i32 to vector<16xi32>
    %add3A_2147 = arith.addi %mul3A_2067, %add3A_2146 : vector<16xi32>
    %gather3A_2148 = tpu.vector_load_idx %arg14[%add3A_2147] : memref<2048xf32, #tpu.memory_space<vmem>>[vector<16xi32>], vector<16xf32>,
    %add3A_2149 = arith.addf %add3A_2144, %gather3A_2148 : vector<16xf32>
    %swap3A_2150 = arith.constant 32 : index
    %swap3A_2151 = tpu.vector_load %arg17[%swap3A_2150] {strides = array<i32>} : memref<128xf32, #tpu.memory_space<vmem>>, vector<16xf32>,
    tpu.vector_store %arg17[%swap3A_2150], %add3A_2149 {strides = array<i32>} : memref<128xf32, #tpu.memory_space<vmem>>, vector<16xf32>,
    %add3A_2152 = arith.constant 48 : i32
    %add3A_2153 = vector.broadcast %add3A_2152 : i32 to vector<16xi32>
    %add3A_2154 = arith.addi %add3A_2153, %iota3A : vector<16xi32>
    %mul3A_2155 = arith.constant 16 : i32
    %mul3A_2156 = vector.broadcast %mul3A_2155 : i32 to vector<16xi32>
    %mul3A_2157 = arith.muli %add3A_2154, %mul3A_2156 : vector<16xi32>
    %broadcast_in_dim3A_2158 = arith.constant 0.000000e+00 : f32
    %broadcast_in_dim3A_2159 = vector.broadcast %broadcast_in_dim3A_2158 : f32 to vector<16xf32>
    %add3A_2160 = arith.constant 0 : i32
    %add3A_2161 = vector.broadcast %add3A_2160 : i32 to vector<16xi32>
    %add3A_2162 = arith.addi %mul3A_2157, %add3A_2161 : vector<16xi32>
    %gather3A_2163 = tpu.vector_load_idx %arg14[%add3A_2162] : memref<2048xf32, #tpu.memory_space<vmem>>[vector<16xi32>], vector<16xf32>,
    %add3A_2164 = arith.addf %broadcast_in_dim3A_2159, %gather3A_2163 : vector<16xf32>
    %add3A_2165 = arith.constant 1 : i32
    %add3A_2166 = vector.broadcast %add3A_2165 : i32 to vector<16xi32>
    %add3A_2167 = arith.addi %mul3A_2157, %add3A_2166 : vector<16xi32>
    %gather3A_2168 = tpu.vector_load_idx %arg14[%add3A_2167] : memref<2048xf32, #tpu.memory_space<vmem>>[vector<16xi32>], vector<16xf32>,
    %add3A_2169 = arith.addf %add3A_2164, %gather3A_2168 : vector<16xf32>
    %add3A_2170 = arith.constant 2 : i32
    %add3A_2171 = vector.broadcast %add3A_2170 : i32 to vector<16xi32>
    %add3A_2172 = arith.addi %mul3A_2157, %add3A_2171 : vector<16xi32>
    %gather3A_2173 = tpu.vector_load_idx %arg14[%add3A_2172] : memref<2048xf32, #tpu.memory_space<vmem>>[vector<16xi32>], vector<16xf32>,
    %add3A_2174 = arith.addf %add3A_2169, %gather3A_2173 : vector<16xf32>
    %add3A_2175 = arith.constant 3 : i32
    %add3A_2176 = vector.broadcast %add3A_2175 : i32 to vector<16xi32>
    %add3A_2177 = arith.addi %mul3A_2157, %add3A_2176 : vector<16xi32>
    %gather3A_2178 = tpu.vector_load_idx %arg14[%add3A_2177] : memref<2048xf32, #tpu.memory_space<vmem>>[vector<16xi32>], vector<16xf32>,
    %add3A_2179 = arith.addf %add3A_2174, %gather3A_2178 : vector<16xf32>
    %add3A_2180 = arith.constant 4 : i32
    %add3A_2181 = vector.broadcast %add3A_2180 : i32 to vector<16xi32>
    %add3A_2182 = arith.addi %mul3A_2157, %add3A_2181 : vector<16xi32>
    %gather3A_2183 = tpu.vector_load_idx %arg14[%add3A_2182] : memref<2048xf32, #tpu.memory_space<vmem>>[vector<16xi32>], vector<16xf32>,
    %add3A_2184 = arith.addf %add3A_2179, %gather3A_2183 : vector<16xf32>
    %add3A_2185 = arith.constant 5 : i32
    %add3A_2186 = vector.broadcast %add3A_2185 : i32 to vector<16xi32>
    %add3A_2187 = arith.addi %mul3A_2157, %add3A_2186 : vector<16xi32>
    %gather3A_2188 = tpu.vector_load_idx %arg14[%add3A_2187] : memref<2048xf32, #tpu.memory_space<vmem>>[vector<16xi32>], vector<16xf32>,
    %add3A_2189 = arith.addf %add3A_2184, %gather3A_2188 : vector<16xf32>
    %add3A_2190 = arith.constant 6 : i32
    %add3A_2191 = vector.broadcast %add3A_2190 : i32 to vector<16xi32>
    %add3A_2192 = arith.addi %mul3A_2157, %add3A_2191 : vector<16xi32>
    %gather3A_2193 = tpu.vector_load_idx %arg14[%add3A_2192] : memref<2048xf32, #tpu.memory_space<vmem>>[vector<16xi32>], vector<16xf32>,
    %add3A_2194 = arith.addf %add3A_2189, %gather3A_2193 : vector<16xf32>
    %add3A_2195 = arith.constant 7 : i32
    %add3A_2196 = vector.broadcast %add3A_2195 : i32 to vector<16xi32>
    %add3A_2197 = arith.addi %mul3A_2157, %add3A_2196 : vector<16xi32>
    %gather3A_2198 = tpu.vector_load_idx %arg14[%add3A_2197] : memref<2048xf32, #tpu.memory_space<vmem>>[vector<16xi32>], vector<16xf32>,
    %add3A_2199 = arith.addf %add3A_2194, %gather3A_2198 : vector<16xf32>
    %add3A_2200 = arith.constant 8 : i32
    %add3A_2201 = vector.broadcast %add3A_2200 : i32 to vector<16xi32>
    %add3A_2202 = arith.addi %mul3A_2157, %add3A_2201 : vector<16xi32>
    %gather3A_2203 = tpu.vector_load_idx %arg14[%add3A_2202] : memref<2048xf32, #tpu.memory_space<vmem>>[vector<16xi32>], vector<16xf32>,
    %add3A_2204 = arith.addf %add3A_2199, %gather3A_2203 : vector<16xf32>
    %add3A_2205 = arith.constant 9 : i32
    %add3A_2206 = vector.broadcast %add3A_2205 : i32 to vector<16xi32>
    %add3A_2207 = arith.addi %mul3A_2157, %add3A_2206 : vector<16xi32>
    %gather3A_2208 = tpu.vector_load_idx %arg14[%add3A_2207] : memref<2048xf32, #tpu.memory_space<vmem>>[vector<16xi32>], vector<16xf32>,
    %add3A_2209 = arith.addf %add3A_2204, %gather3A_2208 : vector<16xf32>
    %add3A_2210 = arith.constant 10 : i32
    %add3A_2211 = vector.broadcast %add3A_2210 : i32 to vector<16xi32>
    %add3A_2212 = arith.addi %mul3A_2157, %add3A_2211 : vector<16xi32>
    %gather3A_2213 = tpu.vector_load_idx %arg14[%add3A_2212] : memref<2048xf32, #tpu.memory_space<vmem>>[vector<16xi32>], vector<16xf32>,
    %add3A_2214 = arith.addf %add3A_2209, %gather3A_2213 : vector<16xf32>
    %add3A_2215 = arith.constant 11 : i32
    %add3A_2216 = vector.broadcast %add3A_2215 : i32 to vector<16xi32>
    %add3A_2217 = arith.addi %mul3A_2157, %add3A_2216 : vector<16xi32>
    %gather3A_2218 = tpu.vector_load_idx %arg14[%add3A_2217] : memref<2048xf32, #tpu.memory_space<vmem>>[vector<16xi32>], vector<16xf32>,
    %add3A_2219 = arith.addf %add3A_2214, %gather3A_2218 : vector<16xf32>
    %add3A_2220 = arith.constant 12 : i32
    %add3A_2221 = vector.broadcast %add3A_2220 : i32 to vector<16xi32>
    %add3A_2222 = arith.addi %mul3A_2157, %add3A_2221 : vector<16xi32>
    %gather3A_2223 = tpu.vector_load_idx %arg14[%add3A_2222] : memref<2048xf32, #tpu.memory_space<vmem>>[vector<16xi32>], vector<16xf32>,
    %add3A_2224 = arith.addf %add3A_2219, %gather3A_2223 : vector<16xf32>
    %add3A_2225 = arith.constant 13 : i32
    %add3A_2226 = vector.broadcast %add3A_2225 : i32 to vector<16xi32>
    %add3A_2227 = arith.addi %mul3A_2157, %add3A_2226 : vector<16xi32>
    %gather3A_2228 = tpu.vector_load_idx %arg14[%add3A_2227] : memref<2048xf32, #tpu.memory_space<vmem>>[vector<16xi32>], vector<16xf32>,
    %add3A_2229 = arith.addf %add3A_2224, %gather3A_2228 : vector<16xf32>
    %add3A_2230 = arith.constant 14 : i32
    %add3A_2231 = vector.broadcast %add3A_2230 : i32 to vector<16xi32>
    %add3A_2232 = arith.addi %mul3A_2157, %add3A_2231 : vector<16xi32>
    %gather3A_2233 = tpu.vector_load_idx %arg14[%add3A_2232] : memref<2048xf32, #tpu.memory_space<vmem>>[vector<16xi32>], vector<16xf32>,
    %add3A_2234 = arith.addf %add3A_2229, %gather3A_2233 : vector<16xf32>
    %add3A_2235 = arith.constant 15 : i32
    %add3A_2236 = vector.broadcast %add3A_2235 : i32 to vector<16xi32>
    %add3A_2237 = arith.addi %mul3A_2157, %add3A_2236 : vector<16xi32>
    %gather3A_2238 = tpu.vector_load_idx %arg14[%add3A_2237] : memref<2048xf32, #tpu.memory_space<vmem>>[vector<16xi32>], vector<16xf32>,
    %add3A_2239 = arith.addf %add3A_2234, %gather3A_2238 : vector<16xf32>
    %swap3A_2240 = arith.constant 48 : index
    %swap3A_2241 = tpu.vector_load %arg17[%swap3A_2240] {strides = array<i32>} : memref<128xf32, #tpu.memory_space<vmem>>, vector<16xf32>,
    tpu.vector_store %arg17[%swap3A_2240], %add3A_2239 {strides = array<i32>} : memref<128xf32, #tpu.memory_space<vmem>>, vector<16xf32>,
    %add3A_2242 = arith.constant 64 : i32
    %add3A_2243 = vector.broadcast %add3A_2242 : i32 to vector<16xi32>
    %add3A_2244 = arith.addi %add3A_2243, %iota3A : vector<16xi32>
    %mul3A_2245 = arith.constant 16 : i32
    %mul3A_2246 = vector.broadcast %mul3A_2245 : i32 to vector<16xi32>
    %mul3A_2247 = arith.muli %add3A_2244, %mul3A_2246 : vector<16xi32>
    %broadcast_in_dim3A_2248 = arith.constant 0.000000e+00 : f32
    %broadcast_in_dim3A_2249 = vector.broadcast %broadcast_in_dim3A_2248 : f32 to vector<16xf32>
    %add3A_2250 = arith.constant 0 : i32
    %add3A_2251 = vector.broadcast %add3A_2250 : i32 to vector<16xi32>
    %add3A_2252 = arith.addi %mul3A_2247, %add3A_2251 : vector<16xi32>
    %gather3A_2253 = tpu.vector_load_idx %arg14[%add3A_2252] : memref<2048xf32, #tpu.memory_space<vmem>>[vector<16xi32>], vector<16xf32>,
    %add3A_2254 = arith.addf %broadcast_in_dim3A_2249, %gather3A_2253 : vector<16xf32>
    %add3A_2255 = arith.constant 1 : i32
    %add3A_2256 = vector.broadcast %add3A_2255 : i32 to vector<16xi32>
    %add3A_2257 = arith.addi %mul3A_2247, %add3A_2256 : vector<16xi32>
    %gather3A_2258 = tpu.vector_load_idx %arg14[%add3A_2257] : memref<2048xf32, #tpu.memory_space<vmem>>[vector<16xi32>], vector<16xf32>,
    %add3A_2259 = arith.addf %add3A_2254, %gather3A_2258 : vector<16xf32>
    %add3A_2260 = arith.constant 2 : i32
    %add3A_2261 = vector.broadcast %add3A_2260 : i32 to vector<16xi32>
    %add3A_2262 = arith.addi %mul3A_2247, %add3A_2261 : vector<16xi32>
    %gather3A_2263 = tpu.vector_load_idx %arg14[%add3A_2262] : memref<2048xf32, #tpu.memory_space<vmem>>[vector<16xi32>], vector<16xf32>,
    %add3A_2264 = arith.addf %add3A_2259, %gather3A_2263 : vector<16xf32>
    %add3A_2265 = arith.constant 3 : i32
    %add3A_2266 = vector.broadcast %add3A_2265 : i32 to vector<16xi32>
    %add3A_2267 = arith.addi %mul3A_2247, %add3A_2266 : vector<16xi32>
    %gather3A_2268 = tpu.vector_load_idx %arg14[%add3A_2267] : memref<2048xf32, #tpu.memory_space<vmem>>[vector<16xi32>], vector<16xf32>,
    %add3A_2269 = arith.addf %add3A_2264, %gather3A_2268 : vector<16xf32>
    %add3A_2270 = arith.constant 4 : i32
    %add3A_2271 = vector.broadcast %add3A_2270 : i32 to vector<16xi32>
    %add3A_2272 = arith.addi %mul3A_2247, %add3A_2271 : vector<16xi32>
    %gather3A_2273 = tpu.vector_load_idx %arg14[%add3A_2272] : memref<2048xf32, #tpu.memory_space<vmem>>[vector<16xi32>], vector<16xf32>,
    %add3A_2274 = arith.addf %add3A_2269, %gather3A_2273 : vector<16xf32>
    %add3A_2275 = arith.constant 5 : i32
    %add3A_2276 = vector.broadcast %add3A_2275 : i32 to vector<16xi32>
    %add3A_2277 = arith.addi %mul3A_2247, %add3A_2276 : vector<16xi32>
    %gather3A_2278 = tpu.vector_load_idx %arg14[%add3A_2277] : memref<2048xf32, #tpu.memory_space<vmem>>[vector<16xi32>], vector<16xf32>,
    %add3A_2279 = arith.addf %add3A_2274, %gather3A_2278 : vector<16xf32>
    %add3A_2280 = arith.constant 6 : i32
    %add3A_2281 = vector.broadcast %add3A_2280 : i32 to vector<16xi32>
    %add3A_2282 = arith.addi %mul3A_2247, %add3A_2281 : vector<16xi32>
    %gather3A_2283 = tpu.vector_load_idx %arg14[%add3A_2282] : memref<2048xf32, #tpu.memory_space<vmem>>[vector<16xi32>], vector<16xf32>,
    %add3A_2284 = arith.addf %add3A_2279, %gather3A_2283 : vector<16xf32>
    %add3A_2285 = arith.constant 7 : i32
    %add3A_2286 = vector.broadcast %add3A_2285 : i32 to vector<16xi32>
    %add3A_2287 = arith.addi %mul3A_2247, %add3A_2286 : vector<16xi32>
    %gather3A_2288 = tpu.vector_load_idx %arg14[%add3A_2287] : memref<2048xf32, #tpu.memory_space<vmem>>[vector<16xi32>], vector<16xf32>,
    %add3A_2289 = arith.addf %add3A_2284, %gather3A_2288 : vector<16xf32>
    %add3A_2290 = arith.constant 8 : i32
    %add3A_2291 = vector.broadcast %add3A_2290 : i32 to vector<16xi32>
    %add3A_2292 = arith.addi %mul3A_2247, %add3A_2291 : vector<16xi32>
    %gather3A_2293 = tpu.vector_load_idx %arg14[%add3A_2292] : memref<2048xf32, #tpu.memory_space<vmem>>[vector<16xi32>], vector<16xf32>,
    %add3A_2294 = arith.addf %add3A_2289, %gather3A_2293 : vector<16xf32>
    %add3A_2295 = arith.constant 9 : i32
    %add3A_2296 = vector.broadcast %add3A_2295 : i32 to vector<16xi32>
    %add3A_2297 = arith.addi %mul3A_2247, %add3A_2296 : vector<16xi32>
    %gather3A_2298 = tpu.vector_load_idx %arg14[%add3A_2297] : memref<2048xf32, #tpu.memory_space<vmem>>[vector<16xi32>], vector<16xf32>,
    %add3A_2299 = arith.addf %add3A_2294, %gather3A_2298 : vector<16xf32>
    %add3A_2300 = arith.constant 10 : i32
    %add3A_2301 = vector.broadcast %add3A_2300 : i32 to vector<16xi32>
    %add3A_2302 = arith.addi %mul3A_2247, %add3A_2301 : vector<16xi32>
    %gather3A_2303 = tpu.vector_load_idx %arg14[%add3A_2302] : memref<2048xf32, #tpu.memory_space<vmem>>[vector<16xi32>], vector<16xf32>,
    %add3A_2304 = arith.addf %add3A_2299, %gather3A_2303 : vector<16xf32>
    %add3A_2305 = arith.constant 11 : i32
    %add3A_2306 = vector.broadcast %add3A_2305 : i32 to vector<16xi32>
    %add3A_2307 = arith.addi %mul3A_2247, %add3A_2306 : vector<16xi32>
    %gather3A_2308 = tpu.vector_load_idx %arg14[%add3A_2307] : memref<2048xf32, #tpu.memory_space<vmem>>[vector<16xi32>], vector<16xf32>,
    %add3A_2309 = arith.addf %add3A_2304, %gather3A_2308 : vector<16xf32>
    %add3A_2310 = arith.constant 12 : i32
    %add3A_2311 = vector.broadcast %add3A_2310 : i32 to vector<16xi32>
    %add3A_2312 = arith.addi %mul3A_2247, %add3A_2311 : vector<16xi32>
    %gather3A_2313 = tpu.vector_load_idx %arg14[%add3A_2312] : memref<2048xf32, #tpu.memory_space<vmem>>[vector<16xi32>], vector<16xf32>,
    %add3A_2314 = arith.addf %add3A_2309, %gather3A_2313 : vector<16xf32>
    %add3A_2315 = arith.constant 13 : i32
    %add3A_2316 = vector.broadcast %add3A_2315 : i32 to vector<16xi32>
    %add3A_2317 = arith.addi %mul3A_2247, %add3A_2316 : vector<16xi32>
    %gather3A_2318 = tpu.vector_load_idx %arg14[%add3A_2317] : memref<2048xf32, #tpu.memory_space<vmem>>[vector<16xi32>], vector<16xf32>,
    %add3A_2319 = arith.addf %add3A_2314, %gather3A_2318 : vector<16xf32>
    %add3A_2320 = arith.constant 14 : i32
    %add3A_2321 = vector.broadcast %add3A_2320 : i32 to vector<16xi32>
    %add3A_2322 = arith.addi %mul3A_2247, %add3A_2321 : vector<16xi32>
    %gather3A_2323 = tpu.vector_load_idx %arg14[%add3A_2322] : memref<2048xf32, #tpu.memory_space<vmem>>[vector<16xi32>], vector<16xf32>,
    %add3A_2324 = arith.addf %add3A_2319, %gather3A_2323 : vector<16xf32>
    %add3A_2325 = arith.constant 15 : i32
    %add3A_2326 = vector.broadcast %add3A_2325 : i32 to vector<16xi32>
    %add3A_2327 = arith.addi %mul3A_2247, %add3A_2326 : vector<16xi32>
    %gather3A_2328 = tpu.vector_load_idx %arg14[%add3A_2327] : memref<2048xf32, #tpu.memory_space<vmem>>[vector<16xi32>], vector<16xf32>,
    %add3A_2329 = arith.addf %add3A_2324, %gather3A_2328 : vector<16xf32>
    %swap3A_2330 = arith.constant 64 : index
    %swap3A_2331 = tpu.vector_load %arg17[%swap3A_2330] {strides = array<i32>} : memref<128xf32, #tpu.memory_space<vmem>>, vector<16xf32>,
    tpu.vector_store %arg17[%swap3A_2330], %add3A_2329 {strides = array<i32>} : memref<128xf32, #tpu.memory_space<vmem>>, vector<16xf32>,
    %add3A_2332 = arith.constant 80 : i32
    %add3A_2333 = vector.broadcast %add3A_2332 : i32 to vector<16xi32>
    %add3A_2334 = arith.addi %add3A_2333, %iota3A : vector<16xi32>
    %mul3A_2335 = arith.constant 16 : i32
    %mul3A_2336 = vector.broadcast %mul3A_2335 : i32 to vector<16xi32>
    %mul3A_2337 = arith.muli %add3A_2334, %mul3A_2336 : vector<16xi32>
    %broadcast_in_dim3A_2338 = arith.constant 0.000000e+00 : f32
    %broadcast_in_dim3A_2339 = vector.broadcast %broadcast_in_dim3A_2338 : f32 to vector<16xf32>
    %add3A_2340 = arith.constant 0 : i32
    %add3A_2341 = vector.broadcast %add3A_2340 : i32 to vector<16xi32>
    %add3A_2342 = arith.addi %mul3A_2337, %add3A_2341 : vector<16xi32>
    %gather3A_2343 = tpu.vector_load_idx %arg14[%add3A_2342] : memref<2048xf32, #tpu.memory_space<vmem>>[vector<16xi32>], vector<16xf32>,
    %add3A_2344 = arith.addf %broadcast_in_dim3A_2339, %gather3A_2343 : vector<16xf32>
    %add3A_2345 = arith.constant 1 : i32
    %add3A_2346 = vector.broadcast %add3A_2345 : i32 to vector<16xi32>
    %add3A_2347 = arith.addi %mul3A_2337, %add3A_2346 : vector<16xi32>
    %gather3A_2348 = tpu.vector_load_idx %arg14[%add3A_2347] : memref<2048xf32, #tpu.memory_space<vmem>>[vector<16xi32>], vector<16xf32>,
    %add3A_2349 = arith.addf %add3A_2344, %gather3A_2348 : vector<16xf32>
    %add3A_2350 = arith.constant 2 : i32
    %add3A_2351 = vector.broadcast %add3A_2350 : i32 to vector<16xi32>
    %add3A_2352 = arith.addi %mul3A_2337, %add3A_2351 : vector<16xi32>
    %gather3A_2353 = tpu.vector_load_idx %arg14[%add3A_2352] : memref<2048xf32, #tpu.memory_space<vmem>>[vector<16xi32>], vector<16xf32>,
    %add3A_2354 = arith.addf %add3A_2349, %gather3A_2353 : vector<16xf32>
    %add3A_2355 = arith.constant 3 : i32
    %add3A_2356 = vector.broadcast %add3A_2355 : i32 to vector<16xi32>
    %add3A_2357 = arith.addi %mul3A_2337, %add3A_2356 : vector<16xi32>
    %gather3A_2358 = tpu.vector_load_idx %arg14[%add3A_2357] : memref<2048xf32, #tpu.memory_space<vmem>>[vector<16xi32>], vector<16xf32>,
    %add3A_2359 = arith.addf %add3A_2354, %gather3A_2358 : vector<16xf32>
    %add3A_2360 = arith.constant 4 : i32
    %add3A_2361 = vector.broadcast %add3A_2360 : i32 to vector<16xi32>
    %add3A_2362 = arith.addi %mul3A_2337, %add3A_2361 : vector<16xi32>
    %gather3A_2363 = tpu.vector_load_idx %arg14[%add3A_2362] : memref<2048xf32, #tpu.memory_space<vmem>>[vector<16xi32>], vector<16xf32>,
    %add3A_2364 = arith.addf %add3A_2359, %gather3A_2363 : vector<16xf32>
    %add3A_2365 = arith.constant 5 : i32
    %add3A_2366 = vector.broadcast %add3A_2365 : i32 to vector<16xi32>
    %add3A_2367 = arith.addi %mul3A_2337, %add3A_2366 : vector<16xi32>
    %gather3A_2368 = tpu.vector_load_idx %arg14[%add3A_2367] : memref<2048xf32, #tpu.memory_space<vmem>>[vector<16xi32>], vector<16xf32>,
    %add3A_2369 = arith.addf %add3A_2364, %gather3A_2368 : vector<16xf32>
    %add3A_2370 = arith.constant 6 : i32
    %add3A_2371 = vector.broadcast %add3A_2370 : i32 to vector<16xi32>
    %add3A_2372 = arith.addi %mul3A_2337, %add3A_2371 : vector<16xi32>
    %gather3A_2373 = tpu.vector_load_idx %arg14[%add3A_2372] : memref<2048xf32, #tpu.memory_space<vmem>>[vector<16xi32>], vector<16xf32>,
    %add3A_2374 = arith.addf %add3A_2369, %gather3A_2373 : vector<16xf32>
    %add3A_2375 = arith.constant 7 : i32
    %add3A_2376 = vector.broadcast %add3A_2375 : i32 to vector<16xi32>
    %add3A_2377 = arith.addi %mul3A_2337, %add3A_2376 : vector<16xi32>
    %gather3A_2378 = tpu.vector_load_idx %arg14[%add3A_2377] : memref<2048xf32, #tpu.memory_space<vmem>>[vector<16xi32>], vector<16xf32>,
    %add3A_2379 = arith.addf %add3A_2374, %gather3A_2378 : vector<16xf32>
    %add3A_2380 = arith.constant 8 : i32
    %add3A_2381 = vector.broadcast %add3A_2380 : i32 to vector<16xi32>
    %add3A_2382 = arith.addi %mul3A_2337, %add3A_2381 : vector<16xi32>
    %gather3A_2383 = tpu.vector_load_idx %arg14[%add3A_2382] : memref<2048xf32, #tpu.memory_space<vmem>>[vector<16xi32>], vector<16xf32>,
    %add3A_2384 = arith.addf %add3A_2379, %gather3A_2383 : vector<16xf32>
    %add3A_2385 = arith.constant 9 : i32
    %add3A_2386 = vector.broadcast %add3A_2385 : i32 to vector<16xi32>
    %add3A_2387 = arith.addi %mul3A_2337, %add3A_2386 : vector<16xi32>
    %gather3A_2388 = tpu.vector_load_idx %arg14[%add3A_2387] : memref<2048xf32, #tpu.memory_space<vmem>>[vector<16xi32>], vector<16xf32>,
    %add3A_2389 = arith.addf %add3A_2384, %gather3A_2388 : vector<16xf32>
    %add3A_2390 = arith.constant 10 : i32
    %add3A_2391 = vector.broadcast %add3A_2390 : i32 to vector<16xi32>
    %add3A_2392 = arith.addi %mul3A_2337, %add3A_2391 : vector<16xi32>
    %gather3A_2393 = tpu.vector_load_idx %arg14[%add3A_2392] : memref<2048xf32, #tpu.memory_space<vmem>>[vector<16xi32>], vector<16xf32>,
    %add3A_2394 = arith.addf %add3A_2389, %gather3A_2393 : vector<16xf32>
    %add3A_2395 = arith.constant 11 : i32
    %add3A_2396 = vector.broadcast %add3A_2395 : i32 to vector<16xi32>
    %add3A_2397 = arith.addi %mul3A_2337, %add3A_2396 : vector<16xi32>
    %gather3A_2398 = tpu.vector_load_idx %arg14[%add3A_2397] : memref<2048xf32, #tpu.memory_space<vmem>>[vector<16xi32>], vector<16xf32>,
    %add3A_2399 = arith.addf %add3A_2394, %gather3A_2398 : vector<16xf32>
    %add3A_2400 = arith.constant 12 : i32
    %add3A_2401 = vector.broadcast %add3A_2400 : i32 to vector<16xi32>
    %add3A_2402 = arith.addi %mul3A_2337, %add3A_2401 : vector<16xi32>
    %gather3A_2403 = tpu.vector_load_idx %arg14[%add3A_2402] : memref<2048xf32, #tpu.memory_space<vmem>>[vector<16xi32>], vector<16xf32>,
    %add3A_2404 = arith.addf %add3A_2399, %gather3A_2403 : vector<16xf32>
    %add3A_2405 = arith.constant 13 : i32
    %add3A_2406 = vector.broadcast %add3A_2405 : i32 to vector<16xi32>
    %add3A_2407 = arith.addi %mul3A_2337, %add3A_2406 : vector<16xi32>
    %gather3A_2408 = tpu.vector_load_idx %arg14[%add3A_2407] : memref<2048xf32, #tpu.memory_space<vmem>>[vector<16xi32>], vector<16xf32>,
    %add3A_2409 = arith.addf %add3A_2404, %gather3A_2408 : vector<16xf32>
    %add3A_2410 = arith.constant 14 : i32
    %add3A_2411 = vector.broadcast %add3A_2410 : i32 to vector<16xi32>
    %add3A_2412 = arith.addi %mul3A_2337, %add3A_2411 : vector<16xi32>
    %gather3A_2413 = tpu.vector_load_idx %arg14[%add3A_2412] : memref<2048xf32, #tpu.memory_space<vmem>>[vector<16xi32>], vector<16xf32>,
    %add3A_2414 = arith.addf %add3A_2409, %gather3A_2413 : vector<16xf32>
    %add3A_2415 = arith.constant 15 : i32
    %add3A_2416 = vector.broadcast %add3A_2415 : i32 to vector<16xi32>
    %add3A_2417 = arith.addi %mul3A_2337, %add3A_2416 : vector<16xi32>
    %gather3A_2418 = tpu.vector_load_idx %arg14[%add3A_2417] : memref<2048xf32, #tpu.memory_space<vmem>>[vector<16xi32>], vector<16xf32>,
    %add3A_2419 = arith.addf %add3A_2414, %gather3A_2418 : vector<16xf32>
    %swap3A_2420 = arith.constant 80 : index
    %swap3A_2421 = tpu.vector_load %arg17[%swap3A_2420] {strides = array<i32>} : memref<128xf32, #tpu.memory_space<vmem>>, vector<16xf32>,
    tpu.vector_store %arg17[%swap3A_2420], %add3A_2419 {strides = array<i32>} : memref<128xf32, #tpu.memory_space<vmem>>, vector<16xf32>,
    %add3A_2422 = arith.constant 96 : i32
    %add3A_2423 = vector.broadcast %add3A_2422 : i32 to vector<16xi32>
    %add3A_2424 = arith.addi %add3A_2423, %iota3A : vector<16xi32>
    %mul3A_2425 = arith.constant 16 : i32
    %mul3A_2426 = vector.broadcast %mul3A_2425 : i32 to vector<16xi32>
    %mul3A_2427 = arith.muli %add3A_2424, %mul3A_2426 : vector<16xi32>
    %broadcast_in_dim3A_2428 = arith.constant 0.000000e+00 : f32
    %broadcast_in_dim3A_2429 = vector.broadcast %broadcast_in_dim3A_2428 : f32 to vector<16xf32>
    %add3A_2430 = arith.constant 0 : i32
    %add3A_2431 = vector.broadcast %add3A_2430 : i32 to vector<16xi32>
    %add3A_2432 = arith.addi %mul3A_2427, %add3A_2431 : vector<16xi32>
    %gather3A_2433 = tpu.vector_load_idx %arg14[%add3A_2432] : memref<2048xf32, #tpu.memory_space<vmem>>[vector<16xi32>], vector<16xf32>,
    %add3A_2434 = arith.addf %broadcast_in_dim3A_2429, %gather3A_2433 : vector<16xf32>
    %add3A_2435 = arith.constant 1 : i32
    %add3A_2436 = vector.broadcast %add3A_2435 : i32 to vector<16xi32>
    %add3A_2437 = arith.addi %mul3A_2427, %add3A_2436 : vector<16xi32>
    %gather3A_2438 = tpu.vector_load_idx %arg14[%add3A_2437] : memref<2048xf32, #tpu.memory_space<vmem>>[vector<16xi32>], vector<16xf32>,
    %add3A_2439 = arith.addf %add3A_2434, %gather3A_2438 : vector<16xf32>
    %add3A_2440 = arith.constant 2 : i32
    %add3A_2441 = vector.broadcast %add3A_2440 : i32 to vector<16xi32>
    %add3A_2442 = arith.addi %mul3A_2427, %add3A_2441 : vector<16xi32>
    %gather3A_2443 = tpu.vector_load_idx %arg14[%add3A_2442] : memref<2048xf32, #tpu.memory_space<vmem>>[vector<16xi32>], vector<16xf32>,
    %add3A_2444 = arith.addf %add3A_2439, %gather3A_2443 : vector<16xf32>
    %add3A_2445 = arith.constant 3 : i32
    %add3A_2446 = vector.broadcast %add3A_2445 : i32 to vector<16xi32>
    %add3A_2447 = arith.addi %mul3A_2427, %add3A_2446 : vector<16xi32>
    %gather3A_2448 = tpu.vector_load_idx %arg14[%add3A_2447] : memref<2048xf32, #tpu.memory_space<vmem>>[vector<16xi32>], vector<16xf32>,
    %add3A_2449 = arith.addf %add3A_2444, %gather3A_2448 : vector<16xf32>
    %add3A_2450 = arith.constant 4 : i32
    %add3A_2451 = vector.broadcast %add3A_2450 : i32 to vector<16xi32>
    %add3A_2452 = arith.addi %mul3A_2427, %add3A_2451 : vector<16xi32>
    %gather3A_2453 = tpu.vector_load_idx %arg14[%add3A_2452] : memref<2048xf32, #tpu.memory_space<vmem>>[vector<16xi32>], vector<16xf32>,
    %add3A_2454 = arith.addf %add3A_2449, %gather3A_2453 : vector<16xf32>
    %add3A_2455 = arith.constant 5 : i32
    %add3A_2456 = vector.broadcast %add3A_2455 : i32 to vector<16xi32>
    %add3A_2457 = arith.addi %mul3A_2427, %add3A_2456 : vector<16xi32>
    %gather3A_2458 = tpu.vector_load_idx %arg14[%add3A_2457] : memref<2048xf32, #tpu.memory_space<vmem>>[vector<16xi32>], vector<16xf32>,
    %add3A_2459 = arith.addf %add3A_2454, %gather3A_2458 : vector<16xf32>
    %add3A_2460 = arith.constant 6 : i32
    %add3A_2461 = vector.broadcast %add3A_2460 : i32 to vector<16xi32>
    %add3A_2462 = arith.addi %mul3A_2427, %add3A_2461 : vector<16xi32>
    %gather3A_2463 = tpu.vector_load_idx %arg14[%add3A_2462] : memref<2048xf32, #tpu.memory_space<vmem>>[vector<16xi32>], vector<16xf32>,
    %add3A_2464 = arith.addf %add3A_2459, %gather3A_2463 : vector<16xf32>
    %add3A_2465 = arith.constant 7 : i32
    %add3A_2466 = vector.broadcast %add3A_2465 : i32 to vector<16xi32>
    %add3A_2467 = arith.addi %mul3A_2427, %add3A_2466 : vector<16xi32>
    %gather3A_2468 = tpu.vector_load_idx %arg14[%add3A_2467] : memref<2048xf32, #tpu.memory_space<vmem>>[vector<16xi32>], vector<16xf32>,
    %add3A_2469 = arith.addf %add3A_2464, %gather3A_2468 : vector<16xf32>
    %add3A_2470 = arith.constant 8 : i32
    %add3A_2471 = vector.broadcast %add3A_2470 : i32 to vector<16xi32>
    %add3A_2472 = arith.addi %mul3A_2427, %add3A_2471 : vector<16xi32>
    %gather3A_2473 = tpu.vector_load_idx %arg14[%add3A_2472] : memref<2048xf32, #tpu.memory_space<vmem>>[vector<16xi32>], vector<16xf32>,
    %add3A_2474 = arith.addf %add3A_2469, %gather3A_2473 : vector<16xf32>
    %add3A_2475 = arith.constant 9 : i32
    %add3A_2476 = vector.broadcast %add3A_2475 : i32 to vector<16xi32>
    %add3A_2477 = arith.addi %mul3A_2427, %add3A_2476 : vector<16xi32>
    %gather3A_2478 = tpu.vector_load_idx %arg14[%add3A_2477] : memref<2048xf32, #tpu.memory_space<vmem>>[vector<16xi32>], vector<16xf32>,
    %add3A_2479 = arith.addf %add3A_2474, %gather3A_2478 : vector<16xf32>
    %add3A_2480 = arith.constant 10 : i32
    %add3A_2481 = vector.broadcast %add3A_2480 : i32 to vector<16xi32>
    %add3A_2482 = arith.addi %mul3A_2427, %add3A_2481 : vector<16xi32>
    %gather3A_2483 = tpu.vector_load_idx %arg14[%add3A_2482] : memref<2048xf32, #tpu.memory_space<vmem>>[vector<16xi32>], vector<16xf32>,
    %add3A_2484 = arith.addf %add3A_2479, %gather3A_2483 : vector<16xf32>
    %add3A_2485 = arith.constant 11 : i32
    %add3A_2486 = vector.broadcast %add3A_2485 : i32 to vector<16xi32>
    %add3A_2487 = arith.addi %mul3A_2427, %add3A_2486 : vector<16xi32>
    %gather3A_2488 = tpu.vector_load_idx %arg14[%add3A_2487] : memref<2048xf32, #tpu.memory_space<vmem>>[vector<16xi32>], vector<16xf32>,
    %add3A_2489 = arith.addf %add3A_2484, %gather3A_2488 : vector<16xf32>
    %add3A_2490 = arith.constant 12 : i32
    %add3A_2491 = vector.broadcast %add3A_2490 : i32 to vector<16xi32>
    %add3A_2492 = arith.addi %mul3A_2427, %add3A_2491 : vector<16xi32>
    %gather3A_2493 = tpu.vector_load_idx %arg14[%add3A_2492] : memref<2048xf32, #tpu.memory_space<vmem>>[vector<16xi32>], vector<16xf32>,
    %add3A_2494 = arith.addf %add3A_2489, %gather3A_2493 : vector<16xf32>
    %add3A_2495 = arith.constant 13 : i32
    %add3A_2496 = vector.broadcast %add3A_2495 : i32 to vector<16xi32>
    %add3A_2497 = arith.addi %mul3A_2427, %add3A_2496 : vector<16xi32>
    %gather3A_2498 = tpu.vector_load_idx %arg14[%add3A_2497] : memref<2048xf32, #tpu.memory_space<vmem>>[vector<16xi32>], vector<16xf32>,
    %add3A_2499 = arith.addf %add3A_2494, %gather3A_2498 : vector<16xf32>
    %add3A_2500 = arith.constant 14 : i32
    %add3A_2501 = vector.broadcast %add3A_2500 : i32 to vector<16xi32>
    %add3A_2502 = arith.addi %mul3A_2427, %add3A_2501 : vector<16xi32>
    %gather3A_2503 = tpu.vector_load_idx %arg14[%add3A_2502] : memref<2048xf32, #tpu.memory_space<vmem>>[vector<16xi32>], vector<16xf32>,
    %add3A_2504 = arith.addf %add3A_2499, %gather3A_2503 : vector<16xf32>
    %add3A_2505 = arith.constant 15 : i32
    %add3A_2506 = vector.broadcast %add3A_2505 : i32 to vector<16xi32>
    %add3A_2507 = arith.addi %mul3A_2427, %add3A_2506 : vector<16xi32>
    %gather3A_2508 = tpu.vector_load_idx %arg14[%add3A_2507] : memref<2048xf32, #tpu.memory_space<vmem>>[vector<16xi32>], vector<16xf32>,
    %add3A_2509 = arith.addf %add3A_2504, %gather3A_2508 : vector<16xf32>
    %swap3A_2510 = arith.constant 96 : index
    %swap3A_2511 = tpu.vector_load %arg17[%swap3A_2510] {strides = array<i32>} : memref<128xf32, #tpu.memory_space<vmem>>, vector<16xf32>,
    tpu.vector_store %arg17[%swap3A_2510], %add3A_2509 {strides = array<i32>} : memref<128xf32, #tpu.memory_space<vmem>>, vector<16xf32>,
    %add3A_2512 = arith.constant 112 : i32
    %add3A_2513 = vector.broadcast %add3A_2512 : i32 to vector<16xi32>
    %add3A_2514 = arith.addi %add3A_2513, %iota3A : vector<16xi32>
    %mul3A_2515 = arith.constant 16 : i32
    %mul3A_2516 = vector.broadcast %mul3A_2515 : i32 to vector<16xi32>
    %mul3A_2517 = arith.muli %add3A_2514, %mul3A_2516 : vector<16xi32>
    %broadcast_in_dim3A_2518 = arith.constant 0.000000e+00 : f32
    %broadcast_in_dim3A_2519 = vector.broadcast %broadcast_in_dim3A_2518 : f32 to vector<16xf32>
    %add3A_2520 = arith.constant 0 : i32
    %add3A_2521 = vector.broadcast %add3A_2520 : i32 to vector<16xi32>
    %add3A_2522 = arith.addi %mul3A_2517, %add3A_2521 : vector<16xi32>
    %gather3A_2523 = tpu.vector_load_idx %arg14[%add3A_2522] : memref<2048xf32, #tpu.memory_space<vmem>>[vector<16xi32>], vector<16xf32>,
    %add3A_2524 = arith.addf %broadcast_in_dim3A_2519, %gather3A_2523 : vector<16xf32>
    %add3A_2525 = arith.constant 1 : i32
    %add3A_2526 = vector.broadcast %add3A_2525 : i32 to vector<16xi32>
    %add3A_2527 = arith.addi %mul3A_2517, %add3A_2526 : vector<16xi32>
    %gather3A_2528 = tpu.vector_load_idx %arg14[%add3A_2527] : memref<2048xf32, #tpu.memory_space<vmem>>[vector<16xi32>], vector<16xf32>,
    %add3A_2529 = arith.addf %add3A_2524, %gather3A_2528 : vector<16xf32>
    %add3A_2530 = arith.constant 2 : i32
    %add3A_2531 = vector.broadcast %add3A_2530 : i32 to vector<16xi32>
    %add3A_2532 = arith.addi %mul3A_2517, %add3A_2531 : vector<16xi32>
    %gather3A_2533 = tpu.vector_load_idx %arg14[%add3A_2532] : memref<2048xf32, #tpu.memory_space<vmem>>[vector<16xi32>], vector<16xf32>,
    %add3A_2534 = arith.addf %add3A_2529, %gather3A_2533 : vector<16xf32>
    %add3A_2535 = arith.constant 3 : i32
    %add3A_2536 = vector.broadcast %add3A_2535 : i32 to vector<16xi32>
    %add3A_2537 = arith.addi %mul3A_2517, %add3A_2536 : vector<16xi32>
    %gather3A_2538 = tpu.vector_load_idx %arg14[%add3A_2537] : memref<2048xf32, #tpu.memory_space<vmem>>[vector<16xi32>], vector<16xf32>,
    %add3A_2539 = arith.addf %add3A_2534, %gather3A_2538 : vector<16xf32>
    %add3A_2540 = arith.constant 4 : i32
    %add3A_2541 = vector.broadcast %add3A_2540 : i32 to vector<16xi32>
    %add3A_2542 = arith.addi %mul3A_2517, %add3A_2541 : vector<16xi32>
    %gather3A_2543 = tpu.vector_load_idx %arg14[%add3A_2542] : memref<2048xf32, #tpu.memory_space<vmem>>[vector<16xi32>], vector<16xf32>,
    %add3A_2544 = arith.addf %add3A_2539, %gather3A_2543 : vector<16xf32>
    %add3A_2545 = arith.constant 5 : i32
    %add3A_2546 = vector.broadcast %add3A_2545 : i32 to vector<16xi32>
    %add3A_2547 = arith.addi %mul3A_2517, %add3A_2546 : vector<16xi32>
    %gather3A_2548 = tpu.vector_load_idx %arg14[%add3A_2547] : memref<2048xf32, #tpu.memory_space<vmem>>[vector<16xi32>], vector<16xf32>,
    %add3A_2549 = arith.addf %add3A_2544, %gather3A_2548 : vector<16xf32>
    %add3A_2550 = arith.constant 6 : i32
    %add3A_2551 = vector.broadcast %add3A_2550 : i32 to vector<16xi32>
    %add3A_2552 = arith.addi %mul3A_2517, %add3A_2551 : vector<16xi32>
    %gather3A_2553 = tpu.vector_load_idx %arg14[%add3A_2552] : memref<2048xf32, #tpu.memory_space<vmem>>[vector<16xi32>], vector<16xf32>,
    %add3A_2554 = arith.addf %add3A_2549, %gather3A_2553 : vector<16xf32>
    %add3A_2555 = arith.constant 7 : i32
    %add3A_2556 = vector.broadcast %add3A_2555 : i32 to vector<16xi32>
    %add3A_2557 = arith.addi %mul3A_2517, %add3A_2556 : vector<16xi32>
    %gather3A_2558 = tpu.vector_load_idx %arg14[%add3A_2557] : memref<2048xf32, #tpu.memory_space<vmem>>[vector<16xi32>], vector<16xf32>,
    %add3A_2559 = arith.addf %add3A_2554, %gather3A_2558 : vector<16xf32>
    %add3A_2560 = arith.constant 8 : i32
    %add3A_2561 = vector.broadcast %add3A_2560 : i32 to vector<16xi32>
    %add3A_2562 = arith.addi %mul3A_2517, %add3A_2561 : vector<16xi32>
    %gather3A_2563 = tpu.vector_load_idx %arg14[%add3A_2562] : memref<2048xf32, #tpu.memory_space<vmem>>[vector<16xi32>], vector<16xf32>,
    %add3A_2564 = arith.addf %add3A_2559, %gather3A_2563 : vector<16xf32>
    %add3A_2565 = arith.constant 9 : i32
    %add3A_2566 = vector.broadcast %add3A_2565 : i32 to vector<16xi32>
    %add3A_2567 = arith.addi %mul3A_2517, %add3A_2566 : vector<16xi32>
    %gather3A_2568 = tpu.vector_load_idx %arg14[%add3A_2567] : memref<2048xf32, #tpu.memory_space<vmem>>[vector<16xi32>], vector<16xf32>,
    %add3A_2569 = arith.addf %add3A_2564, %gather3A_2568 : vector<16xf32>
    %add3A_2570 = arith.constant 10 : i32
    %add3A_2571 = vector.broadcast %add3A_2570 : i32 to vector<16xi32>
    %add3A_2572 = arith.addi %mul3A_2517, %add3A_2571 : vector<16xi32>
    %gather3A_2573 = tpu.vector_load_idx %arg14[%add3A_2572] : memref<2048xf32, #tpu.memory_space<vmem>>[vector<16xi32>], vector<16xf32>,
    %add3A_2574 = arith.addf %add3A_2569, %gather3A_2573 : vector<16xf32>
    %add3A_2575 = arith.constant 11 : i32
    %add3A_2576 = vector.broadcast %add3A_2575 : i32 to vector<16xi32>
    %add3A_2577 = arith.addi %mul3A_2517, %add3A_2576 : vector<16xi32>
    %gather3A_2578 = tpu.vector_load_idx %arg14[%add3A_2577] : memref<2048xf32, #tpu.memory_space<vmem>>[vector<16xi32>], vector<16xf32>,
    %add3A_2579 = arith.addf %add3A_2574, %gather3A_2578 : vector<16xf32>
    %add3A_2580 = arith.constant 12 : i32
    %add3A_2581 = vector.broadcast %add3A_2580 : i32 to vector<16xi32>
    %add3A_2582 = arith.addi %mul3A_2517, %add3A_2581 : vector<16xi32>
    %gather3A_2583 = tpu.vector_load_idx %arg14[%add3A_2582] : memref<2048xf32, #tpu.memory_space<vmem>>[vector<16xi32>], vector<16xf32>,
    %add3A_2584 = arith.addf %add3A_2579, %gather3A_2583 : vector<16xf32>
    %add3A_2585 = arith.constant 13 : i32
    %add3A_2586 = vector.broadcast %add3A_2585 : i32 to vector<16xi32>
    %add3A_2587 = arith.addi %mul3A_2517, %add3A_2586 : vector<16xi32>
    %gather3A_2588 = tpu.vector_load_idx %arg14[%add3A_2587] : memref<2048xf32, #tpu.memory_space<vmem>>[vector<16xi32>], vector<16xf32>,
    %add3A_2589 = arith.addf %add3A_2584, %gather3A_2588 : vector<16xf32>
    %add3A_2590 = arith.constant 14 : i32
    %add3A_2591 = vector.broadcast %add3A_2590 : i32 to vector<16xi32>
    %add3A_2592 = arith.addi %mul3A_2517, %add3A_2591 : vector<16xi32>
    %gather3A_2593 = tpu.vector_load_idx %arg14[%add3A_2592] : memref<2048xf32, #tpu.memory_space<vmem>>[vector<16xi32>], vector<16xf32>,
    %add3A_2594 = arith.addf %add3A_2589, %gather3A_2593 : vector<16xf32>
    %add3A_2595 = arith.constant 15 : i32
    %add3A_2596 = vector.broadcast %add3A_2595 : i32 to vector<16xi32>
    %add3A_2597 = arith.addi %mul3A_2517, %add3A_2596 : vector<16xi32>
    %gather3A_2598 = tpu.vector_load_idx %arg14[%add3A_2597] : memref<2048xf32, #tpu.memory_space<vmem>>[vector<16xi32>], vector<16xf32>,
    %add3A_2599 = arith.addf %add3A_2594, %gather3A_2598 : vector<16xf32>
    %swap3A_2600 = arith.constant 112 : index
    %swap3A_2601 = tpu.vector_load %arg17[%swap3A_2600] {strides = array<i32>} : memref<128xf32, #tpu.memory_space<vmem>>, vector<16xf32>,
    tpu.vector_store %arg17[%swap3A_2600], %add3A_2599 {strides = array<i32>} : memref<128xf32, #tpu.memory_space<vmem>>, vector<16xf32>,
    %scan3A_2602 = arith.constant 0 : i32
    %scan3A_2603 = arith.constant 0 : i32
    %scan3A_2604 = arith.constant 313 : i32
    %scan3A_2605 = arith.addi %scan3A_2603, %scan3A_2604 : i32
    %scan3A_2606 = arith.constant 1 : i32
    scf.for %scan3A_2608 = %scan3A_2603 to %scan3A_2605 step %scan3A_2606  : i32 {
      %mul3A_2609 = arith.constant 16 : i32
      %mul3A_2610 = arith.muli %scan3A_2608, %mul3A_2609 : i32
      %get3A_2611 = arith.index_cast %mul3A_2610 : i32 to index
      %get3A_2612 = tpu.vector_load %arg9[%get3A_2611] {strides = array<i32>} : memref<5008xi32, #tpu.memory_space<vmem>>, vector<16xi32>,
      %get3A_2613 = arith.index_cast %mul3A_2610 : i32 to index
      %get3A_2614 = tpu.vector_load %arg10[%get3A_2613] {strides = array<i32>} : memref<5008xf32, #tpu.memory_space<vmem>>, vector<16xf32>,
      %gather3A_2615 = tpu.vector_load_idx %arg17[%get3A_2612] : memref<128xf32, #tpu.memory_space<vmem>>[vector<16xi32>], vector<16xf32>,
      %gather3A_2616 = tpu.vector_load_idx %arg18[%get3A_2612] : memref<128xf32, #tpu.memory_space<vmem>>[vector<16xi32>], vector<16xf32>,
      %div3A_2617 = arith.divf %get3A_2614, %gather3A_2615 : vector<16xf32>
      %mul3A_2618 = arith.mulf %gather3A_2616, %div3A_2617 : vector<16xf32>
      %swap3A_2619 = arith.index_cast %mul3A_2610 : i32 to index
      %swap3A_2620 = tpu.vector_load %arg10[%swap3A_2619] {strides = array<i32>} : memref<5008xf32, #tpu.memory_space<vmem>>, vector<16xf32>,
      tpu.vector_store %arg10[%swap3A_2619], %mul3A_2618 {strides = array<i32>} : memref<5008xf32, #tpu.memory_space<vmem>>, vector<16xf32>,
    }
    %scan3A_2607 = arith.constant 313 : i32
    "tpu.region"() ({
      %run_scoped3A = tpu.sem_alloc : memref<!tpu.dma_semaphore, #tpu.memory_space<semaphore_mem>>
      %dma_start3A = arith.constant 0 : i32
      %dma_start3A_2608 = tpu.memref_slice %arg10[%dma_start3A] : memref<5008xf32, #tpu.memory_space<vmem>> -> memref<5000xf32, #tpu.memory_space<vmem>>
      %dma_start3A_2609 = tpu.memref_slice %arg7[%mul3A_5] : memref<160000xf32, #tpu.memory_space<hbm>> -> memref<5000xf32, #tpu.memory_space<hbm>>
      %dma_start3A_2610 = tpu.memref_slice %arg7[%mul3A_5] : memref<160000xf32, #tpu.memory_space<hbm>> -> memref<5000xf32, #tpu.memory_space<hbm>>
      %dma_start3A_2611 = arith.constant 0 : i32
      %dma_start3A_2612 = tpu.memref_slice %arg10[%dma_start3A_2611] : memref<5008xf32, #tpu.memory_space<vmem>> -> memref<5000xf32, #tpu.memory_space<vmem>>
      tpu.enqueue_dma source(%dma_start3A_2612 : memref<5000xf32, #tpu.memory_space<vmem>>) target(%dma_start3A_2610 : memref<5000xf32, #tpu.memory_space<hbm>>) target_semaphore(%run_scoped3A : memref<!tpu.dma_semaphore, #tpu.memory_space<semaphore_mem>>)
      %dma_wait3A = arith.constant 0 : i32
      %dma_wait3A_2613 = tpu.memref_slice %arg10[%dma_wait3A] : memref<5008xf32, #tpu.memory_space<vmem>> -> memref<5000xf32, #tpu.memory_space<vmem>>
      %dma_wait3A_2614 = tpu.memref_slice %arg7[%mul3A_5] : memref<160000xf32, #tpu.memory_space<hbm>> -> memref<5000xf32, #tpu.memory_space<hbm>>
      %dma_wait3A_2615 = tpu.memref_slice %arg7[%mul3A_5] : memref<160000xf32, #tpu.memory_space<hbm>> -> memref<5000xf32, #tpu.memory_space<hbm>>
      %dma_wait3A_2616 = arith.constant 0 : i32
      %dma_wait3A_2617 = tpu.memref_slice %arg10[%dma_wait3A_2616] : memref<5008xf32, #tpu.memory_space<vmem>> -> memref<5000xf32, #tpu.memory_space<vmem>>
      tpu.wait_dma2 semaphore(%run_scoped3A : memref<!tpu.dma_semaphore, #tpu.memory_space<semaphore_mem>>) src(%dma_wait3A_2617 : memref<5000xf32, #tpu.memory_space<vmem>>) dst(%dma_wait3A_2615 : memref<5000xf32, #tpu.memory_space<hbm>>)
      tpu.yield
    }) : () -> ()
    "tpu.region"() ({
      %run_scoped3A = tpu.sem_alloc : memref<!tpu.dma_semaphore, #tpu.memory_space<semaphore_mem>>
      %dma_start3A = tpu.memref_slice %arg5[%mul3A_7] : memref<4096xf32, #tpu.memory_space<hbm>> -> memref<128xf32, #tpu.memory_space<hbm>>
      %dma_start3A_2608 = tpu.memref_slice %arg5[%mul3A_7] : memref<4096xf32, #tpu.memory_space<hbm>> -> memref<128xf32, #tpu.memory_space<hbm>>
      tpu.enqueue_dma source(%arg18 : memref<128xf32, #tpu.memory_space<vmem>>) target(%dma_start3A_2608 : memref<128xf32, #tpu.memory_space<hbm>>) target_semaphore(%run_scoped3A : memref<!tpu.dma_semaphore, #tpu.memory_space<semaphore_mem>>)
      %dma_wait3A = tpu.memref_slice %arg5[%mul3A_7] : memref<4096xf32, #tpu.memory_space<hbm>> -> memref<128xf32, #tpu.memory_space<hbm>>
      %dma_wait3A_2609 = tpu.memref_slice %arg5[%mul3A_7] : memref<4096xf32, #tpu.memory_space<hbm>> -> memref<128xf32, #tpu.memory_space<hbm>>
      tpu.wait_dma2 semaphore(%run_scoped3A : memref<!tpu.dma_semaphore, #tpu.memory_space<semaphore_mem>>) src(%arg18 : memref<128xf32, #tpu.memory_space<vmem>>) dst(%dma_wait3A_2609 : memref<128xf32, #tpu.memory_space<hbm>>)
      tpu.yield
    }) : () -> ()
    "tpu.region"() ({
      %run_scoped3A = tpu.sem_alloc : memref<!tpu.dma_semaphore, #tpu.memory_space<semaphore_mem>>
      %dma_start3A = tpu.memref_slice %arg6[%mul3A_7] : memref<4096xf32, #tpu.memory_space<hbm>> -> memref<128xf32, #tpu.memory_space<hbm>>
      %dma_start3A_2608 = tpu.memref_slice %arg6[%mul3A_7] : memref<4096xf32, #tpu.memory_space<hbm>> -> memref<128xf32, #tpu.memory_space<hbm>>
      tpu.enqueue_dma source(%arg19 : memref<128xf32, #tpu.memory_space<vmem>>) target(%dma_start3A_2608 : memref<128xf32, #tpu.memory_space<hbm>>) target_semaphore(%run_scoped3A : memref<!tpu.dma_semaphore, #tpu.memory_space<semaphore_mem>>)
      %dma_wait3A = tpu.memref_slice %arg6[%mul3A_7] : memref<4096xf32, #tpu.memory_space<hbm>> -> memref<128xf32, #tpu.memory_space<hbm>>
      %dma_wait3A_2609 = tpu.memref_slice %arg6[%mul3A_7] : memref<4096xf32, #tpu.memory_space<hbm>> -> memref<128xf32, #tpu.memory_space<hbm>>
      tpu.wait_dma2 semaphore(%run_scoped3A : memref<!tpu.dma_semaphore, #tpu.memory_space<semaphore_mem>>) src(%arg19 : memref<128xf32, #tpu.memory_space<vmem>>) dst(%dma_wait3A_2609 : memref<128xf32, #tpu.memory_space<hbm>>)
      tpu.yield
    }) : () -> ()
    return
  }
}

module attributes {stable_mosaic.version = 14 : i64} {
  func.func @_tc_logits_body(%arg0: i32, %arg1: memref<3200x256xf32, #tpu.memory_space<vmem>>, %arg2: memref<256x8xf32, #tpu.memory_space<vmem>>, %arg3: memref<1x8xf32, #tpu.memory_space<vmem>>, %arg4: memref<3200x8xf32, #tpu.memory_space<vmem>>) attributes {dimension_semantics = [#tpu.dimension_semantics<arbitrary>], iteration_bounds = array<i64: 51>, scalar_prefetch = 0 : i64, scratch_operands = 0 : i64, tpu.core_type = #tpu.core_type<tc>, window_params = [{transform_indices = @transform_0, window_bounds = array<i64: 3200, 256>}, {pipeline_mode = #tpu.pipeline_mode<synchronous>, transform_indices = @transform_1, window_bounds = array<i64: 256, 8>}, {pipeline_mode = #tpu.pipeline_mode<synchronous>, transform_indices = @transform_2, window_bounds = array<i64: 1, 8>}, {transform_indices = @transform_3, window_bounds = array<i64: 3200, 8>}]} {
    %get3A = arith.constant 0 : index
    %get3A_0 = arith.constant 0 : index
    %get3A_1 = vector.load %arg1[%get3A, %get3A_0] : memref<3200x256xf32, #tpu.memory_space<vmem>>, vector<3200x256xf32>
    %get3A_2 = arith.constant 0 : index
    %get3A_3 = arith.constant 0 : index
    %get3A_4 = vector.load %arg2[%get3A_2, %get3A_3] : memref<256x8xf32, #tpu.memory_space<vmem>>, vector<256x8xf32>
    %dot_general3A = arith.constant dense<0.000000e+00> : vector<3200x8xf32>
    %dot_general3A_5 = tpu.matmul %get3A_1, %get3A_4, %dot_general3A {dimension_numbers = #tpu.dot_dimension_numbers<[1], [0], [0], [1], [0, 0, 1, 1], [], []>, transpose_lhs_hint = false} : vector<3200x256xf32>, vector<256x8xf32>, vector<3200x8xf32> -> vector<3200x8xf32>
    %get3A_6 = arith.constant 0 : index
    %get3A_7 = arith.constant 0 : index
    %get3A_8 = vector.load %arg3[%get3A_6, %get3A_7] : memref<1x8xf32, #tpu.memory_space<vmem>>, vector<1x8xf32>
    %add3A = vector.broadcast %get3A_8 : vector<1x8xf32> to vector<3200x8xf32>
    %add3A_9 = arith.addf %dot_general3A_5, %add3A : vector<3200x8xf32>
    %swap3A = arith.constant 0 : index
    %swap3A_10 = arith.constant 0 : index
    %swap3A_11 = vector.load %arg4[%swap3A, %swap3A_10] : memref<3200x8xf32, #tpu.memory_space<vmem>>, vector<3200x8xf32>
    tpu.vector_store %arg4[%swap3A, %swap3A_10], %add3A_9 {strides = array<i32>} : memref<3200x8xf32, #tpu.memory_space<vmem>>, vector<3200x8xf32>,
    return
  }
  func.func @transform_0(%arg0: i32) -> (i32, i32) {
    %c0_i32 = arith.constant 0 : i32
    %c0_i32_0 = arith.constant 0 : i32
    return %arg0, %c0_i32 : i32, i32
  }
  func.func @transform_1(%arg0: i32) -> (i32, i32) {
    %c0_i32 = arith.constant 0 : i32
    %c0_i32_0 = arith.constant 0 : i32
    %c0_i32_1 = arith.constant 0 : i32
    return %c0_i32, %c0_i32_0 : i32, i32
  }
  func.func @transform_2(%arg0: i32) -> (i32, i32) {
    %c0_i32 = arith.constant 0 : i32
    %c0_i32_0 = arith.constant 0 : i32
    %c0_i32_1 = arith.constant 0 : i32
    return %c0_i32, %c0_i32_0 : i32, i32
  }
  func.func @transform_3(%arg0: i32) -> (i32, i32) {
    %c0_i32 = arith.constant 0 : i32
    %c0_i32_0 = arith.constant 0 : i32
    return %arg0, %c0_i32 : i32, i32
  }
}

</mosaic_0001>

<sc_bundles>
// kernel: kernel.4.cloned.1.call-start
scs
__scs_entry_jumppad:
0x0: {  	(pc) =	sbr.rel $0x88, $3  }
0x1: {  	(tag) =	ssettag $0x0;
	lr =	simm.s32 $0x1  }
0x2: {  	[smem:$0x3F9B] =	sst lr;
	_ =	strace $0xD0000000  }
0x3: {  	_ = 	snop  }
0x4: {  	_ = 	snop  }
0x5: {  	_ = 	snop  }
0x6: {  	_ = 	snop  }
0x7: {  	_ = 	snop  }
__scs_overlays_trampoline_lowered:
0x8: {  	[smem:$0x3FAA] =	sst s0  }
0x9: {  	[smem:$0x3FAB] =	sst s1  }
0xa: {  	[smem:$0x3FAC] =	sst s2  }
0xb: {  	[smem:$0x3FAD] =	sst s3  }
0xc: {  	[smem:$0x3FAE] =	sst s4  }
0xd: {  	[smem:$0x3FAF] =	sst s5  }
0xe: {  	[smem:$0x3FB0] =	sst s6  }
0xf: {  	[smem:$0x3FB1] =	sst s7  }
0x10: {  	[smem:$0x3FB2] =	sst s8  }
0x11: {  	[smem:$0x3FB3] =	sst s9;
	s0 =	simm.s32 @!p0 $0x0  }
0x12: {  	s1 =	sld [smem:$0x3F99];
	s0 =	simm.s32 @p0 $0x1  }
0x13: {  	[smem:$0x3FB4] =	sst s0;
	s0 =	simm.s32 @!p1 $0x0  }
0x14: {  	s2 =	sld [smem:$0x3F98];
	s0 =	simm.s32 @p1 $0x1  }
0x15: {  	[smem:$0x3FB5] =	sst s0;
	s0 =	simm.s32 @!p2 $0x0  }
0x16: {  	s3 =	sld [smem:$0x3FDB];
	s0 =	simm.s32 @p2 $0x1  }
0x17: {  	s4 =	simm.s32 $0x1BF5;
	[smem:$0x3FB7] =	sst s0  }
0x18: {  	s0 =	sld [smem:$0x3F9A];
	_ =	swait.ge [sflag:s4], $0x0  }
0x19: {  	s7 =	sld [smem:$0x3F9B]  }
0x1a: {  	s8 =	sadd.s32 $0xFFFFE003, lr  }
0x1b: {  	s9 =	sadd.s32 $0xFFFFFEF7, lr;
	s5 =	simm.s32 $0xFFFFFFFF;
	p2 =	slt.u32 s8, $0xFFFFF086  }
0x1c: {  	p1 =	slt.u32 s9, $0xF7A;
	s5 =	simm.s32 @!p2 $0x0  }
0x1d: {  	s5 =	simm.s32 @p1 $0x1;
	p0 =	seq.s32 s7, s2  }
0x1e: {  	s7 =	smul.u32 @!p0 $0xF7A, s2;
	p2 =	seq.s32 @!p0 s5, $0x0  }
0x1f: {  	s9 =	smul.u32 $0xF7A, s1;
	s8 =	simm.s32 @!p0 $0x1BF5;
	p2 =	por !p2, p0  }
0x20: {  	[sflag:s8] =	ssyncset.s32 @!p0 $0xFFFFF086;
	s6 =	sadd.s32 @!p0 s3, s7;
	s7 =	simm.s32 @!p0 $0x108  }
0x21: {  	s3 =	sadd.s32 s3, s9;
	s6 =	sadd.s32 @!p0 $0x88, s6;
	s7 =	simm.s32 @p2 $0x1082  }
0x22: {  	[simem:s7], [sflag:s8] =	dma.local @!p0 [hbm:s6], $0xF7A  }
0x23: {  	s9 =	sor.u32 $0xD0000000, s2;
	s6 =	simm.s32 $0x108;
	_ =	swait.ge @!p0 [sflag:s8], $0x0  }
0x24: {  	s3 =	sadd.s32 $0x88, s3;
	s6 =	simm.s32 @!p1 $0x1082;
	[sflag:s4] =	ssyncset.s32 $0xFFFFF086  }
0x25: {  	[simem:s6], [sflag:s4] =	dma.local [hbm:s3], $0xF7A  }
0x26: {  	[smem:$0x3F9B] =	sst s1;
	(tag) =	ssettag s2;
	_ =	strace s9  }
0x27: {  	s1 =	sld [smem:$0x3FAB]  }
0x28: {  	s2 =	sld [smem:$0x3FAC]  }
0x29: {  	s4 =	sld [smem:$0x3FAE]  }
0x2a: {  	p0 =	seq.s32 s5, $0x0;
	s5 =	sld [smem:$0x3FAF]  }
0x2b: {  	s6 =	sld [smem:$0x3FB0]  }
0x2c: {  	s7 =	sld [smem:$0x3FB1]  }
0x2d: {  	s3 =	simm.s32 $0x108;
	s8 =	sld [smem:$0x3FB2]  }
0x2e: {  	s3 =	simm.s32 @!p0 $0x1082;
	s9 =	sld [smem:$0x3FB3]  }
0x2f: {  	lr =	sadd.s32 s0, s3;
	s0 =	sld [smem:$0x3FAA]  }
0x30: {  	s3 =	sld [smem:$0x3FAD]  }
0x31: {  	[smem:$0x3FB6] =	sst s10  }
0x32: {  	s10 =	sld [smem:$0x3FB4];
	_ =	sdelay $0x3  }
0x33: {  	p0 =	seq.s32 s10, $0x1;
	s10 =	sld [smem:$0x3FB6];
	_ =	sdelay $0x3  }
0x34: {  	[smem:$0x3FB6] =	sst s10  }
0x35: {  	s10 =	sld [smem:$0x3FB5];
	_ =	sdelay $0x3  }
0x36: {  	p1 =	seq.s32 s10, $0x1;
	s10 =	sld [smem:$0x3FB6];
	_ =	sdelay $0x3  }
0x37: {  	[smem:$0x3FB6] =	sst s10  }
0x38: {  	s10 =	sld [smem:$0x3FB7]  }
0x39: {  	_ = 	snop;
	(pc) =	sbr.ind lr, $3  }
0x3a: {  	_ = 	snop  }
0x3b: {  	_ = 	snop  }
0x3c: {  	p2 =	seq.s32 s10, $0x1;
	s10 =	sld [smem:$0x3FB6]  }
0x3d: {  	_ =	shalt  }
0x3e: {  	_ =	shalt  }
0x3f: {  	_ =	shalt  }
0x40: {  	_ =	shalt  }
0x41: {  	_ =	shalt  }
0x42: {  	_ =	shalt  }
0x43: {  	_ =	shalt  }
0x44: {  	_ =	shalt  }
0x45: {  	_ =	shalt  }
0x46: {  	_ =	shalt  }
0x47: {  	_ =	shalt  }
0x48: {  	_ =	shalt  }
0x49: {  	_ =	shalt  }
0x4a: {  	_ =	shalt  }
0x4b: {  	_ =	shalt  }
0x4c: {  	_ =	shalt  }
0x4d: {  	_ =	shalt  }
0x4e: {  	_ =	shalt  }
0x4f: {  	_ =	shalt  }
0x50: {  	_ =	shalt  }
0x51: {  	_ =	shalt  }
0x52: {  	_ =	shalt  }
0x53: {  	_ =	shalt  }
0x54: {  	_ =	shalt  }
0x55: {  	_ =	shalt  }
0x56: {  	_ =	shalt  }
0x57: {  	_ =	shalt  }
0x58: {  	_ =	shalt  }
0x59: {  	_ =	shalt  }
0x5a: {  	_ =	shalt  }
0x5b: {  	_ =	shalt  }
0x5c: {  	_ =	shalt  }
0x5d: {  	_ =	shalt  }
0x5e: {  	_ =	shalt  }
0x5f: {  	_ =	shalt  }
0x60: {  	_ =	shalt  }
0x61: {  	_ =	shalt  }
0x62: {  	_ =	shalt  }
0x63: {  	_ =	shalt  }
0x64: {  	_ =	shalt  }
0x65: {  	_ =	shalt  }
0x66: {  	_ =	shalt  }
0x67: {  	_ =	shalt  }
0x68: {  	_ =	shalt  }
0x69: {  	_ =	shalt  }
0x6a: {  	_ =	shalt  }
0x6b: {  	_ =	shalt  }
0x6c: {  	_ =	shalt  }
0x6d: {  	_ =	shalt  }
0x6e: {  	_ =	shalt  }
0x6f: {  	_ =	shalt  }
0x70: {  	_ =	shalt  }
0x71: {  	_ =	shalt  }
0x72: {  	_ =	shalt  }
0x73: {  	_ =	shalt  }
0x74: {  	_ =	shalt  }
0x75: {  	_ =	shalt  }
0x76: {  	_ =	shalt  }
0x77: {  	_ =	shalt  }
0x78: {  	_ =	shalt  }
0x79: {  	_ =	shalt  }
0x7a: {  	_ =	shalt  }
0x7b: {  	_ =	shalt  }
0x7c: {  	_ =	shalt  }
0x7d: {  	_ =	shalt  }
0x7e: {  	_ =	shalt  }
0x7f: {  	_ =	shalt  }
0x80: {  	_ =	shalt  }
0x81: {  	_ =	shalt  }
0x82: {  	_ =	shalt  }
0x83: {  	_ =	shalt  }
0x84: {  	_ =	shalt  }
0x85: {  	_ =	shalt  }
0x86: {  	_ =	shalt  }
0x87: {  	_ =	shalt  }
.Lfunc_end0:
.L_simem_size_0:
called_computation_lowered:
.L_overlay_start_0:
0x88: {  	s2 =	sld [smem:$0x3FD9]  }
0x89: {  	s3 =	sld [smem:$0x3FFE];
	_ =	sdelay $0x1  }
0x8a: {  	s1 =	srdreg.scid  }
0x8b: {  	s0 =	sand.u32 $0x1, s1  }
0x8c: {  	s14 =	sshll.u32 s0, $0xA;
	s2 =	sadd.s32 s3, s2  }
0x8d: {  	s2 =	sadd.s32 s2, s14  }
0x8e: {  	[smem:$0x3FC2] =	sst s2  }
0x8f: {  	_ = 	snop  }
0x90: {  	s2 =	sld [smem:$0x3FD0];
	_ =	sdelay $0x2  }
0x91: {  	s15 =	simm.s32 $0xA;
	s4 =	simm.s32 $0x10  }
0x92: {  	[smem:s4], [sflag:s15] =	dma.local [hbm:s2], $0x1  }
0x93: {  	_ =	swait.eq [sflag:s15], $0x1  }
0x94: {  	s16 =	sld [smem:$0x10];
	[sflag:s15] =	ssyncset.done $0x0  }
0x95: {  	s17 =	sld [smem:$0x11];
	[sflag:s15] =	ssyncadd.s32 $0xFFFFFFFF  }
0x96: {  	s18 =	sld [smem:$0x12];
	(tm) =	ssettm $0x1  }
0x97: {  	s5 =	sld [smem:$0x3FFB];
	_ =	sdelay $0x3  }
0x98: {  	_ =	strace s5  }
0x99: {  	s5 =	sld [smem:$0x3FFC];
	_ =	sdelay $0x3  }
0x9a: {  	_ =	strace s5  }
0x9b: {  	s5 =	sld [smem:$0x3FFD];
	_ =	sdelay $0x3  }
0x9c: {  	_ =	strace s5  }
0x9d: {  	_ =	strace $0x8FFFFFFF  }
0x9e: {  	s19 =	sld [smem:$0x3FDB];
	_ =	sdelay $0x1  }
0x9f: {  	s6 =	simm.s32 $_scs_section_size  }
0xa0: {  	s7 =	simm.s32 $_size__tile_overlayer_lowered;
	s8 =	simm.s32 $_tile_overlayer_lowered  }
0xa1: {  	s22 =	simm.s32 $0x1BFF;
	s21 =	sshll.u32 s8, $0x1;
	s5 =	sadd.s32 s6, s19  }
0xa2: {  	s9 =	simm.s32 $0x0;
	s20 =	sshll.u32 s7, $0x1;
	s7 =	sadd.s32 s21, s5  }
0xa3: {  	[timem:s9], [sflag:s22] =	dma.local [hbm:s7], s20  }
0xa4: {  	_ =	swait.ge [sflag:s22], s20  }
0xa5: {  	s6 =	ssub.s32 $0x0, s20;
	[sflag:s22] =	ssyncset.done $0x0  }
0xa6: {  	[sflag:s22] =	ssyncadd.s32 s6;
	_ =	sdelay $0x1  }
0xa7: {  	s23 =	simm.s32 $0x1B8B  }
0xa8: {  	_ =	swait.ge [sflag:s23], $0x1  }
0xa9: {  	[sflag:s23] =	ssyncset.done $0x0  }
0xaa: {  	s25 =	simm.s32 $0x1B8E;
	s24 =	sld [smem:$0x3FFE];
	[sflag:s23] =	ssyncadd.s32 $0xFFFFFFFF  }
0xab: {  	s26 =	simm.s32 $execute0_lowered;
	[smem:$0x3FD2] =	sst s25  }
0xac: {  	s7 =	sshll.u32 s26, $0x1;
	_ =	strace $0x80000046;
	[dreg:$0x1] =	wrdreg $0xFFFFFFFF  }
0xad: {  	s28 =	simm.s32 $_size_execute0_lowered;
	s5 =	sadd.s32 s5, s7;
	[dreg:$0x0] =	wrdreg $0x0  }
0xae: {  	s7 =	sshll.u32 s28, $0x1;
	[dreg:$0x2] =	wrdreg s5  }
0xaf: {  	[dreg:$0x3] =	wrdreg s7  }
0xb0: {  	[dreg:$0x4] =	wrdreg $0xC0  }
0xb1: {  	_ =	task [dreg:s9], $0x5FFFF  }
0xb2: {  	[dreg:$0x1] =	wrdreg $0xFFFFFFFF  }
0xb3: {  	[dreg:$0x0] =	wrdreg $0x60  }
0xb4: {  	[dreg:$0x2] =	wrdreg s17  }
0xb5: {  	[dreg:$0x3] =	wrdreg s24  }
0xb6: {  	[dreg:$0x4] =	wrdreg s16  }
0xb7: {  	[dreg:$0x5] =	wrdreg s18  }
0xb8: {  	[dreg:$0x6] =	wrdreg $0x9  }
0xb9: {  	_ =	task.clear_ibuf [dreg:s9], $0x7FFFF;
	_ =	strace $0x90000046  }
0xba: {  	s29 =	simm.s32 $0x9;
	_ =	strace $0x80000048  }
0xbb: {  	_ =	swait.ge [sflag:s29], $0x1  }
0xbc: {  	[sflag:s29] =	ssyncadd.s32 $0xFFFFFFFF  }
0xbd: {  	_ =	strace $0x90000048  }
0xbe: {  	_ =	sfence  }
0xbf: {  	s30 =	sld [smem:$0x0];
	_ =	sdelay $0x2  }
0xc0: {  	s31 =	sshll.u32 s1, $0xD;
	s1 =	sshrl.u32 s1, $0x2  }
0xc1: {  	s3 =	sand.u32 $0x4000, s31;
	s1 =	sadd.s32 s1, s30  }
0xc2: {  	s0 =	sor.u32 s3, s0;
	s1 =	sshll.u32 s1, $0x11  }
0xc3: {  	s0 =	sor.u32 s1, s0  }
0xc4: {  	s0 =	sadd.s32 $0x8F2B, s0  }
0xc5: {  	[sflag:s0] =	ssyncadd.remote.s32 $0x1  }
0xc6: {  	_ =	sfence.sel $0xFFFF  }
0xc7: {  	[dreg:$0x0] =	wrdreg $0xFFFFFFFF;
	(pc) =	sbr.abs _section_cstart, $3  }
0xc8: {  	[dreg:$0x1] =	wrdreg $0xFFFFFFFF  }
0xc9: {  	_ =	task.clear_ibuf [dreg:s9], $0x2FFFF;
	_ =	strace $0x9FFFFFFF  }
0xca: {  	(tm) =	ssettm $0x7FFFFFFF  }
0xcb: {  	_ =	shalt  }
tec
execute0_lowered:
.L_overlay_start_1:
0x0: {  	(tag) =	ssettag $0x1  }
0x1: {  	s4 =	rddreg [dreg:$0x0]  }
0x2: {  	s5 =	rddreg [dreg:$0x1]  }
0x3: {  	s9 =	rddreg [dreg:$0x2]  }
0x4: {  	s10 =	rddreg [dreg:$0x3];
	s1 =	simm.s32 $0x0  }
0x5: {  	[smem:$0x7FF] =	sst s1  }
0x6: {  	s0 =	rddreg [dreg:$0x4];
	v1 =	vimm.f32 $-Inf;
	_ =	strace $0x80000047  }
0x7: {  	(xrf0) =	vmax.scan.msk.f32 $0xffff, v1;
	_ =	sdelay $0x5  }
0x8: {  	v2, _, _ =	vpop (xrf0)  }
0x9: {  	(v2sf) =	vpush v2, $0xF;
	v2 =	vlaneseq.u32  }
0xa: {  	v3 =	vmul.u32 $0x10, v2;
	_ =	sdelay $0x1  }
0xb: {  	v5 =	vor.u32 $0x108, v3  }
0xc: {  	v18 =	vor.u32 $0x1, v3;
	[tilespmem:$0x1FC50] =	vst v5  }
0xd: {  	v19 =	vor.u32 $0x2, v3;
	[tilespmem:$0x1FE90] =	vst v18  }
0xe: {  	v20 =	vor.u32 $0x3, v3;
	[tilespmem:$0x1FEA0] =	vst v19  }
0xf: {  	v21 =	vor.u32 $0x4, v3;
	[tilespmem:$0x1FEB0] =	vst v20  }
0x10: {  	v22 =	vor.u32 $0x5, v3;
	[tilespmem:$0x1FEC0] =	vst v21  }
0x11: {  	v23 =	vor.u32 $0x6, v3;
	[tilespmem:$0x1FED0] =	vst v22  }
0x12: {  	v24 =	vor.u32 $0x7, v3;
	[tilespmem:$0x1FEE0] =	vst v23  }
0x13: {  	v25 =	vor.u32 $0x8, v3;
	[tilespmem:$0x1FEF0] =	vst v24  }
0x14: {  	v26 =	vor.u32 $0x9, v3;
	[tilespmem:$0x1FF00] =	vst v25  }
0x15: {  	v27 =	vor.u32 $0xA, v3;
	[tilespmem:$0x1FF10] =	vst v26  }
0x16: {  	v28 =	vor.u32 $0xB, v3;
	[tilespmem:$0x1FF20] =	vst v27  }
0x17: {  	v29 =	vor.u32 $0xC, v3;
	[tilespmem:$0x1FF30] =	vst v28  }
0x18: {  	v30 =	vor.u32 $0xD, v3;
	[tilespmem:$0x1FF40] =	vst v29  }
0x19: {  	v31 =	vor.u32 $0xE, v3;
	[tilespmem:$0x1FF50] =	vst v30  }
0x1a: {  	v32 =	vor.u32 $0xF, v3;
	[tilespmem:$0x1FF60] =	vst v31  }
0x1b: {  	v33 =	vor.u32 $0x100, v3;
	[tilespmem:$0x1FF70] =	vst v32  }
0x1c: {  	v34 =	vor.u32 $0x101, v3;
	[tilespmem:$0x1FF80] =	vst v33  }
0x1d: {  	v35 =	vor.u32 $0x102, v3;
	[tilespmem:$0x1FF90] =	vst v34  }
0x1e: {  	v36 =	vor.u32 $0x103, v3;
	[tilespmem:$0x1FFA0] =	vst v35  }
0x1f: {  	v37 =	vor.u32 $0x104, v3;
	[tilespmem:$0x1FFB0] =	vst v36  }
0x20: {  	v38 =	vor.u32 $0x105, v3;
	[tilespmem:$0x1FFC0] =	vst v37  }
0x21: {  	v39 =	vor.u32 $0x106, v3;
	[tilespmem:$0x1FFD0] =	vst v38  }
0x22: {  	v40 =	vor.u32 $0x107, v3;
	[tilespmem:$0x1FFE0] =	vst v39  }
0x23: {  	v5 =	vor.u32 $0x109, v3;
	[tilespmem:$0x1FFF0] =	vst v40  }
0x24: {  	[tilespmem:$0x1FC60] =	vst v5;
	v5 =	vor.u32 $0x10A, v3  }
0x25: {  	[tilespmem:$0x1FC70] =	vst v5;
	v5 =	vor.u32 $0x10B, v3  }
0x26: {  	[tilespmem:$0x1FC80] =	vst v5;
	v5 =	vor.u32 $0x10C, v3  }
0x27: {  	[tilespmem:$0x1FC90] =	vst v5;
	v5 =	vor.u32 $0x10D, v3  }
0x28: {  	[tilespmem:$0x1FCA0] =	vst v5;
	v5 =	vor.u32 $0x10E, v3  }
0x29: {  	[tilespmem:$0x1FCB0] =	vst v5;
	v5 =	vor.u32 $0x10F, v3  }
0x2a: {  	[tilespmem:$0x1FCC0] =	vst v5;
	v5 =	vor.u32 $0x200, v3  }
0x2b: {  	v0 =	vimm.f32 $0.0e+00;
	[tilespmem:$0x1FCD0] =	vst v5;
	v5 =	vor.u32 $0x201, v3  }
0x2c: {  	(xrf2) =	vadd.scan.msk.f32 $0xffff, v0;
	[tilespmem:$0x1FCE0] =	vst v5;
	v5 =	vor.u32 $0x202, v3  }
0x2d: {  	[tilespmem:$0x1FCF0] =	vst v5;
	v5 =	vor.u32 $0x203, v3  }
0x2e: {  	[tilespmem:$0x1FD00] =	vst v5;
	v5 =	vor.u32 $0x204, v3  }
0x2f: {  	[tilespmem:$0x1FD10] =	vst v5;
	v5 =	vor.u32 $0x205, v3  }
0x30: {  	[tilespmem:$0x1FD20] =	vst v5;
	v5 =	vor.u32 $0x206, v3  }
0x31: {  	[tilespmem:$0x1FD30] =	vst v5;
	v5 =	vor.u32 $0x207, v3  }
0x32: {  	[tilespmem:$0x1FD40] =	vst v5;
	v5 =	vor.u32 $0x208, v3  }
0x33: {  	[tilespmem:$0x1FD50] =	vst v5;
	v5 =	vor.u32 $0x209, v3  }
0x34: {  	[tilespmem:$0x1FD60] =	vst v5;
	v5 =	vor.u32 $0x20A, v3  }
0x35: {  	[tilespmem:$0x1FD70] =	vst v5;
	v5 =	vor.u32 $0x20B, v3  }
0x36: {  	v4, _, _ =	vpop (xrf2);
	[tilespmem:$0x1FD80] =	vst v5;
	v5 =	vor.u32 $0x20C, v3  }
0x37: {  	(v2sf) =	vpush v4, $0xF;
	[tilespmem:$0x1FD90] =	vst v5;
	v5 =	vor.u32 $0x20D, v3  }
0x38: {  	[tilespmem:$0x1FDA0] =	vst v5;
	v5 =	vor.u32 $0x20E, v3  }
0x39: {  	[tilespmem:$0x1FDB0] =	vst v5;
	v5 =	vor.u32 $0x20F, v3  }
0x3a: {  	[tilespmem:$0x1FDC0] =	vst v5;
	v5 =	vor.u32 $0x300, v3  }
0x3b: {  	[tilespmem:$0x1FDD0] =	vst v5;
	v5 =	vor.u32 $0x301, v3  }
0x3c: {  	s2 =	srdreg.scid;
	s14 =	simm.s32 $0x3C00;
	s15 =	simm.s32 $0x3C80;
	[tilespmem:$0x1FDE0] =	vst v5;
	v5 =	vor.u32 $0x302, v3  }
0x3d: {  	s16 =	simm.s32 $0x4480;
	s17 =	simm.s32 $0x5480;
	s18 =	simm.s32 $0x4C80;
	[tilespmem:$0x1FDF0] =	vst v5;
	v5 =	vor.u32 $0x303, v3  }
0x3e: {  	s19 =	simm.s32 $0x5580;
	s20 =	simm.s32 $0x5600;
	s6 =	sand.u32 $0x1, s2;
	[tilespmem:$0x1FE00] =	vst v5;
	v5 =	vor.u32 $0x304, v3  }
0x3f: {  	s21 =	simm.s32 $0x2800;
	s2 =	stileid.u32;
	s3 =	sshll.u32 s6, $0x4;
	[tilespmem:$0x1FE10] =	vst v5;
	v5 =	vor.u32 $0x305, v3  }
0x40: {  	s22 =	simm.s32 $0x5680;
	s6 =	ssub.s32 $0x2, s6;
	s7 =	sor.u32 s2, s3;
	[tilespmem:$0x1FE20] =	vst v5;
	v5 =	vor.u32 $0x306, v3  }
0x41: {  	s23 =	simm.s32 $0x0;
	s31 =	sshrl.u32 s6, $0x1;
	s11 =	sshll.u32 s7, $0x4;
	[tilespmem:$0x1FE30] =	vst v5;
	v5 =	vor.u32 $0x307, v3  }
0x42: {  	s8 =	smul.u32 $0x271, s7;
	s13 =	ssub.s32 s6, s31;
	s7 =	sadd.s32 s11, s5;
	[tilespmem:$0x1FE40] =	vst v5;
	v5 =	vor.u32 $0x308, v3  }
0x43: {  	s9 =	sadd.s32 s9, s11;
	s10 =	sadd.s32 s10, s11;
	s11 =	smax.u32 s13, $0x1;
	[tilespmem:$0x1FE50] =	vst v5;
	v5 =	vor.u32 $0x309, v3  }
0x44: {  	s13 =	simm.s32 $0x1400;
	s12 =	sadd.s32 s8, s5;
	s4 =	sadd.s32 s4, s8;
	[tilespmem:$0x1FE60] =	vst v5;
	v5 =	vor.u32 $0x30A, v3  }
0x45: {  	s6 =	sadd.s32 $0x5600, s7;
	s5 =	sadd.s32 $0x600, s12;
	s3 =	spop (v2sf);
	[tilespmem:$0x1FE70] =	vst v5;
	v5 =	vor.u32 $0x30B, v3  }
0x46: {  	vm0 =	vmmov $0xff;
	vm1 =	vmmov $0xf;
	s8 =	sadd.s32 $0x5800, s12;
	s12 =	simm.s32 $0x1;
	v4 =	vimm.f32 $1.000000000e+00;
	s7 =	spop (v2sf);
	[tilespmem:$0x1FE80] =	vst v5  }
.LBB2_1:
0x47: {  	[tilespmem:s1], [sflag:$0x1] =	stream.linear.gather [hbm4b:s4+s1], $0x1388, $0x38;
	[tilespmem:$0x5700] =	vst v63  }
0x48: {  	_ =	swait.ge [sflag:s12], $0x1388  }
0x49: {  	[sflag:s12] =	ssyncset.done $0x0  }
0x4a: {  	[sflag:s12] =	ssyncadd.s32 $0xFFFFEC78  }
0x4b: {  	[tilespmem:s13], [sflag:$0x1] =	stream.linear.gather [hbm4b:s5+s1], $0x1388, $0x38;
	[tilespmem:$0x5700] =	vst v63  }
0x4c: {  	_ =	swait.ge [sflag:s12], $0x1388  }
0x4d: {  	[sflag:s12] =	ssyncset.done $0x0  }
0x4e: {  	[sflag:s12] =	ssyncadd.s32 $0xFFFFEC78  }
0x4f: {  	[tilespmem:s14], [sflag:$0x1] =	stream.linear.gather [hbm4b:s6+s1], $0x80, $0x38;
	[tilespmem:$0x5700] =	vst v63  }
0x50: {  	_ =	swait.ge [sflag:s12], $0x80  }
0x51: {  	[sflag:s12] =	ssyncset.done $0x0  }
0x52: {  	[sflag:s12] =	ssyncadd.s32 $0xFFFFFF80  }
0x53: {  	v5 =	vld [tilespmem:$0x1380]  }
0x54: {  	v6 =	vld [tilespmem:$0x2780];
	_ =	sdelay $0x3  }
0x55: {  	v5 =	vnsel vm0, $0x0, v5  }
0x56: {  	[tilespmem:$0x1380] =	vst v5;
	v5 =	vnsel vm0, $0x7F, v6  }
0x57: {  	s24 =	simm.s32 $0x0;
	[tilespmem:$0x2780] =	vst v5  }
.LBB2_2:
0x58: {  	p0 =	sne.s32 s24, $0x1FC0  }
.Ltmp0:
0x59: {  	_ = 	snop;
	(pc) =	sbr.rel @p0 .LBB2_2-.Ltmp0, $4  }
0x5a: {  	s25 =	sshra.s32 s24, $0x2  }
0x5b: {  	[tilespmem:s25+$0x3C80] =	vst v1  }
0x5c: {  	[tilespmem:s25+$0x4480] =	vst v0  }
0x5d: {  	s24 =	sadd.s32 $0x40, s24;
	[tilespmem:s25+$0x4C80] =	vst v0  }
0x5e: {  	s25 =	simm.s32 $0x0  }
0x5f: {  	s24 =	simm.s32 $0x40;
	v5 =	vld [tilespmem:s25+$0x1400]  }
.LBB2_4:
0x60: {  	p0 =	sne.s32 s24, $0x4E00;
	_ =	sdelay $0x3  }
0x61: {  	v5 =	vshll.u32 v5, $0x4  }
0x62: {  	v5 =	vor.u32 v2, v5;
	_ =	sdelay $0x4  }
0x63: {  	v6 =	vld.idx.msk [tilespmem:v5+s15+$0x0], $0xffff  }
0x64: {  	v7 =	vld [tilespmem:s25+$0x0];
	_ =	sdelay $0x3  }
.Ltmp1:
0x65: {  	(pc) =	sbr.rel @p0 .LBB2_4-.Ltmp1, $4  }
0x66: {  	v6 =	vmax.f32 v6, v7  }
0x67: {  	[tilespmem:v5+s15+$0x0] =	vst.idx.msk $0xffff, v6  }
0x68: {  	s25 =	sshra.s32 s24, $0x2;
	[tilespmem:v5+s16+$0x0] =	vst.idx.add.f32.msk $0xffff, v4  }
0x69: {  	s24 =	sadd.s32 $0x40, s24;
	v5 =	vld [tilespmem:s25+$0x1400]  }
0x6a: {  	_ =	sdelay $0x3  }
0x6b: {  	v5 =	vshll.u32 v5, $0x4  }
0x6c: {  	v5 =	vor.u32 v2, v5;
	_ =	sdelay $0x3  }
0x6d: {  	v7 =	vld [tilespmem:s25+$0x0]  }
0x6e: {  	v6 =	vld.idx.msk [tilespmem:v5+s15+$0x0], $0xffff;
	_ =	sdelay $0x4  }
0x6f: {  	v6 =	vmax.f32 v6, v7  }
0x70: {  	[tilespmem:v5+s15+$0x0] =	vst.idx.msk $0xffff, v6  }
0x71: {  	[tilespmem:v5+s16+$0x0] =	vst.idx.add.f32.msk $0xffff, v4  }
0x72: {  	v5 =	vld.idx.msk [tilespmem:v3+s15+$0x0], $0xffff  }
0x73: {  	v6 =	vld.idx.msk [tilespmem:v3+s16+$0x0], $0xffff  }
0x74: {  	v7 =	vld.idx.msk [tilespmem:v18+s15+$0x0], $0xffff  }
0x75: {  	v8 =	vld.idx.msk [tilespmem:v18+s16+$0x0], $0xffff  }
0x76: {  	v9 =	vld.idx.msk [tilespmem:v19+s15+$0x0], $0xffff  }
0x77: {  	v10 =	vld.idx.msk [tilespmem:v19+s16+$0x0], $0xffff  }
0x78: {  	v11 =	vld.idx.msk [tilespmem:v20+s15+$0x0], $0xffff  }
0x79: {  	v12 =	vld.idx.msk [tilespmem:v20+s16+$0x0], $0xffff;
	v6 =	vadd.f32 $0.0e+00, v6  }
0x7a: {  	v13 =	vld.idx.msk [tilespmem:v21+s16+$0x0], $0xffff  }
0x7b: {  	v14 =	vld.idx.msk [tilespmem:v22+s16+$0x0], $0xffff;
	v6 =	vadd.f32 v8, v6  }
0x7c: {  	v15 =	vld.idx.msk [tilespmem:v23+s16+$0x0], $0xffff  }
0x7d: {  	v16 =	vld.idx.msk [tilespmem:v24+s16+$0x0], $0xffff;
	v6 =	vadd.f32 v10, v6  }
0x7e: {  	v17 =	vld.idx.msk [tilespmem:v25+s16+$0x0], $0xffff  }
0x7f: {  	v63 =	vld.idx.msk [tilespmem:v26+s16+$0x0], $0xffff;
	v6 =	vadd.f32 v12, v6  }
0x80: {  	v5 =	vmax.f32 v5, v7;
	v7 =	vld.idx.msk [tilespmem:v28+s15+$0x0], $0xffff  }
0x81: {  	v5 =	vmax.f32 v5, v9;
	v9 =	vld.idx.msk [tilespmem:v28+s16+$0x0], $0xffff;
	v6 =	vadd.f32 v13, v6  }
0x82: {  	v28 =	vld [tilespmem:$0x1FC80]  }
0x83: {  	v8 =	vld.idx.msk [tilespmem:v21+s15+$0x0], $0xffff;
	v6 =	vadd.f32 v14, v6  }
0x84: {  	v21 =	vld.idx.msk [tilespmem:v27+s15+$0x0], $0xffff  }
0x85: {  	v5 =	vmax.f32 v5, v11;
	v11 =	vld.idx.msk [tilespmem:v29+s15+$0x0], $0xffff;
	v6 =	vadd.f32 v15, v6  }
0x86: {  	v10 =	vld.idx.msk [tilespmem:v22+s15+$0x0], $0xffff  }
0x87: {  	v22 =	vld.idx.msk [tilespmem:v27+s16+$0x0], $0xffff;
	v6 =	vadd.f32 v16, v6  }
0x88: {  	v12 =	vld.idx.msk [tilespmem:v23+s15+$0x0], $0xffff  }
0x89: {  	v5 =	vmax.f32 v5, v8;
	v8 =	vld.idx.msk [tilespmem:v29+s16+$0x0], $0xffff;
	v6 =	vadd.f32 v17, v6  }
0x8a: {  	v13 =	vld.idx.msk [tilespmem:v24+s15+$0x0], $0xffff  }
0x8b: {  	v14 =	vld.idx.msk [tilespmem:v25+s15+$0x0], $0xffff;
	v6 =	vadd.f32 v63, v6  }
0x8c: {  	v15 =	vld.idx.msk [tilespmem:v26+s15+$0x0], $0xffff  }
0x8d: {  	v5 =	vmax.f32 v5, v10;
	v10 =	vld.idx.msk [tilespmem:v30+s15+$0x0], $0xffff;
	v6 =	vadd.f32 v22, v6  }
0x8e: {  	v5 =	vmax.f32 v5, v12;
	v12 =	vld.idx.msk [tilespmem:v30+s16+$0x0], $0xffff  }
0x8f: {  	v5 =	vmax.f32 v5, v13;
	v13 =	vld.idx.msk [tilespmem:v31+s16+$0x0], $0xffff;
	v6 =	vadd.f32 v9, v6  }
0x90: {  	v5 =	vmax.f32 v5, v14;
	v14 =	vld.idx.msk [tilespmem:v32+s16+$0x0], $0xffff  }
0x91: {  	v5 =	vmax.f32 v5, v15;
	v9 =	vld.idx.msk [tilespmem:v31+s15+$0x0], $0xffff;
	v6 =	vadd.f32 v8, v6  }
0x92: {  	v5 =	vmax.f32 v5, v21;
	v8 =	vld.idx.msk [tilespmem:v32+s15+$0x0], $0xffff  }
0x93: {  	v29 =	vld [tilespmem:$0x1FC90];
	v5 =	vmax.f32 v5, v7;
	v6 =	vadd.f32 v12, v6  }
0x94: {  	v24 =	vld [tilespmem:$0x1FC50];
	v5 =	vmax.f32 v5, v11  }
0x95: {  	v25 =	vld [tilespmem:$0x1FC60];
	v5 =	vmax.f32 v5, v10;
	v6 =	vadd.f32 v13, v6  }
0x96: {  	v30 =	vld [tilespmem:$0x1FCA0];
	v5 =	vmax.f32 v5, v9  }
0x97: {  	v26 =	vld [tilespmem:$0x1FC70];
	v5 =	vmax.f32 v5, v8;
	v6 =	vadd.f32 v14, v6  }
0x98: {  	v31 =	vld [tilespmem:$0x1FD40];
	[tilespmem:$0x5480] =	vst v5  }
0x99: {  	v32 =	vld [tilespmem:$0x1FD50];
	[tilespmem:$0x5500] =	vst v6  }
0x9a: {  	v5 =	vld.idx.msk [tilespmem:v33+s15+$0x0], $0xffff  }
0x9b: {  	v6 =	vld.idx.msk [tilespmem:v33+s16+$0x0], $0xffff  }
0x9c: {  	v7 =	vld.idx.msk [tilespmem:v34+s15+$0x0], $0xffff  }
0x9d: {  	v8 =	vld.idx.msk [tilespmem:v34+s16+$0x0], $0xffff  }
0x9e: {  	v9 =	vld.idx.msk [tilespmem:v35+s15+$0x0], $0xffff  }
0x9f: {  	v10 =	vld.idx.msk [tilespmem:v35+s16+$0x0], $0xffff  }
0xa0: {  	v11 =	vld.idx.msk [tilespmem:v36+s15+$0x0], $0xffff;
	v6 =	vadd.f32 $0.0e+00, v6  }
0xa1: {  	v12 =	vld.idx.msk [tilespmem:v36+s16+$0x0], $0xffff  }
0xa2: {  	v13 =	vld.idx.msk [tilespmem:v37+s16+$0x0], $0xffff;
	v6 =	vadd.f32 v8, v6  }
0xa3: {  	v14 =	vld.idx.msk [tilespmem:v38+s16+$0x0], $0xffff  }
0xa4: {  	v15 =	vld.idx.msk [tilespmem:v39+s16+$0x0], $0xffff;
	v6 =	vadd.f32 v10, v6  }
0xa5: {  	v23 =	vld.idx.msk [tilespmem:v40+s16+$0x0], $0xffff  }
0xa6: {  	v8 =	vld.idx.msk [tilespmem:v37+s15+$0x0], $0xffff;
	v6 =	vadd.f32 v12, v6  }
0xa7: {  	v10 =	vld.idx.msk [tilespmem:v38+s15+$0x0], $0xffff  }
0xa8: {  	v5 =	vmax.f32 v5, v7;
	v12 =	vld.idx.msk [tilespmem:v39+s15+$0x0], $0xffff;
	v6 =	vadd.f32 v13, v6  }
0xa9: {  	v5 =	vmax.f32 v5, v9;
	v13 =	vld.idx.msk [tilespmem:v40+s15+$0x0], $0xffff  }
0xaa: {  	v17 =	vld.idx.msk [tilespmem:v24+s16+$0x0], $0xffff;
	v5 =	vmax.f32 v5, v11;
	v6 =	vadd.f32 v14, v6  }
0xab: {  	v5 =	vmax.f32 v5, v8;
	v14 =	vld.idx.msk [tilespmem:v24+s15+$0x0], $0xffff  }
0xac: {  	v18 =	vld.idx.msk [tilespmem:v25+s16+$0x0], $0xffff;
	v5 =	vmax.f32 v5, v10;
	v6 =	vadd.f32 v15, v6  }
0xad: {  	v27 =	vld.idx.msk [tilespmem:v26+s15+$0x0], $0xffff;
	v5 =	vmax.f32 v5, v12  }
0xae: {  	v5 =	vmax.f32 v5, v13;
	v13 =	vld [tilespmem:$0x1FCB0];
	v6 =	vadd.f32 v23, v6  }
0xaf: {  	v19 =	vld.idx.msk [tilespmem:v26+s16+$0x0], $0xffff  }
0xb0: {  	v5 =	vmax.f32 v5, v14;
	v14 =	vld [tilespmem:$0x1FCC0];
	v6 =	vadd.f32 v17, v6  }
0xb1: {  	v9 =	vld.idx.msk [tilespmem:v28+s16+$0x0], $0xffff  }
0xb2: {  	v7 =	vld.idx.msk [tilespmem:v28+s15+$0x0], $0xffff;
	v6 =	vadd.f32 v18, v6  }
0xb3: {  	v8 =	vld.idx.msk [tilespmem:v29+s16+$0x0], $0xffff  }
0xb4: {  	v12 =	vld.idx.msk [tilespmem:v30+s16+$0x0], $0xffff;
	v6 =	vadd.f32 v19, v6  }
0xb5: {  	v15 =	vld.idx.msk [tilespmem:v25+s15+$0x0], $0xffff  }
0xb6: {  	v6 =	vadd.f32 v9, v6;
	v9 =	vld.idx.msk [tilespmem:v13+s15+$0x0], $0xffff  }
0xb7: {  	v13 =	vld.idx.msk [tilespmem:v13+s16+$0x0], $0xffff  }
0xb8: {  	v6 =	vadd.f32 v8, v6;
	v8 =	vld.idx.msk [tilespmem:v14+s15+$0x0], $0xffff  }
0xb9: {  	v14 =	vld.idx.msk [tilespmem:v14+s16+$0x0], $0xffff  }
0xba: {  	v11 =	vld.idx.msk [tilespmem:v29+s15+$0x0], $0xffff;
	v6 =	vadd.f32 v12, v6  }
0xbb: {  	v10 =	vld.idx.msk [tilespmem:v30+s15+$0x0], $0xffff  }
0xbc: {  	v33 =	vld [tilespmem:$0x1FD60];
	v5 =	vmax.f32 v5, v15;
	v6 =	vadd.f32 v13, v6  }
0xbd: {  	v34 =	vld [tilespmem:$0x1FD70];
	v5 =	vmax.f32 v5, v27  }
0xbe: {  	v36 =	vld [tilespmem:$0x1FD80];
	v5 =	vmax.f32 v5, v7;
	v6 =	vadd.f32 v14, v6  }
0xbf: {  	v37 =	vld [tilespmem:$0x1FD90];
	v5 =	vmax.f32 v5, v11  }
0xc0: {  	v5 =	vmax.f32 v5, v10;
	[tilespmem:$0x5510] =	vst v6;
	v6 =	vld [tilespmem:$0x1FCD0]  }
0xc1: {  	v38 =	vld [tilespmem:$0x1FDA0];
	v5 =	vmax.f32 v5, v9  }
0xc2: {  	v5 =	vmax.f32 v5, v8;
	v8 =	vld [tilespmem:$0x1FCE0]  }
0xc3: {  	v15 =	vld [tilespmem:$0x1FD30]  }
0xc4: {  	v10 =	vld [tilespmem:$0x1FCF0]  }
0xc5: {  	v12 =	vld [tilespmem:$0x1FD00]  }
0xc6: {  	v13 =	vld [tilespmem:$0x1FD10]  }
0xc7: {  	[tilespmem:$0x5490] =	vst v5;
	v14 =	vld [tilespmem:$0x1FD20]  }
0xc8: {  	v5 =	vld.idx.msk [tilespmem:v6+s15+$0x0], $0xffff  }
0xc9: {  	v6 =	vld.idx.msk [tilespmem:v6+s16+$0x0], $0xffff  }
0xca: {  	v7 =	vld.idx.msk [tilespmem:v8+s15+$0x0], $0xffff  }
0xcb: {  	v8 =	vld.idx.msk [tilespmem:v8+s16+$0x0], $0xffff  }
0xcc: {  	v9 =	vld.idx.msk [tilespmem:v10+s15+$0x0], $0xffff  }
0xcd: {  	v10 =	vld.idx.msk [tilespmem:v10+s16+$0x0], $0xffff  }
0xce: {  	v11 =	vld.idx.msk [tilespmem:v12+s15+$0x0], $0xffff;
	v6 =	vadd.f32 $0.0e+00, v6  }
0xcf: {  	v12 =	vld.idx.msk [tilespmem:v12+s16+$0x0], $0xffff  }
0xd0: {  	v6 =	vadd.f32 v8, v6;
	v8 =	vld.idx.msk [tilespmem:v13+s15+$0x0], $0xffff  }
0xd1: {  	v13 =	vld.idx.msk [tilespmem:v13+s16+$0x0], $0xffff  }
0xd2: {  	v6 =	vadd.f32 v10, v6;
	v10 =	vld.idx.msk [tilespmem:v14+s15+$0x0], $0xffff  }
0xd3: {  	v14 =	vld.idx.msk [tilespmem:v14+s16+$0x0], $0xffff  }
0xd4: {  	v6 =	vadd.f32 v12, v6;
	v12 =	vld.idx.msk [tilespmem:v15+s15+$0x0], $0xffff  }
0xd5: {  	v15 =	vld.idx.msk [tilespmem:v15+s16+$0x0], $0xffff  }
0xd6: {  	v16 =	vld.idx.msk [tilespmem:v31+s16+$0x0], $0xffff;
	v5 =	vmax.f32 v5, v7;
	v6 =	vadd.f32 v13, v6  }
0xd7: {  	v5 =	vmax.f32 v5, v9;
	v13 =	vld.idx.msk [tilespmem:v31+s15+$0x0], $0xffff  }
0xd8: {  	v17 =	vld.idx.msk [tilespmem:v32+s16+$0x0], $0xffff;
	v5 =	vmax.f32 v5, v11;
	v6 =	vadd.f32 v14, v6  }
0xd9: {  	v5 =	vmax.f32 v5, v8;
	v14 =	vld.idx.msk [tilespmem:v32+s15+$0x0], $0xffff  }
0xda: {  	v18 =	vld.idx.msk [tilespmem:v33+s16+$0x0], $0xffff;
	v5 =	vmax.f32 v5, v10;
	v6 =	vadd.f32 v15, v6  }
0xdb: {  	v35 =	vld.idx.msk [tilespmem:v34+s15+$0x0], $0xffff;
	v5 =	vmax.f32 v5, v12  }
0xdc: {  	v5 =	vmax.f32 v5, v13;
	v13 =	vld [tilespmem:$0x1FDB0];
	v6 =	vadd.f32 v16, v6  }
0xdd: {  	v19 =	vld.idx.msk [tilespmem:v34+s16+$0x0], $0xffff  }
0xde: {  	v5 =	vmax.f32 v5, v14;
	v14 =	vld [tilespmem:$0x1FDC0];
	v6 =	vadd.f32 v17, v6  }
0xdf: {  	v9 =	vld.idx.msk [tilespmem:v36+s16+$0x0], $0xffff  }
0xe0: {  	v7 =	vld.idx.msk [tilespmem:v36+s15+$0x0], $0xffff;
	v6 =	vadd.f32 v18, v6  }
0xe1: {  	v8 =	vld.idx.msk [tilespmem:v37+s16+$0x0], $0xffff  }
0xe2: {  	v12 =	vld.idx.msk [tilespmem:v38+s16+$0x0], $0xffff;
	v6 =	vadd.f32 v19, v6  }
0xe3: {  	v15 =	vld.idx.msk [tilespmem:v33+s15+$0x0], $0xffff  }
0xe4: {  	v6 =	vadd.f32 v9, v6;
	v9 =	vld.idx.msk [tilespmem:v13+s15+$0x0], $0xffff  }
0xe5: {  	v13 =	vld.idx.msk [tilespmem:v13+s16+$0x0], $0xffff  }
0xe6: {  	v6 =	vadd.f32 v8, v6;
	v8 =	vld.idx.msk [tilespmem:v14+s15+$0x0], $0xffff  }
0xe7: {  	v14 =	vld.idx.msk [tilespmem:v14+s16+$0x0], $0xffff  }
0xe8: {  	v11 =	vld.idx.msk [tilespmem:v37+s15+$0x0], $0xffff;
	v6 =	vadd.f32 v12, v6  }
0xe9: {  	v10 =	vld.idx.msk [tilespmem:v38+s15+$0x0], $0xffff  }
0xea: {  	v41 =	vld [tilespmem:$0x1FE60];
	v5 =	vmax.f32 v5, v15;
	v6 =	vadd.f32 v13, v6  }
0xeb: {  	v43 =	vld [tilespmem:$0x1FE70];
	v5 =	vmax.f32 v5, v35  }
0xec: {  	v46 =	vld [tilespmem:$0x1FE80];
	v5 =	vmax.f32 v5, v7;
	v6 =	vadd.f32 v14, v6  }
0xed: {  	v39 =	vld [tilespmem:$0x1FE40];
	v5 =	vmax.f32 v5, v11  }
0xee: {  	v5 =	vmax.f32 v5, v10;
	[tilespmem:$0x5520] =	vst v6;
	v6 =	vld [tilespmem:$0x1FDD0]  }
0xef: {  	v40 =	vld [tilespmem:$0x1FE50];
	v5 =	vmax.f32 v5, v9  }
0xf0: {  	v5 =	vmax.f32 v5, v8;
	v8 =	vld [tilespmem:$0x1FDE0]  }
0xf1: {  	v15 =	vld [tilespmem:$0x1FE30]  }
0xf2: {  	v10 =	vld [tilespmem:$0x1FDF0]  }
0xf3: {  	v12 =	vld [tilespmem:$0x1FE00]  }
0xf4: {  	v13 =	vld [tilespmem:$0x1FE10]  }
0xf5: {  	[tilespmem:$0x54A0] =	vst v5;
	v14 =	vld [tilespmem:$0x1FE20]  }
0xf6: {  	v5 =	vld.idx.msk [tilespmem:v6+s15+$0x0], $0xffff  }
0xf7: {  	v6 =	vld.idx.msk [tilespmem:v6+s16+$0x0], $0xffff  }
0xf8: {  	v7 =	vld.idx.msk [tilespmem:v8+s15+$0x0], $0xffff  }
0xf9: {  	v8 =	vld.idx.msk [tilespmem:v8+s16+$0x0], $0xffff  }
0xfa: {  	v9 =	vld.idx.msk [tilespmem:v10+s15+$0x0], $0xffff  }
0xfb: {  	v10 =	vld.idx.msk [tilespmem:v10+s16+$0x0], $0xffff  }
0xfc: {  	v11 =	vld.idx.msk [tilespmem:v12+s15+$0x0], $0xffff;
	v6 =	vadd.f32 $0.0e+00, v6  }
0xfd: {  	v12 =	vld.idx.msk [tilespmem:v12+s16+$0x0], $0xffff  }
0xfe: {  	v6 =	vadd.f32 v8, v6;
	v8 =	vld.idx.msk [tilespmem:v13+s15+$0x0], $0xffff  }
0xff: {  	v13 =	vld.idx.msk [tilespmem:v13+s16+$0x0], $0xffff  }
0x100: {  	v6 =	vadd.f32 v10, v6;
	v10 =	vld.idx.msk [tilespmem:v14+s15+$0x0], $0xffff  }
0x101: {  	v14 =	vld.idx.msk [tilespmem:v14+s16+$0x0], $0xffff  }
0x102: {  	v6 =	vadd.f32 v12, v6;
	v12 =	vld.idx.msk [tilespmem:v15+s15+$0x0], $0xffff  }
0x103: {  	v15 =	vld.idx.msk [tilespmem:v15+s16+$0x0], $0xffff  }
0x104: {  	v16 =	vld.idx.msk [tilespmem:v39+s16+$0x0], $0xffff;
	v6 =	vadd.f32 v13, v6  }
0x105: {  	v17 =	vld.idx.msk [tilespmem:v40+s16+$0x0], $0xffff  }
0x106: {  	v42 =	vor.u32 $0x30C, v3;
	v18 =	vld.idx.msk [tilespmem:v41+s16+$0x0], $0xffff;
	v6 =	vadd.f32 v14, v6  }
0x107: {  	v44 =	vld.idx.msk [tilespmem:v43+s15+$0x0], $0xffff  }
0x108: {  	v19 =	vld.idx.msk [tilespmem:v43+s16+$0x0], $0xffff;
	v6 =	vadd.f32 v15, v6  }
0x109: {  	v5 =	vmax.f32 v5, v7;
	v7 =	vld.idx.msk [tilespmem:v46+s15+$0x0], $0xffff  }
0x10a: {  	v5 =	vmax.f32 v5, v9;
	v9 =	vld.idx.msk [tilespmem:v46+s16+$0x0], $0xffff;
	v6 =	vadd.f32 v16, v6  }
0x10b: {  	v45 =	vor.u32 $0x30D, v3;
	v5 =	vmax.f32 v5, v11;
	v11 =	vld.idx.msk [tilespmem:v42+s15+$0x0], $0xffff  }
0x10c: {  	v5 =	vmax.f32 v5, v8;
	v8 =	vld.idx.msk [tilespmem:v42+s16+$0x0], $0xffff;
	v6 =	vadd.f32 v17, v6  }
0x10d: {  	v47 =	vor.u32 $0x30E, v3;
	v13 =	vld.idx.msk [tilespmem:v39+s15+$0x0], $0xffff  }
0x10e: {  	v48 =	vor.u32 $0x30F, v3;
	v14 =	vld.idx.msk [tilespmem:v40+s15+$0x0], $0xffff;
	v6 =	vadd.f32 v18, v6  }
0x10f: {  	v15 =	vld.idx.msk [tilespmem:v41+s15+$0x0], $0xffff  }
0x110: {  	v5 =	vmax.f32 v5, v10;
	v10 =	vld.idx.msk [tilespmem:v45+s15+$0x0], $0xffff;
	v6 =	vadd.f32 v19, v6  }
0x111: {  	v5 =	vmax.f32 v5, v12;
	v12 =	vld.idx.msk [tilespmem:v45+s16+$0x0], $0xffff  }
0x112: {  	v5 =	vmax.f32 v5, v13;
	v13 =	vld.idx.msk [tilespmem:v47+s16+$0x0], $0xffff;
	v6 =	vadd.f32 v9, v6  }
0x113: {  	v5 =	vmax.f32 v5, v14;
	v14 =	vld.idx.msk [tilespmem:v48+s16+$0x0], $0xffff  }
0x114: {  	v5 =	vmax.f32 v5, v15;
	v9 =	vld.idx.msk [tilespmem:v47+s15+$0x0], $0xffff;
	v6 =	vadd.f32 v8, v6  }
0x115: {  	v5 =	vmax.f32 v5, v44;
	v8 =	vld.idx.msk [tilespmem:v48+s15+$0x0], $0xffff  }
0x116: {  	v5 =	vmax.f32 v5, v7;
	v6 =	vadd.f32 v12, v6  }
0x117: {  	v5 =	vmax.f32 v5, v11  }
0x118: {  	v7 =	vor.u32 $0x400, v3;
	v5 =	vmax.f32 v5, v10;
	v6 =	vadd.f32 v13, v6  }
0x119: {  	v5 =	vmax.f32 v5, v9  }
0x11a: {  	v5 =	vmax.f32 v5, v8;
	v8 =	vor.u32 $0x401, v3;
	v6 =	vadd.f32 v14, v6  }
0x11b: {  	[tilespmem:$0x54B0] =	vst v5  }
0x11c: {  	v10 =	vor.u32 $0x402, v3;
	[tilespmem:$0x5530] =	vst v6  }
0x11d: {  	v5 =	vld.idx.msk [tilespmem:v7+s15+$0x0], $0xffff  }
0x11e: {  	v12 =	vor.u32 $0x403, v3;
	v6 =	vld.idx.msk [tilespmem:v7+s16+$0x0], $0xffff  }
0x11f: {  	[tilespmem:$0x1FA50] =	vst v7;
	v7 =	vld.idx.msk [tilespmem:v8+s15+$0x0], $0xffff  }
0x120: {  	v13 =	vor.u32 $0x404, v3;
	[tilespmem:$0x1FA60] =	vst v8;
	v8 =	vld.idx.msk [tilespmem:v8+s16+$0x0], $0xffff  }
0x121: {  	v9 =	vld.idx.msk [tilespmem:v10+s15+$0x0], $0xffff  }
0x122: {  	[tilespmem:$0x1FA70] =	vst v10;
	v14 =	vor.u32 $0x405, v3;
	v10 =	vld.idx.msk [tilespmem:v10+s16+$0x0], $0xffff  }
0x123: {  	v11 =	vld.idx.msk [tilespmem:v12+s15+$0x0], $0xffff;
	v6 =	vadd.f32 $0.0e+00, v6  }
0x124: {  	v15 =	vor.u32 $0x406, v3;
	[tilespmem:$0x1FA80] =	vst v12;
	v12 =	vld.idx.msk [tilespmem:v12+s16+$0x0], $0xffff  }
0x125: {  	v6 =	vadd.f32 v8, v6;
	v8 =	vld.idx.msk [tilespmem:v13+s15+$0x0], $0xffff  }
0x126: {  	v49 =	vor.u32 $0x407, v3;
	[tilespmem:$0x1FA90] =	vst v13;
	v13 =	vld.idx.msk [tilespmem:v13+s16+$0x0], $0xffff  }
0x127: {  	v50 =	vor.u32 $0x408, v3;
	v6 =	vadd.f32 v10, v6;
	v10 =	vld.idx.msk [tilespmem:v14+s15+$0x0], $0xffff  }
0x128: {  	v51 =	vor.u32 $0x409, v3;
	[tilespmem:$0x1FAA0] =	vst v14;
	v14 =	vld.idx.msk [tilespmem:v14+s16+$0x0], $0xffff  }
0x129: {  	v52 =	vor.u32 $0x40A, v3;
	v6 =	vadd.f32 v12, v6;
	v12 =	vld.idx.msk [tilespmem:v15+s15+$0x0], $0xffff  }
0x12a: {  	[tilespmem:$0x1FAB0] =	vst v15;
	v15 =	vld.idx.msk [tilespmem:v15+s16+$0x0], $0xffff  }
0x12b: {  	v53 =	vor.u32 $0x40B, v3;
	v16 =	vld.idx.msk [tilespmem:v49+s16+$0x0], $0xffff;
	v6 =	vadd.f32 v13, v6  }
0x12c: {  	v17 =	vld.idx.msk [tilespmem:v50+s16+$0x0], $0xffff  }
0x12d: {  	v54 =	vor.u32 $0x40C, v3;
	v18 =	vld.idx.msk [tilespmem:v51+s16+$0x0], $0xffff;
	v6 =	vadd.f32 v14, v6  }
0x12e: {  	v55 =	vld.idx.msk [tilespmem:v52+s15+$0x0], $0xffff  }
0x12f: {  	v19 =	vld.idx.msk [tilespmem:v52+s16+$0x0], $0xffff;
	v6 =	vadd.f32 v15, v6  }
0x130: {  	v5 =	vmax.f32 v5, v7;
	v7 =	vld.idx.msk [tilespmem:v53+s15+$0x0], $0xffff  }
0x131: {  	v5 =	vmax.f32 v5, v9;
	v9 =	vld.idx.msk [tilespmem:v53+s16+$0x0], $0xffff;
	v6 =	vadd.f32 v16, v6  }
0x132: {  	v56 =	vor.u32 $0x40D, v3;
	v5 =	vmax.f32 v5, v11;
	v11 =	vld.idx.msk [tilespmem:v54+s15+$0x0], $0xffff  }
0x133: {  	v5 =	vmax.f32 v5, v8;
	v8 =	vld.idx.msk [tilespmem:v54+s16+$0x0], $0xffff;
	v6 =	vadd.f32 v17, v6  }
0x134: {  	v57 =	vor.u32 $0x40E, v3;
	v13 =	vld.idx.msk [tilespmem:v49+s15+$0x0], $0xffff  }
0x135: {  	v58 =	vor.u32 $0x40F, v3;
	v14 =	vld.idx.msk [tilespmem:v50+s15+$0x0], $0xffff;
	v6 =	vadd.f32 v18, v6  }
0x136: {  	v15 =	vld.idx.msk [tilespmem:v51+s15+$0x0], $0xffff  }
0x137: {  	v5 =	vmax.f32 v5, v10;
	v10 =	vld.idx.msk [tilespmem:v56+s15+$0x0], $0xffff;
	v6 =	vadd.f32 v19, v6  }
0x138: {  	v5 =	vmax.f32 v5, v12;
	v12 =	vld.idx.msk [tilespmem:v56+s16+$0x0], $0xffff  }
0x139: {  	v5 =	vmax.f32 v5, v13;
	v13 =	vld.idx.msk [tilespmem:v57+s16+$0x0], $0xffff;
	v6 =	vadd.f32 v9, v6  }
0x13a: {  	v5 =	vmax.f32 v5, v14;
	v14 =	vld.idx.msk [tilespmem:v58+s16+$0x0], $0xffff  }
0x13b: {  	v5 =	vmax.f32 v5, v15;
	v9 =	vld.idx.msk [tilespmem:v57+s15+$0x0], $0xffff;
	v6 =	vadd.f32 v8, v6  }
0x13c: {  	v5 =	vmax.f32 v5, v55;
	v8 =	vld.idx.msk [tilespmem:v58+s15+$0x0], $0xffff  }
0x13d: {  	v5 =	vmax.f32 v5, v7;
	v6 =	vadd.f32 v12, v6  }
0x13e: {  	v5 =	vmax.f32 v5, v11  }
0x13f: {  	v7 =	vor.u32 $0x500, v3;
	v5 =	vmax.f32 v5, v10;
	v6 =	vadd.f32 v13, v6  }
0x140: {  	v5 =	vmax.f32 v5, v9  }
0x141: {  	v5 =	vmax.f32 v5, v8;
	v8 =	vor.u32 $0x501, v3;
	v6 =	vadd.f32 v14, v6  }
0x142: {  	[tilespmem:$0x54C0] =	vst v5  }
0x143: {  	v10 =	vor.u32 $0x502, v3;
	[tilespmem:$0x5540] =	vst v6  }
0x144: {  	v5 =	vld.idx.msk [tilespmem:v7+s15+$0x0], $0xffff  }
0x145: {  	v12 =	vor.u32 $0x503, v3;
	v6 =	vld.idx.msk [tilespmem:v7+s16+$0x0], $0xffff  }
0x146: {  	[tilespmem:$0x1FB50] =	vst v7;
	v7 =	vld.idx.msk [tilespmem:v8+s15+$0x0], $0xffff  }
0x147: {  	v13 =	vor.u32 $0x504, v3;
	[tilespmem:$0x1FB60] =	vst v8;
	v8 =	vld.idx.msk [tilespmem:v8+s16+$0x0], $0xffff  }
0x148: {  	v9 =	vld.idx.msk [tilespmem:v10+s15+$0x0], $0xffff  }
0x149: {  	[tilespmem:$0x1FB70] =	vst v10;
	v14 =	vor.u32 $0x505, v3;
	v10 =	vld.idx.msk [tilespmem:v10+s16+$0x0], $0xffff  }
0x14a: {  	v11 =	vld.idx.msk [tilespmem:v12+s15+$0x0], $0xffff;
	v6 =	vadd.f32 $0.0e+00, v6  }
0x14b: {  	v15 =	vor.u32 $0x506, v3;
	[tilespmem:$0x1FB80] =	vst v12;
	v12 =	vld.idx.msk [tilespmem:v12+s16+$0x0], $0xffff  }
0x14c: {  	v6 =	vadd.f32 v8, v6;
	v8 =	vld.idx.msk [tilespmem:v13+s15+$0x0], $0xffff  }
0x14d: {  	v59 =	vor.u32 $0x507, v3;
	[tilespmem:$0x1FB90] =	vst v13;
	v13 =	vld.idx.msk [tilespmem:v13+s16+$0x0], $0xffff  }
0x14e: {  	v60 =	vor.u32 $0x508, v3;
	v6 =	vadd.f32 v10, v6;
	v10 =	vld.idx.msk [tilespmem:v14+s15+$0x0], $0xffff  }
0x14f: {  	v61 =	vor.u32 $0x509, v3;
	[tilespmem:$0x1FBA0] =	vst v14;
	v14 =	vld.idx.msk [tilespmem:v14+s16+$0x0], $0xffff  }
0x150: {  	v62 =	vor.u32 $0x50A, v3;
	v6 =	vadd.f32 v12, v6;
	v12 =	vld.idx.msk [tilespmem:v15+s15+$0x0], $0xffff  }
0x151: {  	[tilespmem:$0x1FBB0] =	vst v15;
	v15 =	vld.idx.msk [tilespmem:v15+s16+$0x0], $0xffff  }
0x152: {  	v63 =	vor.u32 $0x50B, v3;
	v16 =	vld.idx.msk [tilespmem:v59+s16+$0x0], $0xffff;
	v6 =	vadd.f32 v13, v6  }
0x153: {  	v17 =	vld.idx.msk [tilespmem:v60+s16+$0x0], $0xffff  }
0x154: {  	v24 =	vor.u32 $0x50C, v3;
	v18 =	vld.idx.msk [tilespmem:v61+s16+$0x0], $0xffff;
	v6 =	vadd.f32 v14, v6  }
0x155: {  	v25 =	vld.idx.msk [tilespmem:v62+s15+$0x0], $0xffff  }
0x156: {  	v19 =	vld.idx.msk [tilespmem:v62+s16+$0x0], $0xffff;
	v6 =	vadd.f32 v15, v6  }
0x157: {  	v5 =	vmax.f32 v5, v7;
	v7 =	vld.idx.msk [tilespmem:v63+s15+$0x0], $0xffff  }
0x158: {  	v5 =	vmax.f32 v5, v9;
	v9 =	vld.idx.msk [tilespmem:v63+s16+$0x0], $0xffff;
	v6 =	vadd.f32 v16, v6  }
0x159: {  	v26 =	vor.u32 $0x50D, v3;
	v5 =	vmax.f32 v5, v11;
	v11 =	vld.idx.msk [tilespmem:v24+s15+$0x0], $0xffff  }
0x15a: {  	v5 =	vmax.f32 v5, v8;
	v8 =	vld.idx.msk [tilespmem:v24+s16+$0x0], $0xffff;
	v6 =	vadd.f32 v17, v6  }
0x15b: {  	v27 =	vor.u32 $0x50E, v3;
	v13 =	vld.idx.msk [tilespmem:v59+s15+$0x0], $0xffff  }
0x15c: {  	v28 =	vor.u32 $0x50F, v3;
	v14 =	vld.idx.msk [tilespmem:v60+s15+$0x0], $0xffff;
	v6 =	vadd.f32 v18, v6  }
0x15d: {  	v15 =	vld.idx.msk [tilespmem:v61+s15+$0x0], $0xffff  }
0x15e: {  	v5 =	vmax.f32 v5, v10;
	v10 =	vld.idx.msk [tilespmem:v26+s15+$0x0], $0xffff;
	v6 =	vadd.f32 v19, v6  }
0x15f: {  	v5 =	vmax.f32 v5, v12;
	v12 =	vld.idx.msk [tilespmem:v26+s16+$0x0], $0xffff  }
0x160: {  	v5 =	vmax.f32 v5, v13;
	v13 =	vld.idx.msk [tilespmem:v27+s16+$0x0], $0xffff;
	v6 =	vadd.f32 v9, v6  }
0x161: {  	v5 =	vmax.f32 v5, v14;
	v14 =	vld.idx.msk [tilespmem:v28+s16+$0x0], $0xffff  }
0x162: {  	v5 =	vmax.f32 v5, v15;
	v9 =	vld.idx.msk [tilespmem:v27+s15+$0x0], $0xffff;
	v6 =	vadd.f32 v8, v6  }
0x163: {  	v5 =	vmax.f32 v5, v25;
	v8 =	vld.idx.msk [tilespmem:v28+s15+$0x0], $0xffff  }
0x164: {  	v5 =	vmax.f32 v5, v7;
	v6 =	vadd.f32 v12, v6  }
0x165: {  	v5 =	vmax.f32 v5, v11  }
0x166: {  	v34 =	vld [tilespmem:$0x3C00];
	v41 =	vor.u32 $0x600, v3;
	v5 =	vmax.f32 v5, v10;
	v6 =	vadd.f32 v13, v6  }
0x167: {  	v36 =	vld [tilespmem:$0x3C10];
	v5 =	vmax.f32 v5, v9  }
0x168: {  	[tilespmem:$0x1FA10] =	vst v42;
	v33 =	vld [tilespmem:$0x5500];
	v42 =	vor.u32 $0x601, v3;
	v5 =	vmax.f32 v5, v8;
	v6 =	vadd.f32 v14, v6  }
0x169: {  	v35 =	vld [tilespmem:$0x5510];
	[tilespmem:$0x54D0] =	vst v5  }
0x16a: {  	v43 =	vor.u32 $0x602, v3;
	v37 =	vld [tilespmem:$0x5520];
	[tilespmem:$0x5550] =	vst v6  }
0x16b: {  	v5 =	vld.idx.msk [tilespmem:v41+s16+$0x0], $0xffff  }
0x16c: {  	[tilespmem:$0x1FB40] =	vst v58;
	v44 =	vor.u32 $0x603, v3;
	v58 =	vld [tilespmem:$0x3C20]  }
0x16d: {  	v6 =	vld.idx.msk [tilespmem:v42+s16+$0x0], $0xffff  }
0x16e: {  	[tilespmem:$0x1FA20] =	vst v45;
	v45 =	vor.u32 $0x604, v3;
	v38 =	vld [tilespmem:$0x5540]  }
0x16f: {  	v7 =	vld.idx.msk [tilespmem:v43+s16+$0x0], $0xffff  }
0x170: {  	[tilespmem:$0x1FBC0] =	vst v59;
	v46 =	vor.u32 $0x605, v3;
	v59 =	vld [tilespmem:$0x5530];
	v5 =	vadd.f32 $0.0e+00, v5  }
0x171: {  	[tilespmem:$0x1FA30] =	vst v47;
	v8 =	vld.idx.msk [tilespmem:v44+s16+$0x0], $0xffff  }
0x172: {  	[tilespmem:$0x1FBD0] =	vst v60;
	v47 =	vor.u32 $0x606, v3;
	v60 =	vld [tilespmem:$0x3C30];
	v5 =	vadd.f32 v6, v5  }
0x173: {  	[tilespmem:$0x1FA40] =	vst v48;
	v9 =	vld.idx.msk [tilespmem:v45+s16+$0x0], $0xffff  }
0x174: {  	[tilespmem:$0x1FBE0] =	vst v61;
	v48 =	vor.u32 $0x607, v3;
	v61 =	vld [tilespmem:$0x3C40];
	v5 =	vadd.f32 v7, v5  }
0x175: {  	[tilespmem:$0x1FAC0] =	vst v49;
	v10 =	vld.idx.msk [tilespmem:v46+s16+$0x0], $0xffff  }
0x176: {  	[tilespmem:$0x1FC10] =	vst v24;
	v49 =	vor.u32 $0x608, v3;
	v24 =	vld.idx.msk [tilespmem:v41+s15+$0x0], $0xffff;
	v6 =	vadd.f32 v8, v5  }
0x177: {  	[tilespmem:$0x1FAD0] =	vst v50;
	v11 =	vld.idx.msk [tilespmem:v47+s16+$0x0], $0xffff  }
0x178: {  	[tilespmem:$0x1FC20] =	vst v26;
	v50 =	vor.u32 $0x609, v3;
	v26 =	vld.idx.msk [tilespmem:v42+s15+$0x0], $0xffff;
	v7 =	vadd.f32 v9, v6  }
0x179: {  	[tilespmem:$0x1FAE0] =	vst v51;
	v12 =	vld.idx.msk [tilespmem:v48+s16+$0x0], $0xffff  }
0x17a: {  	[tilespmem:$0x1FB30] =	vst v57;
	v51 =	vor.u32 $0x60A, v3;
	v57 =	vld.idx.msk [tilespmem:v43+s15+$0x0], $0xffff;
	v8 =	vadd.f32 v10, v7  }
0x17b: {  	v14 =	vld.idx.msk [tilespmem:v49+s16+$0x0], $0xffff  }
0x17c: {  	[tilespmem:$0x1FAF0] =	vst v52;
	v52 =	vor.u32 $0x60B, v3;
	v25 =	vld.idx.msk [tilespmem:v44+s15+$0x0], $0xffff;
	v9 =	vadd.f32 v11, v8  }
0x17d: {  	v15 =	vld.idx.msk [tilespmem:v50+s16+$0x0], $0xffff  }
0x17e: {  	[tilespmem:$0x1FB00] =	vst v53;
	v53 =	vor.u32 $0x60C, v3;
	v23 =	vld.idx.msk [tilespmem:v45+s15+$0x0], $0xffff;
	v10 =	vadd.f32 v12, v9  }
0x17f: {  	v29 =	vld.idx.msk [tilespmem:v51+s16+$0x0], $0xffff  }
0x180: {  	[tilespmem:$0x1FB10] =	vst v54;
	v54 =	vor.u32 $0x60D, v3;
	v22 =	vld.idx.msk [tilespmem:v46+s15+$0x0], $0xffff;
	v11 =	vadd.f32 v14, v10  }
0x181: {  	[tilespmem:$0x1FB20] =	vst v56;
	v56 =	vor.u32 $0x60F, v3;
	v30 =	vld.idx.msk [tilespmem:v52+s16+$0x0], $0xffff  }
0x182: {  	v55 =	vor.u32 $0x60E, v3;
	v21 =	vld.idx.msk [tilespmem:v47+s15+$0x0], $0xffff;
	v12 =	vadd.f32 v15, v11  }
0x183: {  	v31 =	vld.idx.msk [tilespmem:v53+s16+$0x0], $0xffff  }
0x184: {  	v13 =	vld.idx.msk [tilespmem:v48+s15+$0x0], $0xffff;
	v16 =	vadd.f32 v29, v12  }
0x185: {  	v14 =	vld.idx.msk [tilespmem:v54+s16+$0x0], $0xffff  }
0x186: {  	v32 =	vld.idx.msk [tilespmem:v56+s16+$0x0], $0xffff;
	v16 =	vadd.f32 v30, v16  }
0x187: {  	v15 =	vld.idx.msk [tilespmem:v55+s16+$0x0], $0xffff  }
0x188: {  	[tilespmem:$0x1FBF0] =	vst v62;
	v62 =	vld [tilespmem:$0x5550];
	v16 =	vadd.f32 v31, v16  }
0x189: {  	v5 =	vld.idx.msk [tilespmem:v49+s15+$0x0], $0xffff  }
0x18a: {  	v6 =	vld.idx.msk [tilespmem:v50+s15+$0x0], $0xffff;
	v14 =	vadd.f32 v14, v16  }
0x18b: {  	v7 =	vld.idx.msk [tilespmem:v51+s15+$0x0], $0xffff  }
0x18c: {  	v8 =	vld.idx.msk [tilespmem:v52+s15+$0x0], $0xffff;
	v14 =	vadd.f32 v15, v14  }
0x18d: {  	v9 =	vld.idx.msk [tilespmem:v53+s15+$0x0], $0xffff  }
0x18e: {  	v10 =	vld.idx.msk [tilespmem:v54+s15+$0x0], $0xffff;
	v14 =	vadd.f32 v32, v14  }
0x18f: {  	v11 =	vld.idx.msk [tilespmem:v55+s15+$0x0], $0xffff  }
0x190: {  	v12 =	vld.idx.msk [tilespmem:v56+s15+$0x0], $0xffff;
	[tilespmem:$0x5560] =	vst v14  }
0x191: {  	[tilespmem:$0x1FC00] =	vst v63;
	vm2 =	vgt.f32 v33, $0.0e+00;
	v63 =	vld [tilespmem:$0x5560]  }
0x192: {  	vm3 =	vgt.f32 v35, $0.0e+00;
	v39 =	vld [tilespmem:$0x3C50];
	v14 =	vnsel vm2, $0xFF800000, v34  }
0x193: {  	v40 =	vld [tilespmem:$0x3C60];
	v15 =	vnsel vm3, $0xFF800000, v36;
	vm2 =	vgt.f32 v37, $0.0e+00;
	(xrf0) =	vmax.scan.msk.f32 $0xffff, v14  }
0x194: {  	vm3 =	vgt.f32 v59, $0.0e+00;
	v16 =	vnsel vm2, $0xFF800000, v58;
	(xrf0) =	vmax.scan.msk.f32 $0xffff, v15  }
0x195: {  	v17 =	vnsel vm3, $0xFF800000, v60;
	vm2 =	vgt.f32 v38, $0.0e+00;
	(xrf0) =	vmax.scan.msk.f32 $0xffff, v16  }
0x196: {  	vm3 =	vgt.f32 v62, $0.0e+00;
	v18 =	vnsel vm2, $0xFF800000, v61;
	(xrf0) =	vmax.scan.msk.f32 $0xffff, v17;
	vm4 =	vgt.f32 v63, $0.0e+00  }
0x197: {  	v19 =	vnsel vm3, $0xFF800000, v39;
	(xrf0) =	vmax.scan.msk.f32 $0xffff, v18;
	vm2 =	vmand vm4, vm1  }
0x198: {  	(xrf0) =	vmax.scan.msk.f32 $0xffff, v19;
	v20 =	vnsel vm2, $0xFF800000, v40  }
0x199: {  	v30, _, _ =	vpop (xrf0);
	(xrf0) =	vmax.scan.msk.f32 $0xffff, v20  }
0x19a: {  	(v2sf) =	vpush v30, $0xF;
	v31, _, _ =	vpop (xrf0)  }
0x19b: {  	(v2sf) =	vpush v31, $0xF;
	v32, _, _ =	vpop (xrf0)  }
0x19c: {  	(v2sf) =	vpush v32, $0xF;
	v33, _, _ =	vpop (xrf0)  }
0x19d: {  	(v2sf) =	vpush v33, $0xF;
	v34, _, _ =	vpop (xrf0)  }
0x19e: {  	(v2sf) =	vpush v34, $0xF;
	v35, _, _ =	vpop (xrf0)  }
0x19f: {  	(v2sf) =	vpush v35, $0xF;
	v36, _, _ =	vpop (xrf0)  }
0x1a0: {  	(v2sf) =	vpush v36, $0xF;
	_ =	sdelay $0x8  }
0x1a1: {  	s24 =	spop (v2sf)  }
0x1a2: {  	s29 =	spop (v2sf)  }
0x1a3: {  	s24 =	smax.f32 s24, s29;
	s30 =	spop (v2sf)  }
0x1a4: {  	s24 =	smax.f32 s24, s30;
	s31 =	spop (v2sf)  }
0x1a5: {  	s24 =	smax.f32 s24, s31;
	s26 =	spop (v2sf)  }
0x1a6: {  	v37 =	vld [tilespmem:$0x3C00];
	s24 =	smax.f32 s24, s26;
	s28 =	spop (v2sf)  }
0x1a7: {  	v39 =	vld [tilespmem:$0x3C10];
	s24 =	smax.f32 s24, s28;
	s29 =	spop (v2sf)  }
0x1a8: {  	v38 =	vld [tilespmem:$0x5500];
	s24 =	smax.f32 s24, s29  }
0x1a9: {  	v40 =	vld [tilespmem:$0x5510];
	s24 =	smax.f32 s24, s3  }
0x1aa: {  	v24 =	vmax.f32 v24, v26;
	v63 =	vld [tilespmem:$0x5520];
	v60 =	vmov s24  }
0x1ab: {  	[tilespmem:$0x1FC30] =	vst v27;
	v24 =	vmax.f32 v24, v57;
	v30 =	vld [tilespmem:$0x3C20];
	v27 =	vsub.f32 v37, v60  }
0x1ac: {  	v24 =	vmax.f32 v24, v25;
	v32 =	vld [tilespmem:$0x3C30]  }
0x1ad: {  	v23 =	vmax.f32 v24, v23;
	v34 =	vld [tilespmem:$0x5530];
	v31 =	vmul.f32 $1.442695020e+00, v27  }
0x1ae: {  	vm3 =	vgt.f32 v38, $0.0e+00;
	vm2 =	vgt.f32 v40, $0.0e+00;
	v40 =	vld [tilespmem:$0x3C50];
	v33 =	vsub.f32 v39, v60  }
0x1af: {  	v22 =	vmax.f32 v23, v22;
	v36 =	vld [tilespmem:$0x3C40];
	v35 =	vnsel vm3, $0x0, v31  }
0x1b0: {  	v38 =	vsub.f32 v30, v60;
	v39 =	vld [tilespmem:$0x5540];
	v37 =	vmul.f32 $1.442695020e+00, v33;
	(erf) = vpow2.f32 v35  }
0x1b1: {  	v21 =	vmax.f32 v22, v21;
	v30 =	vld [tilespmem:$0x5550]  }
0x1b2: {  	v13 =	vmax.f32 v21, v13;
	v57 =	vmul.f32 $1.442695020e+00, v38;
	v25 =	vnsel vm2, $0x0, v37;
	v31 =	vld [tilespmem:$0x3C60]  }
0x1b3: {  	vm15 =	vgt.f32 v63, $0.0e+00;
	v24 =	vsub.f32 v40, v60;
	(erf) = vpow2.f32 v25  }
0x1b4: {  	v26 =	vsub.f32 v36, v60;
	v27 =	vsub.f32 v32, v60;
	v33 =	vld [tilespmem:$0x5560];
	v32 =	vnsel vm15, $0x0, v57  }
0x1b5: {  	v5 =	vmax.f32 v13, v5;
	v38 =	vmul.f32 $1.442695020e+00, v24;
	(erf) = vpow2.f32 v32  }
0x1b6: {  	vm5 =	vgt.f32 v34, $0.0e+00;
	v27 =	vmul.f32 $1.442695020e+00, v27;
	v35 =	vmul.f32 $1.442695020e+00, v26  }
0x1b7: {  	vm6 =	vgt.f32 v39, $0.0e+00;
	vm7 =	vgt.f32 v30, $0.0e+00;
	v36 =	vsub.f32 v31, v60  }
0x1b8: {  	v34 =	vnsel vm5, $0x0, v27;
	v23 =	vnsel vm7, $0x0, v38;
	v37 =	vnsel vm6, $0x0, v35  }
0x1b9: {  	vm8 =	vgt.f32 v33, $0.0e+00;
	(erf) = vpow2.f32 v34;
	v22 =	vmul.f32 $1.442695020e+00, v36;
	v39 =	vpop (erf)  }
0x1ba: {  	(erf) = vpow2.f32 v37;
	v21 =	vnsel vm3, $0x0, v39;
	vm3 =	vmand vm8, vm1  }
0x1bb: {  	v5 =	vmax.f32 v5, v6;
	(erf) = vpow2.f32 v23;
	v6 =	vnsel vm3, $0x0, v22  }
0x1bc: {  	v5 =	vmax.f32 v5, v7;
	v13 =	vpop (erf);
	(xrf2) =	vadd.scan.msk.f32 $0xffff, v21  }
0x1bd: {  	v5 =	vmax.f32 v5, v8;
	v22 =	vnsel vm2, $0x0, v13  }
0x1be: {  	v5 =	vmax.f32 v5, v9;
	(erf) = vpow2.f32 v6;
	(xrf2) =	vadd.scan.msk.f32 $0xffff, v22;
	v6 =	vpop (erf)  }
0x1bf: {  	v5 =	vmax.f32 v5, v10;
	v23 =	vnsel vm15, $0x0, v6  }
0x1c0: {  	v5 =	vmax.f32 v5, v11;
	v57 =	vor.u32 $0x700, v3;
	(xrf2) =	vadd.scan.msk.f32 $0xffff, v23  }
0x1c1: {  	v5 =	vmax.f32 v5, v12  }
0x1c2: {  	v58 =	vor.u32 $0x701, v3;
	v6 =	vpop (erf)  }
0x1c3: {  	v24 =	vnsel vm5, $0x0, v6;
	v6 =	vpop (erf)  }
0x1c4: {  	[tilespmem:$0x54E0] =	vst v5;
	v59 =	vor.u32 $0x702, v3;
	(xrf2) =	vadd.scan.msk.f32 $0xffff, v24;
	v5 =	vpop (erf)  }
0x1c5: {  	v25 =	vnsel vm6, $0x0, v6;
	v26 =	vnsel vm7, $0x0, v5;
	v5 =	vld.idx.msk [tilespmem:v57+s16+$0x0], $0xffff  }
0x1c6: {  	v60 =	vor.u32 $0x703, v3;
	(xrf2) =	vadd.scan.msk.f32 $0xffff, v25;
	v6, _, _ =	vpop (xrf2)  }
0x1c7: {  	v62 =	vor.u32 $0x705, v3;
	v7 =	vpop (erf);
	(v2sf) =	vpush v6, $0xF;
	v6 =	vld.idx.msk [tilespmem:v58+s16+$0x0], $0xffff  }
0x1c8: {  	v61 =	vor.u32 $0x704, v3;
	(xrf2) =	vadd.scan.msk.f32 $0xffff, v26;
	v27 =	vnsel vm3, $0x0, v7;
	v7, _, _ =	vpop (xrf2)  }
0x1c9: {  	v63 =	vor.u32 $0x706, v3;
	(v2sf) =	vpush v7, $0xF;
	v7 =	vld.idx.msk [tilespmem:v59+s16+$0x0], $0xffff  }
0x1ca: {  	[tilespmem:$0x1FC40] =	vst v28;
	v28 =	vld.idx.msk [tilespmem:v59+s15+$0x0], $0xffff;
	(xrf2) =	vadd.scan.msk.f32 $0xffff, v27;
	v5 =	vadd.f32 $0.0e+00, v5;
	v8, _, _ =	vpop (xrf2)  }
0x1cb: {  	(v2sf) =	vpush v8, $0xF;
	v8 =	vld.idx.msk [tilespmem:v60+s16+$0x0], $0xffff  }
0x1cc: {  	v10 =	vld.idx.msk [tilespmem:v62+s16+$0x0], $0xffff;
	v6 =	vadd.f32 v6, v5  }
0x1cd: {  	v9 =	vld.idx.msk [tilespmem:v61+s16+$0x0], $0xffff  }
0x1ce: {  	v11 =	vld.idx.msk [tilespmem:v63+s16+$0x0], $0xffff;
	v5, _, _ =	vpop (xrf2);
	v7 =	vadd.f32 v7, v6  }
0x1cf: {  	v12 =	vld.idx.msk [tilespmem:v57+s15+$0x0], $0xffff;
	(v2sf) =	vpush v5, $0xF  }
0x1d0: {  	v13 =	vld.idx.msk [tilespmem:v58+s15+$0x0], $0xffff;
	v5 =	vor.u32 $0x707, v3;
	v6, _, _ =	vpop (xrf2);
	v8 =	vadd.f32 v8, v7  }
0x1d1: {  	v30 =	vld.idx.msk [tilespmem:v61+s15+$0x0], $0xffff;
	(v2sf) =	vpush v6, $0xF  }
0x1d2: {  	v29 =	vld.idx.msk [tilespmem:v60+s15+$0x0], $0xffff;
	v6 =	vor.u32 $0x708, v3;
	v7, _, _ =	vpop (xrf2)  }
0x1d3: {  	v32 =	vld.idx.msk [tilespmem:v63+s15+$0x0], $0xffff;
	(v2sf) =	vpush v7, $0xF  }
0x1d4: {  	v31 =	vld.idx.msk [tilespmem:v62+s15+$0x0], $0xffff;
	v7 =	vor.u32 $0x709, v3;
	v9 =	vadd.f32 v9, v8;
	v8, _, _ =	vpop (xrf2)  }
0x1d5: {  	v12 =	vmax.f32 v12, v13;
	v33 =	vld.idx.msk [tilespmem:v5+s15+$0x0], $0xffff;
	(v2sf) =	vpush v8, $0xF  }
0x1d6: {  	v28 =	vmax.f32 v12, v28;
	v12 =	vor.u32 $0x70E, v3;
	v40 =	vld.idx.msk [tilespmem:v5+s16+$0x0], $0xffff  }
0x1d7: {  	v28 =	vmax.f32 v28, v29;
	v8 =	vor.u32 $0x70A, v3;
	v35 =	vld.idx.msk [tilespmem:v6+s15+$0x0], $0xffff  }
0x1d8: {  	v28 =	vmax.f32 v28, v30;
	v10 =	vadd.f32 v10, v9;
	v36 =	vld.idx.msk [tilespmem:v6+s16+$0x0], $0xffff;
	s30 =	spop (v2sf)  }
0x1d9: {  	v28 =	vmax.f32 v28, v31;
	v9 =	vor.u32 $0x70B, v3;
	s24 =	sadd.f32 $0.0e+00, s30;
	v37 =	vld.idx.msk [tilespmem:v7+s15+$0x0], $0xffff  }
0x1da: {  	v28 =	vmax.f32 v28, v32;
	v11 =	vadd.f32 v11, v10;
	s31 =	spop (v2sf);
	v38 =	vld.idx.msk [tilespmem:v7+s16+$0x0], $0xffff  }
0x1db: {  	v28 =	vmax.f32 v28, v33;
	v33 =	vld.idx.msk [tilespmem:v12+s15+$0x0], $0xffff;
	s24 =	sadd.f32 s24, s31  }
0x1dc: {  	v10 =	vor.u32 $0x70C, v3;
	v34 =	vadd.f32 v40, v11;
	v39 =	vld.idx.msk [tilespmem:v8+s15+$0x0], $0xffff;
	s26 =	spop (v2sf)  }
0x1dd: {  	v40 =	vld.idx.msk [tilespmem:v8+s16+$0x0], $0xffff;
	s24 =	sadd.f32 s24, s26  }
0x1de: {  	v11 =	vor.u32 $0x70D, v3;
	v13 =	vadd.f32 v36, v34;
	v34 =	vld.idx.msk [tilespmem:v9+s15+$0x0], $0xffff;
	s28 =	spop (v2sf)  }
0x1df: {  	v36 =	vld.idx.msk [tilespmem:v9+s16+$0x0], $0xffff;
	s24 =	sadd.f32 s28, s24  }
0x1e0: {  	v28 =	vmax.f32 v28, v35;
	v35 =	vld.idx.msk [tilespmem:v12+s16+$0x0], $0xffff;
	v29 =	vadd.f32 v38, v13;
	v13 =	vor.u32 $0x70F, v3;
	s29 =	spop (v2sf)  }
0x1e1: {  	v30 =	vld.idx.msk [tilespmem:v10+s16+$0x0], $0xffff;
	s24 =	sadd.f32 s29, s24  }
0x1e2: {  	v38 =	vld.idx.msk [tilespmem:v10+s15+$0x0], $0xffff;
	v29 =	vadd.f32 v40, v29;
	s30 =	spop (v2sf)  }
0x1e3: {  	v31 =	vld.idx.msk [tilespmem:v11+s15+$0x0], $0xffff;
	s24 =	sadd.f32 s30, s24  }
0x1e4: {  	v32 =	vld.idx.msk [tilespmem:v11+s16+$0x0], $0xffff;
	v29 =	vadd.f32 v36, v29;
	s31 =	spop (v2sf)  }
0x1e5: {  	v40 =	vld.idx.msk [tilespmem:v13+s16+$0x0], $0xffff;
	s24 =	sadd.f32 s31, s24  }
0x1e6: {  	v29 =	vadd.f32 v30, v29;
	v30 =	vld.idx.msk [tilespmem:v13+s15+$0x0], $0xffff;
	[tilespmem:$0x5680] =	vst v14  }
0x1e7: {  	[tilespmem:$0x5690] =	vst v15;
	s24 =	sadd.f32 s24, s7  }
0x1e8: {  	[tilespmem:$0x56A0] =	vst v16  }
0x1e9: {  	v28 =	vmax.f32 v28, v37;
	[tilespmem:$0x56B0] =	vst v17;
	v37 =	vmov s24  }
0x1ea: {  	[tilespmem:$0x56C0] =	vst v18;
	(erf) = vrcp.f32 v37  }
0x1eb: {  	[tilespmem:$0x56D0] =	vst v19  }
0x1ec: {  	[tilespmem:$0x56E0] =	vst v20  }
0x1ed: {  	[tilespmem:$0x5600] =	vst v21  }
0x1ee: {  	v28 =	vmax.f32 v28, v39;
	[tilespmem:$0x5610] =	vst v22  }
0x1ef: {  	v28 =	vmax.f32 v28, v34;
	[tilespmem:$0x5620] =	vst v23;
	v29 =	vadd.f32 v32, v29  }
0x1f0: {  	v28 =	vmax.f32 v28, v38;
	[tilespmem:$0x5630] =	vst v24  }
0x1f1: {  	v28 =	vmax.f32 v28, v31;
	[tilespmem:$0x5640] =	vst v25;
	v29 =	vadd.f32 v35, v29  }
0x1f2: {  	v28 =	vmax.f32 v28, v33;
	[tilespmem:$0x5650] =	vst v26  }
0x1f3: {  	[tilespmem:$0x56F0] =	vst v1;
	v28 =	vmax.f32 v28, v30;
	v29 =	vadd.f32 v40, v29;
	v14 =	vpop (erf)  }
0x1f4: {  	[tilespmem:$0x54F0] =	vst v28;
	v15 =	vmul.f32 v14, v21  }
0x1f5: {  	[tilespmem:$0x5570] =	vst v29;
	v38 =	vmul.f32 v14, v22  }
0x1f6: {  	[tilespmem:$0x5600] =	vst v15;
	v15 =	vmul.f32 v14, v23  }
0x1f7: {  	v39 =	vmul.f32 v14, v24;
	[tilespmem:$0x5610] =	vst v38  }
0x1f8: {  	[tilespmem:$0x5620] =	vst v15;
	v15 =	vmul.f32 v14, v25  }
0x1f9: {  	v40 =	vmul.f32 v14, v26;
	[tilespmem:$0x5630] =	vst v39  }
0x1fa: {  	[tilespmem:$0x5640] =	vst v15;
	v15 =	vmul.f32 v14, v27  }
0x1fb: {  	[tilespmem:$0x5650] =	vst v40;
	v14 =	vmul.f32 $0.0e+00, v14  }
0x1fc: {  	[tilespmem:$0x5660] =	vst v15  }
0x1fd: {  	s24 =	simm.s32 $0x0;
	[tilespmem:$0x5670] =	vst v14  }
0x1fe: {  	s25 =	simm.s32 $0x40;
	v14 =	vld [tilespmem:s24+$0x1400]  }
.LBB2_6:
0x1ff: {  	p0 =	sne.s32 s25, $0x4E00;
	_ =	sdelay $0x3  }
0x200: {  	v15 =	vshll.u32 v14, $0x4;
	_ =	sdelay $0x2  }
0x201: {  	v14 =	vld.idx.msk [tilespmem:v14+s17+$0x0], $0xffff  }
0x202: {  	v16 =	vld [tilespmem:s24+$0x0];
	_ =	sdelay $0x4  }
0x203: {  	v14 =	vsub.f32 v16, v14;
	_ =	sdelay $0x1  }
0x204: {  	v14 =	vmul.f32 $1.442695020e+00, v14;
	_ =	sdelay $0x1  }
0x205: {  	(erf) = vpow2.f32 v14;
	_ =	sdelay $0x5  }
0x206: {  	v14 =	vor.u32 v2, v15;
	_ =	sdelay $0x1  }
.Ltmp2:
0x207: {  	(pc) =	sbr.rel @p0 .LBB2_6-.Ltmp2, $4  }
0x208: {  	v15 =	vpop (erf)  }
0x209: {  	[tilespmem:s24+$0x2800] =	vst v15  }
0x20a: {  	s24 =	sshra.s32 s25, $0x2;
	[tilespmem:v14+s18+$0x0] =	vst.idx.add.f32.msk $0xffff, v15  }
0x20b: {  	s25 =	sadd.s32 $0x40, s25;
	v14 =	vld [tilespmem:s24+$0x1400]  }
0x20c: {  	_ =	sdelay $0x6  }
0x20d: {  	v16 =	vld [tilespmem:s24+$0x0]  }
0x20e: {  	v15 =	vld.idx.msk [tilespmem:v14+s17+$0x0], $0xffff;
	_ =	sdelay $0x4  }
0x20f: {  	v15 =	vsub.f32 v16, v15;
	_ =	sdelay $0x1  }
0x210: {  	v15 =	vmul.f32 $1.442695020e+00, v15;
	_ =	sdelay $0x1  }
0x211: {  	(erf) = vpow2.f32 v15;
	_ =	sdelay $0x4  }
0x212: {  	v35 =	vshll.u32 v14, $0x4  }
0x213: {  	v18 =	vld [tilespmem:$0x1FE90];
	v14 =	vor.u32 v2, v35;
	_ =	sdelay $0x1  }
0x214: {  	v19 =	vld [tilespmem:$0x1FEA0]  }
0x215: {  	v20 =	vld [tilespmem:$0x1FEB0];
	v15 =	vpop (erf)  }
0x216: {  	v21 =	vld [tilespmem:$0x1FEC0];
	[tilespmem:s24+$0x2800] =	vst v15  }
0x217: {  	[tilespmem:v14+s18+$0x0] =	vst.idx.add.f32.msk $0xffff, v15  }
0x218: {  	v14 =	vld.idx.msk [tilespmem:v3+s18+$0x0], $0xffff  }
0x219: {  	v22 =	vld [tilespmem:$0x1FED0]  }
0x21a: {  	v15 =	vld.idx.msk [tilespmem:v18+s18+$0x0], $0xffff  }
0x21b: {  	v23 =	vld [tilespmem:$0x1FEE0]  }
0x21c: {  	v16 =	vld.idx.msk [tilespmem:v19+s18+$0x0], $0xffff  }
0x21d: {  	v24 =	vld [tilespmem:$0x1FEF0];
	v14 =	vadd.f32 $0.0e+00, v14  }
0x21e: {  	v17 =	vld.idx.msk [tilespmem:v20+s18+$0x0], $0xffff  }
0x21f: {  	v25 =	vld [tilespmem:$0x1FF00];
	v14 =	vadd.f32 v15, v14  }
0x220: {  	v36 =	vld.idx.msk [tilespmem:v21+s18+$0x0], $0xffff  }
0x221: {  	v26 =	vld [tilespmem:$0x1FF10];
	v14 =	vadd.f32 v16, v14  }
0x222: {  	v16 =	vld.idx.msk [tilespmem:v22+s18+$0x0], $0xffff  }
0x223: {  	v27 =	vld [tilespmem:$0x1FF20];
	v14 =	vadd.f32 v17, v14  }
0x224: {  	v17 =	vld.idx.msk [tilespmem:v23+s18+$0x0], $0xffff  }
0x225: {  	v28 =	vld [tilespmem:$0x1FF30];
	v14 =	vadd.f32 v36, v14  }
0x226: {  	v37 =	vld.idx.msk [tilespmem:v24+s18+$0x0], $0xffff  }
0x227: {  	v29 =	vld [tilespmem:$0x1FF40];
	v14 =	vadd.f32 v16, v14  }
0x228: {  	v16 =	vld.idx.msk [tilespmem:v25+s18+$0x0], $0xffff  }
0x229: {  	v30 =	vld [tilespmem:$0x1FF50];
	v14 =	vadd.f32 v17, v14  }
0x22a: {  	v17 =	vld.idx.msk [tilespmem:v26+s18+$0x0], $0xffff  }
0x22b: {  	v31 =	vld [tilespmem:$0x1FF60];
	v14 =	vadd.f32 v37, v14  }
0x22c: {  	v38 =	vld.idx.msk [tilespmem:v27+s18+$0x0], $0xffff  }
0x22d: {  	v32 =	vld [tilespmem:$0x1FF70];
	v14 =	vadd.f32 v16, v14  }
0x22e: {  	v16 =	vld.idx.msk [tilespmem:v28+s18+$0x0], $0xffff  }
0x22f: {  	v14 =	vadd.f32 v17, v14  }
0x230: {  	v17 =	vld.idx.msk [tilespmem:v29+s18+$0x0], $0xffff  }
0x231: {  	v14 =	vadd.f32 v38, v14  }
0x232: {  	v39 =	vld.idx.msk [tilespmem:v30+s18+$0x0], $0xffff  }
0x233: {  	v14 =	vadd.f32 v16, v14  }
0x234: {  	v16 =	vld.idx.msk [tilespmem:v31+s18+$0x0], $0xffff  }
0x235: {  	v33 =	vld [tilespmem:$0x1FF80];
	v14 =	vadd.f32 v17, v14  }
0x236: {  	v17 =	vld.idx.msk [tilespmem:v32+s18+$0x0], $0xffff  }
0x237: {  	v14 =	vadd.f32 v39, v14  }
0x238: {  	v34 =	vld [tilespmem:$0x1FF90]  }
0x239: {  	v14 =	vadd.f32 v16, v14  }
0x23a: {  	v35 =	vld [tilespmem:$0x1FFA0]  }
0x23b: {  	v14 =	vadd.f32 v17, v14  }
0x23c: {  	v36 =	vld [tilespmem:$0x1FFB0]  }
0x23d: {  	v37 =	vld [tilespmem:$0x1FFC0];
	[tilespmem:$0x5580] =	vst v14  }
0x23e: {  	v14 =	vld.idx.msk [tilespmem:v33+s18+$0x0], $0xffff  }
0x23f: {  	v38 =	vld [tilespmem:$0x1FFD0]  }
0x240: {  	v40 =	vld.idx.msk [tilespmem:v34+s18+$0x0], $0xffff  }
0x241: {  	v39 =	vld [tilespmem:$0x1FFE0]  }
0x242: {  	v16 =	vld.idx.msk [tilespmem:v35+s18+$0x0], $0xffff  }
0x243: {  	v14 =	vadd.f32 $0.0e+00, v14  }
0x244: {  	v17 =	vld.idx.msk [tilespmem:v36+s18+$0x0], $0xffff  }
0x245: {  	v14 =	vadd.f32 v40, v14  }
0x246: {  	v15 =	vld.idx.msk [tilespmem:v37+s18+$0x0], $0xffff  }
0x247: {  	v14 =	vadd.f32 v16, v14  }
0x248: {  	v16 =	vld.idx.msk [tilespmem:v38+s18+$0x0], $0xffff  }
0x249: {  	v14 =	vadd.f32 v17, v14  }
0x24a: {  	v17 =	vld.idx.msk [tilespmem:v39+s18+$0x0], $0xffff  }
0x24b: {  	v40 =	vld [tilespmem:$0x1FFF0];
	v14 =	vadd.f32 v15, v14;
	_ =	sdelay $0x1  }
0x24c: {  	v14 =	vadd.f32 v16, v14;
	v16 =	vld [tilespmem:$0x1FC50];
	_ =	sdelay $0x1  }
0x24d: {  	v14 =	vadd.f32 v17, v14;
	v17 =	vld [tilespmem:$0x1FC60];
	_ =	sdelay $0x3  }
0x24e: {  	v15 =	vld.idx.msk [tilespmem:v40+s18+$0x0], $0xffff;
	_ =	sdelay $0x1  }
0x24f: {  	v16 =	vld.idx.msk [tilespmem:v16+s18+$0x0], $0xffff;
	_ =	sdelay $0x1  }
0x250: {  	v17 =	vld.idx.msk [tilespmem:v17+s18+$0x0], $0xffff  }
0x251: {  	v14 =	vadd.f32 v15, v14;
	v15 =	vld [tilespmem:$0x1FC70];
	_ =	sdelay $0x1  }
0x252: {  	v14 =	vadd.f32 v16, v14;
	v16 =	vld [tilespmem:$0x1FC80];
	_ =	sdelay $0x1  }
0x253: {  	v14 =	vadd.f32 v17, v14;
	v17 =	vld [tilespmem:$0x1FC90];
	_ =	sdelay $0x3  }
0x254: {  	v15 =	vld.idx.msk [tilespmem:v15+s18+$0x0], $0xffff;
	_ =	sdelay $0x1  }
0x255: {  	v16 =	vld.idx.msk [tilespmem:v16+s18+$0x0], $0xffff;
	_ =	sdelay $0x1  }
0x256: {  	v17 =	vld.idx.msk [tilespmem:v17+s18+$0x0], $0xffff  }
0x257: {  	v14 =	vadd.f32 v15, v14;
	v15 =	vld [tilespmem:$0x1FCA0];
	_ =	sdelay $0x1  }
0x258: {  	v14 =	vadd.f32 v16, v14;
	v16 =	vld [tilespmem:$0x1FCB0];
	_ =	sdelay $0x1  }
0x259: {  	v14 =	vadd.f32 v17, v14;
	v17 =	vld [tilespmem:$0x1FCC0];
	_ =	sdelay $0x3  }
0x25a: {  	v15 =	vld.idx.msk [tilespmem:v15+s18+$0x0], $0xffff;
	_ =	sdelay $0x1  }
0x25b: {  	v16 =	vld.idx.msk [tilespmem:v16+s18+$0x0], $0xffff;
	_ =	sdelay $0x1  }
0x25c: {  	v17 =	vld.idx.msk [tilespmem:v17+s18+$0x0], $0xffff  }
0x25d: {  	v14 =	vadd.f32 v15, v14;
	_ =	sdelay $0x1  }
0x25e: {  	v14 =	vadd.f32 v16, v14;
	_ =	sdelay $0x1  }
0x25f: {  	v14 =	vadd.f32 v17, v14;
	_ =	sdelay $0x1  }
0x260: {  	[tilespmem:$0x5590] =	vst v14;
	v14 =	vld [tilespmem:$0x1FCD0];
	_ =	sdelay $0x1  }
0x261: {  	v15 =	vld [tilespmem:$0x1FCE0];
	_ =	sdelay $0x1  }
0x262: {  	v16 =	vld [tilespmem:$0x1FCF0];
	_ =	sdelay $0x1  }
0x263: {  	v17 =	vld [tilespmem:$0x1FD00];
	_ =	sdelay $0x1  }
0x264: {  	v14 =	vld.idx.msk [tilespmem:v14+s18+$0x0], $0xffff;
	_ =	sdelay $0x1  }
0x265: {  	v15 =	vld.idx.msk [tilespmem:v15+s18+$0x0], $0xffff;
	_ =	sdelay $0x1  }
0x266: {  	v16 =	vld.idx.msk [tilespmem:v16+s18+$0x0], $0xffff  }
0x267: {  	v14 =	vadd.f32 $0.0e+00, v14  }
0x268: {  	v17 =	vld.idx.msk [tilespmem:v17+s18+$0x0], $0xffff  }
0x269: {  	v14 =	vadd.f32 v15, v14;
	v15 =	vld [tilespmem:$0x1FD10];
	_ =	sdelay $0x1  }
0x26a: {  	v14 =	vadd.f32 v16, v14;
	v16 =	vld [tilespmem:$0x1FD20];
	_ =	sdelay $0x1  }
0x26b: {  	v14 =	vadd.f32 v17, v14;
	v17 =	vld [tilespmem:$0x1FD30];
	_ =	sdelay $0x3  }
0x26c: {  	v15 =	vld.idx.msk [tilespmem:v15+s18+$0x0], $0xffff;
	_ =	sdelay $0x1  }
0x26d: {  	v16 =	vld.idx.msk [tilespmem:v16+s18+$0x0], $0xffff;
	_ =	sdelay $0x1  }
0x26e: {  	v17 =	vld.idx.msk [tilespmem:v17+s18+$0x0], $0xffff  }
0x26f: {  	v14 =	vadd.f32 v15, v14;
	v15 =	vld [tilespmem:$0x1FD40];
	_ =	sdelay $0x1  }
0x270: {  	v14 =	vadd.f32 v16, v14;
	v16 =	vld [tilespmem:$0x1FD50];
	_ =	sdelay $0x1  }
0x271: {  	v14 =	vadd.f32 v17, v14;
	v17 =	vld [tilespmem:$0x1FD60];
	_ =	sdelay $0x3  }
0x272: {  	v15 =	vld.idx.msk [tilespmem:v15+s18+$0x0], $0xffff;
	_ =	sdelay $0x1  }
0x273: {  	v16 =	vld.idx.msk [tilespmem:v16+s18+$0x0], $0xffff;
	_ =	sdelay $0x1  }
0x274: {  	v17 =	vld.idx.msk [tilespmem:v17+s18+$0x0], $0xffff  }
0x275: {  	v14 =	vadd.f32 v15, v14;
	v15 =	vld [tilespmem:$0x1FD70];
	_ =	sdelay $0x1  }
0x276: {  	v14 =	vadd.f32 v16, v14;
	v16 =	vld [tilespmem:$0x1FD80];
	_ =	sdelay $0x1  }
0x277: {  	v14 =	vadd.f32 v17, v14;
	v17 =	vld [tilespmem:$0x1FD90];
	_ =	sdelay $0x3  }
0x278: {  	v15 =	vld.idx.msk [tilespmem:v15+s18+$0x0], $0xffff;
	_ =	sdelay $0x1  }
0x279: {  	v16 =	vld.idx.msk [tilespmem:v16+s18+$0x0], $0xffff;
	_ =	sdelay $0x1  }
0x27a: {  	v17 =	vld.idx.msk [tilespmem:v17+s18+$0x0], $0xffff  }
0x27b: {  	v14 =	vadd.f32 v15, v14;
	v15 =	vld [tilespmem:$0x1FDA0];
	_ =	sdelay $0x1  }
0x27c: {  	v14 =	vadd.f32 v16, v14;
	v16 =	vld [tilespmem:$0x1FDB0];
	_ =	sdelay $0x1  }
0x27d: {  	v14 =	vadd.f32 v17, v14;
	v17 =	vld [tilespmem:$0x1FDC0];
	_ =	sdelay $0x3  }
0x27e: {  	v15 =	vld.idx.msk [tilespmem:v15+s18+$0x0], $0xffff;
	_ =	sdelay $0x1  }
0x27f: {  	v16 =	vld.idx.msk [tilespmem:v16+s18+$0x0], $0xffff;
	_ =	sdelay $0x1  }
0x280: {  	v17 =	vld.idx.msk [tilespmem:v17+s18+$0x0], $0xffff  }
0x281: {  	v14 =	vadd.f32 v15, v14;
	_ =	sdelay $0x1  }
0x282: {  	v14 =	vadd.f32 v16, v14;
	_ =	sdelay $0x1  }
0x283: {  	v14 =	vadd.f32 v17, v14;
	_ =	sdelay $0x1  }
0x284: {  	[tilespmem:$0x55A0] =	vst v14;
	v14 =	vld [tilespmem:$0x1FDD0];
	_ =	sdelay $0x1  }
0x285: {  	v15 =	vld [tilespmem:$0x1FDE0];
	_ =	sdelay $0x1  }
0x286: {  	v16 =	vld [tilespmem:$0x1FDF0];
	_ =	sdelay $0x1  }
0x287: {  	v17 =	vld [tilespmem:$0x1FE00];
	_ =	sdelay $0x1  }
0x288: {  	v14 =	vld.idx.msk [tilespmem:v14+s18+$0x0], $0xffff;
	_ =	sdelay $0x1  }
0x289: {  	v15 =	vld.idx.msk [tilespmem:v15+s18+$0x0], $0xffff;
	_ =	sdelay $0x1  }
0x28a: {  	v16 =	vld.idx.msk [tilespmem:v16+s18+$0x0], $0xffff  }
0x28b: {  	v14 =	vadd.f32 $0.0e+00, v14  }
0x28c: {  	v17 =	vld.idx.msk [tilespmem:v17+s18+$0x0], $0xffff  }
0x28d: {  	v14 =	vadd.f32 v15, v14;
	v15 =	vld [tilespmem:$0x1FE10];
	_ =	sdelay $0x1  }
0x28e: {  	v14 =	vadd.f32 v16, v14;
	v16 =	vld [tilespmem:$0x1FE20];
	_ =	sdelay $0x1  }
0x28f: {  	v14 =	vadd.f32 v17, v14;
	v17 =	vld [tilespmem:$0x1FE30];
	_ =	sdelay $0x3  }
0x290: {  	v15 =	vld.idx.msk [tilespmem:v15+s18+$0x0], $0xffff;
	_ =	sdelay $0x1  }
0x291: {  	v16 =	vld.idx.msk [tilespmem:v16+s18+$0x0], $0xffff;
	_ =	sdelay $0x1  }
0x292: {  	v17 =	vld.idx.msk [tilespmem:v17+s18+$0x0], $0xffff  }
0x293: {  	v14 =	vadd.f32 v15, v14;
	v15 =	vld [tilespmem:$0x1FE40];
	_ =	sdelay $0x1  }
0x294: {  	v14 =	vadd.f32 v16, v14;
	v16 =	vld [tilespmem:$0x1FE50];
	_ =	sdelay $0x1  }
0x295: {  	v14 =	vadd.f32 v17, v14;
	v17 =	vld [tilespmem:$0x1FE60];
	_ =	sdelay $0x3  }
0x296: {  	v15 =	vld.idx.msk [tilespmem:v15+s18+$0x0], $0xffff;
	_ =	sdelay $0x1  }
0x297: {  	v16 =	vld.idx.msk [tilespmem:v16+s18+$0x0], $0xffff;
	_ =	sdelay $0x1  }
0x298: {  	v17 =	vld.idx.msk [tilespmem:v17+s18+$0x0], $0xffff  }
0x299: {  	v14 =	vadd.f32 v15, v14;
	v15 =	vld [tilespmem:$0x1FE70];
	_ =	sdelay $0x1  }
0x29a: {  	v14 =	vadd.f32 v16, v14;
	v16 =	vld [tilespmem:$0x1FE80];
	_ =	sdelay $0x1  }
0x29b: {  	v14 =	vadd.f32 v17, v14;
	v17 =	vld [tilespmem:$0x1FA10];
	_ =	sdelay $0x3  }
0x29c: {  	v15 =	vld.idx.msk [tilespmem:v15+s18+$0x0], $0xffff;
	_ =	sdelay $0x1  }
0x29d: {  	v16 =	vld.idx.msk [tilespmem:v16+s18+$0x0], $0xffff;
	_ =	sdelay $0x1  }
0x29e: {  	v17 =	vld.idx.msk [tilespmem:v17+s18+$0x0], $0xffff  }
0x29f: {  	v14 =	vadd.f32 v15, v14;
	v15 =	vld [tilespmem:$0x1FA20];
	_ =	sdelay $0x1  }
0x2a0: {  	v14 =	vadd.f32 v16, v14;
	v16 =	vld [tilespmem:$0x1FA30];
	_ =	sdelay $0x1  }
0x2a1: {  	v14 =	vadd.f32 v17, v14;
	v17 =	vld [tilespmem:$0x1FA40];
	_ =	sdelay $0x3  }
0x2a2: {  	v15 =	vld.idx.msk [tilespmem:v15+s18+$0x0], $0xffff;
	_ =	sdelay $0x1  }
0x2a3: {  	v16 =	vld.idx.msk [tilespmem:v16+s18+$0x0], $0xffff;
	_ =	sdelay $0x1  }
0x2a4: {  	v17 =	vld.idx.msk [tilespmem:v17+s18+$0x0], $0xffff  }
0x2a5: {  	v14 =	vadd.f32 v15, v14;
	_ =	sdelay $0x1  }
0x2a6: {  	v14 =	vadd.f32 v16, v14;
	_ =	sdelay $0x1  }
0x2a7: {  	v14 =	vadd.f32 v17, v14;
	_ =	sdelay $0x1  }
0x2a8: {  	[tilespmem:$0x55B0] =	vst v14;
	v14 =	vld [tilespmem:$0x1FA50];
	_ =	sdelay $0x1  }
0x2a9: {  	v15 =	vld [tilespmem:$0x1FA60];
	_ =	sdelay $0x1  }
0x2aa: {  	v16 =	vld [tilespmem:$0x1FA70];
	_ =	sdelay $0x1  }
0x2ab: {  	v17 =	vld [tilespmem:$0x1FA80];
	_ =	sdelay $0x1  }
0x2ac: {  	v14 =	vld.idx.msk [tilespmem:v14+s18+$0x0], $0xffff;
	_ =	sdelay $0x1  }
0x2ad: {  	v15 =	vld.idx.msk [tilespmem:v15+s18+$0x0], $0xffff;
	_ =	sdelay $0x1  }
0x2ae: {  	v16 =	vld.idx.msk [tilespmem:v16+s18+$0x0], $0xffff  }
0x2af: {  	v14 =	vadd.f32 $0.0e+00, v14  }
0x2b0: {  	v17 =	vld.idx.msk [tilespmem:v17+s18+$0x0], $0xffff  }
0x2b1: {  	v14 =	vadd.f32 v15, v14;
	v15 =	vld [tilespmem:$0x1FA90];
	_ =	sdelay $0x1  }
0x2b2: {  	v14 =	vadd.f32 v16, v14;
	v16 =	vld [tilespmem:$0x1FAA0];
	_ =	sdelay $0x1  }
0x2b3: {  	v14 =	vadd.f32 v17, v14;
	v17 =	vld [tilespmem:$0x1FAB0];
	_ =	sdelay $0x3  }
0x2b4: {  	v15 =	vld.idx.msk [tilespmem:v15+s18+$0x0], $0xffff;
	_ =	sdelay $0x1  }
0x2b5: {  	v16 =	vld.idx.msk [tilespmem:v16+s18+$0x0], $0xffff;
	_ =	sdelay $0x1  }
0x2b6: {  	v17 =	vld.idx.msk [tilespmem:v17+s18+$0x0], $0xffff  }
0x2b7: {  	v14 =	vadd.f32 v15, v14;
	v15 =	vld [tilespmem:$0x1FAC0];
	_ =	sdelay $0x1  }
0x2b8: {  	v14 =	vadd.f32 v16, v14;
	v16 =	vld [tilespmem:$0x1FAD0];
	_ =	sdelay $0x1  }
0x2b9: {  	v14 =	vadd.f32 v17, v14;
	v17 =	vld [tilespmem:$0x1FAE0];
	_ =	sdelay $0x3  }
0x2ba: {  	v15 =	vld.idx.msk [tilespmem:v15+s18+$0x0], $0xffff;
	_ =	sdelay $0x1  }
0x2bb: {  	v16 =	vld.idx.msk [tilespmem:v16+s18+$0x0], $0xffff;
	_ =	sdelay $0x1  }
0x2bc: {  	v17 =	vld.idx.msk [tilespmem:v17+s18+$0x0], $0xffff  }
0x2bd: {  	v14 =	vadd.f32 v15, v14;
	v15 =	vld [tilespmem:$0x1FAF0];
	_ =	sdelay $0x1  }
0x2be: {  	v14 =	vadd.f32 v16, v14;
	v16 =	vld [tilespmem:$0x1FB00];
	_ =	sdelay $0x1  }
0x2bf: {  	v14 =	vadd.f32 v17, v14;
	v17 =	vld [tilespmem:$0x1FB10];
	_ =	sdelay $0x3  }
0x2c0: {  	v15 =	vld.idx.msk [tilespmem:v15+s18+$0x0], $0xffff;
	_ =	sdelay $0x1  }
0x2c1: {  	v16 =	vld.idx.msk [tilespmem:v16+s18+$0x0], $0xffff;
	_ =	sdelay $0x1  }
0x2c2: {  	v17 =	vld.idx.msk [tilespmem:v17+s18+$0x0], $0xffff  }
0x2c3: {  	v14 =	vadd.f32 v15, v14;
	v15 =	vld [tilespmem:$0x1FB20];
	_ =	sdelay $0x1  }
0x2c4: {  	v14 =	vadd.f32 v16, v14;
	v16 =	vld [tilespmem:$0x1FB30];
	_ =	sdelay $0x1  }
0x2c5: {  	v14 =	vadd.f32 v17, v14;
	v17 =	vld [tilespmem:$0x1FB40];
	_ =	sdelay $0x3  }
0x2c6: {  	v15 =	vld.idx.msk [tilespmem:v15+s18+$0x0], $0xffff;
	_ =	sdelay $0x1  }
0x2c7: {  	v16 =	vld.idx.msk [tilespmem:v16+s18+$0x0], $0xffff;
	_ =	sdelay $0x1  }
0x2c8: {  	v17 =	vld.idx.msk [tilespmem:v17+s18+$0x0], $0xffff  }
0x2c9: {  	v14 =	vadd.f32 v15, v14;
	_ =	sdelay $0x1  }
0x2ca: {  	v14 =	vadd.f32 v16, v14;
	_ =	sdelay $0x1  }
0x2cb: {  	v14 =	vadd.f32 v17, v14;
	_ =	sdelay $0x1  }
0x2cc: {  	[tilespmem:$0x55C0] =	vst v14;
	v14 =	vld [tilespmem:$0x1FB50];
	_ =	sdelay $0x1  }
0x2cd: {  	v15 =	vld [tilespmem:$0x1FB60];
	_ =	sdelay $0x1  }
0x2ce: {  	v16 =	vld [tilespmem:$0x1FB70];
	_ =	sdelay $0x1  }
0x2cf: {  	v17 =	vld [tilespmem:$0x1FB80];
	_ =	sdelay $0x1  }
0x2d0: {  	v14 =	vld.idx.msk [tilespmem:v14+s18+$0x0], $0xffff;
	_ =	sdelay $0x1  }
0x2d1: {  	v15 =	vld.idx.msk [tilespmem:v15+s18+$0x0], $0xffff;
	_ =	sdelay $0x1  }
0x2d2: {  	v16 =	vld.idx.msk [tilespmem:v16+s18+$0x0], $0xffff  }
0x2d3: {  	v14 =	vadd.f32 $0.0e+00, v14  }
0x2d4: {  	v17 =	vld.idx.msk [tilespmem:v17+s18+$0x0], $0xffff  }
0x2d5: {  	v14 =	vadd.f32 v15, v14;
	v15 =	vld [tilespmem:$0x1FB90];
	_ =	sdelay $0x1  }
0x2d6: {  	v14 =	vadd.f32 v16, v14;
	v16 =	vld [tilespmem:$0x1FBA0];
	_ =	sdelay $0x1  }
0x2d7: {  	v14 =	vadd.f32 v17, v14;
	v17 =	vld [tilespmem:$0x1FBB0];
	_ =	sdelay $0x3  }
0x2d8: {  	v15 =	vld.idx.msk [tilespmem:v15+s18+$0x0], $0xffff;
	_ =	sdelay $0x1  }
0x2d9: {  	v16 =	vld.idx.msk [tilespmem:v16+s18+$0x0], $0xffff;
	_ =	sdelay $0x1  }
0x2da: {  	v17 =	vld.idx.msk [tilespmem:v17+s18+$0x0], $0xffff  }
0x2db: {  	v14 =	vadd.f32 v15, v14;
	v15 =	vld [tilespmem:$0x1FBC0];
	_ =	sdelay $0x1  }
0x2dc: {  	v14 =	vadd.f32 v16, v14;
	v16 =	vld [tilespmem:$0x1FBD0];
	_ =	sdelay $0x1  }
0x2dd: {  	v14 =	vadd.f32 v17, v14;
	v17 =	vld [tilespmem:$0x1FBE0];
	_ =	sdelay $0x3  }
0x2de: {  	v15 =	vld.idx.msk [tilespmem:v15+s18+$0x0], $0xffff;
	_ =	sdelay $0x1  }
0x2df: {  	v16 =	vld.idx.msk [tilespmem:v16+s18+$0x0], $0xffff;
	_ =	sdelay $0x1  }
0x2e0: {  	v17 =	vld.idx.msk [tilespmem:v17+s18+$0x0], $0xffff  }
0x2e1: {  	v14 =	vadd.f32 v15, v14;
	v15 =	vld [tilespmem:$0x1FBF0];
	_ =	sdelay $0x1  }
0x2e2: {  	v14 =	vadd.f32 v16, v14;
	v16 =	vld [tilespmem:$0x1FC00];
	_ =	sdelay $0x1  }
0x2e3: {  	v14 =	vadd.f32 v17, v14;
	v17 =	vld [tilespmem:$0x1FC10];
	_ =	sdelay $0x3  }
0x2e4: {  	v15 =	vld.idx.msk [tilespmem:v15+s18+$0x0], $0xffff;
	_ =	sdelay $0x1  }
0x2e5: {  	v16 =	vld.idx.msk [tilespmem:v16+s18+$0x0], $0xffff;
	_ =	sdelay $0x1  }
0x2e6: {  	v17 =	vld.idx.msk [tilespmem:v17+s18+$0x0], $0xffff  }
0x2e7: {  	v14 =	vadd.f32 v15, v14;
	v15 =	vld [tilespmem:$0x1FC20];
	_ =	sdelay $0x1  }
0x2e8: {  	v14 =	vadd.f32 v16, v14;
	v16 =	vld [tilespmem:$0x1FC30];
	_ =	sdelay $0x1  }
0x2e9: {  	v14 =	vadd.f32 v17, v14;
	v17 =	vld [tilespmem:$0x1FC40];
	_ =	sdelay $0x3  }
0x2ea: {  	v15 =	vld.idx.msk [tilespmem:v15+s18+$0x0], $0xffff;
	_ =	sdelay $0x1  }
0x2eb: {  	v16 =	vld.idx.msk [tilespmem:v16+s18+$0x0], $0xffff;
	_ =	sdelay $0x1  }
0x2ec: {  	v17 =	vld.idx.msk [tilespmem:v17+s18+$0x0], $0xffff  }
0x2ed: {  	v14 =	vadd.f32 v15, v14;
	_ =	sdelay $0x1  }
0x2ee: {  	v14 =	vadd.f32 v16, v14;
	_ =	sdelay $0x1  }
0x2ef: {  	v14 =	vadd.f32 v17, v14;
	_ =	sdelay $0x1  }
0x2f0: {  	[tilespmem:$0x55D0] =	vst v14  }
0x2f1: {  	v14 =	vld.idx.msk [tilespmem:v41+s18+$0x0], $0xffff;
	_ =	sdelay $0x1  }
0x2f2: {  	v42 =	vld.idx.msk [tilespmem:v42+s18+$0x0], $0xffff;
	_ =	sdelay $0x1  }
0x2f3: {  	v16 =	vld.idx.msk [tilespmem:v43+s18+$0x0], $0xffff  }
0x2f4: {  	v14 =	vadd.f32 $0.0e+00, v14  }
0x2f5: {  	v17 =	vld.idx.msk [tilespmem:v44+s18+$0x0], $0xffff  }
0x2f6: {  	v14 =	vadd.f32 v42, v14  }
0x2f7: {  	v45 =	vld.idx.msk [tilespmem:v45+s18+$0x0], $0xffff  }
0x2f8: {  	v14 =	vadd.f32 v16, v14  }
0x2f9: {  	v16 =	vld.idx.msk [tilespmem:v46+s18+$0x0], $0xffff  }
0x2fa: {  	v14 =	vadd.f32 v17, v14  }
0x2fb: {  	v17 =	vld.idx.msk [tilespmem:v47+s18+$0x0], $0xffff  }
0x2fc: {  	v14 =	vadd.f32 v45, v14  }
0x2fd: {  	v48 =	vld.idx.msk [tilespmem:v48+s18+$0x0], $0xffff  }
0x2fe: {  	v14 =	vadd.f32 v16, v14  }
0x2ff: {  	v16 =	vld.idx.msk [tilespmem:v49+s18+$0x0], $0xffff  }
0x300: {  	v14 =	vadd.f32 v17, v14  }
0x301: {  	v17 =	vld.idx.msk [tilespmem:v50+s18+$0x0], $0xffff  }
0x302: {  	v14 =	vadd.f32 v48, v14  }
0x303: {  	v51 =	vld.idx.msk [tilespmem:v51+s18+$0x0], $0xffff  }
0x304: {  	v14 =	vadd.f32 v16, v14  }
0x305: {  	v16 =	vld.idx.msk [tilespmem:v52+s18+$0x0], $0xffff  }
0x306: {  	v14 =	vadd.f32 v17, v14  }
0x307: {  	v17 =	vld.idx.msk [tilespmem:v53+s18+$0x0], $0xffff  }
0x308: {  	v14 =	vadd.f32 v51, v14  }
0x309: {  	v54 =	vld.idx.msk [tilespmem:v54+s18+$0x0], $0xffff  }
0x30a: {  	v14 =	vadd.f32 v16, v14  }
0x30b: {  	v16 =	vld.idx.msk [tilespmem:v55+s18+$0x0], $0xffff  }
0x30c: {  	v14 =	vadd.f32 v17, v14  }
0x30d: {  	v17 =	vld.idx.msk [tilespmem:v56+s18+$0x0], $0xffff  }
0x30e: {  	v14 =	vadd.f32 v54, v14;
	_ =	sdelay $0x1  }
0x30f: {  	v14 =	vadd.f32 v16, v14;
	_ =	sdelay $0x1  }
0x310: {  	v14 =	vadd.f32 v17, v14;
	_ =	sdelay $0x1  }
0x311: {  	[tilespmem:$0x55E0] =	vst v14  }
0x312: {  	v14 =	vld.idx.msk [tilespmem:v57+s18+$0x0], $0xffff;
	_ =	sdelay $0x1  }
0x313: {  	v58 =	vld.idx.msk [tilespmem:v58+s18+$0x0], $0xffff;
	_ =	sdelay $0x1  }
0x314: {  	v16 =	vld.idx.msk [tilespmem:v59+s18+$0x0], $0xffff  }
0x315: {  	v14 =	vadd.f32 $0.0e+00, v14  }
0x316: {  	v17 =	vld.idx.msk [tilespmem:v60+s18+$0x0], $0xffff  }
0x317: {  	v14 =	vadd.f32 v58, v14  }
0x318: {  	v61 =	vld.idx.msk [tilespmem:v61+s18+$0x0], $0xffff  }
0x319: {  	v14 =	vadd.f32 v16, v14  }
0x31a: {  	v16 =	vld.idx.msk [tilespmem:v62+s18+$0x0], $0xffff  }
0x31b: {  	v14 =	vadd.f32 v17, v14  }
0x31c: {  	v17 =	vld.idx.msk [tilespmem:v63+s18+$0x0], $0xffff  }
0x31d: {  	v14 =	vadd.f32 v61, v14  }
0x31e: {  	v5 =	vld.idx.msk [tilespmem:v5+s18+$0x0], $0xffff  }
0x31f: {  	v14 =	vadd.f32 v16, v14  }
0x320: {  	v6 =	vld.idx.msk [tilespmem:v6+s18+$0x0], $0xffff  }
0x321: {  	v14 =	vadd.f32 v17, v14  }
0x322: {  	v7 =	vld.idx.msk [tilespmem:v7+s18+$0x0], $0xffff  }
0x323: {  	v5 =	vadd.f32 v5, v14  }
0x324: {  	v8 =	vld.idx.msk [tilespmem:v8+s18+$0x0], $0xffff  }
0x325: {  	v5 =	vadd.f32 v6, v5  }
0x326: {  	v6 =	vld.idx.msk [tilespmem:v9+s18+$0x0], $0xffff  }
0x327: {  	v5 =	vadd.f32 v7, v5  }
0x328: {  	v7 =	vld.idx.msk [tilespmem:v10+s18+$0x0], $0xffff  }
0x329: {  	v5 =	vadd.f32 v8, v5  }
0x32a: {  	v8 =	vld.idx.msk [tilespmem:v11+s18+$0x0], $0xffff  }
0x32b: {  	v5 =	vadd.f32 v6, v5  }
0x32c: {  	v6 =	vld.idx.msk [tilespmem:v12+s18+$0x0], $0xffff  }
0x32d: {  	v5 =	vadd.f32 v7, v5  }
0x32e: {  	v7 =	vld.idx.msk [tilespmem:v13+s18+$0x0], $0xffff  }
0x32f: {  	v5 =	vadd.f32 v8, v5;
	_ =	sdelay $0x1  }
0x330: {  	v5 =	vadd.f32 v6, v5;
	_ =	sdelay $0x1  }
0x331: {  	v5 =	vadd.f32 v7, v5;
	_ =	sdelay $0x1  }
0x332: {  	s24 =	simm.s32 $0x0;
	[tilespmem:$0x55F0] =	vst v5  }
0x333: {  	v6 =	vld [tilespmem:s24+$0x1400];
	_ =	sdelay $0x7  }
0x334: {  	v7 =	vld.idx.msk [tilespmem:v6+s19+$0x0], $0xffff;
	_ =	sdelay $0x4  }
0x335: {  	(erf) = vrcp.f32 v7;
	_ =	sdelay $0x4  }
0x336: {  	v5 =	vld [tilespmem:s24+$0x2800]  }
0x337: {  	s26 =	simm.s32 $0x10;
	s25 =	simm.s32 $0x80;
	v6 =	vld.idx.msk [tilespmem:v6+s20+$0x0], $0xffff  }
.LBB2_8:
0x338: {  	p0 =	sne.s32 s25, $0x4E00;
	v7 =	vld [tilespmem:s26+$0x1400];
	_ =	sdelay $0x1  }
0x339: {  	v8 =	vpop (erf)  }
0x33a: {  	v5 =	vmul.f32 v8, v5;
	_ =	sdelay $0x1  }
0x33b: {  	v5 =	vmul.f32 v5, v6;
	_ =	sdelay $0x1  }
0x33c: {  	[tilespmem:s24+$0x2800] =	vst v5;
	s24 =	smov.u32 s26  }
0x33d: {  	v5 =	vld.idx.msk [tilespmem:v7+s19+$0x0], $0xffff;
	_ =	sdelay $0x5  }
0x33e: {  	(erf) = vrcp.f32 v5;
	_ =	sdelay $0x1  }
.Ltmp3:
0x33f: {  	(pc) =	sbr.rel @p0 .LBB2_8-.Ltmp3, $3  }
0x340: {  	_ =	sdelay $0x1  }
0x341: {  	v5 =	vld [tilespmem:s24+$0x2800]  }
0x342: {  	s26 =	sshra.s32 s25, $0x2;
	s25 =	sadd.s32 $0x40, s25;
	v6 =	vld.idx.msk [tilespmem:v7+s20+$0x0], $0xffff  }
0x343: {  	v7 =	vld [tilespmem:s26+$0x1400];
	_ =	sdelay $0x1  }
0x344: {  	v8 =	vpop (erf)  }
0x345: {  	v5 =	vmul.f32 v8, v5;
	_ =	sdelay $0x1  }
0x346: {  	v5 =	vmul.f32 v5, v6;
	_ =	sdelay $0x1  }
0x347: {  	[tilespmem:s24+$0x2800] =	vst v5  }
0x348: {  	v5 =	vld.idx.msk [tilespmem:v7+s19+$0x0], $0xffff;
	_ =	sdelay $0x4  }
0x349: {  	(erf) = vrcp.f32 v5;
	_ =	sdelay $0x4  }
0x34a: {  	v5 =	vld [tilespmem:s26+$0x2800];
	_ =	sdelay $0x1  }
0x34b: {  	v6 =	vld.idx.msk [tilespmem:v7+s20+$0x0], $0xffff;
	_ =	sdelay $0x1  }
0x34c: {  	v7 =	vpop (erf)  }
0x34d: {  	v5 =	vmul.f32 v7, v5;
	_ =	sdelay $0x1  }
0x34e: {  	v5 =	vmul.f32 v5, v6;
	_ =	sdelay $0x1  }
0x34f: {  	[tilespmem:s26+$0x2800] =	vst v5  }
0x350: {  	[hbm4b:s8+s1] =	stream.linear.scatter [tilespmem:s21], [sflag:$0x1], $0x1388, $0x38;
	[tilespmem:$0x5700] =	vst v63  }
0x351: {  	_ =	swait.ge [sflag:s12], $0x1388  }
0x352: {  	[sflag:s12] =	ssyncset.done $0x0  }
0x353: {  	[sflag:s12] =	ssyncadd.s32 $0xFFFFEC78  }
0x354: {  	[hbm4b:s9+s1] =	stream.linear.scatter [tilespmem:s20], [sflag:$0x1], $0x80, $0x38;
	[tilespmem:$0x5700] =	vst v63  }
0x355: {  	s23 =	sadd.s32 $0x1, s23;
	_ =	swait.ge [sflag:s12], $0x80  }
0x356: {  	p0 =	sne.s32 s23, s11;
	[sflag:s12] =	ssyncset.done $0x0  }
.Ltmp4:
0x357: {  	[sflag:s12] =	ssyncadd.s32 $0xFFFFFF80;
	(pc) =	sbr.rel @p0 .LBB2_1-.Ltmp4, $4  }
0x358: {  	[hbm4b:s10+s1] =	stream.linear.scatter [tilespmem:s22], [sflag:$0x1], $0x80, $0x38;
	[tilespmem:$0x5700] =	vst v63  }
0x359: {  	_ =	swait.ge [sflag:s12], $0x80  }
0x35a: {  	[sflag:s12] =	ssyncset.done $0x0  }
0x35b: {  	[sflag:s12] =	ssyncadd.s32 $0xFFFFFF80  }
0x35c: {  	_ =	sfence.sel $0x180000  }
0x35d: {  	[bflag:$0x0] =	sbarrier.arrive $0xFFFF  }
0x35e: {  	p0 =	sne.s32 s2, $0x0;
	_ =	strace $0x90000047  }
0x35f: {  	s0 =	sadd.s32 @!p0 $0x100000, s0;
	[bflag:$0x2] =	sbarrier.arrive $0xFFFF  }
0x360: {  	[sflag:s0] =	ssyncadd.tile.s32 @!p0 $0x1;
	_ =	shalt  }
.Lfunc_end2:
_tile_overlayer_lowered:
.L_overlay_start_2:
0x361: {  	(tag) =	ssettag $0x2  }
0x362: {  	s0 =	rddreg [dreg:$0x0];
	s2 =	stileid.u32  }
0x363: {  	s1 =	rddreg [dreg:$0x1];
	p0 =	sne.s32 s2, $0x0  }
0x364: {  	s3 =	rddreg [dreg:$0x2];
	[bflag:$0x3] =	sbarrier.arrive $0xFFFF;
	s2 =	simm.s32 @!p0 $0x1C01  }
0x365: {  	[timem:s3], [sflag:s2] =	dma.local @!p0 [hbm:s0], s1  }
0x366: {  	s0 =	simm.s32 @!p0 $0x1  }
0x367: {  	_ =	swait.ge @!p0 [sflag:s0], s1  }
0x368: {  	s1 =	ssub.s32 @!p0 $0x0, s1;
	[sflag:s0] =	ssyncset.done @!p0 $0x0  }
0x369: {  	[sflag:s0] =	ssyncadd.s32 @!p0 s1  }
0x36a: {  	[bflag:$0x3] =	sbarrier.arrive $0xFFFF  }
0x36b: {  	_ =	shalt  }

</sc_bundles>
